<compile_context>
chip_gen: v7x
topology: tpu7x:2x2x1
jax: 0.10.2.dev20260603
libtpu: 0.0.44.dev20260713+nightly
codegen_flags: <defaults>
</compile_context>

<pallas_src>
import functools

import jax
import jax.numpy as jnp
from jax import lax
from jax.experimental import pallas as pl
from jax.experimental.pallas import tpu as pltpu
from jax.experimental.pallas import tpu_sc as plsc

N = 10000
NT = 32
NR = 320
NPAD = NT * NR
E = 320000
D = 128
L = 16
NC = 2

EPW = E // NT
DC = 2000
CE = 8000
NCHUNK = E // CE
GB = 32
EBCAP = 8192

def _sc_deg_body(dst_hbm, ew_hbm, out_hbm, dstb, ewb, dacc0, dacc1):
    c = lax.axis_index("c")
    s = lax.axis_index("s")
    wid = s * NC + c
    daccs = (dacc0, dacc1)
    zero = jnp.zeros((L,), jnp.float32)

    def zbody(i, _):
        dacc0[pl.ds(i * L, L)] = zero
        dacc1[pl.ds(i * L, L)] = zero
        return 0

    lax.fori_loop(0, NPAD // L, zbody, 0)

    for t in range(2):
        dacc = daccs[t]

        def cbody(k, _):
            base = t * E + wid * EPW + k * DC
            pltpu.sync_copy(dst_hbm.at[pl.ds(base, DC)], dstb)
            pltpu.sync_copy(ew_hbm.at[pl.ds(base, DC)], ewb)

            def vbody(i, _):
                d = dstb[pl.ds(i * L, L)]
                w = jnp.maximum(ewb[pl.ds(i * L, L)], 0.0)
                plsc.addupdate_scatter(dacc, [d], w)
                return 0

            lax.fori_loop(0, DC // L, vbody, 0)
            return 0

        lax.fori_loop(0, EPW // DC, cbody, 0)

    pltpu.sync_copy(dacc0, out_hbm.at[pl.ds((wid * 2) * NPAD, NPAD)])
    pltpu.sync_copy(dacc1, out_hbm.at[pl.ds((wid * 2 + 1) * NPAD, NPAD)])


def _prep_body(x_ref, w_ref, dp_ref, xl_ref, dinv_ref):
    x = x_ref[0]
    xl = jnp.dot(x, w_ref[...], preferred_element_type=jnp.float32)
    deg2d = jnp.sum(dp_ref[0], axis=0) + 2.0
    dinv_ref[0] = lax.rsqrt(deg2d)
    xl_ref[0] = xl


def _prep(x_st, W, dpT):
    return pl.pallas_call(
        _prep_body,
        grid=(2,),
        in_specs=[
            pl.BlockSpec((1, NPAD, D), lambda t: (t, 0, 0)),
            pl.BlockSpec((D, D), lambda t: (0, 0)),
            pl.BlockSpec((1, NT, 8, 1280), lambda t: (t, 0, 0, 0)),
        ],
        out_specs=[
            pl.BlockSpec((1, NPAD, D), lambda t: (t, 0, 0)),
            pl.BlockSpec((1, 8, 1280), lambda t: (t, 0, 0)),
        ],
        out_shape=[
            jax.ShapeDtypeStruct((2, NPAD, D), jnp.float32),
            jax.ShapeDtypeStruct((2, 8, 1280), jnp.float32),
        ],
    )(x_st, W, dpT)


def _sc_conv_body(src_hbm, dst_hbm, ew_hbm, dinv_hbm, xl_hbm, b_hbm,
                  out_hbm, dstb, srcb, ewb, es, ed, en, dinv_v, acc, rows,
                  bias, gsem):
    c = lax.axis_index("c")
    s = lax.axis_index("s")
    wid = s * NC + c
    lo = wid * NR
    pltpu.sync_copy(b_hbm, bias)

    zi = jnp.zeros((L,), jnp.int32)

    def zbody(i, _):
        es[pl.ds(i * L, L)] = zi
        return 0

    lax.fori_loop(0, EBCAP // L, zbody, 0)

    for t in range(2):
        pltpu.sync_copy(dinv_hbm.at[pl.ds(t * NPAD, NPAD)],
                        dinv_v.at[pl.ds(0, NPAD)])
        pltpu.sync_copy(xl_hbm.at[pl.ds(t * NPAD + lo, NR)], acc)

        def sbody(r, _):
            dv = dinv_v[pl.ds(lo + r, L)][0]
            f = jnp.full((L,), 2.0 * dv * dv, jnp.float32)
            for kk in range(D // L):
                sl = pl.ds(kk * L, L)
                acc[r, sl] = acc[r, sl] * f
            return 0

        lax.fori_loop(0, NR, sbody, 0)

        def cbody(k, _):
            base = t * E + k * CE
            pltpu.sync_copy(dst_hbm.at[pl.ds(base, CE)], dstb)
            pltpu.sync_copy(src_hbm.at[pl.ds(base, CE)], srcb)
            pltpu.sync_copy(ew_hbm.at[pl.ds(base, CE)], ewb)

            def vbody(i, cnt):
                d = dstb[pl.ds(i * L, L)]
                m = (d >= lo) & (d < lo + NR)
                nm = jnp.sum(m.astype(jnp.int32))

                @pl.when(nm > 0)
                def _():
                    sv = srcb[pl.ds(i * L, L)]
                    wv = jnp.maximum(ewb[pl.ds(i * L, L)], 0.0)
                    nv = (plsc.load_gather(dinv_v, [sv]) * wv
                          * plsc.load_gather(dinv_v, [d]))
                    plsc.store_compressed(es.at[pl.ds(cnt, L)],
                                          sv + t * NPAD, mask=m)
                    plsc.store_compressed(ed.at[pl.ds(cnt, L)], d - lo, mask=m)
                    plsc.store_compressed(en.at[pl.ds(cnt, L)], nv, mask=m)

                return cnt + nm

            cnt = lax.fori_loop(0, CE // L, vbody, jnp.int32(0))
            nb = lax.shift_right_logical(cnt + (GB - 1), 5)

            def bbody(b, _):
                pltpu.async_copy(xl_hbm.at[es.at[pl.ds(b * GB, GB)]],
                                 rows, gsem).wait()

                def ebody(e, _):
                    eg = b * GB + e

                    @pl.when(eg < cnt)
                    def _():
                        dl = ed[pl.ds(eg, L)][0]
                        spl = jnp.full((L,), en[pl.ds(eg, L)][0], jnp.float32)
                        for kk in range(D // L):
                            sl = pl.ds(kk * L, L)
                            acc[dl, sl] = jnp.maximum(acc[dl, sl],
                                                      rows[e, sl] * spl)

                    return 0

                lax.fori_loop(0, GB, ebody, 0)
                return 0

            lax.fori_loop(0, nb, bbody, 0)
            return 0

        lax.fori_loop(0, NCHUNK, cbody, 0)

        def abody(r, _):
            for kk in range(D // L):
                sl = pl.ds(kk * L, L)
                acc[r, sl] = acc[r, sl] + bias[sl]
            return 0

        lax.fori_loop(0, NR, abody, 0)
        pltpu.sync_copy(acc, out_hbm.at[pl.ds(t * NPAD + lo, NR)])


@functools.cache
def _sc_kernels():
    mesh = plsc.VectorSubcoreMesh(core_axis_name="c", subcore_axis_name="s",
                                  num_cores=NC)
    sc_deg = pl.kernel(
        _sc_deg_body,
        out_type=jax.ShapeDtypeStruct((NT * 2 * NPAD,), jnp.float32),
        scratch_types=[
            pltpu.VMEM((DC,), jnp.int32),
            pltpu.VMEM((DC,), jnp.float32),
            pltpu.VMEM((NPAD,), jnp.float32),
            pltpu.VMEM((NPAD,), jnp.float32),
        ],
        mesh=mesh,
        compiler_params=pltpu.CompilerParams(needs_layout_passes=False),
    )
    sc_conv = pl.kernel(
        _sc_conv_body,
        out_type=jax.ShapeDtypeStruct((2 * NPAD, D), jnp.float32),
        scratch_types=[
            pltpu.VMEM((CE,), jnp.int32),
            pltpu.VMEM((CE,), jnp.int32),
            pltpu.VMEM((CE,), jnp.float32),
            pltpu.VMEM((EBCAP,), jnp.int32),
            pltpu.VMEM((EBCAP,), jnp.int32),
            pltpu.VMEM((EBCAP,), jnp.float32),
            pltpu.VMEM((NPAD + L,), jnp.float32),
            pltpu.VMEM((NR, D), jnp.float32),
            pltpu.VMEM((GB, D), jnp.float32),
            pltpu.VMEM((D,), jnp.float32),
            pltpu.SemaphoreType.DMA,
        ],
        mesh=mesh,
        compiler_params=pltpu.CompilerParams(needs_layout_passes=False),
    )
    return sc_deg, sc_conv


def kernel(x1, edge_index1, edge_weight1, x2, edge_index2, edge_weight2,
           W1, b1, W2, b2):
    _sc_deg, _sc_conv = _sc_kernels()
    src = jnp.concatenate([edge_index1[0], edge_index2[0]]).astype(jnp.int32)
    dst = jnp.concatenate([edge_index1[1], edge_index2[1]]).astype(jnp.int32)
    ew = jnp.concatenate([edge_weight1, edge_weight2]).astype(jnp.float32)
    x = jnp.zeros((2, NPAD, D), jnp.float32)
    x = x.at[:, :N].set(jnp.stack([x1, x2]))

    deg_parts = _sc_deg(dst, ew).reshape(NT, 2, NPAD)
    dpT = deg_parts.transpose(1, 0, 2).reshape(2, NT, 8, 1280)

    xl, dinv3 = _prep(x, W1, dpT)
    dinv = dinv3.reshape(2 * NPAD)
    h = _sc_conv(src, dst, ew, dinv, xl.reshape(2 * NPAD, D), b1)

    xl2, _ = _prep(h.reshape(2, NPAD, D), W2, dpT)
    g = _sc_conv(src, dst, ew, dinv, xl2.reshape(2 * NPAD, D), b2)
    g = g.reshape(2, NPAD, D)
    return (g[0, :N], g[1, :N])

# --- scband reference (transcript-rebuilt; emitter-appended) ---
"""Pipeline reference for scband-twin-tower-gcn-64055142252968 (READ-ONLY COPY).

The authoritative reference and input builder live on the scoring server;
editing this copy changes nothing except your own understanding.
"""

import jax, jax.numpy as jnp
import numpy as np

N_NODES = 10000
N_EDGES = 320000
D_IN = 128
D_OUT = 128
HEADS = 1  # TwinTowerGCN constructs GCN(in_dim, out_dim) without heads; we use heads=1 so conv2 out = out_dim


def gcn_conv(x, edge_index, edge_weight, W, b, n_nodes):
    # GCNConv(improved=True, add_self_loops=True, aggr='max')
    src = edge_index[0]
    dst = edge_index[1]
    # add self loops with fill_value = 2.0 (improved=True)
    loop = jnp.arange(n_nodes, dtype=edge_index.dtype)
    src = jnp.concatenate([src, loop])
    dst = jnp.concatenate([dst, loop])
    w = jnp.concatenate([edge_weight, jnp.full((n_nodes,), 2.0, dtype=edge_weight.dtype)])
    # symmetric normalization using in-degree (dst) weighted sums
    deg = jax.ops.segment_sum(w, dst, num_segments=n_nodes)
    deg_inv_sqrt = jnp.where(deg > 0, jax.lax.rsqrt(jnp.where(deg > 0, deg, 1.0)), 0.0)
    norm = deg_inv_sqrt[src] * w * deg_inv_sqrt[dst]
    # linear transform (bias added after aggregation, as in PyG GCNConv)
    xl = x @ W
    msg = xl[src] * norm[:, None]
    out = jax.ops.segment_max(msg, dst, num_segments=n_nodes)
    return out + b


def gcn_tower(x, edge_index, edge_weight, W1, b1, W2, b2):
    ew = jax.nn.relu(edge_weight)
    h = gcn_conv(x, edge_index, ew, W1, b1, N_NODES)
    h = gcn_conv(h, edge_index, ew, W2, b2, N_NODES)
    return h


def setup_inputs(seed: int = 0) -> dict:
    key = jax.random.key(seed)
    ks = jax.random.split(key, 10)
    x1 = jax.random.normal(ks[0], (N_NODES, D_IN), dtype=jnp.float32)
    edge_index1 = jax.random.randint(ks[1], (2, N_EDGES), 0, N_NODES, dtype=jnp.int64)
    edge_weight1 = jax.random.uniform(ks[2], (N_EDGES,), dtype=jnp.float32)
    x2 = jax.random.normal(ks[3], (N_NODES, D_IN), dtype=jnp.float32)
    edge_index2 = jax.random.randint(ks[4], (2, N_EDGES), 0, N_NODES, dtype=jnp.int64)
    edge_weight2 = jax.random.uniform(ks[5], (N_EDGES,), dtype=jnp.float32)
    # gcn1 parameters (NOTE: original forward uses self.gcn1 for BOTH towers -- faithful)
    W1 = jax.random.normal(ks[6], (D_IN, D_OUT), dtype=jnp.float32) * 0.05
    b1 = jnp.zeros((D_OUT,), dtype=jnp.float32)
    W2 = jax.random.normal(ks[7], (D_OUT, D_OUT * HEADS), dtype=jnp.float32) * 0.05
    b2 = jnp.zeros((D_OUT * HEADS,), dtype=jnp.float32)
    return {"x1": x1, "edge_index1": edge_index1, "edge_weight1": edge_weight1,
            "x2": x2, "edge_index2": edge_index2, "edge_weight2": edge_weight2,
            "W1": W1, "b1": b1, "W2": W2, "b2": b2}


def reference(x1, edge_index1, edge_weight1, x2, edge_index2, edge_weight2, W1, b1, W2, b2):
    g1 = gcn_tower(x1, edge_index1, edge_weight1, W1, b1, W2, b2)
    g2 = gcn_tower(x2, edge_index2, edge_weight2, W1, b1, W2, b2)
    return (g1, g2)

if __name__ == "__main__":
    import jax
    _d = setup_inputs()
    print(jax.jit(kernel)(*tuple(_d.values())))

</pallas_src>

<mosaic_0001>
#map = affine_map<(d0, d1) -> (0)>
#map1 = affine_map<(d0, d1) -> (0, 0)>
module attributes {stable_mosaic.version = 14 : i64} {
  func.func @_sc_conv_body(%arg0: i32, %arg1: i32, %arg2: memref<640000xi32, #tpu.memory_space<hbm>>, %arg3: memref<640000xi32, #tpu.memory_space<hbm>>, %arg4: memref<640000xf32, #tpu.memory_space<hbm>>, %arg5: memref<20480xf32, #tpu.memory_space<hbm>>, %arg6: memref<20480x128xf32, #tpu.memory_space<hbm>>, %arg7: memref<128xf32, #tpu.memory_space<hbm>>, %arg8: memref<20480x128xf32, #tpu.memory_space<hbm>>, %arg9: memref<8000xi32, #tpu.memory_space<vmem>>, %arg10: memref<8000xi32, #tpu.memory_space<vmem>>, %arg11: memref<8000xf32, #tpu.memory_space<vmem>>, %arg12: memref<8192xi32, #tpu.memory_space<vmem>>, %arg13: memref<8192xi32, #tpu.memory_space<vmem>>, %arg14: memref<8192xf32, #tpu.memory_space<vmem>>, %arg15: memref<10256xf32, #tpu.memory_space<vmem>>, %arg16: memref<320x128xf32, #tpu.memory_space<vmem>>, %arg17: memref<32x128xf32, #tpu.memory_space<vmem>>, %arg18: memref<128xf32, #tpu.memory_space<vmem>>, %arg19: memref<!tpu.dma_semaphore, #tpu.memory_space<semaphore_mem>>) attributes {dimension_semantics = [#tpu.dimension_semantics<core_parallel>, #tpu.dimension_semantics<subcore_parallel>], iteration_bounds = array<i64: 2, 16>, scalar_prefetch = 0 : i64, scratch_operands = 11 : i64, tpu.core_type = #tpu.core_type<sc_vector_subcore>, window_params = [{transform_indices = #map}, {transform_indices = #map}, {transform_indices = #map}, {transform_indices = #map}, {transform_indices = #map1}, {transform_indices = #map}, {transform_indices = #map1}]} {
    %mul3A = arith.constant 2 : i32
    %mul3A_0 = arith.muli %arg1, %mul3A : i32
    %add3A = arith.addi %mul3A_0, %arg0 : i32
    %mul3A_1 = arith.constant 320 : i32
    %mul3A_2 = arith.muli %add3A, %mul3A_1 : i32
    "tpu.region"() ({
      %run_scoped3A = tpu.sem_alloc : memref<!tpu.dma_semaphore, #tpu.memory_space<semaphore_mem>>
      tpu.enqueue_dma source(%arg7 : memref<128xf32, #tpu.memory_space<hbm>>) target(%arg18 : memref<128xf32, #tpu.memory_space<vmem>>) target_semaphore(%run_scoped3A : memref<!tpu.dma_semaphore, #tpu.memory_space<semaphore_mem>>)
      tpu.wait_dma2 semaphore(%run_scoped3A : memref<!tpu.dma_semaphore, #tpu.memory_space<semaphore_mem>>) src(%arg7 : memref<128xf32, #tpu.memory_space<hbm>>) dst(%arg18 : memref<128xf32, #tpu.memory_space<vmem>>)
      tpu.yield
    }) : () -> ()
    %broadcast_in_dim3A = arith.constant 0 : i32
    %broadcast_in_dim3A_3 = vector.broadcast %broadcast_in_dim3A : i32 to vector<16xi32>
    %scan3A = arith.constant 0 : i32
    %scan3A_4 = arith.constant 0 : i32
    %scan3A_5 = arith.constant 512 : i32
    %scan3A_6 = arith.addi %scan3A_4, %scan3A_5 : i32
    %scan3A_7 = arith.constant 1 : i32
    %scan3A_8 = scf.for %scan3A_60 = %scan3A_4 to %scan3A_6 step %scan3A_7 iter_args(%scan3A_61 = %scan3A) -> (i32)  : i32 {
      %mul3A_62 = arith.constant 16 : i32
      %mul3A_63 = arith.muli %scan3A_60, %mul3A_62 : i32
      %swap3A = arith.index_cast %mul3A_63 : i32 to index
      %swap3A_64 = tpu.vector_load %arg12[%swap3A] {strides = array<i32>} : memref<8192xi32, #tpu.memory_space<vmem>>, vector<16xi32>,
      tpu.vector_store %arg12[%swap3A], %broadcast_in_dim3A_3 {strides = array<i32>} : memref<8192xi32, #tpu.memory_space<vmem>>, vector<16xi32>,
      %scan3A_65 = arith.constant 0 : i32
      scf.yield %scan3A_65 : i32
    }
    %scan3A_9 = arith.constant 512 : i32
    "tpu.region"() ({
      %run_scoped3A = tpu.sem_alloc : memref<!tpu.dma_semaphore, #tpu.memory_space<semaphore_mem>>
      %dma_start3A = arith.constant 0 : i32
      %dma_start3A_60 = tpu.memref_slice %arg15[%dma_start3A] : memref<10256xf32, #tpu.memory_space<vmem>> -> memref<10240xf32, #tpu.memory_space<vmem>>
      %dma_start3A_61 = arith.constant 0 : i32
      %dma_start3A_62 = tpu.memref_slice %arg5[%dma_start3A_61] : memref<20480xf32, #tpu.memory_space<hbm>> -> memref<10240xf32, #tpu.memory_space<hbm>>
      %dma_start3A_63 = arith.constant 0 : i32
      %dma_start3A_64 = tpu.memref_slice %arg15[%dma_start3A_63] : memref<10256xf32, #tpu.memory_space<vmem>> -> memref<10240xf32, #tpu.memory_space<vmem>>
      %dma_start3A_65 = arith.constant 0 : i32
      %dma_start3A_66 = tpu.memref_slice %arg5[%dma_start3A_65] : memref<20480xf32, #tpu.memory_space<hbm>> -> memref<10240xf32, #tpu.memory_space<hbm>>
      tpu.enqueue_dma source(%dma_start3A_66 : memref<10240xf32, #tpu.memory_space<hbm>>) target(%dma_start3A_64 : memref<10240xf32, #tpu.memory_space<vmem>>) target_semaphore(%run_scoped3A : memref<!tpu.dma_semaphore, #tpu.memory_space<semaphore_mem>>)
      %dma_wait3A = arith.constant 0 : i32
      %dma_wait3A_67 = tpu.memref_slice %arg15[%dma_wait3A] : memref<10256xf32, #tpu.memory_space<vmem>> -> memref<10240xf32, #tpu.memory_space<vmem>>
      %dma_wait3A_68 = arith.constant 0 : i32
      %dma_wait3A_69 = tpu.memref_slice %arg5[%dma_wait3A_68] : memref<20480xf32, #tpu.memory_space<hbm>> -> memref<10240xf32, #tpu.memory_space<hbm>>
      %dma_wait3A_70 = arith.constant 0 : i32
      %dma_wait3A_71 = tpu.memref_slice %arg15[%dma_wait3A_70] : memref<10256xf32, #tpu.memory_space<vmem>> -> memref<10240xf32, #tpu.memory_space<vmem>>
      %dma_wait3A_72 = arith.constant 0 : i32
      %dma_wait3A_73 = tpu.memref_slice %arg5[%dma_wait3A_72] : memref<20480xf32, #tpu.memory_space<hbm>> -> memref<10240xf32, #tpu.memory_space<hbm>>
      tpu.wait_dma2 semaphore(%run_scoped3A : memref<!tpu.dma_semaphore, #tpu.memory_space<semaphore_mem>>) src(%dma_wait3A_73 : memref<10240xf32, #tpu.memory_space<hbm>>) dst(%dma_wait3A_71 : memref<10240xf32, #tpu.memory_space<vmem>>)
      tpu.yield
    }) : () -> ()
    %add3A_10 = arith.constant 0 : i32
    %add3A_11 = arith.addi %add3A_10, %mul3A_2 : i32
    "tpu.region"() ({
      %run_scoped3A = tpu.sem_alloc : memref<!tpu.dma_semaphore, #tpu.memory_space<semaphore_mem>>
      %dma_start3A = arith.constant 0 : i32
      %dma_start3A_60 = tpu.memref_slice %arg6[%add3A_11, %dma_start3A] : memref<20480x128xf32, #tpu.memory_space<hbm>> -> memref<320x128xf32, #tpu.memory_space<hbm>>
      %dma_start3A_61 = arith.constant 0 : i32
      %dma_start3A_62 = tpu.memref_slice %arg6[%add3A_11, %dma_start3A_61] : memref<20480x128xf32, #tpu.memory_space<hbm>> -> memref<320x128xf32, #tpu.memory_space<hbm>>
      tpu.enqueue_dma source(%dma_start3A_62 : memref<320x128xf32, #tpu.memory_space<hbm>>) target(%arg16 : memref<320x128xf32, #tpu.memory_space<vmem>>) target_semaphore(%run_scoped3A : memref<!tpu.dma_semaphore, #tpu.memory_space<semaphore_mem>>)
      %dma_wait3A = arith.constant 0 : i32
      %dma_wait3A_63 = tpu.memref_slice %arg6[%add3A_11, %dma_wait3A] : memref<20480x128xf32, #tpu.memory_space<hbm>> -> memref<320x128xf32, #tpu.memory_space<hbm>>
      %dma_wait3A_64 = arith.constant 0 : i32
      %dma_wait3A_65 = tpu.memref_slice %arg6[%add3A_11, %dma_wait3A_64] : memref<20480x128xf32, #tpu.memory_space<hbm>> -> memref<320x128xf32, #tpu.memory_space<hbm>>
      tpu.wait_dma2 semaphore(%run_scoped3A : memref<!tpu.dma_semaphore, #tpu.memory_space<semaphore_mem>>) src(%dma_wait3A_65 : memref<320x128xf32, #tpu.memory_space<hbm>>) dst(%arg16 : memref<320x128xf32, #tpu.memory_space<vmem>>)
      tpu.yield
    }) : () -> ()
    %scan3A_12 = arith.constant 0 : i32
    %scan3A_13 = arith.constant 0 : i32
    %scan3A_14 = arith.constant 320 : i32
    %scan3A_15 = arith.addi %scan3A_13, %scan3A_14 : i32
    %scan3A_16 = arith.constant 1 : i32
    %scan3A_17 = scf.for %scan3A_60 = %scan3A_13 to %scan3A_15 step %scan3A_16 iter_args(%scan3A_61 = %scan3A_12) -> (i32)  : i32 {
      %add3A_62 = arith.addi %mul3A_2, %scan3A_60 : i32
      %get3A = arith.index_cast %add3A_62 : i32 to index
      %get3A_63 = tpu.vector_load %arg15[%get3A] {strides = array<i32>} : memref<10256xf32, #tpu.memory_space<vmem>>, vector<16xf32>,
      %slice3A = vector.extract_strided_slice %get3A_63 {offsets = [0], sizes = [1], strides = [1]} : vector<16xf32> to vector<1xf32>
      %squeeze3A = vector.extract %slice3A[0] : f32 from vector<1xf32>
      %mul3A_64 = arith.constant 2.000000e+00 : f32
      %mul3A_65 = arith.mulf %mul3A_64, %squeeze3A : f32
      %mul3A_66 = arith.mulf %mul3A_65, %squeeze3A : f32
      %broadcast_in_dim3A_67 = vector.broadcast %mul3A_66 : f32 to vector<16xf32>
      %get3A_68 = arith.index_cast %scan3A_60 : i32 to index
      %get3A_69 = arith.constant 0 : index
      %get3A_70 = tpu.vector_load %arg16[%get3A_68, %get3A_69] {strides = array<i32>} : memref<320x128xf32, #tpu.memory_space<vmem>>, vector<16xf32>,
      %mul3A_71 = arith.mulf %get3A_70, %broadcast_in_dim3A_67 : vector<16xf32>
      %swap3A = arith.index_cast %scan3A_60 : i32 to index
      %swap3A_72 = arith.constant 0 : index
      %swap3A_73 = tpu.vector_load %arg16[%swap3A, %swap3A_72] {strides = array<i32>} : memref<320x128xf32, #tpu.memory_space<vmem>>, vector<16xf32>,
      tpu.vector_store %arg16[%swap3A, %swap3A_72], %mul3A_71 {strides = array<i32>} : memref<320x128xf32, #tpu.memory_space<vmem>>, vector<16xf32>,
      %get3A_74 = arith.index_cast %scan3A_60 : i32 to index
      %get3A_75 = arith.constant 16 : index
      %get3A_76 = tpu.vector_load %arg16[%get3A_74, %get3A_75] {strides = array<i32>} : memref<320x128xf32, #tpu.memory_space<vmem>>, vector<16xf32>,
      %mul3A_77 = arith.mulf %get3A_76, %broadcast_in_dim3A_67 : vector<16xf32>
      %swap3A_78 = arith.index_cast %scan3A_60 : i32 to index
      %swap3A_79 = arith.constant 16 : index
      %swap3A_80 = tpu.vector_load %arg16[%swap3A_78, %swap3A_79] {strides = array<i32>} : memref<320x128xf32, #tpu.memory_space<vmem>>, vector<16xf32>,
      tpu.vector_store %arg16[%swap3A_78, %swap3A_79], %mul3A_77 {strides = array<i32>} : memref<320x128xf32, #tpu.memory_space<vmem>>, vector<16xf32>,
      %get3A_81 = arith.index_cast %scan3A_60 : i32 to index
      %get3A_82 = arith.constant 32 : index
      %get3A_83 = tpu.vector_load %arg16[%get3A_81, %get3A_82] {strides = array<i32>} : memref<320x128xf32, #tpu.memory_space<vmem>>, vector<16xf32>,
      %mul3A_84 = arith.mulf %get3A_83, %broadcast_in_dim3A_67 : vector<16xf32>
      %swap3A_85 = arith.index_cast %scan3A_60 : i32 to index
      %swap3A_86 = arith.constant 32 : index
      %swap3A_87 = tpu.vector_load %arg16[%swap3A_85, %swap3A_86] {strides = array<i32>} : memref<320x128xf32, #tpu.memory_space<vmem>>, vector<16xf32>,
      tpu.vector_store %arg16[%swap3A_85, %swap3A_86], %mul3A_84 {strides = array<i32>} : memref<320x128xf32, #tpu.memory_space<vmem>>, vector<16xf32>,
      %get3A_88 = arith.index_cast %scan3A_60 : i32 to index
      %get3A_89 = arith.constant 48 : index
      %get3A_90 = tpu.vector_load %arg16[%get3A_88, %get3A_89] {strides = array<i32>} : memref<320x128xf32, #tpu.memory_space<vmem>>, vector<16xf32>,
      %mul3A_91 = arith.mulf %get3A_90, %broadcast_in_dim3A_67 : vector<16xf32>
      %swap3A_92 = arith.index_cast %scan3A_60 : i32 to index
      %swap3A_93 = arith.constant 48 : index
      %swap3A_94 = tpu.vector_load %arg16[%swap3A_92, %swap3A_93] {strides = array<i32>} : memref<320x128xf32, #tpu.memory_space<vmem>>, vector<16xf32>,
      tpu.vector_store %arg16[%swap3A_92, %swap3A_93], %mul3A_91 {strides = array<i32>} : memref<320x128xf32, #tpu.memory_space<vmem>>, vector<16xf32>,
      %get3A_95 = arith.index_cast %scan3A_60 : i32 to index
      %get3A_96 = arith.constant 64 : index
      %get3A_97 = tpu.vector_load %arg16[%get3A_95, %get3A_96] {strides = array<i32>} : memref<320x128xf32, #tpu.memory_space<vmem>>, vector<16xf32>,
      %mul3A_98 = arith.mulf %get3A_97, %broadcast_in_dim3A_67 : vector<16xf32>
      %swap3A_99 = arith.index_cast %scan3A_60 : i32 to index
      %swap3A_100 = arith.constant 64 : index
      %swap3A_101 = tpu.vector_load %arg16[%swap3A_99, %swap3A_100] {strides = array<i32>} : memref<320x128xf32, #tpu.memory_space<vmem>>, vector<16xf32>,
      tpu.vector_store %arg16[%swap3A_99, %swap3A_100], %mul3A_98 {strides = array<i32>} : memref<320x128xf32, #tpu.memory_space<vmem>>, vector<16xf32>,
      %get3A_102 = arith.index_cast %scan3A_60 : i32 to index
      %get3A_103 = arith.constant 80 : index
      %get3A_104 = tpu.vector_load %arg16[%get3A_102, %get3A_103] {strides = array<i32>} : memref<320x128xf32, #tpu.memory_space<vmem>>, vector<16xf32>,
      %mul3A_105 = arith.mulf %get3A_104, %broadcast_in_dim3A_67 : vector<16xf32>
      %swap3A_106 = arith.index_cast %scan3A_60 : i32 to index
      %swap3A_107 = arith.constant 80 : index
      %swap3A_108 = tpu.vector_load %arg16[%swap3A_106, %swap3A_107] {strides = array<i32>} : memref<320x128xf32, #tpu.memory_space<vmem>>, vector<16xf32>,
      tpu.vector_store %arg16[%swap3A_106, %swap3A_107], %mul3A_105 {strides = array<i32>} : memref<320x128xf32, #tpu.memory_space<vmem>>, vector<16xf32>,
      %get3A_109 = arith.index_cast %scan3A_60 : i32 to index
      %get3A_110 = arith.constant 96 : index
      %get3A_111 = tpu.vector_load %arg16[%get3A_109, %get3A_110] {strides = array<i32>} : memref<320x128xf32, #tpu.memory_space<vmem>>, vector<16xf32>,
      %mul3A_112 = arith.mulf %get3A_111, %broadcast_in_dim3A_67 : vector<16xf32>
      %swap3A_113 = arith.index_cast %scan3A_60 : i32 to index
      %swap3A_114 = arith.constant 96 : index
      %swap3A_115 = tpu.vector_load %arg16[%swap3A_113, %swap3A_114] {strides = array<i32>} : memref<320x128xf32, #tpu.memory_space<vmem>>, vector<16xf32>,
      tpu.vector_store %arg16[%swap3A_113, %swap3A_114], %mul3A_112 {strides = array<i32>} : memref<320x128xf32, #tpu.memory_space<vmem>>, vector<16xf32>,
      %get3A_116 = arith.index_cast %scan3A_60 : i32 to index
      %get3A_117 = arith.constant 112 : index
      %get3A_118 = tpu.vector_load %arg16[%get3A_116, %get3A_117] {strides = array<i32>} : memref<320x128xf32, #tpu.memory_space<vmem>>, vector<16xf32>,
      %mul3A_119 = arith.mulf %get3A_118, %broadcast_in_dim3A_67 : vector<16xf32>
      %swap3A_120 = arith.index_cast %scan3A_60 : i32 to index
      %swap3A_121 = arith.constant 112 : index
      %swap3A_122 = tpu.vector_load %arg16[%swap3A_120, %swap3A_121] {strides = array<i32>} : memref<320x128xf32, #tpu.memory_space<vmem>>, vector<16xf32>,
      tpu.vector_store %arg16[%swap3A_120, %swap3A_121], %mul3A_119 {strides = array<i32>} : memref<320x128xf32, #tpu.memory_space<vmem>>, vector<16xf32>,
      %scan3A_123 = arith.constant 0 : i32
      scf.yield %scan3A_123 : i32
    }
    %scan3A_18 = arith.constant 320 : i32
    %scan3A_19 = arith.constant 0 : i32
    %scan3A_20 = arith.constant 0 : i32
    %scan3A_21 = arith.constant 40 : i32
    %scan3A_22 = arith.addi %scan3A_20, %scan3A_21 : i32
    %scan3A_23 = arith.constant 1 : i32
    %scan3A_24 = scf.for %scan3A_60 = %scan3A_20 to %scan3A_22 step %scan3A_23 iter_args(%scan3A_61 = %scan3A_19) -> (i32)  : i32 {
      %mul3A_62 = arith.constant 8000 : i32
      %mul3A_63 = arith.muli %scan3A_60, %mul3A_62 : i32
      %add3A_64 = arith.constant 0 : i32
      %add3A_65 = arith.addi %add3A_64, %mul3A_63 : i32
      "tpu.region"() ({
        %run_scoped3A = tpu.sem_alloc : memref<!tpu.dma_semaphore, #tpu.memory_space<semaphore_mem>>
        %dma_start3A = tpu.memref_slice %arg3[%add3A_65] : memref<640000xi32, #tpu.memory_space<hbm>> -> memref<8000xi32, #tpu.memory_space<hbm>>
        %dma_start3A_88 = tpu.memref_slice %arg3[%add3A_65] : memref<640000xi32, #tpu.memory_space<hbm>> -> memref<8000xi32, #tpu.memory_space<hbm>>
        tpu.enqueue_dma source(%dma_start3A_88 : memref<8000xi32, #tpu.memory_space<hbm>>) target(%arg9 : memref<8000xi32, #tpu.memory_space<vmem>>) target_semaphore(%run_scoped3A : memref<!tpu.dma_semaphore, #tpu.memory_space<semaphore_mem>>)
        %dma_wait3A = tpu.memref_slice %arg3[%add3A_65] : memref<640000xi32, #tpu.memory_space<hbm>> -> memref<8000xi32, #tpu.memory_space<hbm>>
        %dma_wait3A_89 = tpu.memref_slice %arg3[%add3A_65] : memref<640000xi32, #tpu.memory_space<hbm>> -> memref<8000xi32, #tpu.memory_space<hbm>>
        tpu.wait_dma2 semaphore(%run_scoped3A : memref<!tpu.dma_semaphore, #tpu.memory_space<semaphore_mem>>) src(%dma_wait3A_89 : memref<8000xi32, #tpu.memory_space<hbm>>) dst(%arg9 : memref<8000xi32, #tpu.memory_space<vmem>>)
        tpu.yield
      }) : () -> ()
      "tpu.region"() ({
        %run_scoped3A = tpu.sem_alloc : memref<!tpu.dma_semaphore, #tpu.memory_space<semaphore_mem>>
        %dma_start3A = tpu.memref_slice %arg2[%add3A_65] : memref<640000xi32, #tpu.memory_space<hbm>> -> memref<8000xi32, #tpu.memory_space<hbm>>
        %dma_start3A_88 = tpu.memref_slice %arg2[%add3A_65] : memref<640000xi32, #tpu.memory_space<hbm>> -> memref<8000xi32, #tpu.memory_space<hbm>>
        tpu.enqueue_dma source(%dma_start3A_88 : memref<8000xi32, #tpu.memory_space<hbm>>) target(%arg10 : memref<8000xi32, #tpu.memory_space<vmem>>) target_semaphore(%run_scoped3A : memref<!tpu.dma_semaphore, #tpu.memory_space<semaphore_mem>>)
        %dma_wait3A = tpu.memref_slice %arg2[%add3A_65] : memref<640000xi32, #tpu.memory_space<hbm>> -> memref<8000xi32, #tpu.memory_space<hbm>>
        %dma_wait3A_89 = tpu.memref_slice %arg2[%add3A_65] : memref<640000xi32, #tpu.memory_space<hbm>> -> memref<8000xi32, #tpu.memory_space<hbm>>
        tpu.wait_dma2 semaphore(%run_scoped3A : memref<!tpu.dma_semaphore, #tpu.memory_space<semaphore_mem>>) src(%dma_wait3A_89 : memref<8000xi32, #tpu.memory_space<hbm>>) dst(%arg10 : memref<8000xi32, #tpu.memory_space<vmem>>)
        tpu.yield
      }) : () -> ()
      "tpu.region"() ({
        %run_scoped3A = tpu.sem_alloc : memref<!tpu.dma_semaphore, #tpu.memory_space<semaphore_mem>>
        %dma_start3A = tpu.memref_slice %arg4[%add3A_65] : memref<640000xf32, #tpu.memory_space<hbm>> -> memref<8000xf32, #tpu.memory_space<hbm>>
        %dma_start3A_88 = tpu.memref_slice %arg4[%add3A_65] : memref<640000xf32, #tpu.memory_space<hbm>> -> memref<8000xf32, #tpu.memory_space<hbm>>
        tpu.enqueue_dma source(%dma_start3A_88 : memref<8000xf32, #tpu.memory_space<hbm>>) target(%arg11 : memref<8000xf32, #tpu.memory_space<vmem>>) target_semaphore(%run_scoped3A : memref<!tpu.dma_semaphore, #tpu.memory_space<semaphore_mem>>)
        %dma_wait3A = tpu.memref_slice %arg4[%add3A_65] : memref<640000xf32, #tpu.memory_space<hbm>> -> memref<8000xf32, #tpu.memory_space<hbm>>
        %dma_wait3A_89 = tpu.memref_slice %arg4[%add3A_65] : memref<640000xf32, #tpu.memory_space<hbm>> -> memref<8000xf32, #tpu.memory_space<hbm>>
        tpu.wait_dma2 semaphore(%run_scoped3A : memref<!tpu.dma_semaphore, #tpu.memory_space<semaphore_mem>>) src(%dma_wait3A_89 : memref<8000xf32, #tpu.memory_space<hbm>>) dst(%arg11 : memref<8000xf32, #tpu.memory_space<vmem>>)
        tpu.yield
      }) : () -> ()
      %scan3A_66 = arith.constant 0 : i32
      %scan3A_67 = arith.constant 0 : i32
      %scan3A_68 = arith.constant 500 : i32
      %scan3A_69 = arith.addi %scan3A_67, %scan3A_68 : i32
      %scan3A_70 = arith.constant 1 : i32
      %scan3A_71 = scf.for %scan3A_88 = %scan3A_67 to %scan3A_69 step %scan3A_70 iter_args(%scan3A_89 = %scan3A_66) -> (i32)  : i32 {
        %mul3A_90 = arith.constant 16 : i32
        %mul3A_91 = arith.muli %scan3A_88, %mul3A_90 : i32
        %get3A = arith.index_cast %mul3A_91 : i32 to index
        %get3A_92 = tpu.vector_load %arg9[%get3A] {strides = array<i32>} : memref<8000xi32, #tpu.memory_space<vmem>>, vector<16xi32>,
        %ge3A = vector.broadcast %mul3A_2 : i32 to vector<16xi32>
        %ge3A_93 = arith.cmpi sge, %get3A_92, %ge3A : vector<16xi32>
        %add3A_94 = arith.constant 320 : i32
        %add3A_95 = arith.addi %mul3A_2, %add3A_94 : i32
        %lt3A = vector.broadcast %add3A_95 : i32 to vector<16xi32>
        %lt3A_96 = arith.cmpi slt, %get3A_92, %lt3A : vector<16xi32>
        %and3A = arith.andi %ge3A_93, %lt3A_96 : vector<16xi1>
        %convert_element_type3A = arith.extui %and3A : vector<16xi1> to vector<16xi32>
        %reduce_sum3A = arith.constant true
        %reduce_sum3A_97 = vector.broadcast %reduce_sum3A : i1 to vector<16xi1>
        %reduce_sum3A_98 = tpu.scan <sum>, %convert_element_type3A masked %reduce_sum3A_97 : vector<16xi32>, vector<16xi1> -> vector<16xi32>
        %reduce_sum3A_99 = vector.extract %reduce_sum3A_98[15] : i32 from vector<16xi32>
        %gt3A = arith.constant 0 : i32
        %gt3A_100 = arith.cmpi sgt, %reduce_sum3A_99, %gt3A : i32
        %convert_element_type3A_101 = arith.extui %gt3A_100 : i1 to i32
        %cond3A = arith.constant 0 : i32
        %cond3A_102 = arith.cmpi ne, %convert_element_type3A_101, %cond3A : i32
        scf.if %cond3A_102 {
          %mul3A_104 = arith.constant 16 : i32
          %mul3A_105 = arith.muli %scan3A_88, %mul3A_104 : i32
          %get3A_106 = arith.index_cast %mul3A_105 : i32 to index
          %get3A_107 = tpu.vector_load %arg10[%get3A_106] {strides = array<i32>} : memref<8000xi32, #tpu.memory_space<vmem>>, vector<16xi32>,
          %mul3A_108 = arith.constant 16 : i32
          %mul3A_109 = arith.muli %scan3A_88, %mul3A_108 : i32
          %get3A_110 = arith.index_cast %mul3A_109 : i32 to index
          %get3A_111 = tpu.vector_load %arg11[%get3A_110] {strides = array<i32>} : memref<8000xf32, #tpu.memory_space<vmem>>, vector<16xf32>,
          %max3A = arith.constant 0.000000e+00 : f32
          %max3A_112 = vector.broadcast %max3A : f32 to vector<16xf32>
          %max3A_113 = arith.maximumf %get3A_111, %max3A_112 : vector<16xf32>
          %gather3A = tpu.vector_load_idx %arg15[%get3A_107] : memref<10256xf32, #tpu.memory_space<vmem>>[vector<16xi32>], vector<16xf32>,
          %mul3A_114 = arith.mulf %gather3A, %max3A_113 : vector<16xf32>
          %gather3A_115 = tpu.vector_load_idx %arg15[%get3A_92] : memref<10256xf32, #tpu.memory_space<vmem>>[vector<16xi32>], vector<16xf32>,
          %mul3A_116 = arith.mulf %mul3A_114, %gather3A_115 : vector<16xf32>
          %add3A_117 = arith.constant 0 : i32
          %add3A_118 = vector.broadcast %add3A_117 : i32 to vector<16xi32>
          %add3A_119 = arith.addi %get3A_107, %add3A_118 : vector<16xi32>
          %swap3A = arith.index_cast %scan3A_89 : i32 to index
          %swap3A_120 = tpu.vector_load %arg12[%swap3A] masked %and3A {strides = array<i32>} : memref<8192xi32, #tpu.memory_space<vmem>>, vector<16xi32>, vector<16xi1>
          tpu.vector_store %arg12[%swap3A], %add3A_119 masked %and3A {strides = array<i32>} : memref<8192xi32, #tpu.memory_space<vmem>>, vector<16xi32>, vector<16xi1>
          %sub3A = vector.broadcast %mul3A_2 : i32 to vector<16xi32>
          %sub3A_121 = arith.subi %get3A_92, %sub3A : vector<16xi32>
          %swap3A_122 = arith.index_cast %scan3A_89 : i32 to index
          %swap3A_123 = tpu.vector_load %arg13[%swap3A_122] masked %and3A {strides = array<i32>} : memref<8192xi32, #tpu.memory_space<vmem>>, vector<16xi32>, vector<16xi1>
          tpu.vector_store %arg13[%swap3A_122], %sub3A_121 masked %and3A {strides = array<i32>} : memref<8192xi32, #tpu.memory_space<vmem>>, vector<16xi32>, vector<16xi1>
          %swap3A_124 = arith.index_cast %scan3A_89 : i32 to index
          %swap3A_125 = tpu.vector_load %arg14[%swap3A_124] masked %and3A {strides = array<i32>} : memref<8192xf32, #tpu.memory_space<vmem>>, vector<16xf32>, vector<16xi1>
          tpu.vector_store %arg14[%swap3A_124], %mul3A_116 masked %and3A {strides = array<i32>} : memref<8192xf32, #tpu.memory_space<vmem>>, vector<16xf32>, vector<16xi1>
        } else {
        }
        %add3A_103 = arith.addi %scan3A_89, %reduce_sum3A_99 : i32
        scf.yield %add3A_103 : i32
      }
      %scan3A_72 = arith.constant 500 : i32
      %add3A_73 = arith.constant 31 : i32
      %add3A_74 = arith.addi %scan3A_71, %add3A_73 : i32
      %shift_right_logical3A = arith.constant 5 : i32
      %shift_right_logical3A_75 = arith.shrui %add3A_74, %shift_right_logical3A : i32
      %while3A = arith.constant 0 : i32
      %while3A_76 = arith.constant 0 : i32
      %while3A_77 = arith.subi %shift_right_logical3A_75, %while3A : i32
      %while3A_78 = arith.addi %while3A, %while3A_77 : i32
      %while3A_79 = arith.constant 1 : i32
      %while3A_80 = arith.divsi %while3A_77, %while3A_79 : i32
      %while3A_81 = arith.muli %while3A_80, %while3A_79 : i32
      %while3A_82 = arith.addi %while3A, %while3A_81 : i32
      %while3A_83 = arith.constant 1 : i32
      %while3A_84 = scf.for %while3A_88 = %while3A to %while3A_82 step %while3A_83 iter_args(%while3A_89 = %while3A_76) -> (i32)  : i32 {
        %mul3A_90 = arith.constant 32 : i32
        %mul3A_91 = arith.muli %while3A_88, %mul3A_90 : i32
        %dma_start3A = tpu.memref_slice %arg12[%mul3A_91] : memref<8192xi32, #tpu.memory_space<vmem>> -> memref<32xi32, #tpu.memory_space<vmem>>
        %dma_start3A_92 = arith.constant 0 : i32
        %dma_start3A_93 = arith.constant 0 : i32
        %dma_start3A_94 = tpu.memref_slice %arg6[%dma_start3A_92, %dma_start3A_93] : memref<20480x128xf32, #tpu.memory_space<hbm>> -> memref<20480x128xf32, #tpu.memory_space<hbm>>
        tpu.enqueue_indirect_dma source(%dma_start3A_94 : memref<20480x128xf32, #tpu.memory_space<hbm>>) target(%arg17 : memref<32x128xf32, #tpu.memory_space<vmem>>) offsets(%dma_start3A : memref<32xi32, #tpu.memory_space<vmem>>) semaphore(%arg19 : memref<!tpu.dma_semaphore, #tpu.memory_space<semaphore_mem>>)
        %dma_wait3A = tpu.memref_slice %arg12[%mul3A_91] : memref<8192xi32, #tpu.memory_space<vmem>> -> memref<32xi32, #tpu.memory_space<vmem>>
        %dma_wait3A_95 = arith.constant 0 : i32
        %dma_wait3A_96 = arith.constant 0 : i32
        %dma_wait3A_97 = tpu.memref_slice %arg6[%dma_wait3A_95, %dma_wait3A_96] : memref<20480x128xf32, #tpu.memory_space<hbm>> -> memref<20480x128xf32, #tpu.memory_space<hbm>>
        tpu.wait_indirect_dma semaphore(%arg19 : memref<!tpu.dma_semaphore, #tpu.memory_space<semaphore_mem>>) src(%dma_wait3A_97 : memref<20480x128xf32, #tpu.memory_space<hbm>>) dst(%arg17 : memref<32x128xf32, #tpu.memory_space<vmem>>)
        %scan3A_98 = arith.constant 0 : i32
        %scan3A_99 = arith.constant 0 : i32
        %scan3A_100 = arith.constant 32 : i32
        %scan3A_101 = arith.addi %scan3A_99, %scan3A_100 : i32
        %scan3A_102 = arith.constant 1 : i32
        %scan3A_103 = scf.for %scan3A_106 = %scan3A_99 to %scan3A_101 step %scan3A_102 iter_args(%scan3A_107 = %scan3A_98) -> (i32)  : i32 {
          %mul3A_108 = arith.constant 32 : i32
          %mul3A_109 = arith.muli %while3A_88, %mul3A_108 : i32
          %add3A_110 = arith.addi %mul3A_109, %scan3A_106 : i32
          %lt3A = arith.cmpi slt, %add3A_110, %scan3A_71 : i32
          %convert_element_type3A = arith.extui %lt3A : i1 to i32
          %cond3A = arith.constant 0 : i32
          %cond3A_111 = arith.cmpi ne, %convert_element_type3A, %cond3A : i32
          scf.if %cond3A_111 {
            %get3A = arith.index_cast %add3A_110 : i32 to index
            %get3A_113 = tpu.vector_load %arg13[%get3A] {strides = array<i32>} : memref<8192xi32, #tpu.memory_space<vmem>>, vector<16xi32>,
            %slice3A = vector.extract_strided_slice %get3A_113 {offsets = [0], sizes = [1], strides = [1]} : vector<16xi32> to vector<1xi32>
            %squeeze3A = vector.extract %slice3A[0] : i32 from vector<1xi32>
            %get3A_114 = arith.index_cast %add3A_110 : i32 to index
            %get3A_115 = tpu.vector_load %arg14[%get3A_114] {strides = array<i32>} : memref<8192xf32, #tpu.memory_space<vmem>>, vector<16xf32>,
            %slice3A_116 = vector.extract_strided_slice %get3A_115 {offsets = [0], sizes = [1], strides = [1]} : vector<16xf32> to vector<1xf32>
            %squeeze3A_117 = vector.extract %slice3A_116[0] : f32 from vector<1xf32>
            %broadcast_in_dim3A_118 = vector.broadcast %squeeze3A_117 : f32 to vector<16xf32>
            %get3A_119 = arith.index_cast %squeeze3A : i32 to index
            %get3A_120 = arith.constant 0 : index
            %get3A_121 = tpu.vector_load %arg16[%get3A_119, %get3A_120] {strides = array<i32>} : memref<320x128xf32, #tpu.memory_space<vmem>>, vector<16xf32>,
            %get3A_122 = arith.index_cast %scan3A_106 : i32 to index
            %get3A_123 = arith.constant 0 : index
            %get3A_124 = tpu.vector_load %arg17[%get3A_122, %get3A_123] {strides = array<i32>} : memref<32x128xf32, #tpu.memory_space<vmem>>, vector<16xf32>,
            %mul3A_125 = arith.mulf %get3A_124, %broadcast_in_dim3A_118 : vector<16xf32>
            %max3A = arith.maximumf %get3A_121, %mul3A_125 : vector<16xf32>
            %swap3A = arith.index_cast %squeeze3A : i32 to index
            %swap3A_126 = arith.constant 0 : index
            %swap3A_127 = tpu.vector_load %arg16[%swap3A, %swap3A_126] {strides = array<i32>} : memref<320x128xf32, #tpu.memory_space<vmem>>, vector<16xf32>,
            tpu.vector_store %arg16[%swap3A, %swap3A_126], %max3A {strides = array<i32>} : memref<320x128xf32, #tpu.memory_space<vmem>>, vector<16xf32>,
            %get3A_128 = arith.index_cast %squeeze3A : i32 to index
            %get3A_129 = arith.constant 16 : index
            %get3A_130 = tpu.vector_load %arg16[%get3A_128, %get3A_129] {strides = array<i32>} : memref<320x128xf32, #tpu.memory_space<vmem>>, vector<16xf32>,
            %get3A_131 = arith.index_cast %scan3A_106 : i32 to index
            %get3A_132 = arith.constant 16 : index
            %get3A_133 = tpu.vector_load %arg17[%get3A_131, %get3A_132] {strides = array<i32>} : memref<32x128xf32, #tpu.memory_space<vmem>>, vector<16xf32>,
            %mul3A_134 = arith.mulf %get3A_133, %broadcast_in_dim3A_118 : vector<16xf32>
            %max3A_135 = arith.maximumf %get3A_130, %mul3A_134 : vector<16xf32>
            %swap3A_136 = arith.index_cast %squeeze3A : i32 to index
            %swap3A_137 = arith.constant 16 : index
            %swap3A_138 = tpu.vector_load %arg16[%swap3A_136, %swap3A_137] {strides = array<i32>} : memref<320x128xf32, #tpu.memory_space<vmem>>, vector<16xf32>,
            tpu.vector_store %arg16[%swap3A_136, %swap3A_137], %max3A_135 {strides = array<i32>} : memref<320x128xf32, #tpu.memory_space<vmem>>, vector<16xf32>,
            %get3A_139 = arith.index_cast %squeeze3A : i32 to index
            %get3A_140 = arith.constant 32 : index
            %get3A_141 = tpu.vector_load %arg16[%get3A_139, %get3A_140] {strides = array<i32>} : memref<320x128xf32, #tpu.memory_space<vmem>>, vector<16xf32>,
            %get3A_142 = arith.index_cast %scan3A_106 : i32 to index
            %get3A_143 = arith.constant 32 : index
            %get3A_144 = tpu.vector_load %arg17[%get3A_142, %get3A_143] {strides = array<i32>} : memref<32x128xf32, #tpu.memory_space<vmem>>, vector<16xf32>,
            %mul3A_145 = arith.mulf %get3A_144, %broadcast_in_dim3A_118 : vector<16xf32>
            %max3A_146 = arith.maximumf %get3A_141, %mul3A_145 : vector<16xf32>
            %swap3A_147 = arith.index_cast %squeeze3A : i32 to index
            %swap3A_148 = arith.constant 32 : index
            %swap3A_149 = tpu.vector_load %arg16[%swap3A_147, %swap3A_148] {strides = array<i32>} : memref<320x128xf32, #tpu.memory_space<vmem>>, vector<16xf32>,
            tpu.vector_store %arg16[%swap3A_147, %swap3A_148], %max3A_146 {strides = array<i32>} : memref<320x128xf32, #tpu.memory_space<vmem>>, vector<16xf32>,
            %get3A_150 = arith.index_cast %squeeze3A : i32 to index
            %get3A_151 = arith.constant 48 : index
            %get3A_152 = tpu.vector_load %arg16[%get3A_150, %get3A_151] {strides = array<i32>} : memref<320x128xf32, #tpu.memory_space<vmem>>, vector<16xf32>,
            %get3A_153 = arith.index_cast %scan3A_106 : i32 to index
            %get3A_154 = arith.constant 48 : index
            %get3A_155 = tpu.vector_load %arg17[%get3A_153, %get3A_154] {strides = array<i32>} : memref<32x128xf32, #tpu.memory_space<vmem>>, vector<16xf32>,
            %mul3A_156 = arith.mulf %get3A_155, %broadcast_in_dim3A_118 : vector<16xf32>
            %max3A_157 = arith.maximumf %get3A_152, %mul3A_156 : vector<16xf32>
            %swap3A_158 = arith.index_cast %squeeze3A : i32 to index
            %swap3A_159 = arith.constant 48 : index
            %swap3A_160 = tpu.vector_load %arg16[%swap3A_158, %swap3A_159] {strides = array<i32>} : memref<320x128xf32, #tpu.memory_space<vmem>>, vector<16xf32>,
            tpu.vector_store %arg16[%swap3A_158, %swap3A_159], %max3A_157 {strides = array<i32>} : memref<320x128xf32, #tpu.memory_space<vmem>>, vector<16xf32>,
            %get3A_161 = arith.index_cast %squeeze3A : i32 to index
            %get3A_162 = arith.constant 64 : index
            %get3A_163 = tpu.vector_load %arg16[%get3A_161, %get3A_162] {strides = array<i32>} : memref<320x128xf32, #tpu.memory_space<vmem>>, vector<16xf32>,
            %get3A_164 = arith.index_cast %scan3A_106 : i32 to index
            %get3A_165 = arith.constant 64 : index
            %get3A_166 = tpu.vector_load %arg17[%get3A_164, %get3A_165] {strides = array<i32>} : memref<32x128xf32, #tpu.memory_space<vmem>>, vector<16xf32>,
            %mul3A_167 = arith.mulf %get3A_166, %broadcast_in_dim3A_118 : vector<16xf32>
            %max3A_168 = arith.maximumf %get3A_163, %mul3A_167 : vector<16xf32>
            %swap3A_169 = arith.index_cast %squeeze3A : i32 to index
            %swap3A_170 = arith.constant 64 : index
            %swap3A_171 = tpu.vector_load %arg16[%swap3A_169, %swap3A_170] {strides = array<i32>} : memref<320x128xf32, #tpu.memory_space<vmem>>, vector<16xf32>,
            tpu.vector_store %arg16[%swap3A_169, %swap3A_170], %max3A_168 {strides = array<i32>} : memref<320x128xf32, #tpu.memory_space<vmem>>, vector<16xf32>,
            %get3A_172 = arith.index_cast %squeeze3A : i32 to index
            %get3A_173 = arith.constant 80 : index
            %get3A_174 = tpu.vector_load %arg16[%get3A_172, %get3A_173] {strides = array<i32>} : memref<320x128xf32, #tpu.memory_space<vmem>>, vector<16xf32>,
            %get3A_175 = arith.index_cast %scan3A_106 : i32 to index
            %get3A_176 = arith.constant 80 : index
            %get3A_177 = tpu.vector_load %arg17[%get3A_175, %get3A_176] {strides = array<i32>} : memref<32x128xf32, #tpu.memory_space<vmem>>, vector<16xf32>,
            %mul3A_178 = arith.mulf %get3A_177, %broadcast_in_dim3A_118 : vector<16xf32>
            %max3A_179 = arith.maximumf %get3A_174, %mul3A_178 : vector<16xf32>
            %swap3A_180 = arith.index_cast %squeeze3A : i32 to index
            %swap3A_181 = arith.constant 80 : index
            %swap3A_182 = tpu.vector_load %arg16[%swap3A_180, %swap3A_181] {strides = array<i32>} : memref<320x128xf32, #tpu.memory_space<vmem>>, vector<16xf32>,
            tpu.vector_store %arg16[%swap3A_180, %swap3A_181], %max3A_179 {strides = array<i32>} : memref<320x128xf32, #tpu.memory_space<vmem>>, vector<16xf32>,
            %get3A_183 = arith.index_cast %squeeze3A : i32 to index
            %get3A_184 = arith.constant 96 : index
            %get3A_185 = tpu.vector_load %arg16[%get3A_183, %get3A_184] {strides = array<i32>} : memref<320x128xf32, #tpu.memory_space<vmem>>, vector<16xf32>,
            %get3A_186 = arith.index_cast %scan3A_106 : i32 to index
            %get3A_187 = arith.constant 96 : index
            %get3A_188 = tpu.vector_load %arg17[%get3A_186, %get3A_187] {strides = array<i32>} : memref<32x128xf32, #tpu.memory_space<vmem>>, vector<16xf32>,
            %mul3A_189 = arith.mulf %get3A_188, %broadcast_in_dim3A_118 : vector<16xf32>
            %max3A_190 = arith.maximumf %get3A_185, %mul3A_189 : vector<16xf32>
            %swap3A_191 = arith.index_cast %squeeze3A : i32 to index
            %swap3A_192 = arith.constant 96 : index
            %swap3A_193 = tpu.vector_load %arg16[%swap3A_191, %swap3A_192] {strides = array<i32>} : memref<320x128xf32, #tpu.memory_space<vmem>>, vector<16xf32>,
            tpu.vector_store %arg16[%swap3A_191, %swap3A_192], %max3A_190 {strides = array<i32>} : memref<320x128xf32, #tpu.memory_space<vmem>>, vector<16xf32>,
            %get3A_194 = arith.index_cast %squeeze3A : i32 to index
            %get3A_195 = arith.constant 112 : index
            %get3A_196 = tpu.vector_load %arg16[%get3A_194, %get3A_195] {strides = array<i32>} : memref<320x128xf32, #tpu.memory_space<vmem>>, vector<16xf32>,
            %get3A_197 = arith.index_cast %scan3A_106 : i32 to index
            %get3A_198 = arith.constant 112 : index
            %get3A_199 = tpu.vector_load %arg17[%get3A_197, %get3A_198] {strides = array<i32>} : memref<32x128xf32, #tpu.memory_space<vmem>>, vector<16xf32>,
            %mul3A_200 = arith.mulf %get3A_199, %broadcast_in_dim3A_118 : vector<16xf32>
            %max3A_201 = arith.maximumf %get3A_196, %mul3A_200 : vector<16xf32>
            %swap3A_202 = arith.index_cast %squeeze3A : i32 to index
            %swap3A_203 = arith.constant 112 : index
            %swap3A_204 = tpu.vector_load %arg16[%swap3A_202, %swap3A_203] {strides = array<i32>} : memref<320x128xf32, #tpu.memory_space<vmem>>, vector<16xf32>,
            tpu.vector_store %arg16[%swap3A_202, %swap3A_203], %max3A_201 {strides = array<i32>} : memref<320x128xf32, #tpu.memory_space<vmem>>, vector<16xf32>,
          } else {
          }
          %scan3A_112 = arith.constant 0 : i32
          scf.yield %scan3A_112 : i32
        }
        %scan3A_104 = arith.constant 32 : i32
        %while3A_105 = arith.constant 0 : i32
        scf.yield %while3A_105 : i32
      }
      %while3A_85 = arith.constant 1 : i32
      %while3A_86 = scf.for %while3A_88 = %while3A_82 to %while3A_78 step %while3A_85 iter_args(%while3A_89 = %while3A_84) -> (i32)  : i32 {
        %mul3A_90 = arith.constant 32 : i32
        %mul3A_91 = arith.muli %while3A_88, %mul3A_90 : i32
        %dma_start3A = tpu.memref_slice %arg12[%mul3A_91] : memref<8192xi32, #tpu.memory_space<vmem>> -> memref<32xi32, #tpu.memory_space<vmem>>
        %dma_start3A_92 = arith.constant 0 : i32
        %dma_start3A_93 = arith.constant 0 : i32
        %dma_start3A_94 = tpu.memref_slice %arg6[%dma_start3A_92, %dma_start3A_93] : memref<20480x128xf32, #tpu.memory_space<hbm>> -> memref<20480x128xf32, #tpu.memory_space<hbm>>
        tpu.enqueue_indirect_dma source(%dma_start3A_94 : memref<20480x128xf32, #tpu.memory_space<hbm>>) target(%arg17 : memref<32x128xf32, #tpu.memory_space<vmem>>) offsets(%dma_start3A : memref<32xi32, #tpu.memory_space<vmem>>) semaphore(%arg19 : memref<!tpu.dma_semaphore, #tpu.memory_space<semaphore_mem>>)
        %dma_wait3A = tpu.memref_slice %arg12[%mul3A_91] : memref<8192xi32, #tpu.memory_space<vmem>> -> memref<32xi32, #tpu.memory_space<vmem>>
        %dma_wait3A_95 = arith.constant 0 : i32
        %dma_wait3A_96 = arith.constant 0 : i32
        %dma_wait3A_97 = tpu.memref_slice %arg6[%dma_wait3A_95, %dma_wait3A_96] : memref<20480x128xf32, #tpu.memory_space<hbm>> -> memref<20480x128xf32, #tpu.memory_space<hbm>>
        tpu.wait_indirect_dma semaphore(%arg19 : memref<!tpu.dma_semaphore, #tpu.memory_space<semaphore_mem>>) src(%dma_wait3A_97 : memref<20480x128xf32, #tpu.memory_space<hbm>>) dst(%arg17 : memref<32x128xf32, #tpu.memory_space<vmem>>)
        %scan3A_98 = arith.constant 0 : i32
        %scan3A_99 = arith.constant 0 : i32
        %scan3A_100 = arith.constant 32 : i32
        %scan3A_101 = arith.addi %scan3A_99, %scan3A_100 : i32
        %scan3A_102 = arith.constant 1 : i32
        %scan3A_103 = scf.for %scan3A_106 = %scan3A_99 to %scan3A_101 step %scan3A_102 iter_args(%scan3A_107 = %scan3A_98) -> (i32)  : i32 {
          %mul3A_108 = arith.constant 32 : i32
          %mul3A_109 = arith.muli %while3A_88, %mul3A_108 : i32
          %add3A_110 = arith.addi %mul3A_109, %scan3A_106 : i32
          %lt3A = arith.cmpi slt, %add3A_110, %scan3A_71 : i32
          %convert_element_type3A = arith.extui %lt3A : i1 to i32
          %cond3A = arith.constant 0 : i32
          %cond3A_111 = arith.cmpi ne, %convert_element_type3A, %cond3A : i32
          scf.if %cond3A_111 {
            %get3A = arith.index_cast %add3A_110 : i32 to index
            %get3A_113 = tpu.vector_load %arg13[%get3A] {strides = array<i32>} : memref<8192xi32, #tpu.memory_space<vmem>>, vector<16xi32>,
            %slice3A = vector.extract_strided_slice %get3A_113 {offsets = [0], sizes = [1], strides = [1]} : vector<16xi32> to vector<1xi32>
            %squeeze3A = vector.extract %slice3A[0] : i32 from vector<1xi32>
            %get3A_114 = arith.index_cast %add3A_110 : i32 to index
            %get3A_115 = tpu.vector_load %arg14[%get3A_114] {strides = array<i32>} : memref<8192xf32, #tpu.memory_space<vmem>>, vector<16xf32>,
            %slice3A_116 = vector.extract_strided_slice %get3A_115 {offsets = [0], sizes = [1], strides = [1]} : vector<16xf32> to vector<1xf32>
            %squeeze3A_117 = vector.extract %slice3A_116[0] : f32 from vector<1xf32>
            %broadcast_in_dim3A_118 = vector.broadcast %squeeze3A_117 : f32 to vector<16xf32>
            %get3A_119 = arith.index_cast %squeeze3A : i32 to index
            %get3A_120 = arith.constant 0 : index
            %get3A_121 = tpu.vector_load %arg16[%get3A_119, %get3A_120] {strides = array<i32>} : memref<320x128xf32, #tpu.memory_space<vmem>>, vector<16xf32>,
            %get3A_122 = arith.index_cast %scan3A_106 : i32 to index
            %get3A_123 = arith.constant 0 : index
            %get3A_124 = tpu.vector_load %arg17[%get3A_122, %get3A_123] {strides = array<i32>} : memref<32x128xf32, #tpu.memory_space<vmem>>, vector<16xf32>,
            %mul3A_125 = arith.mulf %get3A_124, %broadcast_in_dim3A_118 : vector<16xf32>
            %max3A = arith.maximumf %get3A_121, %mul3A_125 : vector<16xf32>
            %swap3A = arith.index_cast %squeeze3A : i32 to index
            %swap3A_126 = arith.constant 0 : index
            %swap3A_127 = tpu.vector_load %arg16[%swap3A, %swap3A_126] {strides = array<i32>} : memref<320x128xf32, #tpu.memory_space<vmem>>, vector<16xf32>,
            tpu.vector_store %arg16[%swap3A, %swap3A_126], %max3A {strides = array<i32>} : memref<320x128xf32, #tpu.memory_space<vmem>>, vector<16xf32>,
            %get3A_128 = arith.index_cast %squeeze3A : i32 to index
            %get3A_129 = arith.constant 16 : index
            %get3A_130 = tpu.vector_load %arg16[%get3A_128, %get3A_129] {strides = array<i32>} : memref<320x128xf32, #tpu.memory_space<vmem>>, vector<16xf32>,
            %get3A_131 = arith.index_cast %scan3A_106 : i32 to index
            %get3A_132 = arith.constant 16 : index
            %get3A_133 = tpu.vector_load %arg17[%get3A_131, %get3A_132] {strides = array<i32>} : memref<32x128xf32, #tpu.memory_space<vmem>>, vector<16xf32>,
            %mul3A_134 = arith.mulf %get3A_133, %broadcast_in_dim3A_118 : vector<16xf32>
            %max3A_135 = arith.maximumf %get3A_130, %mul3A_134 : vector<16xf32>
            %swap3A_136 = arith.index_cast %squeeze3A : i32 to index
            %swap3A_137 = arith.constant 16 : index
            %swap3A_138 = tpu.vector_load %arg16[%swap3A_136, %swap3A_137] {strides = array<i32>} : memref<320x128xf32, #tpu.memory_space<vmem>>, vector<16xf32>,
            tpu.vector_store %arg16[%swap3A_136, %swap3A_137], %max3A_135 {strides = array<i32>} : memref<320x128xf32, #tpu.memory_space<vmem>>, vector<16xf32>,
            %get3A_139 = arith.index_cast %squeeze3A : i32 to index
            %get3A_140 = arith.constant 32 : index
            %get3A_141 = tpu.vector_load %arg16[%get3A_139, %get3A_140] {strides = array<i32>} : memref<320x128xf32, #tpu.memory_space<vmem>>, vector<16xf32>,
            %get3A_142 = arith.index_cast %scan3A_106 : i32 to index
            %get3A_143 = arith.constant 32 : index
            %get3A_144 = tpu.vector_load %arg17[%get3A_142, %get3A_143] {strides = array<i32>} : memref<32x128xf32, #tpu.memory_space<vmem>>, vector<16xf32>,
            %mul3A_145 = arith.mulf %get3A_144, %broadcast_in_dim3A_118 : vector<16xf32>
            %max3A_146 = arith.maximumf %get3A_141, %mul3A_145 : vector<16xf32>
            %swap3A_147 = arith.index_cast %squeeze3A : i32 to index
            %swap3A_148 = arith.constant 32 : index
            %swap3A_149 = tpu.vector_load %arg16[%swap3A_147, %swap3A_148] {strides = array<i32>} : memref<320x128xf32, #tpu.memory_space<vmem>>, vector<16xf32>,
            tpu.vector_store %arg16[%swap3A_147, %swap3A_148], %max3A_146 {strides = array<i32>} : memref<320x128xf32, #tpu.memory_space<vmem>>, vector<16xf32>,
            %get3A_150 = arith.index_cast %squeeze3A : i32 to index
            %get3A_151 = arith.constant 48 : index
            %get3A_152 = tpu.vector_load %arg16[%get3A_150, %get3A_151] {strides = array<i32>} : memref<320x128xf32, #tpu.memory_space<vmem>>, vector<16xf32>,
            %get3A_153 = arith.index_cast %scan3A_106 : i32 to index
            %get3A_154 = arith.constant 48 : index
            %get3A_155 = tpu.vector_load %arg17[%get3A_153, %get3A_154] {strides = array<i32>} : memref<32x128xf32, #tpu.memory_space<vmem>>, vector<16xf32>,
            %mul3A_156 = arith.mulf %get3A_155, %broadcast_in_dim3A_118 : vector<16xf32>
            %max3A_157 = arith.maximumf %get3A_152, %mul3A_156 : vector<16xf32>
            %swap3A_158 = arith.index_cast %squeeze3A : i32 to index
            %swap3A_159 = arith.constant 48 : index
            %swap3A_160 = tpu.vector_load %arg16[%swap3A_158, %swap3A_159] {strides = array<i32>} : memref<320x128xf32, #tpu.memory_space<vmem>>, vector<16xf32>,
            tpu.vector_store %arg16[%swap3A_158, %swap3A_159], %max3A_157 {strides = array<i32>} : memref<320x128xf32, #tpu.memory_space<vmem>>, vector<16xf32>,
            %get3A_161 = arith.index_cast %squeeze3A : i32 to index
            %get3A_162 = arith.constant 64 : index
            %get3A_163 = tpu.vector_load %arg16[%get3A_161, %get3A_162] {strides = array<i32>} : memref<320x128xf32, #tpu.memory_space<vmem>>, vector<16xf32>,
            %get3A_164 = arith.index_cast %scan3A_106 : i32 to index
            %get3A_165 = arith.constant 64 : index
            %get3A_166 = tpu.vector_load %arg17[%get3A_164, %get3A_165] {strides = array<i32>} : memref<32x128xf32, #tpu.memory_space<vmem>>, vector<16xf32>,
            %mul3A_167 = arith.mulf %get3A_166, %broadcast_in_dim3A_118 : vector<16xf32>
            %max3A_168 = arith.maximumf %get3A_163, %mul3A_167 : vector<16xf32>
            %swap3A_169 = arith.index_cast %squeeze3A : i32 to index
            %swap3A_170 = arith.constant 64 : index
            %swap3A_171 = tpu.vector_load %arg16[%swap3A_169, %swap3A_170] {strides = array<i32>} : memref<320x128xf32, #tpu.memory_space<vmem>>, vector<16xf32>,
            tpu.vector_store %arg16[%swap3A_169, %swap3A_170], %max3A_168 {strides = array<i32>} : memref<320x128xf32, #tpu.memory_space<vmem>>, vector<16xf32>,
            %get3A_172 = arith.index_cast %squeeze3A : i32 to index
            %get3A_173 = arith.constant 80 : index
            %get3A_174 = tpu.vector_load %arg16[%get3A_172, %get3A_173] {strides = array<i32>} : memref<320x128xf32, #tpu.memory_space<vmem>>, vector<16xf32>,
            %get3A_175 = arith.index_cast %scan3A_106 : i32 to index
            %get3A_176 = arith.constant 80 : index
            %get3A_177 = tpu.vector_load %arg17[%get3A_175, %get3A_176] {strides = array<i32>} : memref<32x128xf32, #tpu.memory_space<vmem>>, vector<16xf32>,
            %mul3A_178 = arith.mulf %get3A_177, %broadcast_in_dim3A_118 : vector<16xf32>
            %max3A_179 = arith.maximumf %get3A_174, %mul3A_178 : vector<16xf32>
            %swap3A_180 = arith.index_cast %squeeze3A : i32 to index
            %swap3A_181 = arith.constant 80 : index
            %swap3A_182 = tpu.vector_load %arg16[%swap3A_180, %swap3A_181] {strides = array<i32>} : memref<320x128xf32, #tpu.memory_space<vmem>>, vector<16xf32>,
            tpu.vector_store %arg16[%swap3A_180, %swap3A_181], %max3A_179 {strides = array<i32>} : memref<320x128xf32, #tpu.memory_space<vmem>>, vector<16xf32>,
            %get3A_183 = arith.index_cast %squeeze3A : i32 to index
            %get3A_184 = arith.constant 96 : index
            %get3A_185 = tpu.vector_load %arg16[%get3A_183, %get3A_184] {strides = array<i32>} : memref<320x128xf32, #tpu.memory_space<vmem>>, vector<16xf32>,
            %get3A_186 = arith.index_cast %scan3A_106 : i32 to index
            %get3A_187 = arith.constant 96 : index
            %get3A_188 = tpu.vector_load %arg17[%get3A_186, %get3A_187] {strides = array<i32>} : memref<32x128xf32, #tpu.memory_space<vmem>>, vector<16xf32>,
            %mul3A_189 = arith.mulf %get3A_188, %broadcast_in_dim3A_118 : vector<16xf32>
            %max3A_190 = arith.maximumf %get3A_185, %mul3A_189 : vector<16xf32>
            %swap3A_191 = arith.index_cast %squeeze3A : i32 to index
            %swap3A_192 = arith.constant 96 : index
            %swap3A_193 = tpu.vector_load %arg16[%swap3A_191, %swap3A_192] {strides = array<i32>} : memref<320x128xf32, #tpu.memory_space<vmem>>, vector<16xf32>,
            tpu.vector_store %arg16[%swap3A_191, %swap3A_192], %max3A_190 {strides = array<i32>} : memref<320x128xf32, #tpu.memory_space<vmem>>, vector<16xf32>,
            %get3A_194 = arith.index_cast %squeeze3A : i32 to index
            %get3A_195 = arith.constant 112 : index
            %get3A_196 = tpu.vector_load %arg16[%get3A_194, %get3A_195] {strides = array<i32>} : memref<320x128xf32, #tpu.memory_space<vmem>>, vector<16xf32>,
            %get3A_197 = arith.index_cast %scan3A_106 : i32 to index
            %get3A_198 = arith.constant 112 : index
            %get3A_199 = tpu.vector_load %arg17[%get3A_197, %get3A_198] {strides = array<i32>} : memref<32x128xf32, #tpu.memory_space<vmem>>, vector<16xf32>,
            %mul3A_200 = arith.mulf %get3A_199, %broadcast_in_dim3A_118 : vector<16xf32>
            %max3A_201 = arith.maximumf %get3A_196, %mul3A_200 : vector<16xf32>
            %swap3A_202 = arith.index_cast %squeeze3A : i32 to index
            %swap3A_203 = arith.constant 112 : index
            %swap3A_204 = tpu.vector_load %arg16[%swap3A_202, %swap3A_203] {strides = array<i32>} : memref<320x128xf32, #tpu.memory_space<vmem>>, vector<16xf32>,
            tpu.vector_store %arg16[%swap3A_202, %swap3A_203], %max3A_201 {strides = array<i32>} : memref<320x128xf32, #tpu.memory_space<vmem>>, vector<16xf32>,
          } else {
          }
          %scan3A_112 = arith.constant 0 : i32
          scf.yield %scan3A_112 : i32
        }
        %scan3A_104 = arith.constant 32 : i32
        %while3A_105 = arith.constant 0 : i32
        scf.yield %while3A_105 : i32
      }
      %scan3A_87 = arith.constant 0 : i32
      scf.yield %scan3A_87 : i32
    }
    %scan3A_25 = arith.constant 40 : i32
    %scan3A_26 = arith.constant 0 : i32
    %scan3A_27 = arith.constant 0 : i32
    %scan3A_28 = arith.constant 320 : i32
    %scan3A_29 = arith.addi %scan3A_27, %scan3A_28 : i32
    %scan3A_30 = arith.constant 1 : i32
    %scan3A_31 = scf.for %scan3A_60 = %scan3A_27 to %scan3A_29 step %scan3A_30 iter_args(%scan3A_61 = %scan3A_26) -> (i32)  : i32 {
      %get3A = arith.index_cast %scan3A_60 : i32 to index
      %get3A_62 = arith.constant 0 : index
      %get3A_63 = tpu.vector_load %arg16[%get3A, %get3A_62] {strides = array<i32>} : memref<320x128xf32, #tpu.memory_space<vmem>>, vector<16xf32>,
      %get3A_64 = arith.constant 0 : index
      %get3A_65 = tpu.vector_load %arg18[%get3A_64] {strides = array<i32>} : memref<128xf32, #tpu.memory_space<vmem>>, vector<16xf32>,
      %add3A_66 = arith.addf %get3A_63, %get3A_65 : vector<16xf32>
      %swap3A = arith.index_cast %scan3A_60 : i32 to index
      %swap3A_67 = arith.constant 0 : index
      %swap3A_68 = tpu.vector_load %arg16[%swap3A, %swap3A_67] {strides = array<i32>} : memref<320x128xf32, #tpu.memory_space<vmem>>, vector<16xf32>,
      tpu.vector_store %arg16[%swap3A, %swap3A_67], %add3A_66 {strides = array<i32>} : memref<320x128xf32, #tpu.memory_space<vmem>>, vector<16xf32>,
      %get3A_69 = arith.index_cast %scan3A_60 : i32 to index
      %get3A_70 = arith.constant 16 : index
      %get3A_71 = tpu.vector_load %arg16[%get3A_69, %get3A_70] {strides = array<i32>} : memref<320x128xf32, #tpu.memory_space<vmem>>, vector<16xf32>,
      %get3A_72 = arith.constant 16 : index
      %get3A_73 = tpu.vector_load %arg18[%get3A_72] {strides = array<i32>} : memref<128xf32, #tpu.memory_space<vmem>>, vector<16xf32>,
      %add3A_74 = arith.addf %get3A_71, %get3A_73 : vector<16xf32>
      %swap3A_75 = arith.index_cast %scan3A_60 : i32 to index
      %swap3A_76 = arith.constant 16 : index
      %swap3A_77 = tpu.vector_load %arg16[%swap3A_75, %swap3A_76] {strides = array<i32>} : memref<320x128xf32, #tpu.memory_space<vmem>>, vector<16xf32>,
      tpu.vector_store %arg16[%swap3A_75, %swap3A_76], %add3A_74 {strides = array<i32>} : memref<320x128xf32, #tpu.memory_space<vmem>>, vector<16xf32>,
      %get3A_78 = arith.index_cast %scan3A_60 : i32 to index
      %get3A_79 = arith.constant 32 : index
      %get3A_80 = tpu.vector_load %arg16[%get3A_78, %get3A_79] {strides = array<i32>} : memref<320x128xf32, #tpu.memory_space<vmem>>, vector<16xf32>,
      %get3A_81 = arith.constant 32 : index
      %get3A_82 = tpu.vector_load %arg18[%get3A_81] {strides = array<i32>} : memref<128xf32, #tpu.memory_space<vmem>>, vector<16xf32>,
      %add3A_83 = arith.addf %get3A_80, %get3A_82 : vector<16xf32>
      %swap3A_84 = arith.index_cast %scan3A_60 : i32 to index
      %swap3A_85 = arith.constant 32 : index
      %swap3A_86 = tpu.vector_load %arg16[%swap3A_84, %swap3A_85] {strides = array<i32>} : memref<320x128xf32, #tpu.memory_space<vmem>>, vector<16xf32>,
      tpu.vector_store %arg16[%swap3A_84, %swap3A_85], %add3A_83 {strides = array<i32>} : memref<320x128xf32, #tpu.memory_space<vmem>>, vector<16xf32>,
      %get3A_87 = arith.index_cast %scan3A_60 : i32 to index
      %get3A_88 = arith.constant 48 : index
      %get3A_89 = tpu.vector_load %arg16[%get3A_87, %get3A_88] {strides = array<i32>} : memref<320x128xf32, #tpu.memory_space<vmem>>, vector<16xf32>,
      %get3A_90 = arith.constant 48 : index
      %get3A_91 = tpu.vector_load %arg18[%get3A_90] {strides = array<i32>} : memref<128xf32, #tpu.memory_space<vmem>>, vector<16xf32>,
      %add3A_92 = arith.addf %get3A_89, %get3A_91 : vector<16xf32>
      %swap3A_93 = arith.index_cast %scan3A_60 : i32 to index
      %swap3A_94 = arith.constant 48 : index
      %swap3A_95 = tpu.vector_load %arg16[%swap3A_93, %swap3A_94] {strides = array<i32>} : memref<320x128xf32, #tpu.memory_space<vmem>>, vector<16xf32>,
      tpu.vector_store %arg16[%swap3A_93, %swap3A_94], %add3A_92 {strides = array<i32>} : memref<320x128xf32, #tpu.memory_space<vmem>>, vector<16xf32>,
      %get3A_96 = arith.index_cast %scan3A_60 : i32 to index
      %get3A_97 = arith.constant 64 : index
      %get3A_98 = tpu.vector_load %arg16[%get3A_96, %get3A_97] {strides = array<i32>} : memref<320x128xf32, #tpu.memory_space<vmem>>, vector<16xf32>,
      %get3A_99 = arith.constant 64 : index
      %get3A_100 = tpu.vector_load %arg18[%get3A_99] {strides = array<i32>} : memref<128xf32, #tpu.memory_space<vmem>>, vector<16xf32>,
      %add3A_101 = arith.addf %get3A_98, %get3A_100 : vector<16xf32>
      %swap3A_102 = arith.index_cast %scan3A_60 : i32 to index
      %swap3A_103 = arith.constant 64 : index
      %swap3A_104 = tpu.vector_load %arg16[%swap3A_102, %swap3A_103] {strides = array<i32>} : memref<320x128xf32, #tpu.memory_space<vmem>>, vector<16xf32>,
      tpu.vector_store %arg16[%swap3A_102, %swap3A_103], %add3A_101 {strides = array<i32>} : memref<320x128xf32, #tpu.memory_space<vmem>>, vector<16xf32>,
      %get3A_105 = arith.index_cast %scan3A_60 : i32 to index
      %get3A_106 = arith.constant 80 : index
      %get3A_107 = tpu.vector_load %arg16[%get3A_105, %get3A_106] {strides = array<i32>} : memref<320x128xf32, #tpu.memory_space<vmem>>, vector<16xf32>,
      %get3A_108 = arith.constant 80 : index
      %get3A_109 = tpu.vector_load %arg18[%get3A_108] {strides = array<i32>} : memref<128xf32, #tpu.memory_space<vmem>>, vector<16xf32>,
      %add3A_110 = arith.addf %get3A_107, %get3A_109 : vector<16xf32>
      %swap3A_111 = arith.index_cast %scan3A_60 : i32 to index
      %swap3A_112 = arith.constant 80 : index
      %swap3A_113 = tpu.vector_load %arg16[%swap3A_111, %swap3A_112] {strides = array<i32>} : memref<320x128xf32, #tpu.memory_space<vmem>>, vector<16xf32>,
      tpu.vector_store %arg16[%swap3A_111, %swap3A_112], %add3A_110 {strides = array<i32>} : memref<320x128xf32, #tpu.memory_space<vmem>>, vector<16xf32>,
      %get3A_114 = arith.index_cast %scan3A_60 : i32 to index
      %get3A_115 = arith.constant 96 : index
      %get3A_116 = tpu.vector_load %arg16[%get3A_114, %get3A_115] {strides = array<i32>} : memref<320x128xf32, #tpu.memory_space<vmem>>, vector<16xf32>,
      %get3A_117 = arith.constant 96 : index
      %get3A_118 = tpu.vector_load %arg18[%get3A_117] {strides = array<i32>} : memref<128xf32, #tpu.memory_space<vmem>>, vector<16xf32>,
      %add3A_119 = arith.addf %get3A_116, %get3A_118 : vector<16xf32>
      %swap3A_120 = arith.index_cast %scan3A_60 : i32 to index
      %swap3A_121 = arith.constant 96 : index
      %swap3A_122 = tpu.vector_load %arg16[%swap3A_120, %swap3A_121] {strides = array<i32>} : memref<320x128xf32, #tpu.memory_space<vmem>>, vector<16xf32>,
      tpu.vector_store %arg16[%swap3A_120, %swap3A_121], %add3A_119 {strides = array<i32>} : memref<320x128xf32, #tpu.memory_space<vmem>>, vector<16xf32>,
      %get3A_123 = arith.index_cast %scan3A_60 : i32 to index
      %get3A_124 = arith.constant 112 : index
      %get3A_125 = tpu.vector_load %arg16[%get3A_123, %get3A_124] {strides = array<i32>} : memref<320x128xf32, #tpu.memory_space<vmem>>, vector<16xf32>,
      %get3A_126 = arith.constant 112 : index
      %get3A_127 = tpu.vector_load %arg18[%get3A_126] {strides = array<i32>} : memref<128xf32, #tpu.memory_space<vmem>>, vector<16xf32>,
      %add3A_128 = arith.addf %get3A_125, %get3A_127 : vector<16xf32>
      %swap3A_129 = arith.index_cast %scan3A_60 : i32 to index
      %swap3A_130 = arith.constant 112 : index
      %swap3A_131 = tpu.vector_load %arg16[%swap3A_129, %swap3A_130] {strides = array<i32>} : memref<320x128xf32, #tpu.memory_space<vmem>>, vector<16xf32>,
      tpu.vector_store %arg16[%swap3A_129, %swap3A_130], %add3A_128 {strides = array<i32>} : memref<320x128xf32, #tpu.memory_space<vmem>>, vector<16xf32>,
      %scan3A_132 = arith.constant 0 : i32
      scf.yield %scan3A_132 : i32
    }
    %scan3A_32 = arith.constant 320 : i32
    %add3A_33 = arith.constant 0 : i32
    %add3A_34 = arith.addi %add3A_33, %mul3A_2 : i32
    "tpu.region"() ({
      %run_scoped3A = tpu.sem_alloc : memref<!tpu.dma_semaphore, #tpu.memory_space<semaphore_mem>>
      %dma_start3A = arith.constant 0 : i32
      %dma_start3A_60 = tpu.memref_slice %arg8[%add3A_34, %dma_start3A] : memref<20480x128xf32, #tpu.memory_space<hbm>> -> memref<320x128xf32, #tpu.memory_space<hbm>>
      %dma_start3A_61 = arith.constant 0 : i32
      %dma_start3A_62 = tpu.memref_slice %arg8[%add3A_34, %dma_start3A_61] : memref<20480x128xf32, #tpu.memory_space<hbm>> -> memref<320x128xf32, #tpu.memory_space<hbm>>
      tpu.enqueue_dma source(%arg16 : memref<320x128xf32, #tpu.memory_space<vmem>>) target(%dma_start3A_62 : memref<320x128xf32, #tpu.memory_space<hbm>>) target_semaphore(%run_scoped3A : memref<!tpu.dma_semaphore, #tpu.memory_space<semaphore_mem>>)
      %dma_wait3A = arith.constant 0 : i32
      %dma_wait3A_63 = tpu.memref_slice %arg8[%add3A_34, %dma_wait3A] : memref<20480x128xf32, #tpu.memory_space<hbm>> -> memref<320x128xf32, #tpu.memory_space<hbm>>
      %dma_wait3A_64 = arith.constant 0 : i32
      %dma_wait3A_65 = tpu.memref_slice %arg8[%add3A_34, %dma_wait3A_64] : memref<20480x128xf32, #tpu.memory_space<hbm>> -> memref<320x128xf32, #tpu.memory_space<hbm>>
      tpu.wait_dma2 semaphore(%run_scoped3A : memref<!tpu.dma_semaphore, #tpu.memory_space<semaphore_mem>>) src(%arg16 : memref<320x128xf32, #tpu.memory_space<vmem>>) dst(%dma_wait3A_65 : memref<320x128xf32, #tpu.memory_space<hbm>>)
      tpu.yield
    }) : () -> ()
    "tpu.region"() ({
      %run_scoped3A = tpu.sem_alloc : memref<!tpu.dma_semaphore, #tpu.memory_space<semaphore_mem>>
      %dma_start3A = arith.constant 0 : i32
      %dma_start3A_60 = tpu.memref_slice %arg15[%dma_start3A] : memref<10256xf32, #tpu.memory_space<vmem>> -> memref<10240xf32, #tpu.memory_space<vmem>>
      %dma_start3A_61 = arith.constant 10240 : i32
      %dma_start3A_62 = tpu.memref_slice %arg5[%dma_start3A_61] : memref<20480xf32, #tpu.memory_space<hbm>> -> memref<10240xf32, #tpu.memory_space<hbm>>
      %dma_start3A_63 = arith.constant 0 : i32
      %dma_start3A_64 = tpu.memref_slice %arg15[%dma_start3A_63] : memref<10256xf32, #tpu.memory_space<vmem>> -> memref<10240xf32, #tpu.memory_space<vmem>>
      %dma_start3A_65 = arith.constant 10240 : i32
      %dma_start3A_66 = tpu.memref_slice %arg5[%dma_start3A_65] : memref<20480xf32, #tpu.memory_space<hbm>> -> memref<10240xf32, #tpu.memory_space<hbm>>
      tpu.enqueue_dma source(%dma_start3A_66 : memref<10240xf32, #tpu.memory_space<hbm>>) target(%dma_start3A_64 : memref<10240xf32, #tpu.memory_space<vmem>>) target_semaphore(%run_scoped3A : memref<!tpu.dma_semaphore, #tpu.memory_space<semaphore_mem>>)
      %dma_wait3A = arith.constant 0 : i32
      %dma_wait3A_67 = tpu.memref_slice %arg15[%dma_wait3A] : memref<10256xf32, #tpu.memory_space<vmem>> -> memref<10240xf32, #tpu.memory_space<vmem>>
      %dma_wait3A_68 = arith.constant 10240 : i32
      %dma_wait3A_69 = tpu.memref_slice %arg5[%dma_wait3A_68] : memref<20480xf32, #tpu.memory_space<hbm>> -> memref<10240xf32, #tpu.memory_space<hbm>>
      %dma_wait3A_70 = arith.constant 0 : i32
      %dma_wait3A_71 = tpu.memref_slice %arg15[%dma_wait3A_70] : memref<10256xf32, #tpu.memory_space<vmem>> -> memref<10240xf32, #tpu.memory_space<vmem>>
      %dma_wait3A_72 = arith.constant 10240 : i32
      %dma_wait3A_73 = tpu.memref_slice %arg5[%dma_wait3A_72] : memref<20480xf32, #tpu.memory_space<hbm>> -> memref<10240xf32, #tpu.memory_space<hbm>>
      tpu.wait_dma2 semaphore(%run_scoped3A : memref<!tpu.dma_semaphore, #tpu.memory_space<semaphore_mem>>) src(%dma_wait3A_73 : memref<10240xf32, #tpu.memory_space<hbm>>) dst(%dma_wait3A_71 : memref<10240xf32, #tpu.memory_space<vmem>>)
      tpu.yield
    }) : () -> ()
    %add3A_35 = arith.constant 10240 : i32
    %add3A_36 = arith.addi %add3A_35, %mul3A_2 : i32
    "tpu.region"() ({
      %run_scoped3A = tpu.sem_alloc : memref<!tpu.dma_semaphore, #tpu.memory_space<semaphore_mem>>
      %dma_start3A = arith.constant 0 : i32
      %dma_start3A_60 = tpu.memref_slice %arg6[%add3A_36, %dma_start3A] : memref<20480x128xf32, #tpu.memory_space<hbm>> -> memref<320x128xf32, #tpu.memory_space<hbm>>
      %dma_start3A_61 = arith.constant 0 : i32
      %dma_start3A_62 = tpu.memref_slice %arg6[%add3A_36, %dma_start3A_61] : memref<20480x128xf32, #tpu.memory_space<hbm>> -> memref<320x128xf32, #tpu.memory_space<hbm>>
      tpu.enqueue_dma source(%dma_start3A_62 : memref<320x128xf32, #tpu.memory_space<hbm>>) target(%arg16 : memref<320x128xf32, #tpu.memory_space<vmem>>) target_semaphore(%run_scoped3A : memref<!tpu.dma_semaphore, #tpu.memory_space<semaphore_mem>>)
      %dma_wait3A = arith.constant 0 : i32
      %dma_wait3A_63 = tpu.memref_slice %arg6[%add3A_36, %dma_wait3A] : memref<20480x128xf32, #tpu.memory_space<hbm>> -> memref<320x128xf32, #tpu.memory_space<hbm>>
      %dma_wait3A_64 = arith.constant 0 : i32
      %dma_wait3A_65 = tpu.memref_slice %arg6[%add3A_36, %dma_wait3A_64] : memref<20480x128xf32, #tpu.memory_space<hbm>> -> memref<320x128xf32, #tpu.memory_space<hbm>>
      tpu.wait_dma2 semaphore(%run_scoped3A : memref<!tpu.dma_semaphore, #tpu.memory_space<semaphore_mem>>) src(%dma_wait3A_65 : memref<320x128xf32, #tpu.memory_space<hbm>>) dst(%arg16 : memref<320x128xf32, #tpu.memory_space<vmem>>)
      tpu.yield
    }) : () -> ()
    %scan3A_37 = arith.constant 0 : i32
    %scan3A_38 = arith.constant 0 : i32
    %scan3A_39 = arith.constant 320 : i32
    %scan3A_40 = arith.addi %scan3A_38, %scan3A_39 : i32
    %scan3A_41 = arith.constant 1 : i32
    %scan3A_42 = scf.for %scan3A_60 = %scan3A_38 to %scan3A_40 step %scan3A_41 iter_args(%scan3A_61 = %scan3A_37) -> (i32)  : i32 {
      %add3A_62 = arith.addi %mul3A_2, %scan3A_60 : i32
      %get3A = arith.index_cast %add3A_62 : i32 to index
      %get3A_63 = tpu.vector_load %arg15[%get3A] {strides = array<i32>} : memref<10256xf32, #tpu.memory_space<vmem>>, vector<16xf32>,
      %slice3A = vector.extract_strided_slice %get3A_63 {offsets = [0], sizes = [1], strides = [1]} : vector<16xf32> to vector<1xf32>
      %squeeze3A = vector.extract %slice3A[0] : f32 from vector<1xf32>
      %mul3A_64 = arith.constant 2.000000e+00 : f32
      %mul3A_65 = arith.mulf %mul3A_64, %squeeze3A : f32
      %mul3A_66 = arith.mulf %mul3A_65, %squeeze3A : f32
      %broadcast_in_dim3A_67 = vector.broadcast %mul3A_66 : f32 to vector<16xf32>
      %get3A_68 = arith.index_cast %scan3A_60 : i32 to index
      %get3A_69 = arith.constant 0 : index
      %get3A_70 = tpu.vector_load %arg16[%get3A_68, %get3A_69] {strides = array<i32>} : memref<320x128xf32, #tpu.memory_space<vmem>>, vector<16xf32>,
      %mul3A_71 = arith.mulf %get3A_70, %broadcast_in_dim3A_67 : vector<16xf32>
      %swap3A = arith.index_cast %scan3A_60 : i32 to index
      %swap3A_72 = arith.constant 0 : index
      %swap3A_73 = tpu.vector_load %arg16[%swap3A, %swap3A_72] {strides = array<i32>} : memref<320x128xf32, #tpu.memory_space<vmem>>, vector<16xf32>,
      tpu.vector_store %arg16[%swap3A, %swap3A_72], %mul3A_71 {strides = array<i32>} : memref<320x128xf32, #tpu.memory_space<vmem>>, vector<16xf32>,
      %get3A_74 = arith.index_cast %scan3A_60 : i32 to index
      %get3A_75 = arith.constant 16 : index
      %get3A_76 = tpu.vector_load %arg16[%get3A_74, %get3A_75] {strides = array<i32>} : memref<320x128xf32, #tpu.memory_space<vmem>>, vector<16xf32>,
      %mul3A_77 = arith.mulf %get3A_76, %broadcast_in_dim3A_67 : vector<16xf32>
      %swap3A_78 = arith.index_cast %scan3A_60 : i32 to index
      %swap3A_79 = arith.constant 16 : index
      %swap3A_80 = tpu.vector_load %arg16[%swap3A_78, %swap3A_79] {strides = array<i32>} : memref<320x128xf32, #tpu.memory_space<vmem>>, vector<16xf32>,
      tpu.vector_store %arg16[%swap3A_78, %swap3A_79], %mul3A_77 {strides = array<i32>} : memref<320x128xf32, #tpu.memory_space<vmem>>, vector<16xf32>,
      %get3A_81 = arith.index_cast %scan3A_60 : i32 to index
      %get3A_82 = arith.constant 32 : index
      %get3A_83 = tpu.vector_load %arg16[%get3A_81, %get3A_82] {strides = array<i32>} : memref<320x128xf32, #tpu.memory_space<vmem>>, vector<16xf32>,
      %mul3A_84 = arith.mulf %get3A_83, %broadcast_in_dim3A_67 : vector<16xf32>
      %swap3A_85 = arith.index_cast %scan3A_60 : i32 to index
      %swap3A_86 = arith.constant 32 : index
      %swap3A_87 = tpu.vector_load %arg16[%swap3A_85, %swap3A_86] {strides = array<i32>} : memref<320x128xf32, #tpu.memory_space<vmem>>, vector<16xf32>,
      tpu.vector_store %arg16[%swap3A_85, %swap3A_86], %mul3A_84 {strides = array<i32>} : memref<320x128xf32, #tpu.memory_space<vmem>>, vector<16xf32>,
      %get3A_88 = arith.index_cast %scan3A_60 : i32 to index
      %get3A_89 = arith.constant 48 : index
      %get3A_90 = tpu.vector_load %arg16[%get3A_88, %get3A_89] {strides = array<i32>} : memref<320x128xf32, #tpu.memory_space<vmem>>, vector<16xf32>,
      %mul3A_91 = arith.mulf %get3A_90, %broadcast_in_dim3A_67 : vector<16xf32>
      %swap3A_92 = arith.index_cast %scan3A_60 : i32 to index
      %swap3A_93 = arith.constant 48 : index
      %swap3A_94 = tpu.vector_load %arg16[%swap3A_92, %swap3A_93] {strides = array<i32>} : memref<320x128xf32, #tpu.memory_space<vmem>>, vector<16xf32>,
      tpu.vector_store %arg16[%swap3A_92, %swap3A_93], %mul3A_91 {strides = array<i32>} : memref<320x128xf32, #tpu.memory_space<vmem>>, vector<16xf32>,
      %get3A_95 = arith.index_cast %scan3A_60 : i32 to index
      %get3A_96 = arith.constant 64 : index
      %get3A_97 = tpu.vector_load %arg16[%get3A_95, %get3A_96] {strides = array<i32>} : memref<320x128xf32, #tpu.memory_space<vmem>>, vector<16xf32>,
      %mul3A_98 = arith.mulf %get3A_97, %broadcast_in_dim3A_67 : vector<16xf32>
      %swap3A_99 = arith.index_cast %scan3A_60 : i32 to index
      %swap3A_100 = arith.constant 64 : index
      %swap3A_101 = tpu.vector_load %arg16[%swap3A_99, %swap3A_100] {strides = array<i32>} : memref<320x128xf32, #tpu.memory_space<vmem>>, vector<16xf32>,
      tpu.vector_store %arg16[%swap3A_99, %swap3A_100], %mul3A_98 {strides = array<i32>} : memref<320x128xf32, #tpu.memory_space<vmem>>, vector<16xf32>,
      %get3A_102 = arith.index_cast %scan3A_60 : i32 to index
      %get3A_103 = arith.constant 80 : index
      %get3A_104 = tpu.vector_load %arg16[%get3A_102, %get3A_103] {strides = array<i32>} : memref<320x128xf32, #tpu.memory_space<vmem>>, vector<16xf32>,
      %mul3A_105 = arith.mulf %get3A_104, %broadcast_in_dim3A_67 : vector<16xf32>
      %swap3A_106 = arith.index_cast %scan3A_60 : i32 to index
      %swap3A_107 = arith.constant 80 : index
      %swap3A_108 = tpu.vector_load %arg16[%swap3A_106, %swap3A_107] {strides = array<i32>} : memref<320x128xf32, #tpu.memory_space<vmem>>, vector<16xf32>,
      tpu.vector_store %arg16[%swap3A_106, %swap3A_107], %mul3A_105 {strides = array<i32>} : memref<320x128xf32, #tpu.memory_space<vmem>>, vector<16xf32>,
      %get3A_109 = arith.index_cast %scan3A_60 : i32 to index
      %get3A_110 = arith.constant 96 : index
      %get3A_111 = tpu.vector_load %arg16[%get3A_109, %get3A_110] {strides = array<i32>} : memref<320x128xf32, #tpu.memory_space<vmem>>, vector<16xf32>,
      %mul3A_112 = arith.mulf %get3A_111, %broadcast_in_dim3A_67 : vector<16xf32>
      %swap3A_113 = arith.index_cast %scan3A_60 : i32 to index
      %swap3A_114 = arith.constant 96 : index
      %swap3A_115 = tpu.vector_load %arg16[%swap3A_113, %swap3A_114] {strides = array<i32>} : memref<320x128xf32, #tpu.memory_space<vmem>>, vector<16xf32>,
      tpu.vector_store %arg16[%swap3A_113, %swap3A_114], %mul3A_112 {strides = array<i32>} : memref<320x128xf32, #tpu.memory_space<vmem>>, vector<16xf32>,
      %get3A_116 = arith.index_cast %scan3A_60 : i32 to index
      %get3A_117 = arith.constant 112 : index
      %get3A_118 = tpu.vector_load %arg16[%get3A_116, %get3A_117] {strides = array<i32>} : memref<320x128xf32, #tpu.memory_space<vmem>>, vector<16xf32>,
      %mul3A_119 = arith.mulf %get3A_118, %broadcast_in_dim3A_67 : vector<16xf32>
      %swap3A_120 = arith.index_cast %scan3A_60 : i32 to index
      %swap3A_121 = arith.constant 112 : index
      %swap3A_122 = tpu.vector_load %arg16[%swap3A_120, %swap3A_121] {strides = array<i32>} : memref<320x128xf32, #tpu.memory_space<vmem>>, vector<16xf32>,
      tpu.vector_store %arg16[%swap3A_120, %swap3A_121], %mul3A_119 {strides = array<i32>} : memref<320x128xf32, #tpu.memory_space<vmem>>, vector<16xf32>,
      %scan3A_123 = arith.constant 0 : i32
      scf.yield %scan3A_123 : i32
    }
    %scan3A_43 = arith.constant 320 : i32
    %scan3A_44 = arith.constant 0 : i32
    %scan3A_45 = arith.constant 0 : i32
    %scan3A_46 = arith.constant 40 : i32
    %scan3A_47 = arith.addi %scan3A_45, %scan3A_46 : i32
    %scan3A_48 = arith.constant 1 : i32
    %scan3A_49 = scf.for %scan3A_60 = %scan3A_45 to %scan3A_47 step %scan3A_48 iter_args(%scan3A_61 = %scan3A_44) -> (i32)  : i32 {
      %mul3A_62 = arith.constant 8000 : i32
      %mul3A_63 = arith.muli %scan3A_60, %mul3A_62 : i32
      %add3A_64 = arith.constant 320000 : i32
      %add3A_65 = arith.addi %add3A_64, %mul3A_63 : i32
      "tpu.region"() ({
        %run_scoped3A = tpu.sem_alloc : memref<!tpu.dma_semaphore, #tpu.memory_space<semaphore_mem>>
        %dma_start3A = tpu.memref_slice %arg3[%add3A_65] : memref<640000xi32, #tpu.memory_space<hbm>> -> memref<8000xi32, #tpu.memory_space<hbm>>
        %dma_start3A_88 = tpu.memref_slice %arg3[%add3A_65] : memref<640000xi32, #tpu.memory_space<hbm>> -> memref<8000xi32, #tpu.memory_space<hbm>>
        tpu.enqueue_dma source(%dma_start3A_88 : memref<8000xi32, #tpu.memory_space<hbm>>) target(%arg9 : memref<8000xi32, #tpu.memory_space<vmem>>) target_semaphore(%run_scoped3A : memref<!tpu.dma_semaphore, #tpu.memory_space<semaphore_mem>>)
        %dma_wait3A = tpu.memref_slice %arg3[%add3A_65] : memref<640000xi32, #tpu.memory_space<hbm>> -> memref<8000xi32, #tpu.memory_space<hbm>>
        %dma_wait3A_89 = tpu.memref_slice %arg3[%add3A_65] : memref<640000xi32, #tpu.memory_space<hbm>> -> memref<8000xi32, #tpu.memory_space<hbm>>
        tpu.wait_dma2 semaphore(%run_scoped3A : memref<!tpu.dma_semaphore, #tpu.memory_space<semaphore_mem>>) src(%dma_wait3A_89 : memref<8000xi32, #tpu.memory_space<hbm>>) dst(%arg9 : memref<8000xi32, #tpu.memory_space<vmem>>)
        tpu.yield
      }) : () -> ()
      "tpu.region"() ({
        %run_scoped3A = tpu.sem_alloc : memref<!tpu.dma_semaphore, #tpu.memory_space<semaphore_mem>>
        %dma_start3A = tpu.memref_slice %arg2[%add3A_65] : memref<640000xi32, #tpu.memory_space<hbm>> -> memref<8000xi32, #tpu.memory_space<hbm>>
        %dma_start3A_88 = tpu.memref_slice %arg2[%add3A_65] : memref<640000xi32, #tpu.memory_space<hbm>> -> memref<8000xi32, #tpu.memory_space<hbm>>
        tpu.enqueue_dma source(%dma_start3A_88 : memref<8000xi32, #tpu.memory_space<hbm>>) target(%arg10 : memref<8000xi32, #tpu.memory_space<vmem>>) target_semaphore(%run_scoped3A : memref<!tpu.dma_semaphore, #tpu.memory_space<semaphore_mem>>)
        %dma_wait3A = tpu.memref_slice %arg2[%add3A_65] : memref<640000xi32, #tpu.memory_space<hbm>> -> memref<8000xi32, #tpu.memory_space<hbm>>
        %dma_wait3A_89 = tpu.memref_slice %arg2[%add3A_65] : memref<640000xi32, #tpu.memory_space<hbm>> -> memref<8000xi32, #tpu.memory_space<hbm>>
        tpu.wait_dma2 semaphore(%run_scoped3A : memref<!tpu.dma_semaphore, #tpu.memory_space<semaphore_mem>>) src(%dma_wait3A_89 : memref<8000xi32, #tpu.memory_space<hbm>>) dst(%arg10 : memref<8000xi32, #tpu.memory_space<vmem>>)
        tpu.yield
      }) : () -> ()
      "tpu.region"() ({
        %run_scoped3A = tpu.sem_alloc : memref<!tpu.dma_semaphore, #tpu.memory_space<semaphore_mem>>
        %dma_start3A = tpu.memref_slice %arg4[%add3A_65] : memref<640000xf32, #tpu.memory_space<hbm>> -> memref<8000xf32, #tpu.memory_space<hbm>>
        %dma_start3A_88 = tpu.memref_slice %arg4[%add3A_65] : memref<640000xf32, #tpu.memory_space<hbm>> -> memref<8000xf32, #tpu.memory_space<hbm>>
        tpu.enqueue_dma source(%dma_start3A_88 : memref<8000xf32, #tpu.memory_space<hbm>>) target(%arg11 : memref<8000xf32, #tpu.memory_space<vmem>>) target_semaphore(%run_scoped3A : memref<!tpu.dma_semaphore, #tpu.memory_space<semaphore_mem>>)
        %dma_wait3A = tpu.memref_slice %arg4[%add3A_65] : memref<640000xf32, #tpu.memory_space<hbm>> -> memref<8000xf32, #tpu.memory_space<hbm>>
        %dma_wait3A_89 = tpu.memref_slice %arg4[%add3A_65] : memref<640000xf32, #tpu.memory_space<hbm>> -> memref<8000xf32, #tpu.memory_space<hbm>>
        tpu.wait_dma2 semaphore(%run_scoped3A : memref<!tpu.dma_semaphore, #tpu.memory_space<semaphore_mem>>) src(%dma_wait3A_89 : memref<8000xf32, #tpu.memory_space<hbm>>) dst(%arg11 : memref<8000xf32, #tpu.memory_space<vmem>>)
        tpu.yield
      }) : () -> ()
      %scan3A_66 = arith.constant 0 : i32
      %scan3A_67 = arith.constant 0 : i32
      %scan3A_68 = arith.constant 500 : i32
      %scan3A_69 = arith.addi %scan3A_67, %scan3A_68 : i32
      %scan3A_70 = arith.constant 1 : i32
      %scan3A_71 = scf.for %scan3A_88 = %scan3A_67 to %scan3A_69 step %scan3A_70 iter_args(%scan3A_89 = %scan3A_66) -> (i32)  : i32 {
        %mul3A_90 = arith.constant 16 : i32
        %mul3A_91 = arith.muli %scan3A_88, %mul3A_90 : i32
        %get3A = arith.index_cast %mul3A_91 : i32 to index
        %get3A_92 = tpu.vector_load %arg9[%get3A] {strides = array<i32>} : memref<8000xi32, #tpu.memory_space<vmem>>, vector<16xi32>,
        %ge3A = vector.broadcast %mul3A_2 : i32 to vector<16xi32>
        %ge3A_93 = arith.cmpi sge, %get3A_92, %ge3A : vector<16xi32>
        %add3A_94 = arith.constant 320 : i32
        %add3A_95 = arith.addi %mul3A_2, %add3A_94 : i32
        %lt3A = vector.broadcast %add3A_95 : i32 to vector<16xi32>
        %lt3A_96 = arith.cmpi slt, %get3A_92, %lt3A : vector<16xi32>
        %and3A = arith.andi %ge3A_93, %lt3A_96 : vector<16xi1>
        %convert_element_type3A = arith.extui %and3A : vector<16xi1> to vector<16xi32>
        %reduce_sum3A = arith.constant true
        %reduce_sum3A_97 = vector.broadcast %reduce_sum3A : i1 to vector<16xi1>
        %reduce_sum3A_98 = tpu.scan <sum>, %convert_element_type3A masked %reduce_sum3A_97 : vector<16xi32>, vector<16xi1> -> vector<16xi32>
        %reduce_sum3A_99 = vector.extract %reduce_sum3A_98[15] : i32 from vector<16xi32>
        %gt3A = arith.constant 0 : i32
        %gt3A_100 = arith.cmpi sgt, %reduce_sum3A_99, %gt3A : i32
        %convert_element_type3A_101 = arith.extui %gt3A_100 : i1 to i32
        %cond3A = arith.constant 0 : i32
        %cond3A_102 = arith.cmpi ne, %convert_element_type3A_101, %cond3A : i32
        scf.if %cond3A_102 {
          %mul3A_104 = arith.constant 16 : i32
          %mul3A_105 = arith.muli %scan3A_88, %mul3A_104 : i32
          %get3A_106 = arith.index_cast %mul3A_105 : i32 to index
          %get3A_107 = tpu.vector_load %arg10[%get3A_106] {strides = array<i32>} : memref<8000xi32, #tpu.memory_space<vmem>>, vector<16xi32>,
          %mul3A_108 = arith.constant 16 : i32
          %mul3A_109 = arith.muli %scan3A_88, %mul3A_108 : i32
          %get3A_110 = arith.index_cast %mul3A_109 : i32 to index
          %get3A_111 = tpu.vector_load %arg11[%get3A_110] {strides = array<i32>} : memref<8000xf32, #tpu.memory_space<vmem>>, vector<16xf32>,
          %max3A = arith.constant 0.000000e+00 : f32
          %max3A_112 = vector.broadcast %max3A : f32 to vector<16xf32>
          %max3A_113 = arith.maximumf %get3A_111, %max3A_112 : vector<16xf32>
          %gather3A = tpu.vector_load_idx %arg15[%get3A_107] : memref<10256xf32, #tpu.memory_space<vmem>>[vector<16xi32>], vector<16xf32>,
          %mul3A_114 = arith.mulf %gather3A, %max3A_113 : vector<16xf32>
          %gather3A_115 = tpu.vector_load_idx %arg15[%get3A_92] : memref<10256xf32, #tpu.memory_space<vmem>>[vector<16xi32>], vector<16xf32>,
          %mul3A_116 = arith.mulf %mul3A_114, %gather3A_115 : vector<16xf32>
          %add3A_117 = arith.constant 10240 : i32
          %add3A_118 = vector.broadcast %add3A_117 : i32 to vector<16xi32>
          %add3A_119 = arith.addi %get3A_107, %add3A_118 : vector<16xi32>
          %swap3A = arith.index_cast %scan3A_89 : i32 to index
          %swap3A_120 = tpu.vector_load %arg12[%swap3A] masked %and3A {strides = array<i32>} : memref<8192xi32, #tpu.memory_space<vmem>>, vector<16xi32>, vector<16xi1>
          tpu.vector_store %arg12[%swap3A], %add3A_119 masked %and3A {strides = array<i32>} : memref<8192xi32, #tpu.memory_space<vmem>>, vector<16xi32>, vector<16xi1>
          %sub3A = vector.broadcast %mul3A_2 : i32 to vector<16xi32>
          %sub3A_121 = arith.subi %get3A_92, %sub3A : vector<16xi32>
          %swap3A_122 = arith.index_cast %scan3A_89 : i32 to index
          %swap3A_123 = tpu.vector_load %arg13[%swap3A_122] masked %and3A {strides = array<i32>} : memref<8192xi32, #tpu.memory_space<vmem>>, vector<16xi32>, vector<16xi1>
          tpu.vector_store %arg13[%swap3A_122], %sub3A_121 masked %and3A {strides = array<i32>} : memref<8192xi32, #tpu.memory_space<vmem>>, vector<16xi32>, vector<16xi1>
          %swap3A_124 = arith.index_cast %scan3A_89 : i32 to index
          %swap3A_125 = tpu.vector_load %arg14[%swap3A_124] masked %and3A {strides = array<i32>} : memref<8192xf32, #tpu.memory_space<vmem>>, vector<16xf32>, vector<16xi1>
          tpu.vector_store %arg14[%swap3A_124], %mul3A_116 masked %and3A {strides = array<i32>} : memref<8192xf32, #tpu.memory_space<vmem>>, vector<16xf32>, vector<16xi1>
        } else {
        }
        %add3A_103 = arith.addi %scan3A_89, %reduce_sum3A_99 : i32
        scf.yield %add3A_103 : i32
      }
      %scan3A_72 = arith.constant 500 : i32
      %add3A_73 = arith.constant 31 : i32
      %add3A_74 = arith.addi %scan3A_71, %add3A_73 : i32
      %shift_right_logical3A = arith.constant 5 : i32
      %shift_right_logical3A_75 = arith.shrui %add3A_74, %shift_right_logical3A : i32
      %while3A = arith.constant 0 : i32
      %while3A_76 = arith.constant 0 : i32
      %while3A_77 = arith.subi %shift_right_logical3A_75, %while3A : i32
      %while3A_78 = arith.addi %while3A, %while3A_77 : i32
      %while3A_79 = arith.constant 1 : i32
      %while3A_80 = arith.divsi %while3A_77, %while3A_79 : i32
      %while3A_81 = arith.muli %while3A_80, %while3A_79 : i32
      %while3A_82 = arith.addi %while3A, %while3A_81 : i32
      %while3A_83 = arith.constant 1 : i32
      %while3A_84 = scf.for %while3A_88 = %while3A to %while3A_82 step %while3A_83 iter_args(%while3A_89 = %while3A_76) -> (i32)  : i32 {
        %mul3A_90 = arith.constant 32 : i32
        %mul3A_91 = arith.muli %while3A_88, %mul3A_90 : i32
        %dma_start3A = tpu.memref_slice %arg12[%mul3A_91] : memref<8192xi32, #tpu.memory_space<vmem>> -> memref<32xi32, #tpu.memory_space<vmem>>
        %dma_start3A_92 = arith.constant 0 : i32
        %dma_start3A_93 = arith.constant 0 : i32
        %dma_start3A_94 = tpu.memref_slice %arg6[%dma_start3A_92, %dma_start3A_93] : memref<20480x128xf32, #tpu.memory_space<hbm>> -> memref<20480x128xf32, #tpu.memory_space<hbm>>
        tpu.enqueue_indirect_dma source(%dma_start3A_94 : memref<20480x128xf32, #tpu.memory_space<hbm>>) target(%arg17 : memref<32x128xf32, #tpu.memory_space<vmem>>) offsets(%dma_start3A : memref<32xi32, #tpu.memory_space<vmem>>) semaphore(%arg19 : memref<!tpu.dma_semaphore, #tpu.memory_space<semaphore_mem>>)
        %dma_wait3A = tpu.memref_slice %arg12[%mul3A_91] : memref<8192xi32, #tpu.memory_space<vmem>> -> memref<32xi32, #tpu.memory_space<vmem>>
        %dma_wait3A_95 = arith.constant 0 : i32
        %dma_wait3A_96 = arith.constant 0 : i32
        %dma_wait3A_97 = tpu.memref_slice %arg6[%dma_wait3A_95, %dma_wait3A_96] : memref<20480x128xf32, #tpu.memory_space<hbm>> -> memref<20480x128xf32, #tpu.memory_space<hbm>>
        tpu.wait_indirect_dma semaphore(%arg19 : memref<!tpu.dma_semaphore, #tpu.memory_space<semaphore_mem>>) src(%dma_wait3A_97 : memref<20480x128xf32, #tpu.memory_space<hbm>>) dst(%arg17 : memref<32x128xf32, #tpu.memory_space<vmem>>)
        %scan3A_98 = arith.constant 0 : i32
        %scan3A_99 = arith.constant 0 : i32
        %scan3A_100 = arith.constant 32 : i32
        %scan3A_101 = arith.addi %scan3A_99, %scan3A_100 : i32
        %scan3A_102 = arith.constant 1 : i32
        %scan3A_103 = scf.for %scan3A_106 = %scan3A_99 to %scan3A_101 step %scan3A_102 iter_args(%scan3A_107 = %scan3A_98) -> (i32)  : i32 {
          %mul3A_108 = arith.constant 32 : i32
          %mul3A_109 = arith.muli %while3A_88, %mul3A_108 : i32
          %add3A_110 = arith.addi %mul3A_109, %scan3A_106 : i32
          %lt3A = arith.cmpi slt, %add3A_110, %scan3A_71 : i32
          %convert_element_type3A = arith.extui %lt3A : i1 to i32
          %cond3A = arith.constant 0 : i32
          %cond3A_111 = arith.cmpi ne, %convert_element_type3A, %cond3A : i32
          scf.if %cond3A_111 {
            %get3A = arith.index_cast %add3A_110 : i32 to index
            %get3A_113 = tpu.vector_load %arg13[%get3A] {strides = array<i32>} : memref<8192xi32, #tpu.memory_space<vmem>>, vector<16xi32>,
            %slice3A = vector.extract_strided_slice %get3A_113 {offsets = [0], sizes = [1], strides = [1]} : vector<16xi32> to vector<1xi32>
            %squeeze3A = vector.extract %slice3A[0] : i32 from vector<1xi32>
            %get3A_114 = arith.index_cast %add3A_110 : i32 to index
            %get3A_115 = tpu.vector_load %arg14[%get3A_114] {strides = array<i32>} : memref<8192xf32, #tpu.memory_space<vmem>>, vector<16xf32>,
            %slice3A_116 = vector.extract_strided_slice %get3A_115 {offsets = [0], sizes = [1], strides = [1]} : vector<16xf32> to vector<1xf32>
            %squeeze3A_117 = vector.extract %slice3A_116[0] : f32 from vector<1xf32>
            %broadcast_in_dim3A_118 = vector.broadcast %squeeze3A_117 : f32 to vector<16xf32>
            %get3A_119 = arith.index_cast %squeeze3A : i32 to index
            %get3A_120 = arith.constant 0 : index
            %get3A_121 = tpu.vector_load %arg16[%get3A_119, %get3A_120] {strides = array<i32>} : memref<320x128xf32, #tpu.memory_space<vmem>>, vector<16xf32>,
            %get3A_122 = arith.index_cast %scan3A_106 : i32 to index
            %get3A_123 = arith.constant 0 : index
            %get3A_124 = tpu.vector_load %arg17[%get3A_122, %get3A_123] {strides = array<i32>} : memref<32x128xf32, #tpu.memory_space<vmem>>, vector<16xf32>,
            %mul3A_125 = arith.mulf %get3A_124, %broadcast_in_dim3A_118 : vector<16xf32>
            %max3A = arith.maximumf %get3A_121, %mul3A_125 : vector<16xf32>
            %swap3A = arith.index_cast %squeeze3A : i32 to index
            %swap3A_126 = arith.constant 0 : index
            %swap3A_127 = tpu.vector_load %arg16[%swap3A, %swap3A_126] {strides = array<i32>} : memref<320x128xf32, #tpu.memory_space<vmem>>, vector<16xf32>,
            tpu.vector_store %arg16[%swap3A, %swap3A_126], %max3A {strides = array<i32>} : memref<320x128xf32, #tpu.memory_space<vmem>>, vector<16xf32>,
            %get3A_128 = arith.index_cast %squeeze3A : i32 to index
            %get3A_129 = arith.constant 16 : index
            %get3A_130 = tpu.vector_load %arg16[%get3A_128, %get3A_129] {strides = array<i32>} : memref<320x128xf32, #tpu.memory_space<vmem>>, vector<16xf32>,
            %get3A_131 = arith.index_cast %scan3A_106 : i32 to index
            %get3A_132 = arith.constant 16 : index
            %get3A_133 = tpu.vector_load %arg17[%get3A_131, %get3A_132] {strides = array<i32>} : memref<32x128xf32, #tpu.memory_space<vmem>>, vector<16xf32>,
            %mul3A_134 = arith.mulf %get3A_133, %broadcast_in_dim3A_118 : vector<16xf32>
            %max3A_135 = arith.maximumf %get3A_130, %mul3A_134 : vector<16xf32>
            %swap3A_136 = arith.index_cast %squeeze3A : i32 to index
            %swap3A_137 = arith.constant 16 : index
            %swap3A_138 = tpu.vector_load %arg16[%swap3A_136, %swap3A_137] {strides = array<i32>} : memref<320x128xf32, #tpu.memory_space<vmem>>, vector<16xf32>,
            tpu.vector_store %arg16[%swap3A_136, %swap3A_137], %max3A_135 {strides = array<i32>} : memref<320x128xf32, #tpu.memory_space<vmem>>, vector<16xf32>,
            %get3A_139 = arith.index_cast %squeeze3A : i32 to index
            %get3A_140 = arith.constant 32 : index
            %get3A_141 = tpu.vector_load %arg16[%get3A_139, %get3A_140] {strides = array<i32>} : memref<320x128xf32, #tpu.memory_space<vmem>>, vector<16xf32>,
            %get3A_142 = arith.index_cast %scan3A_106 : i32 to index
            %get3A_143 = arith.constant 32 : index
            %get3A_144 = tpu.vector_load %arg17[%get3A_142, %get3A_143] {strides = array<i32>} : memref<32x128xf32, #tpu.memory_space<vmem>>, vector<16xf32>,
            %mul3A_145 = arith.mulf %get3A_144, %broadcast_in_dim3A_118 : vector<16xf32>
            %max3A_146 = arith.maximumf %get3A_141, %mul3A_145 : vector<16xf32>
            %swap3A_147 = arith.index_cast %squeeze3A : i32 to index
            %swap3A_148 = arith.constant 32 : index
            %swap3A_149 = tpu.vector_load %arg16[%swap3A_147, %swap3A_148] {strides = array<i32>} : memref<320x128xf32, #tpu.memory_space<vmem>>, vector<16xf32>,
            tpu.vector_store %arg16[%swap3A_147, %swap3A_148], %max3A_146 {strides = array<i32>} : memref<320x128xf32, #tpu.memory_space<vmem>>, vector<16xf32>,
            %get3A_150 = arith.index_cast %squeeze3A : i32 to index
            %get3A_151 = arith.constant 48 : index
            %get3A_152 = tpu.vector_load %arg16[%get3A_150, %get3A_151] {strides = array<i32>} : memref<320x128xf32, #tpu.memory_space<vmem>>, vector<16xf32>,
            %get3A_153 = arith.index_cast %scan3A_106 : i32 to index
            %get3A_154 = arith.constant 48 : index
            %get3A_155 = tpu.vector_load %arg17[%get3A_153, %get3A_154] {strides = array<i32>} : memref<32x128xf32, #tpu.memory_space<vmem>>, vector<16xf32>,
            %mul3A_156 = arith.mulf %get3A_155, %broadcast_in_dim3A_118 : vector<16xf32>
            %max3A_157 = arith.maximumf %get3A_152, %mul3A_156 : vector<16xf32>
            %swap3A_158 = arith.index_cast %squeeze3A : i32 to index
            %swap3A_159 = arith.constant 48 : index
            %swap3A_160 = tpu.vector_load %arg16[%swap3A_158, %swap3A_159] {strides = array<i32>} : memref<320x128xf32, #tpu.memory_space<vmem>>, vector<16xf32>,
            tpu.vector_store %arg16[%swap3A_158, %swap3A_159], %max3A_157 {strides = array<i32>} : memref<320x128xf32, #tpu.memory_space<vmem>>, vector<16xf32>,
            %get3A_161 = arith.index_cast %squeeze3A : i32 to index
            %get3A_162 = arith.constant 64 : index
            %get3A_163 = tpu.vector_load %arg16[%get3A_161, %get3A_162] {strides = array<i32>} : memref<320x128xf32, #tpu.memory_space<vmem>>, vector<16xf32>,
            %get3A_164 = arith.index_cast %scan3A_106 : i32 to index
            %get3A_165 = arith.constant 64 : index
            %get3A_166 = tpu.vector_load %arg17[%get3A_164, %get3A_165] {strides = array<i32>} : memref<32x128xf32, #tpu.memory_space<vmem>>, vector<16xf32>,
            %mul3A_167 = arith.mulf %get3A_166, %broadcast_in_dim3A_118 : vector<16xf32>
            %max3A_168 = arith.maximumf %get3A_163, %mul3A_167 : vector<16xf32>
            %swap3A_169 = arith.index_cast %squeeze3A : i32 to index
            %swap3A_170 = arith.constant 64 : index
            %swap3A_171 = tpu.vector_load %arg16[%swap3A_169, %swap3A_170] {strides = array<i32>} : memref<320x128xf32, #tpu.memory_space<vmem>>, vector<16xf32>,
            tpu.vector_store %arg16[%swap3A_169, %swap3A_170], %max3A_168 {strides = array<i32>} : memref<320x128xf32, #tpu.memory_space<vmem>>, vector<16xf32>,
            %get3A_172 = arith.index_cast %squeeze3A : i32 to index
            %get3A_173 = arith.constant 80 : index
            %get3A_174 = tpu.vector_load %arg16[%get3A_172, %get3A_173] {strides = array<i32>} : memref<320x128xf32, #tpu.memory_space<vmem>>, vector<16xf32>,
            %get3A_175 = arith.index_cast %scan3A_106 : i32 to index
            %get3A_176 = arith.constant 80 : index
            %get3A_177 = tpu.vector_load %arg17[%get3A_175, %get3A_176] {strides = array<i32>} : memref<32x128xf32, #tpu.memory_space<vmem>>, vector<16xf32>,
            %mul3A_178 = arith.mulf %get3A_177, %broadcast_in_dim3A_118 : vector<16xf32>
            %max3A_179 = arith.maximumf %get3A_174, %mul3A_178 : vector<16xf32>
            %swap3A_180 = arith.index_cast %squeeze3A : i32 to index
            %swap3A_181 = arith.constant 80 : index
            %swap3A_182 = tpu.vector_load %arg16[%swap3A_180, %swap3A_181] {strides = array<i32>} : memref<320x128xf32, #tpu.memory_space<vmem>>, vector<16xf32>,
            tpu.vector_store %arg16[%swap3A_180, %swap3A_181], %max3A_179 {strides = array<i32>} : memref<320x128xf32, #tpu.memory_space<vmem>>, vector<16xf32>,
            %get3A_183 = arith.index_cast %squeeze3A : i32 to index
            %get3A_184 = arith.constant 96 : index
            %get3A_185 = tpu.vector_load %arg16[%get3A_183, %get3A_184] {strides = array<i32>} : memref<320x128xf32, #tpu.memory_space<vmem>>, vector<16xf32>,
            %get3A_186 = arith.index_cast %scan3A_106 : i32 to index
            %get3A_187 = arith.constant 96 : index
            %get3A_188 = tpu.vector_load %arg17[%get3A_186, %get3A_187] {strides = array<i32>} : memref<32x128xf32, #tpu.memory_space<vmem>>, vector<16xf32>,
            %mul3A_189 = arith.mulf %get3A_188, %broadcast_in_dim3A_118 : vector<16xf32>
            %max3A_190 = arith.maximumf %get3A_185, %mul3A_189 : vector<16xf32>
            %swap3A_191 = arith.index_cast %squeeze3A : i32 to index
            %swap3A_192 = arith.constant 96 : index
            %swap3A_193 = tpu.vector_load %arg16[%swap3A_191, %swap3A_192] {strides = array<i32>} : memref<320x128xf32, #tpu.memory_space<vmem>>, vector<16xf32>,
            tpu.vector_store %arg16[%swap3A_191, %swap3A_192], %max3A_190 {strides = array<i32>} : memref<320x128xf32, #tpu.memory_space<vmem>>, vector<16xf32>,
            %get3A_194 = arith.index_cast %squeeze3A : i32 to index
            %get3A_195 = arith.constant 112 : index
            %get3A_196 = tpu.vector_load %arg16[%get3A_194, %get3A_195] {strides = array<i32>} : memref<320x128xf32, #tpu.memory_space<vmem>>, vector<16xf32>,
            %get3A_197 = arith.index_cast %scan3A_106 : i32 to index
            %get3A_198 = arith.constant 112 : index
            %get3A_199 = tpu.vector_load %arg17[%get3A_197, %get3A_198] {strides = array<i32>} : memref<32x128xf32, #tpu.memory_space<vmem>>, vector<16xf32>,
            %mul3A_200 = arith.mulf %get3A_199, %broadcast_in_dim3A_118 : vector<16xf32>
            %max3A_201 = arith.maximumf %get3A_196, %mul3A_200 : vector<16xf32>
            %swap3A_202 = arith.index_cast %squeeze3A : i32 to index
            %swap3A_203 = arith.constant 112 : index
            %swap3A_204 = tpu.vector_load %arg16[%swap3A_202, %swap3A_203] {strides = array<i32>} : memref<320x128xf32, #tpu.memory_space<vmem>>, vector<16xf32>,
            tpu.vector_store %arg16[%swap3A_202, %swap3A_203], %max3A_201 {strides = array<i32>} : memref<320x128xf32, #tpu.memory_space<vmem>>, vector<16xf32>,
          } else {
          }
          %scan3A_112 = arith.constant 0 : i32
          scf.yield %scan3A_112 : i32
        }
        %scan3A_104 = arith.constant 32 : i32
        %while3A_105 = arith.constant 0 : i32
        scf.yield %while3A_105 : i32
      }
      %while3A_85 = arith.constant 1 : i32
      %while3A_86 = scf.for %while3A_88 = %while3A_82 to %while3A_78 step %while3A_85 iter_args(%while3A_89 = %while3A_84) -> (i32)  : i32 {
        %mul3A_90 = arith.constant 32 : i32
        %mul3A_91 = arith.muli %while3A_88, %mul3A_90 : i32
        %dma_start3A = tpu.memref_slice %arg12[%mul3A_91] : memref<8192xi32, #tpu.memory_space<vmem>> -> memref<32xi32, #tpu.memory_space<vmem>>
        %dma_start3A_92 = arith.constant 0 : i32
        %dma_start3A_93 = arith.constant 0 : i32
        %dma_start3A_94 = tpu.memref_slice %arg6[%dma_start3A_92, %dma_start3A_93] : memref<20480x128xf32, #tpu.memory_space<hbm>> -> memref<20480x128xf32, #tpu.memory_space<hbm>>
        tpu.enqueue_indirect_dma source(%dma_start3A_94 : memref<20480x128xf32, #tpu.memory_space<hbm>>) target(%arg17 : memref<32x128xf32, #tpu.memory_space<vmem>>) offsets(%dma_start3A : memref<32xi32, #tpu.memory_space<vmem>>) semaphore(%arg19 : memref<!tpu.dma_semaphore, #tpu.memory_space<semaphore_mem>>)
        %dma_wait3A = tpu.memref_slice %arg12[%mul3A_91] : memref<8192xi32, #tpu.memory_space<vmem>> -> memref<32xi32, #tpu.memory_space<vmem>>
        %dma_wait3A_95 = arith.constant 0 : i32
        %dma_wait3A_96 = arith.constant 0 : i32
        %dma_wait3A_97 = tpu.memref_slice %arg6[%dma_wait3A_95, %dma_wait3A_96] : memref<20480x128xf32, #tpu.memory_space<hbm>> -> memref<20480x128xf32, #tpu.memory_space<hbm>>
        tpu.wait_indirect_dma semaphore(%arg19 : memref<!tpu.dma_semaphore, #tpu.memory_space<semaphore_mem>>) src(%dma_wait3A_97 : memref<20480x128xf32, #tpu.memory_space<hbm>>) dst(%arg17 : memref<32x128xf32, #tpu.memory_space<vmem>>)
        %scan3A_98 = arith.constant 0 : i32
        %scan3A_99 = arith.constant 0 : i32
        %scan3A_100 = arith.constant 32 : i32
        %scan3A_101 = arith.addi %scan3A_99, %scan3A_100 : i32
        %scan3A_102 = arith.constant 1 : i32
        %scan3A_103 = scf.for %scan3A_106 = %scan3A_99 to %scan3A_101 step %scan3A_102 iter_args(%scan3A_107 = %scan3A_98) -> (i32)  : i32 {
          %mul3A_108 = arith.constant 32 : i32
          %mul3A_109 = arith.muli %while3A_88, %mul3A_108 : i32
          %add3A_110 = arith.addi %mul3A_109, %scan3A_106 : i32
          %lt3A = arith.cmpi slt, %add3A_110, %scan3A_71 : i32
          %convert_element_type3A = arith.extui %lt3A : i1 to i32
          %cond3A = arith.constant 0 : i32
          %cond3A_111 = arith.cmpi ne, %convert_element_type3A, %cond3A : i32
          scf.if %cond3A_111 {
            %get3A = arith.index_cast %add3A_110 : i32 to index
            %get3A_113 = tpu.vector_load %arg13[%get3A] {strides = array<i32>} : memref<8192xi32, #tpu.memory_space<vmem>>, vector<16xi32>,
            %slice3A = vector.extract_strided_slice %get3A_113 {offsets = [0], sizes = [1], strides = [1]} : vector<16xi32> to vector<1xi32>
            %squeeze3A = vector.extract %slice3A[0] : i32 from vector<1xi32>
            %get3A_114 = arith.index_cast %add3A_110 : i32 to index
            %get3A_115 = tpu.vector_load %arg14[%get3A_114] {strides = array<i32>} : memref<8192xf32, #tpu.memory_space<vmem>>, vector<16xf32>,
            %slice3A_116 = vector.extract_strided_slice %get3A_115 {offsets = [0], sizes = [1], strides = [1]} : vector<16xf32> to vector<1xf32>
            %squeeze3A_117 = vector.extract %slice3A_116[0] : f32 from vector<1xf32>
            %broadcast_in_dim3A_118 = vector.broadcast %squeeze3A_117 : f32 to vector<16xf32>
            %get3A_119 = arith.index_cast %squeeze3A : i32 to index
            %get3A_120 = arith.constant 0 : index
            %get3A_121 = tpu.vector_load %arg16[%get3A_119, %get3A_120] {strides = array<i32>} : memref<320x128xf32, #tpu.memory_space<vmem>>, vector<16xf32>,
            %get3A_122 = arith.index_cast %scan3A_106 : i32 to index
            %get3A_123 = arith.constant 0 : index
            %get3A_124 = tpu.vector_load %arg17[%get3A_122, %get3A_123] {strides = array<i32>} : memref<32x128xf32, #tpu.memory_space<vmem>>, vector<16xf32>,
            %mul3A_125 = arith.mulf %get3A_124, %broadcast_in_dim3A_118 : vector<16xf32>
            %max3A = arith.maximumf %get3A_121, %mul3A_125 : vector<16xf32>
            %swap3A = arith.index_cast %squeeze3A : i32 to index
            %swap3A_126 = arith.constant 0 : index
            %swap3A_127 = tpu.vector_load %arg16[%swap3A, %swap3A_126] {strides = array<i32>} : memref<320x128xf32, #tpu.memory_space<vmem>>, vector<16xf32>,
            tpu.vector_store %arg16[%swap3A, %swap3A_126], %max3A {strides = array<i32>} : memref<320x128xf32, #tpu.memory_space<vmem>>, vector<16xf32>,
            %get3A_128 = arith.index_cast %squeeze3A : i32 to index
            %get3A_129 = arith.constant 16 : index
            %get3A_130 = tpu.vector_load %arg16[%get3A_128, %get3A_129] {strides = array<i32>} : memref<320x128xf32, #tpu.memory_space<vmem>>, vector<16xf32>,
            %get3A_131 = arith.index_cast %scan3A_106 : i32 to index
            %get3A_132 = arith.constant 16 : index
            %get3A_133 = tpu.vector_load %arg17[%get3A_131, %get3A_132] {strides = array<i32>} : memref<32x128xf32, #tpu.memory_space<vmem>>, vector<16xf32>,
            %mul3A_134 = arith.mulf %get3A_133, %broadcast_in_dim3A_118 : vector<16xf32>
            %max3A_135 = arith.maximumf %get3A_130, %mul3A_134 : vector<16xf32>
            %swap3A_136 = arith.index_cast %squeeze3A : i32 to index
            %swap3A_137 = arith.constant 16 : index
            %swap3A_138 = tpu.vector_load %arg16[%swap3A_136, %swap3A_137] {strides = array<i32>} : memref<320x128xf32, #tpu.memory_space<vmem>>, vector<16xf32>,
            tpu.vector_store %arg16[%swap3A_136, %swap3A_137], %max3A_135 {strides = array<i32>} : memref<320x128xf32, #tpu.memory_space<vmem>>, vector<16xf32>,
            %get3A_139 = arith.index_cast %squeeze3A : i32 to index
            %get3A_140 = arith.constant 32 : index
            %get3A_141 = tpu.vector_load %arg16[%get3A_139, %get3A_140] {strides = array<i32>} : memref<320x128xf32, #tpu.memory_space<vmem>>, vector<16xf32>,
            %get3A_142 = arith.index_cast %scan3A_106 : i32 to index
            %get3A_143 = arith.constant 32 : index
            %get3A_144 = tpu.vector_load %arg17[%get3A_142, %get3A_143] {strides = array<i32>} : memref<32x128xf32, #tpu.memory_space<vmem>>, vector<16xf32>,
            %mul3A_145 = arith.mulf %get3A_144, %broadcast_in_dim3A_118 : vector<16xf32>
            %max3A_146 = arith.maximumf %get3A_141, %mul3A_145 : vector<16xf32>
            %swap3A_147 = arith.index_cast %squeeze3A : i32 to index
            %swap3A_148 = arith.constant 32 : index
            %swap3A_149 = tpu.vector_load %arg16[%swap3A_147, %swap3A_148] {strides = array<i32>} : memref<320x128xf32, #tpu.memory_space<vmem>>, vector<16xf32>,
            tpu.vector_store %arg16[%swap3A_147, %swap3A_148], %max3A_146 {strides = array<i32>} : memref<320x128xf32, #tpu.memory_space<vmem>>, vector<16xf32>,
            %get3A_150 = arith.index_cast %squeeze3A : i32 to index
            %get3A_151 = arith.constant 48 : index
            %get3A_152 = tpu.vector_load %arg16[%get3A_150, %get3A_151] {strides = array<i32>} : memref<320x128xf32, #tpu.memory_space<vmem>>, vector<16xf32>,
            %get3A_153 = arith.index_cast %scan3A_106 : i32 to index
            %get3A_154 = arith.constant 48 : index
            %get3A_155 = tpu.vector_load %arg17[%get3A_153, %get3A_154] {strides = array<i32>} : memref<32x128xf32, #tpu.memory_space<vmem>>, vector<16xf32>,
            %mul3A_156 = arith.mulf %get3A_155, %broadcast_in_dim3A_118 : vector<16xf32>
            %max3A_157 = arith.maximumf %get3A_152, %mul3A_156 : vector<16xf32>
            %swap3A_158 = arith.index_cast %squeeze3A : i32 to index
            %swap3A_159 = arith.constant 48 : index
            %swap3A_160 = tpu.vector_load %arg16[%swap3A_158, %swap3A_159] {strides = array<i32>} : memref<320x128xf32, #tpu.memory_space<vmem>>, vector<16xf32>,
            tpu.vector_store %arg16[%swap3A_158, %swap3A_159], %max3A_157 {strides = array<i32>} : memref<320x128xf32, #tpu.memory_space<vmem>>, vector<16xf32>,
            %get3A_161 = arith.index_cast %squeeze3A : i32 to index
            %get3A_162 = arith.constant 64 : index
            %get3A_163 = tpu.vector_load %arg16[%get3A_161, %get3A_162] {strides = array<i32>} : memref<320x128xf32, #tpu.memory_space<vmem>>, vector<16xf32>,
            %get3A_164 = arith.index_cast %scan3A_106 : i32 to index
            %get3A_165 = arith.constant 64 : index
            %get3A_166 = tpu.vector_load %arg17[%get3A_164, %get3A_165] {strides = array<i32>} : memref<32x128xf32, #tpu.memory_space<vmem>>, vector<16xf32>,
            %mul3A_167 = arith.mulf %get3A_166, %broadcast_in_dim3A_118 : vector<16xf32>
            %max3A_168 = arith.maximumf %get3A_163, %mul3A_167 : vector<16xf32>
            %swap3A_169 = arith.index_cast %squeeze3A : i32 to index
            %swap3A_170 = arith.constant 64 : index
            %swap3A_171 = tpu.vector_load %arg16[%swap3A_169, %swap3A_170] {strides = array<i32>} : memref<320x128xf32, #tpu.memory_space<vmem>>, vector<16xf32>,
            tpu.vector_store %arg16[%swap3A_169, %swap3A_170], %max3A_168 {strides = array<i32>} : memref<320x128xf32, #tpu.memory_space<vmem>>, vector<16xf32>,
            %get3A_172 = arith.index_cast %squeeze3A : i32 to index
            %get3A_173 = arith.constant 80 : index
            %get3A_174 = tpu.vector_load %arg16[%get3A_172, %get3A_173] {strides = array<i32>} : memref<320x128xf32, #tpu.memory_space<vmem>>, vector<16xf32>,
            %get3A_175 = arith.index_cast %scan3A_106 : i32 to index
            %get3A_176 = arith.constant 80 : index
            %get3A_177 = tpu.vector_load %arg17[%get3A_175, %get3A_176] {strides = array<i32>} : memref<32x128xf32, #tpu.memory_space<vmem>>, vector<16xf32>,
            %mul3A_178 = arith.mulf %get3A_177, %broadcast_in_dim3A_118 : vector<16xf32>
            %max3A_179 = arith.maximumf %get3A_174, %mul3A_178 : vector<16xf32>
            %swap3A_180 = arith.index_cast %squeeze3A : i32 to index
            %swap3A_181 = arith.constant 80 : index
            %swap3A_182 = tpu.vector_load %arg16[%swap3A_180, %swap3A_181] {strides = array<i32>} : memref<320x128xf32, #tpu.memory_space<vmem>>, vector<16xf32>,
            tpu.vector_store %arg16[%swap3A_180, %swap3A_181], %max3A_179 {strides = array<i32>} : memref<320x128xf32, #tpu.memory_space<vmem>>, vector<16xf32>,
            %get3A_183 = arith.index_cast %squeeze3A : i32 to index
            %get3A_184 = arith.constant 96 : index
            %get3A_185 = tpu.vector_load %arg16[%get3A_183, %get3A_184] {strides = array<i32>} : memref<320x128xf32, #tpu.memory_space<vmem>>, vector<16xf32>,
            %get3A_186 = arith.index_cast %scan3A_106 : i32 to index
            %get3A_187 = arith.constant 96 : index
            %get3A_188 = tpu.vector_load %arg17[%get3A_186, %get3A_187] {strides = array<i32>} : memref<32x128xf32, #tpu.memory_space<vmem>>, vector<16xf32>,
            %mul3A_189 = arith.mulf %get3A_188, %broadcast_in_dim3A_118 : vector<16xf32>
            %max3A_190 = arith.maximumf %get3A_185, %mul3A_189 : vector<16xf32>
            %swap3A_191 = arith.index_cast %squeeze3A : i32 to index
            %swap3A_192 = arith.constant 96 : index
            %swap3A_193 = tpu.vector_load %arg16[%swap3A_191, %swap3A_192] {strides = array<i32>} : memref<320x128xf32, #tpu.memory_space<vmem>>, vector<16xf32>,
            tpu.vector_store %arg16[%swap3A_191, %swap3A_192], %max3A_190 {strides = array<i32>} : memref<320x128xf32, #tpu.memory_space<vmem>>, vector<16xf32>,
            %get3A_194 = arith.index_cast %squeeze3A : i32 to index
            %get3A_195 = arith.constant 112 : index
            %get3A_196 = tpu.vector_load %arg16[%get3A_194, %get3A_195] {strides = array<i32>} : memref<320x128xf32, #tpu.memory_space<vmem>>, vector<16xf32>,
            %get3A_197 = arith.index_cast %scan3A_106 : i32 to index
            %get3A_198 = arith.constant 112 : index
            %get3A_199 = tpu.vector_load %arg17[%get3A_197, %get3A_198] {strides = array<i32>} : memref<32x128xf32, #tpu.memory_space<vmem>>, vector<16xf32>,
            %mul3A_200 = arith.mulf %get3A_199, %broadcast_in_dim3A_118 : vector<16xf32>
            %max3A_201 = arith.maximumf %get3A_196, %mul3A_200 : vector<16xf32>
            %swap3A_202 = arith.index_cast %squeeze3A : i32 to index
            %swap3A_203 = arith.constant 112 : index
            %swap3A_204 = tpu.vector_load %arg16[%swap3A_202, %swap3A_203] {strides = array<i32>} : memref<320x128xf32, #tpu.memory_space<vmem>>, vector<16xf32>,
            tpu.vector_store %arg16[%swap3A_202, %swap3A_203], %max3A_201 {strides = array<i32>} : memref<320x128xf32, #tpu.memory_space<vmem>>, vector<16xf32>,
          } else {
          }
          %scan3A_112 = arith.constant 0 : i32
          scf.yield %scan3A_112 : i32
        }
        %scan3A_104 = arith.constant 32 : i32
        %while3A_105 = arith.constant 0 : i32
        scf.yield %while3A_105 : i32
      }
      %scan3A_87 = arith.constant 0 : i32
      scf.yield %scan3A_87 : i32
    }
    %scan3A_50 = arith.constant 40 : i32
    %scan3A_51 = arith.constant 0 : i32
    %scan3A_52 = arith.constant 0 : i32
    %scan3A_53 = arith.constant 320 : i32
    %scan3A_54 = arith.addi %scan3A_52, %scan3A_53 : i32
    %scan3A_55 = arith.constant 1 : i32
    %scan3A_56 = scf.for %scan3A_60 = %scan3A_52 to %scan3A_54 step %scan3A_55 iter_args(%scan3A_61 = %scan3A_51) -> (i32)  : i32 {
      %get3A = arith.index_cast %scan3A_60 : i32 to index
      %get3A_62 = arith.constant 0 : index
      %get3A_63 = tpu.vector_load %arg16[%get3A, %get3A_62] {strides = array<i32>} : memref<320x128xf32, #tpu.memory_space<vmem>>, vector<16xf32>,
      %get3A_64 = arith.constant 0 : index
      %get3A_65 = tpu.vector_load %arg18[%get3A_64] {strides = array<i32>} : memref<128xf32, #tpu.memory_space<vmem>>, vector<16xf32>,
      %add3A_66 = arith.addf %get3A_63, %get3A_65 : vector<16xf32>
      %swap3A = arith.index_cast %scan3A_60 : i32 to index
      %swap3A_67 = arith.constant 0 : index
      %swap3A_68 = tpu.vector_load %arg16[%swap3A, %swap3A_67] {strides = array<i32>} : memref<320x128xf32, #tpu.memory_space<vmem>>, vector<16xf32>,
      tpu.vector_store %arg16[%swap3A, %swap3A_67], %add3A_66 {strides = array<i32>} : memref<320x128xf32, #tpu.memory_space<vmem>>, vector<16xf32>,
      %get3A_69 = arith.index_cast %scan3A_60 : i32 to index
      %get3A_70 = arith.constant 16 : index
      %get3A_71 = tpu.vector_load %arg16[%get3A_69, %get3A_70] {strides = array<i32>} : memref<320x128xf32, #tpu.memory_space<vmem>>, vector<16xf32>,
      %get3A_72 = arith.constant 16 : index
      %get3A_73 = tpu.vector_load %arg18[%get3A_72] {strides = array<i32>} : memref<128xf32, #tpu.memory_space<vmem>>, vector<16xf32>,
      %add3A_74 = arith.addf %get3A_71, %get3A_73 : vector<16xf32>
      %swap3A_75 = arith.index_cast %scan3A_60 : i32 to index
      %swap3A_76 = arith.constant 16 : index
      %swap3A_77 = tpu.vector_load %arg16[%swap3A_75, %swap3A_76] {strides = array<i32>} : memref<320x128xf32, #tpu.memory_space<vmem>>, vector<16xf32>,
      tpu.vector_store %arg16[%swap3A_75, %swap3A_76], %add3A_74 {strides = array<i32>} : memref<320x128xf32, #tpu.memory_space<vmem>>, vector<16xf32>,
      %get3A_78 = arith.index_cast %scan3A_60 : i32 to index
      %get3A_79 = arith.constant 32 : index
      %get3A_80 = tpu.vector_load %arg16[%get3A_78, %get3A_79] {strides = array<i32>} : memref<320x128xf32, #tpu.memory_space<vmem>>, vector<16xf32>,
      %get3A_81 = arith.constant 32 : index
      %get3A_82 = tpu.vector_load %arg18[%get3A_81] {strides = array<i32>} : memref<128xf32, #tpu.memory_space<vmem>>, vector<16xf32>,
      %add3A_83 = arith.addf %get3A_80, %get3A_82 : vector<16xf32>
      %swap3A_84 = arith.index_cast %scan3A_60 : i32 to index
      %swap3A_85 = arith.constant 32 : index
      %swap3A_86 = tpu.vector_load %arg16[%swap3A_84, %swap3A_85] {strides = array<i32>} : memref<320x128xf32, #tpu.memory_space<vmem>>, vector<16xf32>,
      tpu.vector_store %arg16[%swap3A_84, %swap3A_85], %add3A_83 {strides = array<i32>} : memref<320x128xf32, #tpu.memory_space<vmem>>, vector<16xf32>,
      %get3A_87 = arith.index_cast %scan3A_60 : i32 to index
      %get3A_88 = arith.constant 48 : index
      %get3A_89 = tpu.vector_load %arg16[%get3A_87, %get3A_88] {strides = array<i32>} : memref<320x128xf32, #tpu.memory_space<vmem>>, vector<16xf32>,
      %get3A_90 = arith.constant 48 : index
      %get3A_91 = tpu.vector_load %arg18[%get3A_90] {strides = array<i32>} : memref<128xf32, #tpu.memory_space<vmem>>, vector<16xf32>,
      %add3A_92 = arith.addf %get3A_89, %get3A_91 : vector<16xf32>
      %swap3A_93 = arith.index_cast %scan3A_60 : i32 to index
      %swap3A_94 = arith.constant 48 : index
      %swap3A_95 = tpu.vector_load %arg16[%swap3A_93, %swap3A_94] {strides = array<i32>} : memref<320x128xf32, #tpu.memory_space<vmem>>, vector<16xf32>,
      tpu.vector_store %arg16[%swap3A_93, %swap3A_94], %add3A_92 {strides = array<i32>} : memref<320x128xf32, #tpu.memory_space<vmem>>, vector<16xf32>,
      %get3A_96 = arith.index_cast %scan3A_60 : i32 to index
      %get3A_97 = arith.constant 64 : index
      %get3A_98 = tpu.vector_load %arg16[%get3A_96, %get3A_97] {strides = array<i32>} : memref<320x128xf32, #tpu.memory_space<vmem>>, vector<16xf32>,
      %get3A_99 = arith.constant 64 : index
      %get3A_100 = tpu.vector_load %arg18[%get3A_99] {strides = array<i32>} : memref<128xf32, #tpu.memory_space<vmem>>, vector<16xf32>,
      %add3A_101 = arith.addf %get3A_98, %get3A_100 : vector<16xf32>
      %swap3A_102 = arith.index_cast %scan3A_60 : i32 to index
      %swap3A_103 = arith.constant 64 : index
      %swap3A_104 = tpu.vector_load %arg16[%swap3A_102, %swap3A_103] {strides = array<i32>} : memref<320x128xf32, #tpu.memory_space<vmem>>, vector<16xf32>,
      tpu.vector_store %arg16[%swap3A_102, %swap3A_103], %add3A_101 {strides = array<i32>} : memref<320x128xf32, #tpu.memory_space<vmem>>, vector<16xf32>,
      %get3A_105 = arith.index_cast %scan3A_60 : i32 to index
      %get3A_106 = arith.constant 80 : index
      %get3A_107 = tpu.vector_load %arg16[%get3A_105, %get3A_106] {strides = array<i32>} : memref<320x128xf32, #tpu.memory_space<vmem>>, vector<16xf32>,
      %get3A_108 = arith.constant 80 : index
      %get3A_109 = tpu.vector_load %arg18[%get3A_108] {strides = array<i32>} : memref<128xf32, #tpu.memory_space<vmem>>, vector<16xf32>,
      %add3A_110 = arith.addf %get3A_107, %get3A_109 : vector<16xf32>
      %swap3A_111 = arith.index_cast %scan3A_60 : i32 to index
      %swap3A_112 = arith.constant 80 : index
      %swap3A_113 = tpu.vector_load %arg16[%swap3A_111, %swap3A_112] {strides = array<i32>} : memref<320x128xf32, #tpu.memory_space<vmem>>, vector<16xf32>,
      tpu.vector_store %arg16[%swap3A_111, %swap3A_112], %add3A_110 {strides = array<i32>} : memref<320x128xf32, #tpu.memory_space<vmem>>, vector<16xf32>,
      %get3A_114 = arith.index_cast %scan3A_60 : i32 to index
      %get3A_115 = arith.constant 96 : index
      %get3A_116 = tpu.vector_load %arg16[%get3A_114, %get3A_115] {strides = array<i32>} : memref<320x128xf32, #tpu.memory_space<vmem>>, vector<16xf32>,
      %get3A_117 = arith.constant 96 : index
      %get3A_118 = tpu.vector_load %arg18[%get3A_117] {strides = array<i32>} : memref<128xf32, #tpu.memory_space<vmem>>, vector<16xf32>,
      %add3A_119 = arith.addf %get3A_116, %get3A_118 : vector<16xf32>
      %swap3A_120 = arith.index_cast %scan3A_60 : i32 to index
      %swap3A_121 = arith.constant 96 : index
      %swap3A_122 = tpu.vector_load %arg16[%swap3A_120, %swap3A_121] {strides = array<i32>} : memref<320x128xf32, #tpu.memory_space<vmem>>, vector<16xf32>,
      tpu.vector_store %arg16[%swap3A_120, %swap3A_121], %add3A_119 {strides = array<i32>} : memref<320x128xf32, #tpu.memory_space<vmem>>, vector<16xf32>,
      %get3A_123 = arith.index_cast %scan3A_60 : i32 to index
      %get3A_124 = arith.constant 112 : index
      %get3A_125 = tpu.vector_load %arg16[%get3A_123, %get3A_124] {strides = array<i32>} : memref<320x128xf32, #tpu.memory_space<vmem>>, vector<16xf32>,
      %get3A_126 = arith.constant 112 : index
      %get3A_127 = tpu.vector_load %arg18[%get3A_126] {strides = array<i32>} : memref<128xf32, #tpu.memory_space<vmem>>, vector<16xf32>,
      %add3A_128 = arith.addf %get3A_125, %get3A_127 : vector<16xf32>
      %swap3A_129 = arith.index_cast %scan3A_60 : i32 to index
      %swap3A_130 = arith.constant 112 : index
      %swap3A_131 = tpu.vector_load %arg16[%swap3A_129, %swap3A_130] {strides = array<i32>} : memref<320x128xf32, #tpu.memory_space<vmem>>, vector<16xf32>,
      tpu.vector_store %arg16[%swap3A_129, %swap3A_130], %add3A_128 {strides = array<i32>} : memref<320x128xf32, #tpu.memory_space<vmem>>, vector<16xf32>,
      %scan3A_132 = arith.constant 0 : i32
      scf.yield %scan3A_132 : i32
    }
    %scan3A_57 = arith.constant 320 : i32
    %add3A_58 = arith.constant 10240 : i32
    %add3A_59 = arith.addi %add3A_58, %mul3A_2 : i32
    "tpu.region"() ({
      %run_scoped3A = tpu.sem_alloc : memref<!tpu.dma_semaphore, #tpu.memory_space<semaphore_mem>>
      %dma_start3A = arith.constant 0 : i32
      %dma_start3A_60 = tpu.memref_slice %arg8[%add3A_59, %dma_start3A] : memref<20480x128xf32, #tpu.memory_space<hbm>> -> memref<320x128xf32, #tpu.memory_space<hbm>>
      %dma_start3A_61 = arith.constant 0 : i32
      %dma_start3A_62 = tpu.memref_slice %arg8[%add3A_59, %dma_start3A_61] : memref<20480x128xf32, #tpu.memory_space<hbm>> -> memref<320x128xf32, #tpu.memory_space<hbm>>
      tpu.enqueue_dma source(%arg16 : memref<320x128xf32, #tpu.memory_space<vmem>>) target(%dma_start3A_62 : memref<320x128xf32, #tpu.memory_space<hbm>>) target_semaphore(%run_scoped3A : memref<!tpu.dma_semaphore, #tpu.memory_space<semaphore_mem>>)
      %dma_wait3A = arith.constant 0 : i32
      %dma_wait3A_63 = tpu.memref_slice %arg8[%add3A_59, %dma_wait3A] : memref<20480x128xf32, #tpu.memory_space<hbm>> -> memref<320x128xf32, #tpu.memory_space<hbm>>
      %dma_wait3A_64 = arith.constant 0 : i32
      %dma_wait3A_65 = tpu.memref_slice %arg8[%add3A_59, %dma_wait3A_64] : memref<20480x128xf32, #tpu.memory_space<hbm>> -> memref<320x128xf32, #tpu.memory_space<hbm>>
      tpu.wait_dma2 semaphore(%run_scoped3A : memref<!tpu.dma_semaphore, #tpu.memory_space<semaphore_mem>>) src(%arg16 : memref<320x128xf32, #tpu.memory_space<vmem>>) dst(%dma_wait3A_65 : memref<320x128xf32, #tpu.memory_space<hbm>>)
      tpu.yield
    }) : () -> ()
    return
  }
}

#map = affine_map<(d0, d1) -> (0)>
module attributes {stable_mosaic.version = 14 : i64} {
  func.func @_sc_deg_body(%arg0: i32, %arg1: i32, %arg2: memref<640000xi32, #tpu.memory_space<hbm>>, %arg3: memref<640000xf32, #tpu.memory_space<hbm>>, %arg4: memref<655360xf32, #tpu.memory_space<hbm>>, %arg5: memref<2000xi32, #tpu.memory_space<vmem>>, %arg6: memref<2000xf32, #tpu.memory_space<vmem>>, %arg7: memref<10240xf32, #tpu.memory_space<vmem>>, %arg8: memref<10240xf32, #tpu.memory_space<vmem>>) attributes {dimension_semantics = [#tpu.dimension_semantics<core_parallel>, #tpu.dimension_semantics<subcore_parallel>], iteration_bounds = array<i64: 2, 16>, scalar_prefetch = 0 : i64, scratch_operands = 4 : i64, tpu.core_type = #tpu.core_type<sc_vector_subcore>, window_params = [{transform_indices = #map}, {transform_indices = #map}, {transform_indices = #map}]} {
    %mul3A = arith.constant 2 : i32
    %mul3A_0 = arith.muli %arg1, %mul3A : i32
    %add3A = arith.addi %mul3A_0, %arg0 : i32
    %broadcast_in_dim3A = arith.constant 0.000000e+00 : f32
    %broadcast_in_dim3A_1 = vector.broadcast %broadcast_in_dim3A : f32 to vector<16xf32>
    %scan3A = arith.constant 0 : i32
    %scan3A_2 = arith.constant 0 : i32
    %scan3A_3 = arith.constant 640 : i32
    %scan3A_4 = arith.addi %scan3A_2, %scan3A_3 : i32
    %scan3A_5 = arith.constant 1 : i32
    %scan3A_6 = scf.for %scan3A_32 = %scan3A_2 to %scan3A_4 step %scan3A_5 iter_args(%scan3A_33 = %scan3A) -> (i32)  : i32 {
      %mul3A_34 = arith.constant 16 : i32
      %mul3A_35 = arith.muli %scan3A_32, %mul3A_34 : i32
      %swap3A = arith.index_cast %mul3A_35 : i32 to index
      %swap3A_36 = tpu.vector_load %arg7[%swap3A] {strides = array<i32>} : memref<10240xf32, #tpu.memory_space<vmem>>, vector<16xf32>,
      tpu.vector_store %arg7[%swap3A], %broadcast_in_dim3A_1 {strides = array<i32>} : memref<10240xf32, #tpu.memory_space<vmem>>, vector<16xf32>,
      %mul3A_37 = arith.constant 16 : i32
      %mul3A_38 = arith.muli %scan3A_32, %mul3A_37 : i32
      %swap3A_39 = arith.index_cast %mul3A_38 : i32 to index
      %swap3A_40 = tpu.vector_load %arg8[%swap3A_39] {strides = array<i32>} : memref<10240xf32, #tpu.memory_space<vmem>>, vector<16xf32>,
      tpu.vector_store %arg8[%swap3A_39], %broadcast_in_dim3A_1 {strides = array<i32>} : memref<10240xf32, #tpu.memory_space<vmem>>, vector<16xf32>,
      %scan3A_41 = arith.constant 0 : i32
      scf.yield %scan3A_41 : i32
    }
    %scan3A_7 = arith.constant 640 : i32
    %scan3A_8 = arith.constant 0 : i32
    %scan3A_9 = arith.constant 0 : i32
    %scan3A_10 = arith.constant 5 : i32
    %scan3A_11 = arith.addi %scan3A_9, %scan3A_10 : i32
    %scan3A_12 = arith.constant 1 : i32
    %scan3A_13 = scf.for %scan3A_32 = %scan3A_9 to %scan3A_11 step %scan3A_12 iter_args(%scan3A_33 = %scan3A_8) -> (i32)  : i32 {
      %mul3A_34 = arith.constant 10000 : i32
      %mul3A_35 = arith.muli %add3A, %mul3A_34 : i32
      %add3A_36 = arith.constant 0 : i32
      %add3A_37 = arith.addi %add3A_36, %mul3A_35 : i32
      %mul3A_38 = arith.constant 2000 : i32
      %mul3A_39 = arith.muli %scan3A_32, %mul3A_38 : i32
      %add3A_40 = arith.addi %add3A_37, %mul3A_39 : i32
      "tpu.region"() ({
        %run_scoped3A = tpu.sem_alloc : memref<!tpu.dma_semaphore, #tpu.memory_space<semaphore_mem>>
        %dma_start3A = tpu.memref_slice %arg2[%add3A_40] : memref<640000xi32, #tpu.memory_space<hbm>> -> memref<2000xi32, #tpu.memory_space<hbm>>
        %dma_start3A_49 = tpu.memref_slice %arg2[%add3A_40] : memref<640000xi32, #tpu.memory_space<hbm>> -> memref<2000xi32, #tpu.memory_space<hbm>>
        tpu.enqueue_dma source(%dma_start3A_49 : memref<2000xi32, #tpu.memory_space<hbm>>) target(%arg5 : memref<2000xi32, #tpu.memory_space<vmem>>) target_semaphore(%run_scoped3A : memref<!tpu.dma_semaphore, #tpu.memory_space<semaphore_mem>>)
        %dma_wait3A = tpu.memref_slice %arg2[%add3A_40] : memref<640000xi32, #tpu.memory_space<hbm>> -> memref<2000xi32, #tpu.memory_space<hbm>>
        %dma_wait3A_50 = tpu.memref_slice %arg2[%add3A_40] : memref<640000xi32, #tpu.memory_space<hbm>> -> memref<2000xi32, #tpu.memory_space<hbm>>
        tpu.wait_dma2 semaphore(%run_scoped3A : memref<!tpu.dma_semaphore, #tpu.memory_space<semaphore_mem>>) src(%dma_wait3A_50 : memref<2000xi32, #tpu.memory_space<hbm>>) dst(%arg5 : memref<2000xi32, #tpu.memory_space<vmem>>)
        tpu.yield
      }) : () -> ()
      "tpu.region"() ({
        %run_scoped3A = tpu.sem_alloc : memref<!tpu.dma_semaphore, #tpu.memory_space<semaphore_mem>>
        %dma_start3A = tpu.memref_slice %arg3[%add3A_40] : memref<640000xf32, #tpu.memory_space<hbm>> -> memref<2000xf32, #tpu.memory_space<hbm>>
        %dma_start3A_49 = tpu.memref_slice %arg3[%add3A_40] : memref<640000xf32, #tpu.memory_space<hbm>> -> memref<2000xf32, #tpu.memory_space<hbm>>
        tpu.enqueue_dma source(%dma_start3A_49 : memref<2000xf32, #tpu.memory_space<hbm>>) target(%arg6 : memref<2000xf32, #tpu.memory_space<vmem>>) target_semaphore(%run_scoped3A : memref<!tpu.dma_semaphore, #tpu.memory_space<semaphore_mem>>)
        %dma_wait3A = tpu.memref_slice %arg3[%add3A_40] : memref<640000xf32, #tpu.memory_space<hbm>> -> memref<2000xf32, #tpu.memory_space<hbm>>
        %dma_wait3A_50 = tpu.memref_slice %arg3[%add3A_40] : memref<640000xf32, #tpu.memory_space<hbm>> -> memref<2000xf32, #tpu.memory_space<hbm>>
        tpu.wait_dma2 semaphore(%run_scoped3A : memref<!tpu.dma_semaphore, #tpu.memory_space<semaphore_mem>>) src(%dma_wait3A_50 : memref<2000xf32, #tpu.memory_space<hbm>>) dst(%arg6 : memref<2000xf32, #tpu.memory_space<vmem>>)
        tpu.yield
      }) : () -> ()
      %scan3A_41 = arith.constant 0 : i32
      %scan3A_42 = arith.constant 0 : i32
      %scan3A_43 = arith.constant 125 : i32
      %scan3A_44 = arith.addi %scan3A_42, %scan3A_43 : i32
      %scan3A_45 = arith.constant 1 : i32
      %scan3A_46 = scf.for %scan3A_49 = %scan3A_42 to %scan3A_44 step %scan3A_45 iter_args(%scan3A_50 = %scan3A_41) -> (i32)  : i32 {
        %mul3A_51 = arith.constant 16 : i32
        %mul3A_52 = arith.muli %scan3A_49, %mul3A_51 : i32
        %get3A = arith.index_cast %mul3A_52 : i32 to index
        %get3A_53 = tpu.vector_load %arg5[%get3A] {strides = array<i32>} : memref<2000xi32, #tpu.memory_space<vmem>>, vector<16xi32>,
        %mul3A_54 = arith.constant 16 : i32
        %mul3A_55 = arith.muli %scan3A_49, %mul3A_54 : i32
        %get3A_56 = arith.index_cast %mul3A_55 : i32 to index
        %get3A_57 = tpu.vector_load %arg6[%get3A_56] {strides = array<i32>} : memref<2000xf32, #tpu.memory_space<vmem>>, vector<16xf32>,
        %max3A = arith.constant 0.000000e+00 : f32
        %max3A_58 = vector.broadcast %max3A : f32 to vector<16xf32>
        %max3A_59 = arith.maximumf %get3A_57, %max3A_58 : vector<16xf32>
        tpu.vector_store_idx %arg7[%get3A_53], %max3A_59 {add = true} : memref<10240xf32, #tpu.memory_space<vmem>>[vector<16xi32>], vector<16xf32>,
        %scan3A_60 = arith.constant 0 : i32
        scf.yield %scan3A_60 : i32
      }
      %scan3A_47 = arith.constant 125 : i32
      %scan3A_48 = arith.constant 0 : i32
      scf.yield %scan3A_48 : i32
    }
    %scan3A_14 = arith.constant 5 : i32
    %scan3A_15 = arith.constant 0 : i32
    %scan3A_16 = arith.constant 0 : i32
    %scan3A_17 = arith.constant 5 : i32
    %scan3A_18 = arith.addi %scan3A_16, %scan3A_17 : i32
    %scan3A_19 = arith.constant 1 : i32
    %scan3A_20 = scf.for %scan3A_32 = %scan3A_16 to %scan3A_18 step %scan3A_19 iter_args(%scan3A_33 = %scan3A_15) -> (i32)  : i32 {
      %mul3A_34 = arith.constant 10000 : i32
      %mul3A_35 = arith.muli %add3A, %mul3A_34 : i32
      %add3A_36 = arith.constant 320000 : i32
      %add3A_37 = arith.addi %add3A_36, %mul3A_35 : i32
      %mul3A_38 = arith.constant 2000 : i32
      %mul3A_39 = arith.muli %scan3A_32, %mul3A_38 : i32
      %add3A_40 = arith.addi %add3A_37, %mul3A_39 : i32
      "tpu.region"() ({
        %run_scoped3A = tpu.sem_alloc : memref<!tpu.dma_semaphore, #tpu.memory_space<semaphore_mem>>
        %dma_start3A = tpu.memref_slice %arg2[%add3A_40] : memref<640000xi32, #tpu.memory_space<hbm>> -> memref<2000xi32, #tpu.memory_space<hbm>>
        %dma_start3A_49 = tpu.memref_slice %arg2[%add3A_40] : memref<640000xi32, #tpu.memory_space<hbm>> -> memref<2000xi32, #tpu.memory_space<hbm>>
        tpu.enqueue_dma source(%dma_start3A_49 : memref<2000xi32, #tpu.memory_space<hbm>>) target(%arg5 : memref<2000xi32, #tpu.memory_space<vmem>>) target_semaphore(%run_scoped3A : memref<!tpu.dma_semaphore, #tpu.memory_space<semaphore_mem>>)
        %dma_wait3A = tpu.memref_slice %arg2[%add3A_40] : memref<640000xi32, #tpu.memory_space<hbm>> -> memref<2000xi32, #tpu.memory_space<hbm>>
        %dma_wait3A_50 = tpu.memref_slice %arg2[%add3A_40] : memref<640000xi32, #tpu.memory_space<hbm>> -> memref<2000xi32, #tpu.memory_space<hbm>>
        tpu.wait_dma2 semaphore(%run_scoped3A : memref<!tpu.dma_semaphore, #tpu.memory_space<semaphore_mem>>) src(%dma_wait3A_50 : memref<2000xi32, #tpu.memory_space<hbm>>) dst(%arg5 : memref<2000xi32, #tpu.memory_space<vmem>>)
        tpu.yield
      }) : () -> ()
      "tpu.region"() ({
        %run_scoped3A = tpu.sem_alloc : memref<!tpu.dma_semaphore, #tpu.memory_space<semaphore_mem>>
        %dma_start3A = tpu.memref_slice %arg3[%add3A_40] : memref<640000xf32, #tpu.memory_space<hbm>> -> memref<2000xf32, #tpu.memory_space<hbm>>
        %dma_start3A_49 = tpu.memref_slice %arg3[%add3A_40] : memref<640000xf32, #tpu.memory_space<hbm>> -> memref<2000xf32, #tpu.memory_space<hbm>>
        tpu.enqueue_dma source(%dma_start3A_49 : memref<2000xf32, #tpu.memory_space<hbm>>) target(%arg6 : memref<2000xf32, #tpu.memory_space<vmem>>) target_semaphore(%run_scoped3A : memref<!tpu.dma_semaphore, #tpu.memory_space<semaphore_mem>>)
        %dma_wait3A = tpu.memref_slice %arg3[%add3A_40] : memref<640000xf32, #tpu.memory_space<hbm>> -> memref<2000xf32, #tpu.memory_space<hbm>>
        %dma_wait3A_50 = tpu.memref_slice %arg3[%add3A_40] : memref<640000xf32, #tpu.memory_space<hbm>> -> memref<2000xf32, #tpu.memory_space<hbm>>
        tpu.wait_dma2 semaphore(%run_scoped3A : memref<!tpu.dma_semaphore, #tpu.memory_space<semaphore_mem>>) src(%dma_wait3A_50 : memref<2000xf32, #tpu.memory_space<hbm>>) dst(%arg6 : memref<2000xf32, #tpu.memory_space<vmem>>)
        tpu.yield
      }) : () -> ()
      %scan3A_41 = arith.constant 0 : i32
      %scan3A_42 = arith.constant 0 : i32
      %scan3A_43 = arith.constant 125 : i32
      %scan3A_44 = arith.addi %scan3A_42, %scan3A_43 : i32
      %scan3A_45 = arith.constant 1 : i32
      %scan3A_46 = scf.for %scan3A_49 = %scan3A_42 to %scan3A_44 step %scan3A_45 iter_args(%scan3A_50 = %scan3A_41) -> (i32)  : i32 {
        %mul3A_51 = arith.constant 16 : i32
        %mul3A_52 = arith.muli %scan3A_49, %mul3A_51 : i32
        %get3A = arith.index_cast %mul3A_52 : i32 to index
        %get3A_53 = tpu.vector_load %arg5[%get3A] {strides = array<i32>} : memref<2000xi32, #tpu.memory_space<vmem>>, vector<16xi32>,
        %mul3A_54 = arith.constant 16 : i32
        %mul3A_55 = arith.muli %scan3A_49, %mul3A_54 : i32
        %get3A_56 = arith.index_cast %mul3A_55 : i32 to index
        %get3A_57 = tpu.vector_load %arg6[%get3A_56] {strides = array<i32>} : memref<2000xf32, #tpu.memory_space<vmem>>, vector<16xf32>,
        %max3A = arith.constant 0.000000e+00 : f32
        %max3A_58 = vector.broadcast %max3A : f32 to vector<16xf32>
        %max3A_59 = arith.maximumf %get3A_57, %max3A_58 : vector<16xf32>
        tpu.vector_store_idx %arg8[%get3A_53], %max3A_59 {add = true} : memref<10240xf32, #tpu.memory_space<vmem>>[vector<16xi32>], vector<16xf32>,
        %scan3A_60 = arith.constant 0 : i32
        scf.yield %scan3A_60 : i32
      }
      %scan3A_47 = arith.constant 125 : i32
      %scan3A_48 = arith.constant 0 : i32
      scf.yield %scan3A_48 : i32
    }
    %scan3A_21 = arith.constant 5 : i32
    %mul3A_22 = arith.constant 2 : i32
    %mul3A_23 = arith.muli %add3A, %mul3A_22 : i32
    %mul3A_24 = arith.constant 10240 : i32
    %mul3A_25 = arith.muli %mul3A_23, %mul3A_24 : i32
    "tpu.region"() ({
      %run_scoped3A = tpu.sem_alloc : memref<!tpu.dma_semaphore, #tpu.memory_space<semaphore_mem>>
      %dma_start3A = tpu.memref_slice %arg4[%mul3A_25] : memref<655360xf32, #tpu.memory_space<hbm>> -> memref<10240xf32, #tpu.memory_space<hbm>>
      %dma_start3A_32 = tpu.memref_slice %arg4[%mul3A_25] : memref<655360xf32, #tpu.memory_space<hbm>> -> memref<10240xf32, #tpu.memory_space<hbm>>
      tpu.enqueue_dma source(%arg7 : memref<10240xf32, #tpu.memory_space<vmem>>) target(%dma_start3A_32 : memref<10240xf32, #tpu.memory_space<hbm>>) target_semaphore(%run_scoped3A : memref<!tpu.dma_semaphore, #tpu.memory_space<semaphore_mem>>)
      %dma_wait3A = tpu.memref_slice %arg4[%mul3A_25] : memref<655360xf32, #tpu.memory_space<hbm>> -> memref<10240xf32, #tpu.memory_space<hbm>>
      %dma_wait3A_33 = tpu.memref_slice %arg4[%mul3A_25] : memref<655360xf32, #tpu.memory_space<hbm>> -> memref<10240xf32, #tpu.memory_space<hbm>>
      tpu.wait_dma2 semaphore(%run_scoped3A : memref<!tpu.dma_semaphore, #tpu.memory_space<semaphore_mem>>) src(%arg7 : memref<10240xf32, #tpu.memory_space<vmem>>) dst(%dma_wait3A_33 : memref<10240xf32, #tpu.memory_space<hbm>>)
      tpu.yield
    }) : () -> ()
    %mul3A_26 = arith.constant 2 : i32
    %mul3A_27 = arith.muli %add3A, %mul3A_26 : i32
    %add3A_28 = arith.constant 1 : i32
    %add3A_29 = arith.addi %mul3A_27, %add3A_28 : i32
    %mul3A_30 = arith.constant 10240 : i32
    %mul3A_31 = arith.muli %add3A_29, %mul3A_30 : i32
    "tpu.region"() ({
      %run_scoped3A = tpu.sem_alloc : memref<!tpu.dma_semaphore, #tpu.memory_space<semaphore_mem>>
      %dma_start3A = tpu.memref_slice %arg4[%mul3A_31] : memref<655360xf32, #tpu.memory_space<hbm>> -> memref<10240xf32, #tpu.memory_space<hbm>>
      %dma_start3A_32 = tpu.memref_slice %arg4[%mul3A_31] : memref<655360xf32, #tpu.memory_space<hbm>> -> memref<10240xf32, #tpu.memory_space<hbm>>
      tpu.enqueue_dma source(%arg8 : memref<10240xf32, #tpu.memory_space<vmem>>) target(%dma_start3A_32 : memref<10240xf32, #tpu.memory_space<hbm>>) target_semaphore(%run_scoped3A : memref<!tpu.dma_semaphore, #tpu.memory_space<semaphore_mem>>)
      %dma_wait3A = tpu.memref_slice %arg4[%mul3A_31] : memref<655360xf32, #tpu.memory_space<hbm>> -> memref<10240xf32, #tpu.memory_space<hbm>>
      %dma_wait3A_33 = tpu.memref_slice %arg4[%mul3A_31] : memref<655360xf32, #tpu.memory_space<hbm>> -> memref<10240xf32, #tpu.memory_space<hbm>>
      tpu.wait_dma2 semaphore(%run_scoped3A : memref<!tpu.dma_semaphore, #tpu.memory_space<semaphore_mem>>) src(%arg8 : memref<10240xf32, #tpu.memory_space<vmem>>) dst(%dma_wait3A_33 : memref<10240xf32, #tpu.memory_space<hbm>>)
      tpu.yield
    }) : () -> ()
    return
  }
}

#map = affine_map<(d0, d1) -> (0)>
#map1 = affine_map<(d0, d1) -> (0, 0)>
module attributes {stable_mosaic.version = 14 : i64} {
  func.func @_sc_conv_body(%arg0: i32, %arg1: i32, %arg2: memref<640000xi32, #tpu.memory_space<hbm>>, %arg3: memref<640000xi32, #tpu.memory_space<hbm>>, %arg4: memref<640000xf32, #tpu.memory_space<hbm>>, %arg5: memref<20480xf32, #tpu.memory_space<hbm>>, %arg6: memref<20480x128xf32, #tpu.memory_space<hbm>>, %arg7: memref<128xf32, #tpu.memory_space<hbm>>, %arg8: memref<20480x128xf32, #tpu.memory_space<hbm>>, %arg9: memref<8000xi32, #tpu.memory_space<vmem>>, %arg10: memref<8000xi32, #tpu.memory_space<vmem>>, %arg11: memref<8000xf32, #tpu.memory_space<vmem>>, %arg12: memref<8192xi32, #tpu.memory_space<vmem>>, %arg13: memref<8192xi32, #tpu.memory_space<vmem>>, %arg14: memref<8192xf32, #tpu.memory_space<vmem>>, %arg15: memref<10256xf32, #tpu.memory_space<vmem>>, %arg16: memref<320x128xf32, #tpu.memory_space<vmem>>, %arg17: memref<32x128xf32, #tpu.memory_space<vmem>>, %arg18: memref<128xf32, #tpu.memory_space<vmem>>, %arg19: memref<!tpu.dma_semaphore, #tpu.memory_space<semaphore_mem>>) attributes {dimension_semantics = [#tpu.dimension_semantics<core_parallel>, #tpu.dimension_semantics<subcore_parallel>], iteration_bounds = array<i64: 2, 16>, scalar_prefetch = 0 : i64, scratch_operands = 11 : i64, tpu.core_type = #tpu.core_type<sc_vector_subcore>, window_params = [{transform_indices = #map}, {transform_indices = #map}, {transform_indices = #map}, {transform_indices = #map}, {transform_indices = #map1}, {transform_indices = #map}, {transform_indices = #map1}]} {
    %mul3A = arith.constant 2 : i32
    %mul3A_0 = arith.muli %arg1, %mul3A : i32
    %add3A = arith.addi %mul3A_0, %arg0 : i32
    %mul3A_1 = arith.constant 320 : i32
    %mul3A_2 = arith.muli %add3A, %mul3A_1 : i32
    "tpu.region"() ({
      %run_scoped3A = tpu.sem_alloc : memref<!tpu.dma_semaphore, #tpu.memory_space<semaphore_mem>>
      tpu.enqueue_dma source(%arg7 : memref<128xf32, #tpu.memory_space<hbm>>) target(%arg18 : memref<128xf32, #tpu.memory_space<vmem>>) target_semaphore(%run_scoped3A : memref<!tpu.dma_semaphore, #tpu.memory_space<semaphore_mem>>)
      tpu.wait_dma2 semaphore(%run_scoped3A : memref<!tpu.dma_semaphore, #tpu.memory_space<semaphore_mem>>) src(%arg7 : memref<128xf32, #tpu.memory_space<hbm>>) dst(%arg18 : memref<128xf32, #tpu.memory_space<vmem>>)
      tpu.yield
    }) : () -> ()
    %broadcast_in_dim3A = arith.constant 0 : i32
    %broadcast_in_dim3A_3 = vector.broadcast %broadcast_in_dim3A : i32 to vector<16xi32>
    %scan3A = arith.constant 0 : i32
    %scan3A_4 = arith.constant 0 : i32
    %scan3A_5 = arith.constant 512 : i32
    %scan3A_6 = arith.addi %scan3A_4, %scan3A_5 : i32
    %scan3A_7 = arith.constant 1 : i32
    %scan3A_8 = scf.for %scan3A_60 = %scan3A_4 to %scan3A_6 step %scan3A_7 iter_args(%scan3A_61 = %scan3A) -> (i32)  : i32 {
      %mul3A_62 = arith.constant 16 : i32
      %mul3A_63 = arith.muli %scan3A_60, %mul3A_62 : i32
      %swap3A = arith.index_cast %mul3A_63 : i32 to index
      %swap3A_64 = tpu.vector_load %arg12[%swap3A] {strides = array<i32>} : memref<8192xi32, #tpu.memory_space<vmem>>, vector<16xi32>,
      tpu.vector_store %arg12[%swap3A], %broadcast_in_dim3A_3 {strides = array<i32>} : memref<8192xi32, #tpu.memory_space<vmem>>, vector<16xi32>,
      %scan3A_65 = arith.constant 0 : i32
      scf.yield %scan3A_65 : i32
    }
    %scan3A_9 = arith.constant 512 : i32
    "tpu.region"() ({
      %run_scoped3A = tpu.sem_alloc : memref<!tpu.dma_semaphore, #tpu.memory_space<semaphore_mem>>
      %dma_start3A = arith.constant 0 : i32
      %dma_start3A_60 = tpu.memref_slice %arg15[%dma_start3A] : memref<10256xf32, #tpu.memory_space<vmem>> -> memref<10240xf32, #tpu.memory_space<vmem>>
      %dma_start3A_61 = arith.constant 0 : i32
      %dma_start3A_62 = tpu.memref_slice %arg5[%dma_start3A_61] : memref<20480xf32, #tpu.memory_space<hbm>> -> memref<10240xf32, #tpu.memory_space<hbm>>
      %dma_start3A_63 = arith.constant 0 : i32
      %dma_start3A_64 = tpu.memref_slice %arg15[%dma_start3A_63] : memref<10256xf32, #tpu.memory_space<vmem>> -> memref<10240xf32, #tpu.memory_space<vmem>>
      %dma_start3A_65 = arith.constant 0 : i32
      %dma_start3A_66 = tpu.memref_slice %arg5[%dma_start3A_65] : memref<20480xf32, #tpu.memory_space<hbm>> -> memref<10240xf32, #tpu.memory_space<hbm>>
      tpu.enqueue_dma source(%dma_start3A_66 : memref<10240xf32, #tpu.memory_space<hbm>>) target(%dma_start3A_64 : memref<10240xf32, #tpu.memory_space<vmem>>) target_semaphore(%run_scoped3A : memref<!tpu.dma_semaphore, #tpu.memory_space<semaphore_mem>>)
      %dma_wait3A = arith.constant 0 : i32
      %dma_wait3A_67 = tpu.memref_slice %arg15[%dma_wait3A] : memref<10256xf32, #tpu.memory_space<vmem>> -> memref<10240xf32, #tpu.memory_space<vmem>>
      %dma_wait3A_68 = arith.constant 0 : i32
      %dma_wait3A_69 = tpu.memref_slice %arg5[%dma_wait3A_68] : memref<20480xf32, #tpu.memory_space<hbm>> -> memref<10240xf32, #tpu.memory_space<hbm>>
      %dma_wait3A_70 = arith.constant 0 : i32
      %dma_wait3A_71 = tpu.memref_slice %arg15[%dma_wait3A_70] : memref<10256xf32, #tpu.memory_space<vmem>> -> memref<10240xf32, #tpu.memory_space<vmem>>
      %dma_wait3A_72 = arith.constant 0 : i32
      %dma_wait3A_73 = tpu.memref_slice %arg5[%dma_wait3A_72] : memref<20480xf32, #tpu.memory_space<hbm>> -> memref<10240xf32, #tpu.memory_space<hbm>>
      tpu.wait_dma2 semaphore(%run_scoped3A : memref<!tpu.dma_semaphore, #tpu.memory_space<semaphore_mem>>) src(%dma_wait3A_73 : memref<10240xf32, #tpu.memory_space<hbm>>) dst(%dma_wait3A_71 : memref<10240xf32, #tpu.memory_space<vmem>>)
      tpu.yield
    }) : () -> ()
    %add3A_10 = arith.constant 0 : i32
    %add3A_11 = arith.addi %add3A_10, %mul3A_2 : i32
    "tpu.region"() ({
      %run_scoped3A = tpu.sem_alloc : memref<!tpu.dma_semaphore, #tpu.memory_space<semaphore_mem>>
      %dma_start3A = arith.constant 0 : i32
      %dma_start3A_60 = tpu.memref_slice %arg6[%add3A_11, %dma_start3A] : memref<20480x128xf32, #tpu.memory_space<hbm>> -> memref<320x128xf32, #tpu.memory_space<hbm>>
      %dma_start3A_61 = arith.constant 0 : i32
      %dma_start3A_62 = tpu.memref_slice %arg6[%add3A_11, %dma_start3A_61] : memref<20480x128xf32, #tpu.memory_space<hbm>> -> memref<320x128xf32, #tpu.memory_space<hbm>>
      tpu.enqueue_dma source(%dma_start3A_62 : memref<320x128xf32, #tpu.memory_space<hbm>>) target(%arg16 : memref<320x128xf32, #tpu.memory_space<vmem>>) target_semaphore(%run_scoped3A : memref<!tpu.dma_semaphore, #tpu.memory_space<semaphore_mem>>)
      %dma_wait3A = arith.constant 0 : i32
      %dma_wait3A_63 = tpu.memref_slice %arg6[%add3A_11, %dma_wait3A] : memref<20480x128xf32, #tpu.memory_space<hbm>> -> memref<320x128xf32, #tpu.memory_space<hbm>>
      %dma_wait3A_64 = arith.constant 0 : i32
      %dma_wait3A_65 = tpu.memref_slice %arg6[%add3A_11, %dma_wait3A_64] : memref<20480x128xf32, #tpu.memory_space<hbm>> -> memref<320x128xf32, #tpu.memory_space<hbm>>
      tpu.wait_dma2 semaphore(%run_scoped3A : memref<!tpu.dma_semaphore, #tpu.memory_space<semaphore_mem>>) src(%dma_wait3A_65 : memref<320x128xf32, #tpu.memory_space<hbm>>) dst(%arg16 : memref<320x128xf32, #tpu.memory_space<vmem>>)
      tpu.yield
    }) : () -> ()
    %scan3A_12 = arith.constant 0 : i32
    %scan3A_13 = arith.constant 0 : i32
    %scan3A_14 = arith.constant 320 : i32
    %scan3A_15 = arith.addi %scan3A_13, %scan3A_14 : i32
    %scan3A_16 = arith.constant 1 : i32
    %scan3A_17 = scf.for %scan3A_60 = %scan3A_13 to %scan3A_15 step %scan3A_16 iter_args(%scan3A_61 = %scan3A_12) -> (i32)  : i32 {
      %add3A_62 = arith.addi %mul3A_2, %scan3A_60 : i32
      %get3A = arith.index_cast %add3A_62 : i32 to index
      %get3A_63 = tpu.vector_load %arg15[%get3A] {strides = array<i32>} : memref<10256xf32, #tpu.memory_space<vmem>>, vector<16xf32>,
      %slice3A = vector.extract_strided_slice %get3A_63 {offsets = [0], sizes = [1], strides = [1]} : vector<16xf32> to vector<1xf32>
      %squeeze3A = vector.extract %slice3A[0] : f32 from vector<1xf32>
      %mul3A_64 = arith.constant 2.000000e+00 : f32
      %mul3A_65 = arith.mulf %mul3A_64, %squeeze3A : f32
      %mul3A_66 = arith.mulf %mul3A_65, %squeeze3A : f32
      %broadcast_in_dim3A_67 = vector.broadcast %mul3A_66 : f32 to vector<16xf32>
      %get3A_68 = arith.index_cast %scan3A_60 : i32 to index
      %get3A_69 = arith.constant 0 : index
      %get3A_70 = tpu.vector_load %arg16[%get3A_68, %get3A_69] {strides = array<i32>} : memref<320x128xf32, #tpu.memory_space<vmem>>, vector<16xf32>,
      %mul3A_71 = arith.mulf %get3A_70, %broadcast_in_dim3A_67 : vector<16xf32>
      %swap3A = arith.index_cast %scan3A_60 : i32 to index
      %swap3A_72 = arith.constant 0 : index
      %swap3A_73 = tpu.vector_load %arg16[%swap3A, %swap3A_72] {strides = array<i32>} : memref<320x128xf32, #tpu.memory_space<vmem>>, vector<16xf32>,
      tpu.vector_store %arg16[%swap3A, %swap3A_72], %mul3A_71 {strides = array<i32>} : memref<320x128xf32, #tpu.memory_space<vmem>>, vector<16xf32>,
      %get3A_74 = arith.index_cast %scan3A_60 : i32 to index
      %get3A_75 = arith.constant 16 : index
      %get3A_76 = tpu.vector_load %arg16[%get3A_74, %get3A_75] {strides = array<i32>} : memref<320x128xf32, #tpu.memory_space<vmem>>, vector<16xf32>,
      %mul3A_77 = arith.mulf %get3A_76, %broadcast_in_dim3A_67 : vector<16xf32>
      %swap3A_78 = arith.index_cast %scan3A_60 : i32 to index
      %swap3A_79 = arith.constant 16 : index
      %swap3A_80 = tpu.vector_load %arg16[%swap3A_78, %swap3A_79] {strides = array<i32>} : memref<320x128xf32, #tpu.memory_space<vmem>>, vector<16xf32>,
      tpu.vector_store %arg16[%swap3A_78, %swap3A_79], %mul3A_77 {strides = array<i32>} : memref<320x128xf32, #tpu.memory_space<vmem>>, vector<16xf32>,
      %get3A_81 = arith.index_cast %scan3A_60 : i32 to index
      %get3A_82 = arith.constant 32 : index
      %get3A_83 = tpu.vector_load %arg16[%get3A_81, %get3A_82] {strides = array<i32>} : memref<320x128xf32, #tpu.memory_space<vmem>>, vector<16xf32>,
      %mul3A_84 = arith.mulf %get3A_83, %broadcast_in_dim3A_67 : vector<16xf32>
      %swap3A_85 = arith.index_cast %scan3A_60 : i32 to index
      %swap3A_86 = arith.constant 32 : index
      %swap3A_87 = tpu.vector_load %arg16[%swap3A_85, %swap3A_86] {strides = array<i32>} : memref<320x128xf32, #tpu.memory_space<vmem>>, vector<16xf32>,
      tpu.vector_store %arg16[%swap3A_85, %swap3A_86], %mul3A_84 {strides = array<i32>} : memref<320x128xf32, #tpu.memory_space<vmem>>, vector<16xf32>,
      %get3A_88 = arith.index_cast %scan3A_60 : i32 to index
      %get3A_89 = arith.constant 48 : index
      %get3A_90 = tpu.vector_load %arg16[%get3A_88, %get3A_89] {strides = array<i32>} : memref<320x128xf32, #tpu.memory_space<vmem>>, vector<16xf32>,
      %mul3A_91 = arith.mulf %get3A_90, %broadcast_in_dim3A_67 : vector<16xf32>
      %swap3A_92 = arith.index_cast %scan3A_60 : i32 to index
      %swap3A_93 = arith.constant 48 : index
      %swap3A_94 = tpu.vector_load %arg16[%swap3A_92, %swap3A_93] {strides = array<i32>} : memref<320x128xf32, #tpu.memory_space<vmem>>, vector<16xf32>,
      tpu.vector_store %arg16[%swap3A_92, %swap3A_93], %mul3A_91 {strides = array<i32>} : memref<320x128xf32, #tpu.memory_space<vmem>>, vector<16xf32>,
      %get3A_95 = arith.index_cast %scan3A_60 : i32 to index
      %get3A_96 = arith.constant 64 : index
      %get3A_97 = tpu.vector_load %arg16[%get3A_95, %get3A_96] {strides = array<i32>} : memref<320x128xf32, #tpu.memory_space<vmem>>, vector<16xf32>,
      %mul3A_98 = arith.mulf %get3A_97, %broadcast_in_dim3A_67 : vector<16xf32>
      %swap3A_99 = arith.index_cast %scan3A_60 : i32 to index
      %swap3A_100 = arith.constant 64 : index
      %swap3A_101 = tpu.vector_load %arg16[%swap3A_99, %swap3A_100] {strides = array<i32>} : memref<320x128xf32, #tpu.memory_space<vmem>>, vector<16xf32>,
      tpu.vector_store %arg16[%swap3A_99, %swap3A_100], %mul3A_98 {strides = array<i32>} : memref<320x128xf32, #tpu.memory_space<vmem>>, vector<16xf32>,
      %get3A_102 = arith.index_cast %scan3A_60 : i32 to index
      %get3A_103 = arith.constant 80 : index
      %get3A_104 = tpu.vector_load %arg16[%get3A_102, %get3A_103] {strides = array<i32>} : memref<320x128xf32, #tpu.memory_space<vmem>>, vector<16xf32>,
      %mul3A_105 = arith.mulf %get3A_104, %broadcast_in_dim3A_67 : vector<16xf32>
      %swap3A_106 = arith.index_cast %scan3A_60 : i32 to index
      %swap3A_107 = arith.constant 80 : index
      %swap3A_108 = tpu.vector_load %arg16[%swap3A_106, %swap3A_107] {strides = array<i32>} : memref<320x128xf32, #tpu.memory_space<vmem>>, vector<16xf32>,
      tpu.vector_store %arg16[%swap3A_106, %swap3A_107], %mul3A_105 {strides = array<i32>} : memref<320x128xf32, #tpu.memory_space<vmem>>, vector<16xf32>,
      %get3A_109 = arith.index_cast %scan3A_60 : i32 to index
      %get3A_110 = arith.constant 96 : index
      %get3A_111 = tpu.vector_load %arg16[%get3A_109, %get3A_110] {strides = array<i32>} : memref<320x128xf32, #tpu.memory_space<vmem>>, vector<16xf32>,
      %mul3A_112 = arith.mulf %get3A_111, %broadcast_in_dim3A_67 : vector<16xf32>
      %swap3A_113 = arith.index_cast %scan3A_60 : i32 to index
      %swap3A_114 = arith.constant 96 : index
      %swap3A_115 = tpu.vector_load %arg16[%swap3A_113, %swap3A_114] {strides = array<i32>} : memref<320x128xf32, #tpu.memory_space<vmem>>, vector<16xf32>,
      tpu.vector_store %arg16[%swap3A_113, %swap3A_114], %mul3A_112 {strides = array<i32>} : memref<320x128xf32, #tpu.memory_space<vmem>>, vector<16xf32>,
      %get3A_116 = arith.index_cast %scan3A_60 : i32 to index
      %get3A_117 = arith.constant 112 : index
      %get3A_118 = tpu.vector_load %arg16[%get3A_116, %get3A_117] {strides = array<i32>} : memref<320x128xf32, #tpu.memory_space<vmem>>, vector<16xf32>,
      %mul3A_119 = arith.mulf %get3A_118, %broadcast_in_dim3A_67 : vector<16xf32>
      %swap3A_120 = arith.index_cast %scan3A_60 : i32 to index
      %swap3A_121 = arith.constant 112 : index
      %swap3A_122 = tpu.vector_load %arg16[%swap3A_120, %swap3A_121] {strides = array<i32>} : memref<320x128xf32, #tpu.memory_space<vmem>>, vector<16xf32>,
      tpu.vector_store %arg16[%swap3A_120, %swap3A_121], %mul3A_119 {strides = array<i32>} : memref<320x128xf32, #tpu.memory_space<vmem>>, vector<16xf32>,
      %scan3A_123 = arith.constant 0 : i32
      scf.yield %scan3A_123 : i32
    }
    %scan3A_18 = arith.constant 320 : i32
    %scan3A_19 = arith.constant 0 : i32
    %scan3A_20 = arith.constant 0 : i32
    %scan3A_21 = arith.constant 40 : i32
    %scan3A_22 = arith.addi %scan3A_20, %scan3A_21 : i32
    %scan3A_23 = arith.constant 1 : i32
    %scan3A_24 = scf.for %scan3A_60 = %scan3A_20 to %scan3A_22 step %scan3A_23 iter_args(%scan3A_61 = %scan3A_19) -> (i32)  : i32 {
      %mul3A_62 = arith.constant 8000 : i32
      %mul3A_63 = arith.muli %scan3A_60, %mul3A_62 : i32
      %add3A_64 = arith.constant 0 : i32
      %add3A_65 = arith.addi %add3A_64, %mul3A_63 : i32
      "tpu.region"() ({
        %run_scoped3A = tpu.sem_alloc : memref<!tpu.dma_semaphore, #tpu.memory_space<semaphore_mem>>
        %dma_start3A = tpu.memref_slice %arg3[%add3A_65] : memref<640000xi32, #tpu.memory_space<hbm>> -> memref<8000xi32, #tpu.memory_space<hbm>>
        %dma_start3A_88 = tpu.memref_slice %arg3[%add3A_65] : memref<640000xi32, #tpu.memory_space<hbm>> -> memref<8000xi32, #tpu.memory_space<hbm>>
        tpu.enqueue_dma source(%dma_start3A_88 : memref<8000xi32, #tpu.memory_space<hbm>>) target(%arg9 : memref<8000xi32, #tpu.memory_space<vmem>>) target_semaphore(%run_scoped3A : memref<!tpu.dma_semaphore, #tpu.memory_space<semaphore_mem>>)
        %dma_wait3A = tpu.memref_slice %arg3[%add3A_65] : memref<640000xi32, #tpu.memory_space<hbm>> -> memref<8000xi32, #tpu.memory_space<hbm>>
        %dma_wait3A_89 = tpu.memref_slice %arg3[%add3A_65] : memref<640000xi32, #tpu.memory_space<hbm>> -> memref<8000xi32, #tpu.memory_space<hbm>>
        tpu.wait_dma2 semaphore(%run_scoped3A : memref<!tpu.dma_semaphore, #tpu.memory_space<semaphore_mem>>) src(%dma_wait3A_89 : memref<8000xi32, #tpu.memory_space<hbm>>) dst(%arg9 : memref<8000xi32, #tpu.memory_space<vmem>>)
        tpu.yield
      }) : () -> ()
      "tpu.region"() ({
        %run_scoped3A = tpu.sem_alloc : memref<!tpu.dma_semaphore, #tpu.memory_space<semaphore_mem>>
        %dma_start3A = tpu.memref_slice %arg2[%add3A_65] : memref<640000xi32, #tpu.memory_space<hbm>> -> memref<8000xi32, #tpu.memory_space<hbm>>
        %dma_start3A_88 = tpu.memref_slice %arg2[%add3A_65] : memref<640000xi32, #tpu.memory_space<hbm>> -> memref<8000xi32, #tpu.memory_space<hbm>>
        tpu.enqueue_dma source(%dma_start3A_88 : memref<8000xi32, #tpu.memory_space<hbm>>) target(%arg10 : memref<8000xi32, #tpu.memory_space<vmem>>) target_semaphore(%run_scoped3A : memref<!tpu.dma_semaphore, #tpu.memory_space<semaphore_mem>>)
        %dma_wait3A = tpu.memref_slice %arg2[%add3A_65] : memref<640000xi32, #tpu.memory_space<hbm>> -> memref<8000xi32, #tpu.memory_space<hbm>>
        %dma_wait3A_89 = tpu.memref_slice %arg2[%add3A_65] : memref<640000xi32, #tpu.memory_space<hbm>> -> memref<8000xi32, #tpu.memory_space<hbm>>
        tpu.wait_dma2 semaphore(%run_scoped3A : memref<!tpu.dma_semaphore, #tpu.memory_space<semaphore_mem>>) src(%dma_wait3A_89 : memref<8000xi32, #tpu.memory_space<hbm>>) dst(%arg10 : memref<8000xi32, #tpu.memory_space<vmem>>)
        tpu.yield
      }) : () -> ()
      "tpu.region"() ({
        %run_scoped3A = tpu.sem_alloc : memref<!tpu.dma_semaphore, #tpu.memory_space<semaphore_mem>>
        %dma_start3A = tpu.memref_slice %arg4[%add3A_65] : memref<640000xf32, #tpu.memory_space<hbm>> -> memref<8000xf32, #tpu.memory_space<hbm>>
        %dma_start3A_88 = tpu.memref_slice %arg4[%add3A_65] : memref<640000xf32, #tpu.memory_space<hbm>> -> memref<8000xf32, #tpu.memory_space<hbm>>
        tpu.enqueue_dma source(%dma_start3A_88 : memref<8000xf32, #tpu.memory_space<hbm>>) target(%arg11 : memref<8000xf32, #tpu.memory_space<vmem>>) target_semaphore(%run_scoped3A : memref<!tpu.dma_semaphore, #tpu.memory_space<semaphore_mem>>)
        %dma_wait3A = tpu.memref_slice %arg4[%add3A_65] : memref<640000xf32, #tpu.memory_space<hbm>> -> memref<8000xf32, #tpu.memory_space<hbm>>
        %dma_wait3A_89 = tpu.memref_slice %arg4[%add3A_65] : memref<640000xf32, #tpu.memory_space<hbm>> -> memref<8000xf32, #tpu.memory_space<hbm>>
        tpu.wait_dma2 semaphore(%run_scoped3A : memref<!tpu.dma_semaphore, #tpu.memory_space<semaphore_mem>>) src(%dma_wait3A_89 : memref<8000xf32, #tpu.memory_space<hbm>>) dst(%arg11 : memref<8000xf32, #tpu.memory_space<vmem>>)
        tpu.yield
      }) : () -> ()
      %scan3A_66 = arith.constant 0 : i32
      %scan3A_67 = arith.constant 0 : i32
      %scan3A_68 = arith.constant 500 : i32
      %scan3A_69 = arith.addi %scan3A_67, %scan3A_68 : i32
      %scan3A_70 = arith.constant 1 : i32
      %scan3A_71 = scf.for %scan3A_88 = %scan3A_67 to %scan3A_69 step %scan3A_70 iter_args(%scan3A_89 = %scan3A_66) -> (i32)  : i32 {
        %mul3A_90 = arith.constant 16 : i32
        %mul3A_91 = arith.muli %scan3A_88, %mul3A_90 : i32
        %get3A = arith.index_cast %mul3A_91 : i32 to index
        %get3A_92 = tpu.vector_load %arg9[%get3A] {strides = array<i32>} : memref<8000xi32, #tpu.memory_space<vmem>>, vector<16xi32>,
        %ge3A = vector.broadcast %mul3A_2 : i32 to vector<16xi32>
        %ge3A_93 = arith.cmpi sge, %get3A_92, %ge3A : vector<16xi32>
        %add3A_94 = arith.constant 320 : i32
        %add3A_95 = arith.addi %mul3A_2, %add3A_94 : i32
        %lt3A = vector.broadcast %add3A_95 : i32 to vector<16xi32>
        %lt3A_96 = arith.cmpi slt, %get3A_92, %lt3A : vector<16xi32>
        %and3A = arith.andi %ge3A_93, %lt3A_96 : vector<16xi1>
        %convert_element_type3A = arith.extui %and3A : vector<16xi1> to vector<16xi32>
        %reduce_sum3A = arith.constant true
        %reduce_sum3A_97 = vector.broadcast %reduce_sum3A : i1 to vector<16xi1>
        %reduce_sum3A_98 = tpu.scan <sum>, %convert_element_type3A masked %reduce_sum3A_97 : vector<16xi32>, vector<16xi1> -> vector<16xi32>
        %reduce_sum3A_99 = vector.extract %reduce_sum3A_98[15] : i32 from vector<16xi32>
        %gt3A = arith.constant 0 : i32
        %gt3A_100 = arith.cmpi sgt, %reduce_sum3A_99, %gt3A : i32
        %convert_element_type3A_101 = arith.extui %gt3A_100 : i1 to i32
        %cond3A = arith.constant 0 : i32
        %cond3A_102 = arith.cmpi ne, %convert_element_type3A_101, %cond3A : i32
        scf.if %cond3A_102 {
          %mul3A_104 = arith.constant 16 : i32
          %mul3A_105 = arith.muli %scan3A_88, %mul3A_104 : i32
          %get3A_106 = arith.index_cast %mul3A_105 : i32 to index
          %get3A_107 = tpu.vector_load %arg10[%get3A_106] {strides = array<i32>} : memref<8000xi32, #tpu.memory_space<vmem>>, vector<16xi32>,
          %mul3A_108 = arith.constant 16 : i32
          %mul3A_109 = arith.muli %scan3A_88, %mul3A_108 : i32
          %get3A_110 = arith.index_cast %mul3A_109 : i32 to index
          %get3A_111 = tpu.vector_load %arg11[%get3A_110] {strides = array<i32>} : memref<8000xf32, #tpu.memory_space<vmem>>, vector<16xf32>,
          %max3A = arith.constant 0.000000e+00 : f32
          %max3A_112 = vector.broadcast %max3A : f32 to vector<16xf32>
          %max3A_113 = arith.maximumf %get3A_111, %max3A_112 : vector<16xf32>
          %gather3A = tpu.vector_load_idx %arg15[%get3A_107] : memref<10256xf32, #tpu.memory_space<vmem>>[vector<16xi32>], vector<16xf32>,
          %mul3A_114 = arith.mulf %gather3A, %max3A_113 : vector<16xf32>
          %gather3A_115 = tpu.vector_load_idx %arg15[%get3A_92] : memref<10256xf32, #tpu.memory_space<vmem>>[vector<16xi32>], vector<16xf32>,
          %mul3A_116 = arith.mulf %mul3A_114, %gather3A_115 : vector<16xf32>
          %add3A_117 = arith.constant 0 : i32
          %add3A_118 = vector.broadcast %add3A_117 : i32 to vector<16xi32>
          %add3A_119 = arith.addi %get3A_107, %add3A_118 : vector<16xi32>
          %swap3A = arith.index_cast %scan3A_89 : i32 to index
          %swap3A_120 = tpu.vector_load %arg12[%swap3A] masked %and3A {strides = array<i32>} : memref<8192xi32, #tpu.memory_space<vmem>>, vector<16xi32>, vector<16xi1>
          tpu.vector_store %arg12[%swap3A], %add3A_119 masked %and3A {strides = array<i32>} : memref<8192xi32, #tpu.memory_space<vmem>>, vector<16xi32>, vector<16xi1>
          %sub3A = vector.broadcast %mul3A_2 : i32 to vector<16xi32>
          %sub3A_121 = arith.subi %get3A_92, %sub3A : vector<16xi32>
          %swap3A_122 = arith.index_cast %scan3A_89 : i32 to index
          %swap3A_123 = tpu.vector_load %arg13[%swap3A_122] masked %and3A {strides = array<i32>} : memref<8192xi32, #tpu.memory_space<vmem>>, vector<16xi32>, vector<16xi1>
          tpu.vector_store %arg13[%swap3A_122], %sub3A_121 masked %and3A {strides = array<i32>} : memref<8192xi32, #tpu.memory_space<vmem>>, vector<16xi32>, vector<16xi1>
          %swap3A_124 = arith.index_cast %scan3A_89 : i32 to index
          %swap3A_125 = tpu.vector_load %arg14[%swap3A_124] masked %and3A {strides = array<i32>} : memref<8192xf32, #tpu.memory_space<vmem>>, vector<16xf32>, vector<16xi1>
          tpu.vector_store %arg14[%swap3A_124], %mul3A_116 masked %and3A {strides = array<i32>} : memref<8192xf32, #tpu.memory_space<vmem>>, vector<16xf32>, vector<16xi1>
        } else {
        }
        %add3A_103 = arith.addi %scan3A_89, %reduce_sum3A_99 : i32
        scf.yield %add3A_103 : i32
      }
      %scan3A_72 = arith.constant 500 : i32
      %add3A_73 = arith.constant 31 : i32
      %add3A_74 = arith.addi %scan3A_71, %add3A_73 : i32
      %shift_right_logical3A = arith.constant 5 : i32
      %shift_right_logical3A_75 = arith.shrui %add3A_74, %shift_right_logical3A : i32
      %while3A = arith.constant 0 : i32
      %while3A_76 = arith.constant 0 : i32
      %while3A_77 = arith.subi %shift_right_logical3A_75, %while3A : i32
      %while3A_78 = arith.addi %while3A, %while3A_77 : i32
      %while3A_79 = arith.constant 1 : i32
      %while3A_80 = arith.divsi %while3A_77, %while3A_79 : i32
      %while3A_81 = arith.muli %while3A_80, %while3A_79 : i32
      %while3A_82 = arith.addi %while3A, %while3A_81 : i32
      %while3A_83 = arith.constant 1 : i32
      %while3A_84 = scf.for %while3A_88 = %while3A to %while3A_82 step %while3A_83 iter_args(%while3A_89 = %while3A_76) -> (i32)  : i32 {
        %mul3A_90 = arith.constant 32 : i32
        %mul3A_91 = arith.muli %while3A_88, %mul3A_90 : i32
        %dma_start3A = tpu.memref_slice %arg12[%mul3A_91] : memref<8192xi32, #tpu.memory_space<vmem>> -> memref<32xi32, #tpu.memory_space<vmem>>
        %dma_start3A_92 = arith.constant 0 : i32
        %dma_start3A_93 = arith.constant 0 : i32
        %dma_start3A_94 = tpu.memref_slice %arg6[%dma_start3A_92, %dma_start3A_93] : memref<20480x128xf32, #tpu.memory_space<hbm>> -> memref<20480x128xf32, #tpu.memory_space<hbm>>
        tpu.enqueue_indirect_dma source(%dma_start3A_94 : memref<20480x128xf32, #tpu.memory_space<hbm>>) target(%arg17 : memref<32x128xf32, #tpu.memory_space<vmem>>) offsets(%dma_start3A : memref<32xi32, #tpu.memory_space<vmem>>) semaphore(%arg19 : memref<!tpu.dma_semaphore, #tpu.memory_space<semaphore_mem>>)
        %dma_wait3A = tpu.memref_slice %arg12[%mul3A_91] : memref<8192xi32, #tpu.memory_space<vmem>> -> memref<32xi32, #tpu.memory_space<vmem>>
        %dma_wait3A_95 = arith.constant 0 : i32
        %dma_wait3A_96 = arith.constant 0 : i32
        %dma_wait3A_97 = tpu.memref_slice %arg6[%dma_wait3A_95, %dma_wait3A_96] : memref<20480x128xf32, #tpu.memory_space<hbm>> -> memref<20480x128xf32, #tpu.memory_space<hbm>>
        tpu.wait_indirect_dma semaphore(%arg19 : memref<!tpu.dma_semaphore, #tpu.memory_space<semaphore_mem>>) src(%dma_wait3A_97 : memref<20480x128xf32, #tpu.memory_space<hbm>>) dst(%arg17 : memref<32x128xf32, #tpu.memory_space<vmem>>)
        %scan3A_98 = arith.constant 0 : i32
        %scan3A_99 = arith.constant 0 : i32
        %scan3A_100 = arith.constant 32 : i32
        %scan3A_101 = arith.addi %scan3A_99, %scan3A_100 : i32
        %scan3A_102 = arith.constant 1 : i32
        %scan3A_103 = scf.for %scan3A_106 = %scan3A_99 to %scan3A_101 step %scan3A_102 iter_args(%scan3A_107 = %scan3A_98) -> (i32)  : i32 {
          %mul3A_108 = arith.constant 32 : i32
          %mul3A_109 = arith.muli %while3A_88, %mul3A_108 : i32
          %add3A_110 = arith.addi %mul3A_109, %scan3A_106 : i32
          %lt3A = arith.cmpi slt, %add3A_110, %scan3A_71 : i32
          %convert_element_type3A = arith.extui %lt3A : i1 to i32
          %cond3A = arith.constant 0 : i32
          %cond3A_111 = arith.cmpi ne, %convert_element_type3A, %cond3A : i32
          scf.if %cond3A_111 {
            %get3A = arith.index_cast %add3A_110 : i32 to index
            %get3A_113 = tpu.vector_load %arg13[%get3A] {strides = array<i32>} : memref<8192xi32, #tpu.memory_space<vmem>>, vector<16xi32>,
            %slice3A = vector.extract_strided_slice %get3A_113 {offsets = [0], sizes = [1], strides = [1]} : vector<16xi32> to vector<1xi32>
            %squeeze3A = vector.extract %slice3A[0] : i32 from vector<1xi32>
            %get3A_114 = arith.index_cast %add3A_110 : i32 to index
            %get3A_115 = tpu.vector_load %arg14[%get3A_114] {strides = array<i32>} : memref<8192xf32, #tpu.memory_space<vmem>>, vector<16xf32>,
            %slice3A_116 = vector.extract_strided_slice %get3A_115 {offsets = [0], sizes = [1], strides = [1]} : vector<16xf32> to vector<1xf32>
            %squeeze3A_117 = vector.extract %slice3A_116[0] : f32 from vector<1xf32>
            %broadcast_in_dim3A_118 = vector.broadcast %squeeze3A_117 : f32 to vector<16xf32>
            %get3A_119 = arith.index_cast %squeeze3A : i32 to index
            %get3A_120 = arith.constant 0 : index
            %get3A_121 = tpu.vector_load %arg16[%get3A_119, %get3A_120] {strides = array<i32>} : memref<320x128xf32, #tpu.memory_space<vmem>>, vector<16xf32>,
            %get3A_122 = arith.index_cast %scan3A_106 : i32 to index
            %get3A_123 = arith.constant 0 : index
            %get3A_124 = tpu.vector_load %arg17[%get3A_122, %get3A_123] {strides = array<i32>} : memref<32x128xf32, #tpu.memory_space<vmem>>, vector<16xf32>,
            %mul3A_125 = arith.mulf %get3A_124, %broadcast_in_dim3A_118 : vector<16xf32>
            %max3A = arith.maximumf %get3A_121, %mul3A_125 : vector<16xf32>
            %swap3A = arith.index_cast %squeeze3A : i32 to index
            %swap3A_126 = arith.constant 0 : index
            %swap3A_127 = tpu.vector_load %arg16[%swap3A, %swap3A_126] {strides = array<i32>} : memref<320x128xf32, #tpu.memory_space<vmem>>, vector<16xf32>,
            tpu.vector_store %arg16[%swap3A, %swap3A_126], %max3A {strides = array<i32>} : memref<320x128xf32, #tpu.memory_space<vmem>>, vector<16xf32>,
            %get3A_128 = arith.index_cast %squeeze3A : i32 to index
            %get3A_129 = arith.constant 16 : index
            %get3A_130 = tpu.vector_load %arg16[%get3A_128, %get3A_129] {strides = array<i32>} : memref<320x128xf32, #tpu.memory_space<vmem>>, vector<16xf32>,
            %get3A_131 = arith.index_cast %scan3A_106 : i32 to index
            %get3A_132 = arith.constant 16 : index
            %get3A_133 = tpu.vector_load %arg17[%get3A_131, %get3A_132] {strides = array<i32>} : memref<32x128xf32, #tpu.memory_space<vmem>>, vector<16xf32>,
            %mul3A_134 = arith.mulf %get3A_133, %broadcast_in_dim3A_118 : vector<16xf32>
            %max3A_135 = arith.maximumf %get3A_130, %mul3A_134 : vector<16xf32>
            %swap3A_136 = arith.index_cast %squeeze3A : i32 to index
            %swap3A_137 = arith.constant 16 : index
            %swap3A_138 = tpu.vector_load %arg16[%swap3A_136, %swap3A_137] {strides = array<i32>} : memref<320x128xf32, #tpu.memory_space<vmem>>, vector<16xf32>,
            tpu.vector_store %arg16[%swap3A_136, %swap3A_137], %max3A_135 {strides = array<i32>} : memref<320x128xf32, #tpu.memory_space<vmem>>, vector<16xf32>,
            %get3A_139 = arith.index_cast %squeeze3A : i32 to index
            %get3A_140 = arith.constant 32 : index
            %get3A_141 = tpu.vector_load %arg16[%get3A_139, %get3A_140] {strides = array<i32>} : memref<320x128xf32, #tpu.memory_space<vmem>>, vector<16xf32>,
            %get3A_142 = arith.index_cast %scan3A_106 : i32 to index
            %get3A_143 = arith.constant 32 : index
            %get3A_144 = tpu.vector_load %arg17[%get3A_142, %get3A_143] {strides = array<i32>} : memref<32x128xf32, #tpu.memory_space<vmem>>, vector<16xf32>,
            %mul3A_145 = arith.mulf %get3A_144, %broadcast_in_dim3A_118 : vector<16xf32>
            %max3A_146 = arith.maximumf %get3A_141, %mul3A_145 : vector<16xf32>
            %swap3A_147 = arith.index_cast %squeeze3A : i32 to index
            %swap3A_148 = arith.constant 32 : index
            %swap3A_149 = tpu.vector_load %arg16[%swap3A_147, %swap3A_148] {strides = array<i32>} : memref<320x128xf32, #tpu.memory_space<vmem>>, vector<16xf32>,
            tpu.vector_store %arg16[%swap3A_147, %swap3A_148], %max3A_146 {strides = array<i32>} : memref<320x128xf32, #tpu.memory_space<vmem>>, vector<16xf32>,
            %get3A_150 = arith.index_cast %squeeze3A : i32 to index
            %get3A_151 = arith.constant 48 : index
            %get3A_152 = tpu.vector_load %arg16[%get3A_150, %get3A_151] {strides = array<i32>} : memref<320x128xf32, #tpu.memory_space<vmem>>, vector<16xf32>,
            %get3A_153 = arith.index_cast %scan3A_106 : i32 to index
            %get3A_154 = arith.constant 48 : index
            %get3A_155 = tpu.vector_load %arg17[%get3A_153, %get3A_154] {strides = array<i32>} : memref<32x128xf32, #tpu.memory_space<vmem>>, vector<16xf32>,
            %mul3A_156 = arith.mulf %get3A_155, %broadcast_in_dim3A_118 : vector<16xf32>
            %max3A_157 = arith.maximumf %get3A_152, %mul3A_156 : vector<16xf32>
            %swap3A_158 = arith.index_cast %squeeze3A : i32 to index
            %swap3A_159 = arith.constant 48 : index
            %swap3A_160 = tpu.vector_load %arg16[%swap3A_158, %swap3A_159] {strides = array<i32>} : memref<320x128xf32, #tpu.memory_space<vmem>>, vector<16xf32>,
            tpu.vector_store %arg16[%swap3A_158, %swap3A_159], %max3A_157 {strides = array<i32>} : memref<320x128xf32, #tpu.memory_space<vmem>>, vector<16xf32>,
            %get3A_161 = arith.index_cast %squeeze3A : i32 to index
            %get3A_162 = arith.constant 64 : index
            %get3A_163 = tpu.vector_load %arg16[%get3A_161, %get3A_162] {strides = array<i32>} : memref<320x128xf32, #tpu.memory_space<vmem>>, vector<16xf32>,
            %get3A_164 = arith.index_cast %scan3A_106 : i32 to index
            %get3A_165 = arith.constant 64 : index
            %get3A_166 = tpu.vector_load %arg17[%get3A_164, %get3A_165] {strides = array<i32>} : memref<32x128xf32, #tpu.memory_space<vmem>>, vector<16xf32>,
            %mul3A_167 = arith.mulf %get3A_166, %broadcast_in_dim3A_118 : vector<16xf32>
            %max3A_168 = arith.maximumf %get3A_163, %mul3A_167 : vector<16xf32>
            %swap3A_169 = arith.index_cast %squeeze3A : i32 to index
            %swap3A_170 = arith.constant 64 : index
            %swap3A_171 = tpu.vector_load %arg16[%swap3A_169, %swap3A_170] {strides = array<i32>} : memref<320x128xf32, #tpu.memory_space<vmem>>, vector<16xf32>,
            tpu.vector_store %arg16[%swap3A_169, %swap3A_170], %max3A_168 {strides = array<i32>} : memref<320x128xf32, #tpu.memory_space<vmem>>, vector<16xf32>,
            %get3A_172 = arith.index_cast %squeeze3A : i32 to index
            %get3A_173 = arith.constant 80 : index
            %get3A_174 = tpu.vector_load %arg16[%get3A_172, %get3A_173] {strides = array<i32>} : memref<320x128xf32, #tpu.memory_space<vmem>>, vector<16xf32>,
            %get3A_175 = arith.index_cast %scan3A_106 : i32 to index
            %get3A_176 = arith.constant 80 : index
            %get3A_177 = tpu.vector_load %arg17[%get3A_175, %get3A_176] {strides = array<i32>} : memref<32x128xf32, #tpu.memory_space<vmem>>, vector<16xf32>,
            %mul3A_178 = arith.mulf %get3A_177, %broadcast_in_dim3A_118 : vector<16xf32>
            %max3A_179 = arith.maximumf %get3A_174, %mul3A_178 : vector<16xf32>
            %swap3A_180 = arith.index_cast %squeeze3A : i32 to index
            %swap3A_181 = arith.constant 80 : index
            %swap3A_182 = tpu.vector_load %arg16[%swap3A_180, %swap3A_181] {strides = array<i32>} : memref<320x128xf32, #tpu.memory_space<vmem>>, vector<16xf32>,
            tpu.vector_store %arg16[%swap3A_180, %swap3A_181], %max3A_179 {strides = array<i32>} : memref<320x128xf32, #tpu.memory_space<vmem>>, vector<16xf32>,
            %get3A_183 = arith.index_cast %squeeze3A : i32 to index
            %get3A_184 = arith.constant 96 : index
            %get3A_185 = tpu.vector_load %arg16[%get3A_183, %get3A_184] {strides = array<i32>} : memref<320x128xf32, #tpu.memory_space<vmem>>, vector<16xf32>,
            %get3A_186 = arith.index_cast %scan3A_106 : i32 to index
            %get3A_187 = arith.constant 96 : index
            %get3A_188 = tpu.vector_load %arg17[%get3A_186, %get3A_187] {strides = array<i32>} : memref<32x128xf32, #tpu.memory_space<vmem>>, vector<16xf32>,
            %mul3A_189 = arith.mulf %get3A_188, %broadcast_in_dim3A_118 : vector<16xf32>
            %max3A_190 = arith.maximumf %get3A_185, %mul3A_189 : vector<16xf32>
            %swap3A_191 = arith.index_cast %squeeze3A : i32 to index
            %swap3A_192 = arith.constant 96 : index
            %swap3A_193 = tpu.vector_load %arg16[%swap3A_191, %swap3A_192] {strides = array<i32>} : memref<320x128xf32, #tpu.memory_space<vmem>>, vector<16xf32>,
            tpu.vector_store %arg16[%swap3A_191, %swap3A_192], %max3A_190 {strides = array<i32>} : memref<320x128xf32, #tpu.memory_space<vmem>>, vector<16xf32>,
            %get3A_194 = arith.index_cast %squeeze3A : i32 to index
            %get3A_195 = arith.constant 112 : index
            %get3A_196 = tpu.vector_load %arg16[%get3A_194, %get3A_195] {strides = array<i32>} : memref<320x128xf32, #tpu.memory_space<vmem>>, vector<16xf32>,
            %get3A_197 = arith.index_cast %scan3A_106 : i32 to index
            %get3A_198 = arith.constant 112 : index
            %get3A_199 = tpu.vector_load %arg17[%get3A_197, %get3A_198] {strides = array<i32>} : memref<32x128xf32, #tpu.memory_space<vmem>>, vector<16xf32>,
            %mul3A_200 = arith.mulf %get3A_199, %broadcast_in_dim3A_118 : vector<16xf32>
            %max3A_201 = arith.maximumf %get3A_196, %mul3A_200 : vector<16xf32>
            %swap3A_202 = arith.index_cast %squeeze3A : i32 to index
            %swap3A_203 = arith.constant 112 : index
            %swap3A_204 = tpu.vector_load %arg16[%swap3A_202, %swap3A_203] {strides = array<i32>} : memref<320x128xf32, #tpu.memory_space<vmem>>, vector<16xf32>,
            tpu.vector_store %arg16[%swap3A_202, %swap3A_203], %max3A_201 {strides = array<i32>} : memref<320x128xf32, #tpu.memory_space<vmem>>, vector<16xf32>,
          } else {
          }
          %scan3A_112 = arith.constant 0 : i32
          scf.yield %scan3A_112 : i32
        }
        %scan3A_104 = arith.constant 32 : i32
        %while3A_105 = arith.constant 0 : i32
        scf.yield %while3A_105 : i32
      }
      %while3A_85 = arith.constant 1 : i32
      %while3A_86 = scf.for %while3A_88 = %while3A_82 to %while3A_78 step %while3A_85 iter_args(%while3A_89 = %while3A_84) -> (i32)  : i32 {
        %mul3A_90 = arith.constant 32 : i32
        %mul3A_91 = arith.muli %while3A_88, %mul3A_90 : i32
        %dma_start3A = tpu.memref_slice %arg12[%mul3A_91] : memref<8192xi32, #tpu.memory_space<vmem>> -> memref<32xi32, #tpu.memory_space<vmem>>
        %dma_start3A_92 = arith.constant 0 : i32
        %dma_start3A_93 = arith.constant 0 : i32
        %dma_start3A_94 = tpu.memref_slice %arg6[%dma_start3A_92, %dma_start3A_93] : memref<20480x128xf32, #tpu.memory_space<hbm>> -> memref<20480x128xf32, #tpu.memory_space<hbm>>
        tpu.enqueue_indirect_dma source(%dma_start3A_94 : memref<20480x128xf32, #tpu.memory_space<hbm>>) target(%arg17 : memref<32x128xf32, #tpu.memory_space<vmem>>) offsets(%dma_start3A : memref<32xi32, #tpu.memory_space<vmem>>) semaphore(%arg19 : memref<!tpu.dma_semaphore, #tpu.memory_space<semaphore_mem>>)
        %dma_wait3A = tpu.memref_slice %arg12[%mul3A_91] : memref<8192xi32, #tpu.memory_space<vmem>> -> memref<32xi32, #tpu.memory_space<vmem>>
        %dma_wait3A_95 = arith.constant 0 : i32
        %dma_wait3A_96 = arith.constant 0 : i32
        %dma_wait3A_97 = tpu.memref_slice %arg6[%dma_wait3A_95, %dma_wait3A_96] : memref<20480x128xf32, #tpu.memory_space<hbm>> -> memref<20480x128xf32, #tpu.memory_space<hbm>>
        tpu.wait_indirect_dma semaphore(%arg19 : memref<!tpu.dma_semaphore, #tpu.memory_space<semaphore_mem>>) src(%dma_wait3A_97 : memref<20480x128xf32, #tpu.memory_space<hbm>>) dst(%arg17 : memref<32x128xf32, #tpu.memory_space<vmem>>)
        %scan3A_98 = arith.constant 0 : i32
        %scan3A_99 = arith.constant 0 : i32
        %scan3A_100 = arith.constant 32 : i32
        %scan3A_101 = arith.addi %scan3A_99, %scan3A_100 : i32
        %scan3A_102 = arith.constant 1 : i32
        %scan3A_103 = scf.for %scan3A_106 = %scan3A_99 to %scan3A_101 step %scan3A_102 iter_args(%scan3A_107 = %scan3A_98) -> (i32)  : i32 {
          %mul3A_108 = arith.constant 32 : i32
          %mul3A_109 = arith.muli %while3A_88, %mul3A_108 : i32
          %add3A_110 = arith.addi %mul3A_109, %scan3A_106 : i32
          %lt3A = arith.cmpi slt, %add3A_110, %scan3A_71 : i32
          %convert_element_type3A = arith.extui %lt3A : i1 to i32
          %cond3A = arith.constant 0 : i32
          %cond3A_111 = arith.cmpi ne, %convert_element_type3A, %cond3A : i32
          scf.if %cond3A_111 {
            %get3A = arith.index_cast %add3A_110 : i32 to index
            %get3A_113 = tpu.vector_load %arg13[%get3A] {strides = array<i32>} : memref<8192xi32, #tpu.memory_space<vmem>>, vector<16xi32>,
            %slice3A = vector.extract_strided_slice %get3A_113 {offsets = [0], sizes = [1], strides = [1]} : vector<16xi32> to vector<1xi32>
            %squeeze3A = vector.extract %slice3A[0] : i32 from vector<1xi32>
            %get3A_114 = arith.index_cast %add3A_110 : i32 to index
            %get3A_115 = tpu.vector_load %arg14[%get3A_114] {strides = array<i32>} : memref<8192xf32, #tpu.memory_space<vmem>>, vector<16xf32>,
            %slice3A_116 = vector.extract_strided_slice %get3A_115 {offsets = [0], sizes = [1], strides = [1]} : vector<16xf32> to vector<1xf32>
            %squeeze3A_117 = vector.extract %slice3A_116[0] : f32 from vector<1xf32>
            %broadcast_in_dim3A_118 = vector.broadcast %squeeze3A_117 : f32 to vector<16xf32>
            %get3A_119 = arith.index_cast %squeeze3A : i32 to index
            %get3A_120 = arith.constant 0 : index
            %get3A_121 = tpu.vector_load %arg16[%get3A_119, %get3A_120] {strides = array<i32>} : memref<320x128xf32, #tpu.memory_space<vmem>>, vector<16xf32>,
            %get3A_122 = arith.index_cast %scan3A_106 : i32 to index
            %get3A_123 = arith.constant 0 : index
            %get3A_124 = tpu.vector_load %arg17[%get3A_122, %get3A_123] {strides = array<i32>} : memref<32x128xf32, #tpu.memory_space<vmem>>, vector<16xf32>,
            %mul3A_125 = arith.mulf %get3A_124, %broadcast_in_dim3A_118 : vector<16xf32>
            %max3A = arith.maximumf %get3A_121, %mul3A_125 : vector<16xf32>
            %swap3A = arith.index_cast %squeeze3A : i32 to index
            %swap3A_126 = arith.constant 0 : index
            %swap3A_127 = tpu.vector_load %arg16[%swap3A, %swap3A_126] {strides = array<i32>} : memref<320x128xf32, #tpu.memory_space<vmem>>, vector<16xf32>,
            tpu.vector_store %arg16[%swap3A, %swap3A_126], %max3A {strides = array<i32>} : memref<320x128xf32, #tpu.memory_space<vmem>>, vector<16xf32>,
            %get3A_128 = arith.index_cast %squeeze3A : i32 to index
            %get3A_129 = arith.constant 16 : index
            %get3A_130 = tpu.vector_load %arg16[%get3A_128, %get3A_129] {strides = array<i32>} : memref<320x128xf32, #tpu.memory_space<vmem>>, vector<16xf32>,
            %get3A_131 = arith.index_cast %scan3A_106 : i32 to index
            %get3A_132 = arith.constant 16 : index
            %get3A_133 = tpu.vector_load %arg17[%get3A_131, %get3A_132] {strides = array<i32>} : memref<32x128xf32, #tpu.memory_space<vmem>>, vector<16xf32>,
            %mul3A_134 = arith.mulf %get3A_133, %broadcast_in_dim3A_118 : vector<16xf32>
            %max3A_135 = arith.maximumf %get3A_130, %mul3A_134 : vector<16xf32>
            %swap3A_136 = arith.index_cast %squeeze3A : i32 to index
            %swap3A_137 = arith.constant 16 : index
            %swap3A_138 = tpu.vector_load %arg16[%swap3A_136, %swap3A_137] {strides = array<i32>} : memref<320x128xf32, #tpu.memory_space<vmem>>, vector<16xf32>,
            tpu.vector_store %arg16[%swap3A_136, %swap3A_137], %max3A_135 {strides = array<i32>} : memref<320x128xf32, #tpu.memory_space<vmem>>, vector<16xf32>,
            %get3A_139 = arith.index_cast %squeeze3A : i32 to index
            %get3A_140 = arith.constant 32 : index
            %get3A_141 = tpu.vector_load %arg16[%get3A_139, %get3A_140] {strides = array<i32>} : memref<320x128xf32, #tpu.memory_space<vmem>>, vector<16xf32>,
            %get3A_142 = arith.index_cast %scan3A_106 : i32 to index
            %get3A_143 = arith.constant 32 : index
            %get3A_144 = tpu.vector_load %arg17[%get3A_142, %get3A_143] {strides = array<i32>} : memref<32x128xf32, #tpu.memory_space<vmem>>, vector<16xf32>,
            %mul3A_145 = arith.mulf %get3A_144, %broadcast_in_dim3A_118 : vector<16xf32>
            %max3A_146 = arith.maximumf %get3A_141, %mul3A_145 : vector<16xf32>
            %swap3A_147 = arith.index_cast %squeeze3A : i32 to index
            %swap3A_148 = arith.constant 32 : index
            %swap3A_149 = tpu.vector_load %arg16[%swap3A_147, %swap3A_148] {strides = array<i32>} : memref<320x128xf32, #tpu.memory_space<vmem>>, vector<16xf32>,
            tpu.vector_store %arg16[%swap3A_147, %swap3A_148], %max3A_146 {strides = array<i32>} : memref<320x128xf32, #tpu.memory_space<vmem>>, vector<16xf32>,
            %get3A_150 = arith.index_cast %squeeze3A : i32 to index
            %get3A_151 = arith.constant 48 : index
            %get3A_152 = tpu.vector_load %arg16[%get3A_150, %get3A_151] {strides = array<i32>} : memref<320x128xf32, #tpu.memory_space<vmem>>, vector<16xf32>,
            %get3A_153 = arith.index_cast %scan3A_106 : i32 to index
            %get3A_154 = arith.constant 48 : index
            %get3A_155 = tpu.vector_load %arg17[%get3A_153, %get3A_154] {strides = array<i32>} : memref<32x128xf32, #tpu.memory_space<vmem>>, vector<16xf32>,
            %mul3A_156 = arith.mulf %get3A_155, %broadcast_in_dim3A_118 : vector<16xf32>
            %max3A_157 = arith.maximumf %get3A_152, %mul3A_156 : vector<16xf32>
            %swap3A_158 = arith.index_cast %squeeze3A : i32 to index
            %swap3A_159 = arith.constant 48 : index
            %swap3A_160 = tpu.vector_load %arg16[%swap3A_158, %swap3A_159] {strides = array<i32>} : memref<320x128xf32, #tpu.memory_space<vmem>>, vector<16xf32>,
            tpu.vector_store %arg16[%swap3A_158, %swap3A_159], %max3A_157 {strides = array<i32>} : memref<320x128xf32, #tpu.memory_space<vmem>>, vector<16xf32>,
            %get3A_161 = arith.index_cast %squeeze3A : i32 to index
            %get3A_162 = arith.constant 64 : index
            %get3A_163 = tpu.vector_load %arg16[%get3A_161, %get3A_162] {strides = array<i32>} : memref<320x128xf32, #tpu.memory_space<vmem>>, vector<16xf32>,
            %get3A_164 = arith.index_cast %scan3A_106 : i32 to index
            %get3A_165 = arith.constant 64 : index
            %get3A_166 = tpu.vector_load %arg17[%get3A_164, %get3A_165] {strides = array<i32>} : memref<32x128xf32, #tpu.memory_space<vmem>>, vector<16xf32>,
            %mul3A_167 = arith.mulf %get3A_166, %broadcast_in_dim3A_118 : vector<16xf32>
            %max3A_168 = arith.maximumf %get3A_163, %mul3A_167 : vector<16xf32>
            %swap3A_169 = arith.index_cast %squeeze3A : i32 to index
            %swap3A_170 = arith.constant 64 : index
            %swap3A_171 = tpu.vector_load %arg16[%swap3A_169, %swap3A_170] {strides = array<i32>} : memref<320x128xf32, #tpu.memory_space<vmem>>, vector<16xf32>,
            tpu.vector_store %arg16[%swap3A_169, %swap3A_170], %max3A_168 {strides = array<i32>} : memref<320x128xf32, #tpu.memory_space<vmem>>, vector<16xf32>,
            %get3A_172 = arith.index_cast %squeeze3A : i32 to index
            %get3A_173 = arith.constant 80 : index
            %get3A_174 = tpu.vector_load %arg16[%get3A_172, %get3A_173] {strides = array<i32>} : memref<320x128xf32, #tpu.memory_space<vmem>>, vector<16xf32>,
            %get3A_175 = arith.index_cast %scan3A_106 : i32 to index
            %get3A_176 = arith.constant 80 : index
            %get3A_177 = tpu.vector_load %arg17[%get3A_175, %get3A_176] {strides = array<i32>} : memref<32x128xf32, #tpu.memory_space<vmem>>, vector<16xf32>,
            %mul3A_178 = arith.mulf %get3A_177, %broadcast_in_dim3A_118 : vector<16xf32>
            %max3A_179 = arith.maximumf %get3A_174, %mul3A_178 : vector<16xf32>
            %swap3A_180 = arith.index_cast %squeeze3A : i32 to index
            %swap3A_181 = arith.constant 80 : index
            %swap3A_182 = tpu.vector_load %arg16[%swap3A_180, %swap3A_181] {strides = array<i32>} : memref<320x128xf32, #tpu.memory_space<vmem>>, vector<16xf32>,
            tpu.vector_store %arg16[%swap3A_180, %swap3A_181], %max3A_179 {strides = array<i32>} : memref<320x128xf32, #tpu.memory_space<vmem>>, vector<16xf32>,
            %get3A_183 = arith.index_cast %squeeze3A : i32 to index
            %get3A_184 = arith.constant 96 : index
            %get3A_185 = tpu.vector_load %arg16[%get3A_183, %get3A_184] {strides = array<i32>} : memref<320x128xf32, #tpu.memory_space<vmem>>, vector<16xf32>,
            %get3A_186 = arith.index_cast %scan3A_106 : i32 to index
            %get3A_187 = arith.constant 96 : index
            %get3A_188 = tpu.vector_load %arg17[%get3A_186, %get3A_187] {strides = array<i32>} : memref<32x128xf32, #tpu.memory_space<vmem>>, vector<16xf32>,
            %mul3A_189 = arith.mulf %get3A_188, %broadcast_in_dim3A_118 : vector<16xf32>
            %max3A_190 = arith.maximumf %get3A_185, %mul3A_189 : vector<16xf32>
            %swap3A_191 = arith.index_cast %squeeze3A : i32 to index
            %swap3A_192 = arith.constant 96 : index
            %swap3A_193 = tpu.vector_load %arg16[%swap3A_191, %swap3A_192] {strides = array<i32>} : memref<320x128xf32, #tpu.memory_space<vmem>>, vector<16xf32>,
            tpu.vector_store %arg16[%swap3A_191, %swap3A_192], %max3A_190 {strides = array<i32>} : memref<320x128xf32, #tpu.memory_space<vmem>>, vector<16xf32>,
            %get3A_194 = arith.index_cast %squeeze3A : i32 to index
            %get3A_195 = arith.constant 112 : index
            %get3A_196 = tpu.vector_load %arg16[%get3A_194, %get3A_195] {strides = array<i32>} : memref<320x128xf32, #tpu.memory_space<vmem>>, vector<16xf32>,
            %get3A_197 = arith.index_cast %scan3A_106 : i32 to index
            %get3A_198 = arith.constant 112 : index
            %get3A_199 = tpu.vector_load %arg17[%get3A_197, %get3A_198] {strides = array<i32>} : memref<32x128xf32, #tpu.memory_space<vmem>>, vector<16xf32>,
            %mul3A_200 = arith.mulf %get3A_199, %broadcast_in_dim3A_118 : vector<16xf32>
            %max3A_201 = arith.maximumf %get3A_196, %mul3A_200 : vector<16xf32>
            %swap3A_202 = arith.index_cast %squeeze3A : i32 to index
            %swap3A_203 = arith.constant 112 : index
            %swap3A_204 = tpu.vector_load %arg16[%swap3A_202, %swap3A_203] {strides = array<i32>} : memref<320x128xf32, #tpu.memory_space<vmem>>, vector<16xf32>,
            tpu.vector_store %arg16[%swap3A_202, %swap3A_203], %max3A_201 {strides = array<i32>} : memref<320x128xf32, #tpu.memory_space<vmem>>, vector<16xf32>,
          } else {
          }
          %scan3A_112 = arith.constant 0 : i32
          scf.yield %scan3A_112 : i32
        }
        %scan3A_104 = arith.constant 32 : i32
        %while3A_105 = arith.constant 0 : i32
        scf.yield %while3A_105 : i32
      }
      %scan3A_87 = arith.constant 0 : i32
      scf.yield %scan3A_87 : i32
    }
    %scan3A_25 = arith.constant 40 : i32
    %scan3A_26 = arith.constant 0 : i32
    %scan3A_27 = arith.constant 0 : i32
    %scan3A_28 = arith.constant 320 : i32
    %scan3A_29 = arith.addi %scan3A_27, %scan3A_28 : i32
    %scan3A_30 = arith.constant 1 : i32
    %scan3A_31 = scf.for %scan3A_60 = %scan3A_27 to %scan3A_29 step %scan3A_30 iter_args(%scan3A_61 = %scan3A_26) -> (i32)  : i32 {
      %get3A = arith.index_cast %scan3A_60 : i32 to index
      %get3A_62 = arith.constant 0 : index
      %get3A_63 = tpu.vector_load %arg16[%get3A, %get3A_62] {strides = array<i32>} : memref<320x128xf32, #tpu.memory_space<vmem>>, vector<16xf32>,
      %get3A_64 = arith.constant 0 : index
      %get3A_65 = tpu.vector_load %arg18[%get3A_64] {strides = array<i32>} : memref<128xf32, #tpu.memory_space<vmem>>, vector<16xf32>,
      %add3A_66 = arith.addf %get3A_63, %get3A_65 : vector<16xf32>
      %swap3A = arith.index_cast %scan3A_60 : i32 to index
      %swap3A_67 = arith.constant 0 : index
      %swap3A_68 = tpu.vector_load %arg16[%swap3A, %swap3A_67] {strides = array<i32>} : memref<320x128xf32, #tpu.memory_space<vmem>>, vector<16xf32>,
      tpu.vector_store %arg16[%swap3A, %swap3A_67], %add3A_66 {strides = array<i32>} : memref<320x128xf32, #tpu.memory_space<vmem>>, vector<16xf32>,
      %get3A_69 = arith.index_cast %scan3A_60 : i32 to index
      %get3A_70 = arith.constant 16 : index
      %get3A_71 = tpu.vector_load %arg16[%get3A_69, %get3A_70] {strides = array<i32>} : memref<320x128xf32, #tpu.memory_space<vmem>>, vector<16xf32>,
      %get3A_72 = arith.constant 16 : index
      %get3A_73 = tpu.vector_load %arg18[%get3A_72] {strides = array<i32>} : memref<128xf32, #tpu.memory_space<vmem>>, vector<16xf32>,
      %add3A_74 = arith.addf %get3A_71, %get3A_73 : vector<16xf32>
      %swap3A_75 = arith.index_cast %scan3A_60 : i32 to index
      %swap3A_76 = arith.constant 16 : index
      %swap3A_77 = tpu.vector_load %arg16[%swap3A_75, %swap3A_76] {strides = array<i32>} : memref<320x128xf32, #tpu.memory_space<vmem>>, vector<16xf32>,
      tpu.vector_store %arg16[%swap3A_75, %swap3A_76], %add3A_74 {strides = array<i32>} : memref<320x128xf32, #tpu.memory_space<vmem>>, vector<16xf32>,
      %get3A_78 = arith.index_cast %scan3A_60 : i32 to index
      %get3A_79 = arith.constant 32 : index
      %get3A_80 = tpu.vector_load %arg16[%get3A_78, %get3A_79] {strides = array<i32>} : memref<320x128xf32, #tpu.memory_space<vmem>>, vector<16xf32>,
      %get3A_81 = arith.constant 32 : index
      %get3A_82 = tpu.vector_load %arg18[%get3A_81] {strides = array<i32>} : memref<128xf32, #tpu.memory_space<vmem>>, vector<16xf32>,
      %add3A_83 = arith.addf %get3A_80, %get3A_82 : vector<16xf32>
      %swap3A_84 = arith.index_cast %scan3A_60 : i32 to index
      %swap3A_85 = arith.constant 32 : index
      %swap3A_86 = tpu.vector_load %arg16[%swap3A_84, %swap3A_85] {strides = array<i32>} : memref<320x128xf32, #tpu.memory_space<vmem>>, vector<16xf32>,
      tpu.vector_store %arg16[%swap3A_84, %swap3A_85], %add3A_83 {strides = array<i32>} : memref<320x128xf32, #tpu.memory_space<vmem>>, vector<16xf32>,
      %get3A_87 = arith.index_cast %scan3A_60 : i32 to index
      %get3A_88 = arith.constant 48 : index
      %get3A_89 = tpu.vector_load %arg16[%get3A_87, %get3A_88] {strides = array<i32>} : memref<320x128xf32, #tpu.memory_space<vmem>>, vector<16xf32>,
      %get3A_90 = arith.constant 48 : index
      %get3A_91 = tpu.vector_load %arg18[%get3A_90] {strides = array<i32>} : memref<128xf32, #tpu.memory_space<vmem>>, vector<16xf32>,
      %add3A_92 = arith.addf %get3A_89, %get3A_91 : vector<16xf32>
      %swap3A_93 = arith.index_cast %scan3A_60 : i32 to index
      %swap3A_94 = arith.constant 48 : index
      %swap3A_95 = tpu.vector_load %arg16[%swap3A_93, %swap3A_94] {strides = array<i32>} : memref<320x128xf32, #tpu.memory_space<vmem>>, vector<16xf32>,
      tpu.vector_store %arg16[%swap3A_93, %swap3A_94], %add3A_92 {strides = array<i32>} : memref<320x128xf32, #tpu.memory_space<vmem>>, vector<16xf32>,
      %get3A_96 = arith.index_cast %scan3A_60 : i32 to index
      %get3A_97 = arith.constant 64 : index
      %get3A_98 = tpu.vector_load %arg16[%get3A_96, %get3A_97] {strides = array<i32>} : memref<320x128xf32, #tpu.memory_space<vmem>>, vector<16xf32>,
      %get3A_99 = arith.constant 64 : index
      %get3A_100 = tpu.vector_load %arg18[%get3A_99] {strides = array<i32>} : memref<128xf32, #tpu.memory_space<vmem>>, vector<16xf32>,
      %add3A_101 = arith.addf %get3A_98, %get3A_100 : vector<16xf32>
      %swap3A_102 = arith.index_cast %scan3A_60 : i32 to index
      %swap3A_103 = arith.constant 64 : index
      %swap3A_104 = tpu.vector_load %arg16[%swap3A_102, %swap3A_103] {strides = array<i32>} : memref<320x128xf32, #tpu.memory_space<vmem>>, vector<16xf32>,
      tpu.vector_store %arg16[%swap3A_102, %swap3A_103], %add3A_101 {strides = array<i32>} : memref<320x128xf32, #tpu.memory_space<vmem>>, vector<16xf32>,
      %get3A_105 = arith.index_cast %scan3A_60 : i32 to index
      %get3A_106 = arith.constant 80 : index
      %get3A_107 = tpu.vector_load %arg16[%get3A_105, %get3A_106] {strides = array<i32>} : memref<320x128xf32, #tpu.memory_space<vmem>>, vector<16xf32>,
      %get3A_108 = arith.constant 80 : index
      %get3A_109 = tpu.vector_load %arg18[%get3A_108] {strides = array<i32>} : memref<128xf32, #tpu.memory_space<vmem>>, vector<16xf32>,
      %add3A_110 = arith.addf %get3A_107, %get3A_109 : vector<16xf32>
      %swap3A_111 = arith.index_cast %scan3A_60 : i32 to index
      %swap3A_112 = arith.constant 80 : index
      %swap3A_113 = tpu.vector_load %arg16[%swap3A_111, %swap3A_112] {strides = array<i32>} : memref<320x128xf32, #tpu.memory_space<vmem>>, vector<16xf32>,
      tpu.vector_store %arg16[%swap3A_111, %swap3A_112], %add3A_110 {strides = array<i32>} : memref<320x128xf32, #tpu.memory_space<vmem>>, vector<16xf32>,
      %get3A_114 = arith.index_cast %scan3A_60 : i32 to index
      %get3A_115 = arith.constant 96 : index
      %get3A_116 = tpu.vector_load %arg16[%get3A_114, %get3A_115] {strides = array<i32>} : memref<320x128xf32, #tpu.memory_space<vmem>>, vector<16xf32>,
      %get3A_117 = arith.constant 96 : index
      %get3A_118 = tpu.vector_load %arg18[%get3A_117] {strides = array<i32>} : memref<128xf32, #tpu.memory_space<vmem>>, vector<16xf32>,
      %add3A_119 = arith.addf %get3A_116, %get3A_118 : vector<16xf32>
      %swap3A_120 = arith.index_cast %scan3A_60 : i32 to index
      %swap3A_121 = arith.constant 96 : index
      %swap3A_122 = tpu.vector_load %arg16[%swap3A_120, %swap3A_121] {strides = array<i32>} : memref<320x128xf32, #tpu.memory_space<vmem>>, vector<16xf32>,
      tpu.vector_store %arg16[%swap3A_120, %swap3A_121], %add3A_119 {strides = array<i32>} : memref<320x128xf32, #tpu.memory_space<vmem>>, vector<16xf32>,
      %get3A_123 = arith.index_cast %scan3A_60 : i32 to index
      %get3A_124 = arith.constant 112 : index
      %get3A_125 = tpu.vector_load %arg16[%get3A_123, %get3A_124] {strides = array<i32>} : memref<320x128xf32, #tpu.memory_space<vmem>>, vector<16xf32>,
      %get3A_126 = arith.constant 112 : index
      %get3A_127 = tpu.vector_load %arg18[%get3A_126] {strides = array<i32>} : memref<128xf32, #tpu.memory_space<vmem>>, vector<16xf32>,
      %add3A_128 = arith.addf %get3A_125, %get3A_127 : vector<16xf32>
      %swap3A_129 = arith.index_cast %scan3A_60 : i32 to index
      %swap3A_130 = arith.constant 112 : index
      %swap3A_131 = tpu.vector_load %arg16[%swap3A_129, %swap3A_130] {strides = array<i32>} : memref<320x128xf32, #tpu.memory_space<vmem>>, vector<16xf32>,
      tpu.vector_store %arg16[%swap3A_129, %swap3A_130], %add3A_128 {strides = array<i32>} : memref<320x128xf32, #tpu.memory_space<vmem>>, vector<16xf32>,
      %scan3A_132 = arith.constant 0 : i32
      scf.yield %scan3A_132 : i32
    }
    %scan3A_32 = arith.constant 320 : i32
    %add3A_33 = arith.constant 0 : i32
    %add3A_34 = arith.addi %add3A_33, %mul3A_2 : i32
    "tpu.region"() ({
      %run_scoped3A = tpu.sem_alloc : memref<!tpu.dma_semaphore, #tpu.memory_space<semaphore_mem>>
      %dma_start3A = arith.constant 0 : i32
      %dma_start3A_60 = tpu.memref_slice %arg8[%add3A_34, %dma_start3A] : memref<20480x128xf32, #tpu.memory_space<hbm>> -> memref<320x128xf32, #tpu.memory_space<hbm>>
      %dma_start3A_61 = arith.constant 0 : i32
      %dma_start3A_62 = tpu.memref_slice %arg8[%add3A_34, %dma_start3A_61] : memref<20480x128xf32, #tpu.memory_space<hbm>> -> memref<320x128xf32, #tpu.memory_space<hbm>>
      tpu.enqueue_dma source(%arg16 : memref<320x128xf32, #tpu.memory_space<vmem>>) target(%dma_start3A_62 : memref<320x128xf32, #tpu.memory_space<hbm>>) target_semaphore(%run_scoped3A : memref<!tpu.dma_semaphore, #tpu.memory_space<semaphore_mem>>)
      %dma_wait3A = arith.constant 0 : i32
      %dma_wait3A_63 = tpu.memref_slice %arg8[%add3A_34, %dma_wait3A] : memref<20480x128xf32, #tpu.memory_space<hbm>> -> memref<320x128xf32, #tpu.memory_space<hbm>>
      %dma_wait3A_64 = arith.constant 0 : i32
      %dma_wait3A_65 = tpu.memref_slice %arg8[%add3A_34, %dma_wait3A_64] : memref<20480x128xf32, #tpu.memory_space<hbm>> -> memref<320x128xf32, #tpu.memory_space<hbm>>
      tpu.wait_dma2 semaphore(%run_scoped3A : memref<!tpu.dma_semaphore, #tpu.memory_space<semaphore_mem>>) src(%arg16 : memref<320x128xf32, #tpu.memory_space<vmem>>) dst(%dma_wait3A_65 : memref<320x128xf32, #tpu.memory_space<hbm>>)
      tpu.yield
    }) : () -> ()
    "tpu.region"() ({
      %run_scoped3A = tpu.sem_alloc : memref<!tpu.dma_semaphore, #tpu.memory_space<semaphore_mem>>
      %dma_start3A = arith.constant 0 : i32
      %dma_start3A_60 = tpu.memref_slice %arg15[%dma_start3A] : memref<10256xf32, #tpu.memory_space<vmem>> -> memref<10240xf32, #tpu.memory_space<vmem>>
      %dma_start3A_61 = arith.constant 10240 : i32
      %dma_start3A_62 = tpu.memref_slice %arg5[%dma_start3A_61] : memref<20480xf32, #tpu.memory_space<hbm>> -> memref<10240xf32, #tpu.memory_space<hbm>>
      %dma_start3A_63 = arith.constant 0 : i32
      %dma_start3A_64 = tpu.memref_slice %arg15[%dma_start3A_63] : memref<10256xf32, #tpu.memory_space<vmem>> -> memref<10240xf32, #tpu.memory_space<vmem>>
      %dma_start3A_65 = arith.constant 10240 : i32
      %dma_start3A_66 = tpu.memref_slice %arg5[%dma_start3A_65] : memref<20480xf32, #tpu.memory_space<hbm>> -> memref<10240xf32, #tpu.memory_space<hbm>>
      tpu.enqueue_dma source(%dma_start3A_66 : memref<10240xf32, #tpu.memory_space<hbm>>) target(%dma_start3A_64 : memref<10240xf32, #tpu.memory_space<vmem>>) target_semaphore(%run_scoped3A : memref<!tpu.dma_semaphore, #tpu.memory_space<semaphore_mem>>)
      %dma_wait3A = arith.constant 0 : i32
      %dma_wait3A_67 = tpu.memref_slice %arg15[%dma_wait3A] : memref<10256xf32, #tpu.memory_space<vmem>> -> memref<10240xf32, #tpu.memory_space<vmem>>
      %dma_wait3A_68 = arith.constant 10240 : i32
      %dma_wait3A_69 = tpu.memref_slice %arg5[%dma_wait3A_68] : memref<20480xf32, #tpu.memory_space<hbm>> -> memref<10240xf32, #tpu.memory_space<hbm>>
      %dma_wait3A_70 = arith.constant 0 : i32
      %dma_wait3A_71 = tpu.memref_slice %arg15[%dma_wait3A_70] : memref<10256xf32, #tpu.memory_space<vmem>> -> memref<10240xf32, #tpu.memory_space<vmem>>
      %dma_wait3A_72 = arith.constant 10240 : i32
      %dma_wait3A_73 = tpu.memref_slice %arg5[%dma_wait3A_72] : memref<20480xf32, #tpu.memory_space<hbm>> -> memref<10240xf32, #tpu.memory_space<hbm>>
      tpu.wait_dma2 semaphore(%run_scoped3A : memref<!tpu.dma_semaphore, #tpu.memory_space<semaphore_mem>>) src(%dma_wait3A_73 : memref<10240xf32, #tpu.memory_space<hbm>>) dst(%dma_wait3A_71 : memref<10240xf32, #tpu.memory_space<vmem>>)
      tpu.yield
    }) : () -> ()
    %add3A_35 = arith.constant 10240 : i32
    %add3A_36 = arith.addi %add3A_35, %mul3A_2 : i32
    "tpu.region"() ({
      %run_scoped3A = tpu.sem_alloc : memref<!tpu.dma_semaphore, #tpu.memory_space<semaphore_mem>>
      %dma_start3A = arith.constant 0 : i32
      %dma_start3A_60 = tpu.memref_slice %arg6[%add3A_36, %dma_start3A] : memref<20480x128xf32, #tpu.memory_space<hbm>> -> memref<320x128xf32, #tpu.memory_space<hbm>>
      %dma_start3A_61 = arith.constant 0 : i32
      %dma_start3A_62 = tpu.memref_slice %arg6[%add3A_36, %dma_start3A_61] : memref<20480x128xf32, #tpu.memory_space<hbm>> -> memref<320x128xf32, #tpu.memory_space<hbm>>
      tpu.enqueue_dma source(%dma_start3A_62 : memref<320x128xf32, #tpu.memory_space<hbm>>) target(%arg16 : memref<320x128xf32, #tpu.memory_space<vmem>>) target_semaphore(%run_scoped3A : memref<!tpu.dma_semaphore, #tpu.memory_space<semaphore_mem>>)
      %dma_wait3A = arith.constant 0 : i32
      %dma_wait3A_63 = tpu.memref_slice %arg6[%add3A_36, %dma_wait3A] : memref<20480x128xf32, #tpu.memory_space<hbm>> -> memref<320x128xf32, #tpu.memory_space<hbm>>
      %dma_wait3A_64 = arith.constant 0 : i32
      %dma_wait3A_65 = tpu.memref_slice %arg6[%add3A_36, %dma_wait3A_64] : memref<20480x128xf32, #tpu.memory_space<hbm>> -> memref<320x128xf32, #tpu.memory_space<hbm>>
      tpu.wait_dma2 semaphore(%run_scoped3A : memref<!tpu.dma_semaphore, #tpu.memory_space<semaphore_mem>>) src(%dma_wait3A_65 : memref<320x128xf32, #tpu.memory_space<hbm>>) dst(%arg16 : memref<320x128xf32, #tpu.memory_space<vmem>>)
      tpu.yield
    }) : () -> ()
    %scan3A_37 = arith.constant 0 : i32
    %scan3A_38 = arith.constant 0 : i32
    %scan3A_39 = arith.constant 320 : i32
    %scan3A_40 = arith.addi %scan3A_38, %scan3A_39 : i32
    %scan3A_41 = arith.constant 1 : i32
    %scan3A_42 = scf.for %scan3A_60 = %scan3A_38 to %scan3A_40 step %scan3A_41 iter_args(%scan3A_61 = %scan3A_37) -> (i32)  : i32 {
      %add3A_62 = arith.addi %mul3A_2, %scan3A_60 : i32
      %get3A = arith.index_cast %add3A_62 : i32 to index
      %get3A_63 = tpu.vector_load %arg15[%get3A] {strides = array<i32>} : memref<10256xf32, #tpu.memory_space<vmem>>, vector<16xf32>,
      %slice3A = vector.extract_strided_slice %get3A_63 {offsets = [0], sizes = [1], strides = [1]} : vector<16xf32> to vector<1xf32>
      %squeeze3A = vector.extract %slice3A[0] : f32 from vector<1xf32>
      %mul3A_64 = arith.constant 2.000000e+00 : f32
      %mul3A_65 = arith.mulf %mul3A_64, %squeeze3A : f32
      %mul3A_66 = arith.mulf %mul3A_65, %squeeze3A : f32
      %broadcast_in_dim3A_67 = vector.broadcast %mul3A_66 : f32 to vector<16xf32>
      %get3A_68 = arith.index_cast %scan3A_60 : i32 to index
      %get3A_69 = arith.constant 0 : index
      %get3A_70 = tpu.vector_load %arg16[%get3A_68, %get3A_69] {strides = array<i32>} : memref<320x128xf32, #tpu.memory_space<vmem>>, vector<16xf32>,
      %mul3A_71 = arith.mulf %get3A_70, %broadcast_in_dim3A_67 : vector<16xf32>
      %swap3A = arith.index_cast %scan3A_60 : i32 to index
      %swap3A_72 = arith.constant 0 : index
      %swap3A_73 = tpu.vector_load %arg16[%swap3A, %swap3A_72] {strides = array<i32>} : memref<320x128xf32, #tpu.memory_space<vmem>>, vector<16xf32>,
      tpu.vector_store %arg16[%swap3A, %swap3A_72], %mul3A_71 {strides = array<i32>} : memref<320x128xf32, #tpu.memory_space<vmem>>, vector<16xf32>,
      %get3A_74 = arith.index_cast %scan3A_60 : i32 to index
      %get3A_75 = arith.constant 16 : index
      %get3A_76 = tpu.vector_load %arg16[%get3A_74, %get3A_75] {strides = array<i32>} : memref<320x128xf32, #tpu.memory_space<vmem>>, vector<16xf32>,
      %mul3A_77 = arith.mulf %get3A_76, %broadcast_in_dim3A_67 : vector<16xf32>
      %swap3A_78 = arith.index_cast %scan3A_60 : i32 to index
      %swap3A_79 = arith.constant 16 : index
      %swap3A_80 = tpu.vector_load %arg16[%swap3A_78, %swap3A_79] {strides = array<i32>} : memref<320x128xf32, #tpu.memory_space<vmem>>, vector<16xf32>,
      tpu.vector_store %arg16[%swap3A_78, %swap3A_79], %mul3A_77 {strides = array<i32>} : memref<320x128xf32, #tpu.memory_space<vmem>>, vector<16xf32>,
      %get3A_81 = arith.index_cast %scan3A_60 : i32 to index
      %get3A_82 = arith.constant 32 : index
      %get3A_83 = tpu.vector_load %arg16[%get3A_81, %get3A_82] {strides = array<i32>} : memref<320x128xf32, #tpu.memory_space<vmem>>, vector<16xf32>,
      %mul3A_84 = arith.mulf %get3A_83, %broadcast_in_dim3A_67 : vector<16xf32>
      %swap3A_85 = arith.index_cast %scan3A_60 : i32 to index
      %swap3A_86 = arith.constant 32 : index
      %swap3A_87 = tpu.vector_load %arg16[%swap3A_85, %swap3A_86] {strides = array<i32>} : memref<320x128xf32, #tpu.memory_space<vmem>>, vector<16xf32>,
      tpu.vector_store %arg16[%swap3A_85, %swap3A_86], %mul3A_84 {strides = array<i32>} : memref<320x128xf32, #tpu.memory_space<vmem>>, vector<16xf32>,
      %get3A_88 = arith.index_cast %scan3A_60 : i32 to index
      %get3A_89 = arith.constant 48 : index
      %get3A_90 = tpu.vector_load %arg16[%get3A_88, %get3A_89] {strides = array<i32>} : memref<320x128xf32, #tpu.memory_space<vmem>>, vector<16xf32>,
      %mul3A_91 = arith.mulf %get3A_90, %broadcast_in_dim3A_67 : vector<16xf32>
      %swap3A_92 = arith.index_cast %scan3A_60 : i32 to index
      %swap3A_93 = arith.constant 48 : index
      %swap3A_94 = tpu.vector_load %arg16[%swap3A_92, %swap3A_93] {strides = array<i32>} : memref<320x128xf32, #tpu.memory_space<vmem>>, vector<16xf32>,
      tpu.vector_store %arg16[%swap3A_92, %swap3A_93], %mul3A_91 {strides = array<i32>} : memref<320x128xf32, #tpu.memory_space<vmem>>, vector<16xf32>,
      %get3A_95 = arith.index_cast %scan3A_60 : i32 to index
      %get3A_96 = arith.constant 64 : index
      %get3A_97 = tpu.vector_load %arg16[%get3A_95, %get3A_96] {strides = array<i32>} : memref<320x128xf32, #tpu.memory_space<vmem>>, vector<16xf32>,
      %mul3A_98 = arith.mulf %get3A_97, %broadcast_in_dim3A_67 : vector<16xf32>
      %swap3A_99 = arith.index_cast %scan3A_60 : i32 to index
      %swap3A_100 = arith.constant 64 : index
      %swap3A_101 = tpu.vector_load %arg16[%swap3A_99, %swap3A_100] {strides = array<i32>} : memref<320x128xf32, #tpu.memory_space<vmem>>, vector<16xf32>,
      tpu.vector_store %arg16[%swap3A_99, %swap3A_100], %mul3A_98 {strides = array<i32>} : memref<320x128xf32, #tpu.memory_space<vmem>>, vector<16xf32>,
      %get3A_102 = arith.index_cast %scan3A_60 : i32 to index
      %get3A_103 = arith.constant 80 : index
      %get3A_104 = tpu.vector_load %arg16[%get3A_102, %get3A_103] {strides = array<i32>} : memref<320x128xf32, #tpu.memory_space<vmem>>, vector<16xf32>,
      %mul3A_105 = arith.mulf %get3A_104, %broadcast_in_dim3A_67 : vector<16xf32>
      %swap3A_106 = arith.index_cast %scan3A_60 : i32 to index
      %swap3A_107 = arith.constant 80 : index
      %swap3A_108 = tpu.vector_load %arg16[%swap3A_106, %swap3A_107] {strides = array<i32>} : memref<320x128xf32, #tpu.memory_space<vmem>>, vector<16xf32>,
      tpu.vector_store %arg16[%swap3A_106, %swap3A_107], %mul3A_105 {strides = array<i32>} : memref<320x128xf32, #tpu.memory_space<vmem>>, vector<16xf32>,
      %get3A_109 = arith.index_cast %scan3A_60 : i32 to index
      %get3A_110 = arith.constant 96 : index
      %get3A_111 = tpu.vector_load %arg16[%get3A_109, %get3A_110] {strides = array<i32>} : memref<320x128xf32, #tpu.memory_space<vmem>>, vector<16xf32>,
      %mul3A_112 = arith.mulf %get3A_111, %broadcast_in_dim3A_67 : vector<16xf32>
      %swap3A_113 = arith.index_cast %scan3A_60 : i32 to index
      %swap3A_114 = arith.constant 96 : index
      %swap3A_115 = tpu.vector_load %arg16[%swap3A_113, %swap3A_114] {strides = array<i32>} : memref<320x128xf32, #tpu.memory_space<vmem>>, vector<16xf32>,
      tpu.vector_store %arg16[%swap3A_113, %swap3A_114], %mul3A_112 {strides = array<i32>} : memref<320x128xf32, #tpu.memory_space<vmem>>, vector<16xf32>,
      %get3A_116 = arith.index_cast %scan3A_60 : i32 to index
      %get3A_117 = arith.constant 112 : index
      %get3A_118 = tpu.vector_load %arg16[%get3A_116, %get3A_117] {strides = array<i32>} : memref<320x128xf32, #tpu.memory_space<vmem>>, vector<16xf32>,
      %mul3A_119 = arith.mulf %get3A_118, %broadcast_in_dim3A_67 : vector<16xf32>
      %swap3A_120 = arith.index_cast %scan3A_60 : i32 to index
      %swap3A_121 = arith.constant 112 : index
      %swap3A_122 = tpu.vector_load %arg16[%swap3A_120, %swap3A_121] {strides = array<i32>} : memref<320x128xf32, #tpu.memory_space<vmem>>, vector<16xf32>,
      tpu.vector_store %arg16[%swap3A_120, %swap3A_121], %mul3A_119 {strides = array<i32>} : memref<320x128xf32, #tpu.memory_space<vmem>>, vector<16xf32>,
      %scan3A_123 = arith.constant 0 : i32
      scf.yield %scan3A_123 : i32
    }
    %scan3A_43 = arith.constant 320 : i32
    %scan3A_44 = arith.constant 0 : i32
    %scan3A_45 = arith.constant 0 : i32
    %scan3A_46 = arith.constant 40 : i32
    %scan3A_47 = arith.addi %scan3A_45, %scan3A_46 : i32
    %scan3A_48 = arith.constant 1 : i32
    %scan3A_49 = scf.for %scan3A_60 = %scan3A_45 to %scan3A_47 step %scan3A_48 iter_args(%scan3A_61 = %scan3A_44) -> (i32)  : i32 {
      %mul3A_62 = arith.constant 8000 : i32
      %mul3A_63 = arith.muli %scan3A_60, %mul3A_62 : i32
      %add3A_64 = arith.constant 320000 : i32
      %add3A_65 = arith.addi %add3A_64, %mul3A_63 : i32
      "tpu.region"() ({
        %run_scoped3A = tpu.sem_alloc : memref<!tpu.dma_semaphore, #tpu.memory_space<semaphore_mem>>
        %dma_start3A = tpu.memref_slice %arg3[%add3A_65] : memref<640000xi32, #tpu.memory_space<hbm>> -> memref<8000xi32, #tpu.memory_space<hbm>>
        %dma_start3A_88 = tpu.memref_slice %arg3[%add3A_65] : memref<640000xi32, #tpu.memory_space<hbm>> -> memref<8000xi32, #tpu.memory_space<hbm>>
        tpu.enqueue_dma source(%dma_start3A_88 : memref<8000xi32, #tpu.memory_space<hbm>>) target(%arg9 : memref<8000xi32, #tpu.memory_space<vmem>>) target_semaphore(%run_scoped3A : memref<!tpu.dma_semaphore, #tpu.memory_space<semaphore_mem>>)
        %dma_wait3A = tpu.memref_slice %arg3[%add3A_65] : memref<640000xi32, #tpu.memory_space<hbm>> -> memref<8000xi32, #tpu.memory_space<hbm>>
        %dma_wait3A_89 = tpu.memref_slice %arg3[%add3A_65] : memref<640000xi32, #tpu.memory_space<hbm>> -> memref<8000xi32, #tpu.memory_space<hbm>>
        tpu.wait_dma2 semaphore(%run_scoped3A : memref<!tpu.dma_semaphore, #tpu.memory_space<semaphore_mem>>) src(%dma_wait3A_89 : memref<8000xi32, #tpu.memory_space<hbm>>) dst(%arg9 : memref<8000xi32, #tpu.memory_space<vmem>>)
        tpu.yield
      }) : () -> ()
      "tpu.region"() ({
        %run_scoped3A = tpu.sem_alloc : memref<!tpu.dma_semaphore, #tpu.memory_space<semaphore_mem>>
        %dma_start3A = tpu.memref_slice %arg2[%add3A_65] : memref<640000xi32, #tpu.memory_space<hbm>> -> memref<8000xi32, #tpu.memory_space<hbm>>
        %dma_start3A_88 = tpu.memref_slice %arg2[%add3A_65] : memref<640000xi32, #tpu.memory_space<hbm>> -> memref<8000xi32, #tpu.memory_space<hbm>>
        tpu.enqueue_dma source(%dma_start3A_88 : memref<8000xi32, #tpu.memory_space<hbm>>) target(%arg10 : memref<8000xi32, #tpu.memory_space<vmem>>) target_semaphore(%run_scoped3A : memref<!tpu.dma_semaphore, #tpu.memory_space<semaphore_mem>>)
        %dma_wait3A = tpu.memref_slice %arg2[%add3A_65] : memref<640000xi32, #tpu.memory_space<hbm>> -> memref<8000xi32, #tpu.memory_space<hbm>>
        %dma_wait3A_89 = tpu.memref_slice %arg2[%add3A_65] : memref<640000xi32, #tpu.memory_space<hbm>> -> memref<8000xi32, #tpu.memory_space<hbm>>
        tpu.wait_dma2 semaphore(%run_scoped3A : memref<!tpu.dma_semaphore, #tpu.memory_space<semaphore_mem>>) src(%dma_wait3A_89 : memref<8000xi32, #tpu.memory_space<hbm>>) dst(%arg10 : memref<8000xi32, #tpu.memory_space<vmem>>)
        tpu.yield
      }) : () -> ()
      "tpu.region"() ({
        %run_scoped3A = tpu.sem_alloc : memref<!tpu.dma_semaphore, #tpu.memory_space<semaphore_mem>>
        %dma_start3A = tpu.memref_slice %arg4[%add3A_65] : memref<640000xf32, #tpu.memory_space<hbm>> -> memref<8000xf32, #tpu.memory_space<hbm>>
        %dma_start3A_88 = tpu.memref_slice %arg4[%add3A_65] : memref<640000xf32, #tpu.memory_space<hbm>> -> memref<8000xf32, #tpu.memory_space<hbm>>
        tpu.enqueue_dma source(%dma_start3A_88 : memref<8000xf32, #tpu.memory_space<hbm>>) target(%arg11 : memref<8000xf32, #tpu.memory_space<vmem>>) target_semaphore(%run_scoped3A : memref<!tpu.dma_semaphore, #tpu.memory_space<semaphore_mem>>)
        %dma_wait3A = tpu.memref_slice %arg4[%add3A_65] : memref<640000xf32, #tpu.memory_space<hbm>> -> memref<8000xf32, #tpu.memory_space<hbm>>
        %dma_wait3A_89 = tpu.memref_slice %arg4[%add3A_65] : memref<640000xf32, #tpu.memory_space<hbm>> -> memref<8000xf32, #tpu.memory_space<hbm>>
        tpu.wait_dma2 semaphore(%run_scoped3A : memref<!tpu.dma_semaphore, #tpu.memory_space<semaphore_mem>>) src(%dma_wait3A_89 : memref<8000xf32, #tpu.memory_space<hbm>>) dst(%arg11 : memref<8000xf32, #tpu.memory_space<vmem>>)
        tpu.yield
      }) : () -> ()
      %scan3A_66 = arith.constant 0 : i32
      %scan3A_67 = arith.constant 0 : i32
      %scan3A_68 = arith.constant 500 : i32
      %scan3A_69 = arith.addi %scan3A_67, %scan3A_68 : i32
      %scan3A_70 = arith.constant 1 : i32
      %scan3A_71 = scf.for %scan3A_88 = %scan3A_67 to %scan3A_69 step %scan3A_70 iter_args(%scan3A_89 = %scan3A_66) -> (i32)  : i32 {
        %mul3A_90 = arith.constant 16 : i32
        %mul3A_91 = arith.muli %scan3A_88, %mul3A_90 : i32
        %get3A = arith.index_cast %mul3A_91 : i32 to index
        %get3A_92 = tpu.vector_load %arg9[%get3A] {strides = array<i32>} : memref<8000xi32, #tpu.memory_space<vmem>>, vector<16xi32>,
        %ge3A = vector.broadcast %mul3A_2 : i32 to vector<16xi32>
        %ge3A_93 = arith.cmpi sge, %get3A_92, %ge3A : vector<16xi32>
        %add3A_94 = arith.constant 320 : i32
        %add3A_95 = arith.addi %mul3A_2, %add3A_94 : i32
        %lt3A = vector.broadcast %add3A_95 : i32 to vector<16xi32>
        %lt3A_96 = arith.cmpi slt, %get3A_92, %lt3A : vector<16xi32>
        %and3A = arith.andi %ge3A_93, %lt3A_96 : vector<16xi1>
        %convert_element_type3A = arith.extui %and3A : vector<16xi1> to vector<16xi32>
        %reduce_sum3A = arith.constant true
        %reduce_sum3A_97 = vector.broadcast %reduce_sum3A : i1 to vector<16xi1>
        %reduce_sum3A_98 = tpu.scan <sum>, %convert_element_type3A masked %reduce_sum3A_97 : vector<16xi32>, vector<16xi1> -> vector<16xi32>
        %reduce_sum3A_99 = vector.extract %reduce_sum3A_98[15] : i32 from vector<16xi32>
        %gt3A = arith.constant 0 : i32
        %gt3A_100 = arith.cmpi sgt, %reduce_sum3A_99, %gt3A : i32
        %convert_element_type3A_101 = arith.extui %gt3A_100 : i1 to i32
        %cond3A = arith.constant 0 : i32
        %cond3A_102 = arith.cmpi ne, %convert_element_type3A_101, %cond3A : i32
        scf.if %cond3A_102 {
          %mul3A_104 = arith.constant 16 : i32
          %mul3A_105 = arith.muli %scan3A_88, %mul3A_104 : i32
          %get3A_106 = arith.index_cast %mul3A_105 : i32 to index
          %get3A_107 = tpu.vector_load %arg10[%get3A_106] {strides = array<i32>} : memref<8000xi32, #tpu.memory_space<vmem>>, vector<16xi32>,
          %mul3A_108 = arith.constant 16 : i32
          %mul3A_109 = arith.muli %scan3A_88, %mul3A_108 : i32
          %get3A_110 = arith.index_cast %mul3A_109 : i32 to index
          %get3A_111 = tpu.vector_load %arg11[%get3A_110] {strides = array<i32>} : memref<8000xf32, #tpu.memory_space<vmem>>, vector<16xf32>,
          %max3A = arith.constant 0.000000e+00 : f32
          %max3A_112 = vector.broadcast %max3A : f32 to vector<16xf32>
          %max3A_113 = arith.maximumf %get3A_111, %max3A_112 : vector<16xf32>
          %gather3A = tpu.vector_load_idx %arg15[%get3A_107] : memref<10256xf32, #tpu.memory_space<vmem>>[vector<16xi32>], vector<16xf32>,
          %mul3A_114 = arith.mulf %gather3A, %max3A_113 : vector<16xf32>
          %gather3A_115 = tpu.vector_load_idx %arg15[%get3A_92] : memref<10256xf32, #tpu.memory_space<vmem>>[vector<16xi32>], vector<16xf32>,
          %mul3A_116 = arith.mulf %mul3A_114, %gather3A_115 : vector<16xf32>
          %add3A_117 = arith.constant 10240 : i32
          %add3A_118 = vector.broadcast %add3A_117 : i32 to vector<16xi32>
          %add3A_119 = arith.addi %get3A_107, %add3A_118 : vector<16xi32>
          %swap3A = arith.index_cast %scan3A_89 : i32 to index
          %swap3A_120 = tpu.vector_load %arg12[%swap3A] masked %and3A {strides = array<i32>} : memref<8192xi32, #tpu.memory_space<vmem>>, vector<16xi32>, vector<16xi1>
          tpu.vector_store %arg12[%swap3A], %add3A_119 masked %and3A {strides = array<i32>} : memref<8192xi32, #tpu.memory_space<vmem>>, vector<16xi32>, vector<16xi1>
          %sub3A = vector.broadcast %mul3A_2 : i32 to vector<16xi32>
          %sub3A_121 = arith.subi %get3A_92, %sub3A : vector<16xi32>
          %swap3A_122 = arith.index_cast %scan3A_89 : i32 to index
          %swap3A_123 = tpu.vector_load %arg13[%swap3A_122] masked %and3A {strides = array<i32>} : memref<8192xi32, #tpu.memory_space<vmem>>, vector<16xi32>, vector<16xi1>
          tpu.vector_store %arg13[%swap3A_122], %sub3A_121 masked %and3A {strides = array<i32>} : memref<8192xi32, #tpu.memory_space<vmem>>, vector<16xi32>, vector<16xi1>
          %swap3A_124 = arith.index_cast %scan3A_89 : i32 to index
          %swap3A_125 = tpu.vector_load %arg14[%swap3A_124] masked %and3A {strides = array<i32>} : memref<8192xf32, #tpu.memory_space<vmem>>, vector<16xf32>, vector<16xi1>
          tpu.vector_store %arg14[%swap3A_124], %mul3A_116 masked %and3A {strides = array<i32>} : memref<8192xf32, #tpu.memory_space<vmem>>, vector<16xf32>, vector<16xi1>
        } else {
        }
        %add3A_103 = arith.addi %scan3A_89, %reduce_sum3A_99 : i32
        scf.yield %add3A_103 : i32
      }
      %scan3A_72 = arith.constant 500 : i32
      %add3A_73 = arith.constant 31 : i32
      %add3A_74 = arith.addi %scan3A_71, %add3A_73 : i32
      %shift_right_logical3A = arith.constant 5 : i32
      %shift_right_logical3A_75 = arith.shrui %add3A_74, %shift_right_logical3A : i32
      %while3A = arith.constant 0 : i32
      %while3A_76 = arith.constant 0 : i32
      %while3A_77 = arith.subi %shift_right_logical3A_75, %while3A : i32
      %while3A_78 = arith.addi %while3A, %while3A_77 : i32
      %while3A_79 = arith.constant 1 : i32
      %while3A_80 = arith.divsi %while3A_77, %while3A_79 : i32
      %while3A_81 = arith.muli %while3A_80, %while3A_79 : i32
      %while3A_82 = arith.addi %while3A, %while3A_81 : i32
      %while3A_83 = arith.constant 1 : i32
      %while3A_84 = scf.for %while3A_88 = %while3A to %while3A_82 step %while3A_83 iter_args(%while3A_89 = %while3A_76) -> (i32)  : i32 {
        %mul3A_90 = arith.constant 32 : i32
        %mul3A_91 = arith.muli %while3A_88, %mul3A_90 : i32
        %dma_start3A = tpu.memref_slice %arg12[%mul3A_91] : memref<8192xi32, #tpu.memory_space<vmem>> -> memref<32xi32, #tpu.memory_space<vmem>>
        %dma_start3A_92 = arith.constant 0 : i32
        %dma_start3A_93 = arith.constant 0 : i32
        %dma_start3A_94 = tpu.memref_slice %arg6[%dma_start3A_92, %dma_start3A_93] : memref<20480x128xf32, #tpu.memory_space<hbm>> -> memref<20480x128xf32, #tpu.memory_space<hbm>>
        tpu.enqueue_indirect_dma source(%dma_start3A_94 : memref<20480x128xf32, #tpu.memory_space<hbm>>) target(%arg17 : memref<32x128xf32, #tpu.memory_space<vmem>>) offsets(%dma_start3A : memref<32xi32, #tpu.memory_space<vmem>>) semaphore(%arg19 : memref<!tpu.dma_semaphore, #tpu.memory_space<semaphore_mem>>)
        %dma_wait3A = tpu.memref_slice %arg12[%mul3A_91] : memref<8192xi32, #tpu.memory_space<vmem>> -> memref<32xi32, #tpu.memory_space<vmem>>
        %dma_wait3A_95 = arith.constant 0 : i32
        %dma_wait3A_96 = arith.constant 0 : i32
        %dma_wait3A_97 = tpu.memref_slice %arg6[%dma_wait3A_95, %dma_wait3A_96] : memref<20480x128xf32, #tpu.memory_space<hbm>> -> memref<20480x128xf32, #tpu.memory_space<hbm>>
        tpu.wait_indirect_dma semaphore(%arg19 : memref<!tpu.dma_semaphore, #tpu.memory_space<semaphore_mem>>) src(%dma_wait3A_97 : memref<20480x128xf32, #tpu.memory_space<hbm>>) dst(%arg17 : memref<32x128xf32, #tpu.memory_space<vmem>>)
        %scan3A_98 = arith.constant 0 : i32
        %scan3A_99 = arith.constant 0 : i32
        %scan3A_100 = arith.constant 32 : i32
        %scan3A_101 = arith.addi %scan3A_99, %scan3A_100 : i32
        %scan3A_102 = arith.constant 1 : i32
        %scan3A_103 = scf.for %scan3A_106 = %scan3A_99 to %scan3A_101 step %scan3A_102 iter_args(%scan3A_107 = %scan3A_98) -> (i32)  : i32 {
          %mul3A_108 = arith.constant 32 : i32
          %mul3A_109 = arith.muli %while3A_88, %mul3A_108 : i32
          %add3A_110 = arith.addi %mul3A_109, %scan3A_106 : i32
          %lt3A = arith.cmpi slt, %add3A_110, %scan3A_71 : i32
          %convert_element_type3A = arith.extui %lt3A : i1 to i32
          %cond3A = arith.constant 0 : i32
          %cond3A_111 = arith.cmpi ne, %convert_element_type3A, %cond3A : i32
          scf.if %cond3A_111 {
            %get3A = arith.index_cast %add3A_110 : i32 to index
            %get3A_113 = tpu.vector_load %arg13[%get3A] {strides = array<i32>} : memref<8192xi32, #tpu.memory_space<vmem>>, vector<16xi32>,
            %slice3A = vector.extract_strided_slice %get3A_113 {offsets = [0], sizes = [1], strides = [1]} : vector<16xi32> to vector<1xi32>
            %squeeze3A = vector.extract %slice3A[0] : i32 from vector<1xi32>
            %get3A_114 = arith.index_cast %add3A_110 : i32 to index
            %get3A_115 = tpu.vector_load %arg14[%get3A_114] {strides = array<i32>} : memref<8192xf32, #tpu.memory_space<vmem>>, vector<16xf32>,
            %slice3A_116 = vector.extract_strided_slice %get3A_115 {offsets = [0], sizes = [1], strides = [1]} : vector<16xf32> to vector<1xf32>
            %squeeze3A_117 = vector.extract %slice3A_116[0] : f32 from vector<1xf32>
            %broadcast_in_dim3A_118 = vector.broadcast %squeeze3A_117 : f32 to vector<16xf32>
            %get3A_119 = arith.index_cast %squeeze3A : i32 to index
            %get3A_120 = arith.constant 0 : index
            %get3A_121 = tpu.vector_load %arg16[%get3A_119, %get3A_120] {strides = array<i32>} : memref<320x128xf32, #tpu.memory_space<vmem>>, vector<16xf32>,
            %get3A_122 = arith.index_cast %scan3A_106 : i32 to index
            %get3A_123 = arith.constant 0 : index
            %get3A_124 = tpu.vector_load %arg17[%get3A_122, %get3A_123] {strides = array<i32>} : memref<32x128xf32, #tpu.memory_space<vmem>>, vector<16xf32>,
            %mul3A_125 = arith.mulf %get3A_124, %broadcast_in_dim3A_118 : vector<16xf32>
            %max3A = arith.maximumf %get3A_121, %mul3A_125 : vector<16xf32>
            %swap3A = arith.index_cast %squeeze3A : i32 to index
            %swap3A_126 = arith.constant 0 : index
            %swap3A_127 = tpu.vector_load %arg16[%swap3A, %swap3A_126] {strides = array<i32>} : memref<320x128xf32, #tpu.memory_space<vmem>>, vector<16xf32>,
            tpu.vector_store %arg16[%swap3A, %swap3A_126], %max3A {strides = array<i32>} : memref<320x128xf32, #tpu.memory_space<vmem>>, vector<16xf32>,
            %get3A_128 = arith.index_cast %squeeze3A : i32 to index
            %get3A_129 = arith.constant 16 : index
            %get3A_130 = tpu.vector_load %arg16[%get3A_128, %get3A_129] {strides = array<i32>} : memref<320x128xf32, #tpu.memory_space<vmem>>, vector<16xf32>,
            %get3A_131 = arith.index_cast %scan3A_106 : i32 to index
            %get3A_132 = arith.constant 16 : index
            %get3A_133 = tpu.vector_load %arg17[%get3A_131, %get3A_132] {strides = array<i32>} : memref<32x128xf32, #tpu.memory_space<vmem>>, vector<16xf32>,
            %mul3A_134 = arith.mulf %get3A_133, %broadcast_in_dim3A_118 : vector<16xf32>
            %max3A_135 = arith.maximumf %get3A_130, %mul3A_134 : vector<16xf32>
            %swap3A_136 = arith.index_cast %squeeze3A : i32 to index
            %swap3A_137 = arith.constant 16 : index
            %swap3A_138 = tpu.vector_load %arg16[%swap3A_136, %swap3A_137] {strides = array<i32>} : memref<320x128xf32, #tpu.memory_space<vmem>>, vector<16xf32>,
            tpu.vector_store %arg16[%swap3A_136, %swap3A_137], %max3A_135 {strides = array<i32>} : memref<320x128xf32, #tpu.memory_space<vmem>>, vector<16xf32>,
            %get3A_139 = arith.index_cast %squeeze3A : i32 to index
            %get3A_140 = arith.constant 32 : index
            %get3A_141 = tpu.vector_load %arg16[%get3A_139, %get3A_140] {strides = array<i32>} : memref<320x128xf32, #tpu.memory_space<vmem>>, vector<16xf32>,
            %get3A_142 = arith.index_cast %scan3A_106 : i32 to index
            %get3A_143 = arith.constant 32 : index
            %get3A_144 = tpu.vector_load %arg17[%get3A_142, %get3A_143] {strides = array<i32>} : memref<32x128xf32, #tpu.memory_space<vmem>>, vector<16xf32>,
            %mul3A_145 = arith.mulf %get3A_144, %broadcast_in_dim3A_118 : vector<16xf32>
            %max3A_146 = arith.maximumf %get3A_141, %mul3A_145 : vector<16xf32>
            %swap3A_147 = arith.index_cast %squeeze3A : i32 to index
            %swap3A_148 = arith.constant 32 : index
            %swap3A_149 = tpu.vector_load %arg16[%swap3A_147, %swap3A_148] {strides = array<i32>} : memref<320x128xf32, #tpu.memory_space<vmem>>, vector<16xf32>,
            tpu.vector_store %arg16[%swap3A_147, %swap3A_148], %max3A_146 {strides = array<i32>} : memref<320x128xf32, #tpu.memory_space<vmem>>, vector<16xf32>,
            %get3A_150 = arith.index_cast %squeeze3A : i32 to index
            %get3A_151 = arith.constant 48 : index
            %get3A_152 = tpu.vector_load %arg16[%get3A_150, %get3A_151] {strides = array<i32>} : memref<320x128xf32, #tpu.memory_space<vmem>>, vector<16xf32>,
            %get3A_153 = arith.index_cast %scan3A_106 : i32 to index
            %get3A_154 = arith.constant 48 : index
            %get3A_155 = tpu.vector_load %arg17[%get3A_153, %get3A_154] {strides = array<i32>} : memref<32x128xf32, #tpu.memory_space<vmem>>, vector<16xf32>,
            %mul3A_156 = arith.mulf %get3A_155, %broadcast_in_dim3A_118 : vector<16xf32>
            %max3A_157 = arith.maximumf %get3A_152, %mul3A_156 : vector<16xf32>
            %swap3A_158 = arith.index_cast %squeeze3A : i32 to index
            %swap3A_159 = arith.constant 48 : index
            %swap3A_160 = tpu.vector_load %arg16[%swap3A_158, %swap3A_159] {strides = array<i32>} : memref<320x128xf32, #tpu.memory_space<vmem>>, vector<16xf32>,
            tpu.vector_store %arg16[%swap3A_158, %swap3A_159], %max3A_157 {strides = array<i32>} : memref<320x128xf32, #tpu.memory_space<vmem>>, vector<16xf32>,
            %get3A_161 = arith.index_cast %squeeze3A : i32 to index
            %get3A_162 = arith.constant 64 : index
            %get3A_163 = tpu.vector_load %arg16[%get3A_161, %get3A_162] {strides = array<i32>} : memref<320x128xf32, #tpu.memory_space<vmem>>, vector<16xf32>,
            %get3A_164 = arith.index_cast %scan3A_106 : i32 to index
            %get3A_165 = arith.constant 64 : index
            %get3A_166 = tpu.vector_load %arg17[%get3A_164, %get3A_165] {strides = array<i32>} : memref<32x128xf32, #tpu.memory_space<vmem>>, vector<16xf32>,
            %mul3A_167 = arith.mulf %get3A_166, %broadcast_in_dim3A_118 : vector<16xf32>
            %max3A_168 = arith.maximumf %get3A_163, %mul3A_167 : vector<16xf32>
            %swap3A_169 = arith.index_cast %squeeze3A : i32 to index
            %swap3A_170 = arith.constant 64 : index
            %swap3A_171 = tpu.vector_load %arg16[%swap3A_169, %swap3A_170] {strides = array<i32>} : memref<320x128xf32, #tpu.memory_space<vmem>>, vector<16xf32>,
            tpu.vector_store %arg16[%swap3A_169, %swap3A_170], %max3A_168 {strides = array<i32>} : memref<320x128xf32, #tpu.memory_space<vmem>>, vector<16xf32>,
            %get3A_172 = arith.index_cast %squeeze3A : i32 to index
            %get3A_173 = arith.constant 80 : index
            %get3A_174 = tpu.vector_load %arg16[%get3A_172, %get3A_173] {strides = array<i32>} : memref<320x128xf32, #tpu.memory_space<vmem>>, vector<16xf32>,
            %get3A_175 = arith.index_cast %scan3A_106 : i32 to index
            %get3A_176 = arith.constant 80 : index
            %get3A_177 = tpu.vector_load %arg17[%get3A_175, %get3A_176] {strides = array<i32>} : memref<32x128xf32, #tpu.memory_space<vmem>>, vector<16xf32>,
            %mul3A_178 = arith.mulf %get3A_177, %broadcast_in_dim3A_118 : vector<16xf32>
            %max3A_179 = arith.maximumf %get3A_174, %mul3A_178 : vector<16xf32>
            %swap3A_180 = arith.index_cast %squeeze3A : i32 to index
            %swap3A_181 = arith.constant 80 : index
            %swap3A_182 = tpu.vector_load %arg16[%swap3A_180, %swap3A_181] {strides = array<i32>} : memref<320x128xf32, #tpu.memory_space<vmem>>, vector<16xf32>,
            tpu.vector_store %arg16[%swap3A_180, %swap3A_181], %max3A_179 {strides = array<i32>} : memref<320x128xf32, #tpu.memory_space<vmem>>, vector<16xf32>,
            %get3A_183 = arith.index_cast %squeeze3A : i32 to index
            %get3A_184 = arith.constant 96 : index
            %get3A_185 = tpu.vector_load %arg16[%get3A_183, %get3A_184] {strides = array<i32>} : memref<320x128xf32, #tpu.memory_space<vmem>>, vector<16xf32>,
            %get3A_186 = arith.index_cast %scan3A_106 : i32 to index
            %get3A_187 = arith.constant 96 : index
            %get3A_188 = tpu.vector_load %arg17[%get3A_186, %get3A_187] {strides = array<i32>} : memref<32x128xf32, #tpu.memory_space<vmem>>, vector<16xf32>,
            %mul3A_189 = arith.mulf %get3A_188, %broadcast_in_dim3A_118 : vector<16xf32>
            %max3A_190 = arith.maximumf %get3A_185, %mul3A_189 : vector<16xf32>
            %swap3A_191 = arith.index_cast %squeeze3A : i32 to index
            %swap3A_192 = arith.constant 96 : index
            %swap3A_193 = tpu.vector_load %arg16[%swap3A_191, %swap3A_192] {strides = array<i32>} : memref<320x128xf32, #tpu.memory_space<vmem>>, vector<16xf32>,
            tpu.vector_store %arg16[%swap3A_191, %swap3A_192], %max3A_190 {strides = array<i32>} : memref<320x128xf32, #tpu.memory_space<vmem>>, vector<16xf32>,
            %get3A_194 = arith.index_cast %squeeze3A : i32 to index
            %get3A_195 = arith.constant 112 : index
            %get3A_196 = tpu.vector_load %arg16[%get3A_194, %get3A_195] {strides = array<i32>} : memref<320x128xf32, #tpu.memory_space<vmem>>, vector<16xf32>,
            %get3A_197 = arith.index_cast %scan3A_106 : i32 to index
            %get3A_198 = arith.constant 112 : index
            %get3A_199 = tpu.vector_load %arg17[%get3A_197, %get3A_198] {strides = array<i32>} : memref<32x128xf32, #tpu.memory_space<vmem>>, vector<16xf32>,
            %mul3A_200 = arith.mulf %get3A_199, %broadcast_in_dim3A_118 : vector<16xf32>
            %max3A_201 = arith.maximumf %get3A_196, %mul3A_200 : vector<16xf32>
            %swap3A_202 = arith.index_cast %squeeze3A : i32 to index
            %swap3A_203 = arith.constant 112 : index
            %swap3A_204 = tpu.vector_load %arg16[%swap3A_202, %swap3A_203] {strides = array<i32>} : memref<320x128xf32, #tpu.memory_space<vmem>>, vector<16xf32>,
            tpu.vector_store %arg16[%swap3A_202, %swap3A_203], %max3A_201 {strides = array<i32>} : memref<320x128xf32, #tpu.memory_space<vmem>>, vector<16xf32>,
          } else {
          }
          %scan3A_112 = arith.constant 0 : i32
          scf.yield %scan3A_112 : i32
        }
        %scan3A_104 = arith.constant 32 : i32
        %while3A_105 = arith.constant 0 : i32
        scf.yield %while3A_105 : i32
      }
      %while3A_85 = arith.constant 1 : i32
      %while3A_86 = scf.for %while3A_88 = %while3A_82 to %while3A_78 step %while3A_85 iter_args(%while3A_89 = %while3A_84) -> (i32)  : i32 {
        %mul3A_90 = arith.constant 32 : i32
        %mul3A_91 = arith.muli %while3A_88, %mul3A_90 : i32
        %dma_start3A = tpu.memref_slice %arg12[%mul3A_91] : memref<8192xi32, #tpu.memory_space<vmem>> -> memref<32xi32, #tpu.memory_space<vmem>>
        %dma_start3A_92 = arith.constant 0 : i32
        %dma_start3A_93 = arith.constant 0 : i32
        %dma_start3A_94 = tpu.memref_slice %arg6[%dma_start3A_92, %dma_start3A_93] : memref<20480x128xf32, #tpu.memory_space<hbm>> -> memref<20480x128xf32, #tpu.memory_space<hbm>>
        tpu.enqueue_indirect_dma source(%dma_start3A_94 : memref<20480x128xf32, #tpu.memory_space<hbm>>) target(%arg17 : memref<32x128xf32, #tpu.memory_space<vmem>>) offsets(%dma_start3A : memref<32xi32, #tpu.memory_space<vmem>>) semaphore(%arg19 : memref<!tpu.dma_semaphore, #tpu.memory_space<semaphore_mem>>)
        %dma_wait3A = tpu.memref_slice %arg12[%mul3A_91] : memref<8192xi32, #tpu.memory_space<vmem>> -> memref<32xi32, #tpu.memory_space<vmem>>
        %dma_wait3A_95 = arith.constant 0 : i32
        %dma_wait3A_96 = arith.constant 0 : i32
        %dma_wait3A_97 = tpu.memref_slice %arg6[%dma_wait3A_95, %dma_wait3A_96] : memref<20480x128xf32, #tpu.memory_space<hbm>> -> memref<20480x128xf32, #tpu.memory_space<hbm>>
        tpu.wait_indirect_dma semaphore(%arg19 : memref<!tpu.dma_semaphore, #tpu.memory_space<semaphore_mem>>) src(%dma_wait3A_97 : memref<20480x128xf32, #tpu.memory_space<hbm>>) dst(%arg17 : memref<32x128xf32, #tpu.memory_space<vmem>>)
        %scan3A_98 = arith.constant 0 : i32
        %scan3A_99 = arith.constant 0 : i32
        %scan3A_100 = arith.constant 32 : i32
        %scan3A_101 = arith.addi %scan3A_99, %scan3A_100 : i32
        %scan3A_102 = arith.constant 1 : i32
        %scan3A_103 = scf.for %scan3A_106 = %scan3A_99 to %scan3A_101 step %scan3A_102 iter_args(%scan3A_107 = %scan3A_98) -> (i32)  : i32 {
          %mul3A_108 = arith.constant 32 : i32
          %mul3A_109 = arith.muli %while3A_88, %mul3A_108 : i32
          %add3A_110 = arith.addi %mul3A_109, %scan3A_106 : i32
          %lt3A = arith.cmpi slt, %add3A_110, %scan3A_71 : i32
          %convert_element_type3A = arith.extui %lt3A : i1 to i32
          %cond3A = arith.constant 0 : i32
          %cond3A_111 = arith.cmpi ne, %convert_element_type3A, %cond3A : i32
          scf.if %cond3A_111 {
            %get3A = arith.index_cast %add3A_110 : i32 to index
            %get3A_113 = tpu.vector_load %arg13[%get3A] {strides = array<i32>} : memref<8192xi32, #tpu.memory_space<vmem>>, vector<16xi32>,
            %slice3A = vector.extract_strided_slice %get3A_113 {offsets = [0], sizes = [1], strides = [1]} : vector<16xi32> to vector<1xi32>
            %squeeze3A = vector.extract %slice3A[0] : i32 from vector<1xi32>
            %get3A_114 = arith.index_cast %add3A_110 : i32 to index
            %get3A_115 = tpu.vector_load %arg14[%get3A_114] {strides = array<i32>} : memref<8192xf32, #tpu.memory_space<vmem>>, vector<16xf32>,
            %slice3A_116 = vector.extract_strided_slice %get3A_115 {offsets = [0], sizes = [1], strides = [1]} : vector<16xf32> to vector<1xf32>
            %squeeze3A_117 = vector.extract %slice3A_116[0] : f32 from vector<1xf32>
            %broadcast_in_dim3A_118 = vector.broadcast %squeeze3A_117 : f32 to vector<16xf32>
            %get3A_119 = arith.index_cast %squeeze3A : i32 to index
            %get3A_120 = arith.constant 0 : index
            %get3A_121 = tpu.vector_load %arg16[%get3A_119, %get3A_120] {strides = array<i32>} : memref<320x128xf32, #tpu.memory_space<vmem>>, vector<16xf32>,
            %get3A_122 = arith.index_cast %scan3A_106 : i32 to index
            %get3A_123 = arith.constant 0 : index
            %get3A_124 = tpu.vector_load %arg17[%get3A_122, %get3A_123] {strides = array<i32>} : memref<32x128xf32, #tpu.memory_space<vmem>>, vector<16xf32>,
            %mul3A_125 = arith.mulf %get3A_124, %broadcast_in_dim3A_118 : vector<16xf32>
            %max3A = arith.maximumf %get3A_121, %mul3A_125 : vector<16xf32>
            %swap3A = arith.index_cast %squeeze3A : i32 to index
            %swap3A_126 = arith.constant 0 : index
            %swap3A_127 = tpu.vector_load %arg16[%swap3A, %swap3A_126] {strides = array<i32>} : memref<320x128xf32, #tpu.memory_space<vmem>>, vector<16xf32>,
            tpu.vector_store %arg16[%swap3A, %swap3A_126], %max3A {strides = array<i32>} : memref<320x128xf32, #tpu.memory_space<vmem>>, vector<16xf32>,
            %get3A_128 = arith.index_cast %squeeze3A : i32 to index
            %get3A_129 = arith.constant 16 : index
            %get3A_130 = tpu.vector_load %arg16[%get3A_128, %get3A_129] {strides = array<i32>} : memref<320x128xf32, #tpu.memory_space<vmem>>, vector<16xf32>,
            %get3A_131 = arith.index_cast %scan3A_106 : i32 to index
            %get3A_132 = arith.constant 16 : index
            %get3A_133 = tpu.vector_load %arg17[%get3A_131, %get3A_132] {strides = array<i32>} : memref<32x128xf32, #tpu.memory_space<vmem>>, vector<16xf32>,
            %mul3A_134 = arith.mulf %get3A_133, %broadcast_in_dim3A_118 : vector<16xf32>
            %max3A_135 = arith.maximumf %get3A_130, %mul3A_134 : vector<16xf32>
            %swap3A_136 = arith.index_cast %squeeze3A : i32 to index
            %swap3A_137 = arith.constant 16 : index
            %swap3A_138 = tpu.vector_load %arg16[%swap3A_136, %swap3A_137] {strides = array<i32>} : memref<320x128xf32, #tpu.memory_space<vmem>>, vector<16xf32>,
            tpu.vector_store %arg16[%swap3A_136, %swap3A_137], %max3A_135 {strides = array<i32>} : memref<320x128xf32, #tpu.memory_space<vmem>>, vector<16xf32>,
            %get3A_139 = arith.index_cast %squeeze3A : i32 to index
            %get3A_140 = arith.constant 32 : index
            %get3A_141 = tpu.vector_load %arg16[%get3A_139, %get3A_140] {strides = array<i32>} : memref<320x128xf32, #tpu.memory_space<vmem>>, vector<16xf32>,
            %get3A_142 = arith.index_cast %scan3A_106 : i32 to index
            %get3A_143 = arith.constant 32 : index
            %get3A_144 = tpu.vector_load %arg17[%get3A_142, %get3A_143] {strides = array<i32>} : memref<32x128xf32, #tpu.memory_space<vmem>>, vector<16xf32>,
            %mul3A_145 = arith.mulf %get3A_144, %broadcast_in_dim3A_118 : vector<16xf32>
            %max3A_146 = arith.maximumf %get3A_141, %mul3A_145 : vector<16xf32>
            %swap3A_147 = arith.index_cast %squeeze3A : i32 to index
            %swap3A_148 = arith.constant 32 : index
            %swap3A_149 = tpu.vector_load %arg16[%swap3A_147, %swap3A_148] {strides = array<i32>} : memref<320x128xf32, #tpu.memory_space<vmem>>, vector<16xf32>,
            tpu.vector_store %arg16[%swap3A_147, %swap3A_148], %max3A_146 {strides = array<i32>} : memref<320x128xf32, #tpu.memory_space<vmem>>, vector<16xf32>,
            %get3A_150 = arith.index_cast %squeeze3A : i32 to index
            %get3A_151 = arith.constant 48 : index
            %get3A_152 = tpu.vector_load %arg16[%get3A_150, %get3A_151] {strides = array<i32>} : memref<320x128xf32, #tpu.memory_space<vmem>>, vector<16xf32>,
            %get3A_153 = arith.index_cast %scan3A_106 : i32 to index
            %get3A_154 = arith.constant 48 : index
            %get3A_155 = tpu.vector_load %arg17[%get3A_153, %get3A_154] {strides = array<i32>} : memref<32x128xf32, #tpu.memory_space<vmem>>, vector<16xf32>,
            %mul3A_156 = arith.mulf %get3A_155, %broadcast_in_dim3A_118 : vector<16xf32>
            %max3A_157 = arith.maximumf %get3A_152, %mul3A_156 : vector<16xf32>
            %swap3A_158 = arith.index_cast %squeeze3A : i32 to index
            %swap3A_159 = arith.constant 48 : index
            %swap3A_160 = tpu.vector_load %arg16[%swap3A_158, %swap3A_159] {strides = array<i32>} : memref<320x128xf32, #tpu.memory_space<vmem>>, vector<16xf32>,
            tpu.vector_store %arg16[%swap3A_158, %swap3A_159], %max3A_157 {strides = array<i32>} : memref<320x128xf32, #tpu.memory_space<vmem>>, vector<16xf32>,
            %get3A_161 = arith.index_cast %squeeze3A : i32 to index
            %get3A_162 = arith.constant 64 : index
            %get3A_163 = tpu.vector_load %arg16[%get3A_161, %get3A_162] {strides = array<i32>} : memref<320x128xf32, #tpu.memory_space<vmem>>, vector<16xf32>,
            %get3A_164 = arith.index_cast %scan3A_106 : i32 to index
            %get3A_165 = arith.constant 64 : index
            %get3A_166 = tpu.vector_load %arg17[%get3A_164, %get3A_165] {strides = array<i32>} : memref<32x128xf32, #tpu.memory_space<vmem>>, vector<16xf32>,
            %mul3A_167 = arith.mulf %get3A_166, %broadcast_in_dim3A_118 : vector<16xf32>
            %max3A_168 = arith.maximumf %get3A_163, %mul3A_167 : vector<16xf32>
            %swap3A_169 = arith.index_cast %squeeze3A : i32 to index
            %swap3A_170 = arith.constant 64 : index
            %swap3A_171 = tpu.vector_load %arg16[%swap3A_169, %swap3A_170] {strides = array<i32>} : memref<320x128xf32, #tpu.memory_space<vmem>>, vector<16xf32>,
            tpu.vector_store %arg16[%swap3A_169, %swap3A_170], %max3A_168 {strides = array<i32>} : memref<320x128xf32, #tpu.memory_space<vmem>>, vector<16xf32>,
            %get3A_172 = arith.index_cast %squeeze3A : i32 to index
            %get3A_173 = arith.constant 80 : index
            %get3A_174 = tpu.vector_load %arg16[%get3A_172, %get3A_173] {strides = array<i32>} : memref<320x128xf32, #tpu.memory_space<vmem>>, vector<16xf32>,
            %get3A_175 = arith.index_cast %scan3A_106 : i32 to index
            %get3A_176 = arith.constant 80 : index
            %get3A_177 = tpu.vector_load %arg17[%get3A_175, %get3A_176] {strides = array<i32>} : memref<32x128xf32, #tpu.memory_space<vmem>>, vector<16xf32>,
            %mul3A_178 = arith.mulf %get3A_177, %broadcast_in_dim3A_118 : vector<16xf32>
            %max3A_179 = arith.maximumf %get3A_174, %mul3A_178 : vector<16xf32>
            %swap3A_180 = arith.index_cast %squeeze3A : i32 to index
            %swap3A_181 = arith.constant 80 : index
            %swap3A_182 = tpu.vector_load %arg16[%swap3A_180, %swap3A_181] {strides = array<i32>} : memref<320x128xf32, #tpu.memory_space<vmem>>, vector<16xf32>,
            tpu.vector_store %arg16[%swap3A_180, %swap3A_181], %max3A_179 {strides = array<i32>} : memref<320x128xf32, #tpu.memory_space<vmem>>, vector<16xf32>,
            %get3A_183 = arith.index_cast %squeeze3A : i32 to index
            %get3A_184 = arith.constant 96 : index
            %get3A_185 = tpu.vector_load %arg16[%get3A_183, %get3A_184] {strides = array<i32>} : memref<320x128xf32, #tpu.memory_space<vmem>>, vector<16xf32>,
            %get3A_186 = arith.index_cast %scan3A_106 : i32 to index
            %get3A_187 = arith.constant 96 : index
            %get3A_188 = tpu.vector_load %arg17[%get3A_186, %get3A_187] {strides = array<i32>} : memref<32x128xf32, #tpu.memory_space<vmem>>, vector<16xf32>,
            %mul3A_189 = arith.mulf %get3A_188, %broadcast_in_dim3A_118 : vector<16xf32>
            %max3A_190 = arith.maximumf %get3A_185, %mul3A_189 : vector<16xf32>
            %swap3A_191 = arith.index_cast %squeeze3A : i32 to index
            %swap3A_192 = arith.constant 96 : index
            %swap3A_193 = tpu.vector_load %arg16[%swap3A_191, %swap3A_192] {strides = array<i32>} : memref<320x128xf32, #tpu.memory_space<vmem>>, vector<16xf32>,
            tpu.vector_store %arg16[%swap3A_191, %swap3A_192], %max3A_190 {strides = array<i32>} : memref<320x128xf32, #tpu.memory_space<vmem>>, vector<16xf32>,
            %get3A_194 = arith.index_cast %squeeze3A : i32 to index
            %get3A_195 = arith.constant 112 : index
            %get3A_196 = tpu.vector_load %arg16[%get3A_194, %get3A_195] {strides = array<i32>} : memref<320x128xf32, #tpu.memory_space<vmem>>, vector<16xf32>,
            %get3A_197 = arith.index_cast %scan3A_106 : i32 to index
            %get3A_198 = arith.constant 112 : index
            %get3A_199 = tpu.vector_load %arg17[%get3A_197, %get3A_198] {strides = array<i32>} : memref<32x128xf32, #tpu.memory_space<vmem>>, vector<16xf32>,
            %mul3A_200 = arith.mulf %get3A_199, %broadcast_in_dim3A_118 : vector<16xf32>
            %max3A_201 = arith.maximumf %get3A_196, %mul3A_200 : vector<16xf32>
            %swap3A_202 = arith.index_cast %squeeze3A : i32 to index
            %swap3A_203 = arith.constant 112 : index
            %swap3A_204 = tpu.vector_load %arg16[%swap3A_202, %swap3A_203] {strides = array<i32>} : memref<320x128xf32, #tpu.memory_space<vmem>>, vector<16xf32>,
            tpu.vector_store %arg16[%swap3A_202, %swap3A_203], %max3A_201 {strides = array<i32>} : memref<320x128xf32, #tpu.memory_space<vmem>>, vector<16xf32>,
          } else {
          }
          %scan3A_112 = arith.constant 0 : i32
          scf.yield %scan3A_112 : i32
        }
        %scan3A_104 = arith.constant 32 : i32
        %while3A_105 = arith.constant 0 : i32
        scf.yield %while3A_105 : i32
      }
      %scan3A_87 = arith.constant 0 : i32
      scf.yield %scan3A_87 : i32
    }
    %scan3A_50 = arith.constant 40 : i32
    %scan3A_51 = arith.constant 0 : i32
    %scan3A_52 = arith.constant 0 : i32
    %scan3A_53 = arith.constant 320 : i32
    %scan3A_54 = arith.addi %scan3A_52, %scan3A_53 : i32
    %scan3A_55 = arith.constant 1 : i32
    %scan3A_56 = scf.for %scan3A_60 = %scan3A_52 to %scan3A_54 step %scan3A_55 iter_args(%scan3A_61 = %scan3A_51) -> (i32)  : i32 {
      %get3A = arith.index_cast %scan3A_60 : i32 to index
      %get3A_62 = arith.constant 0 : index
      %get3A_63 = tpu.vector_load %arg16[%get3A, %get3A_62] {strides = array<i32>} : memref<320x128xf32, #tpu.memory_space<vmem>>, vector<16xf32>,
      %get3A_64 = arith.constant 0 : index
      %get3A_65 = tpu.vector_load %arg18[%get3A_64] {strides = array<i32>} : memref<128xf32, #tpu.memory_space<vmem>>, vector<16xf32>,
      %add3A_66 = arith.addf %get3A_63, %get3A_65 : vector<16xf32>
      %swap3A = arith.index_cast %scan3A_60 : i32 to index
      %swap3A_67 = arith.constant 0 : index
      %swap3A_68 = tpu.vector_load %arg16[%swap3A, %swap3A_67] {strides = array<i32>} : memref<320x128xf32, #tpu.memory_space<vmem>>, vector<16xf32>,
      tpu.vector_store %arg16[%swap3A, %swap3A_67], %add3A_66 {strides = array<i32>} : memref<320x128xf32, #tpu.memory_space<vmem>>, vector<16xf32>,
      %get3A_69 = arith.index_cast %scan3A_60 : i32 to index
      %get3A_70 = arith.constant 16 : index
      %get3A_71 = tpu.vector_load %arg16[%get3A_69, %get3A_70] {strides = array<i32>} : memref<320x128xf32, #tpu.memory_space<vmem>>, vector<16xf32>,
      %get3A_72 = arith.constant 16 : index
      %get3A_73 = tpu.vector_load %arg18[%get3A_72] {strides = array<i32>} : memref<128xf32, #tpu.memory_space<vmem>>, vector<16xf32>,
      %add3A_74 = arith.addf %get3A_71, %get3A_73 : vector<16xf32>
      %swap3A_75 = arith.index_cast %scan3A_60 : i32 to index
      %swap3A_76 = arith.constant 16 : index
      %swap3A_77 = tpu.vector_load %arg16[%swap3A_75, %swap3A_76] {strides = array<i32>} : memref<320x128xf32, #tpu.memory_space<vmem>>, vector<16xf32>,
      tpu.vector_store %arg16[%swap3A_75, %swap3A_76], %add3A_74 {strides = array<i32>} : memref<320x128xf32, #tpu.memory_space<vmem>>, vector<16xf32>,
      %get3A_78 = arith.index_cast %scan3A_60 : i32 to index
      %get3A_79 = arith.constant 32 : index
      %get3A_80 = tpu.vector_load %arg16[%get3A_78, %get3A_79] {strides = array<i32>} : memref<320x128xf32, #tpu.memory_space<vmem>>, vector<16xf32>,
      %get3A_81 = arith.constant 32 : index
      %get3A_82 = tpu.vector_load %arg18[%get3A_81] {strides = array<i32>} : memref<128xf32, #tpu.memory_space<vmem>>, vector<16xf32>,
      %add3A_83 = arith.addf %get3A_80, %get3A_82 : vector<16xf32>
      %swap3A_84 = arith.index_cast %scan3A_60 : i32 to index
      %swap3A_85 = arith.constant 32 : index
      %swap3A_86 = tpu.vector_load %arg16[%swap3A_84, %swap3A_85] {strides = array<i32>} : memref<320x128xf32, #tpu.memory_space<vmem>>, vector<16xf32>,
      tpu.vector_store %arg16[%swap3A_84, %swap3A_85], %add3A_83 {strides = array<i32>} : memref<320x128xf32, #tpu.memory_space<vmem>>, vector<16xf32>,
      %get3A_87 = arith.index_cast %scan3A_60 : i32 to index
      %get3A_88 = arith.constant 48 : index
      %get3A_89 = tpu.vector_load %arg16[%get3A_87, %get3A_88] {strides = array<i32>} : memref<320x128xf32, #tpu.memory_space<vmem>>, vector<16xf32>,
      %get3A_90 = arith.constant 48 : index
      %get3A_91 = tpu.vector_load %arg18[%get3A_90] {strides = array<i32>} : memref<128xf32, #tpu.memory_space<vmem>>, vector<16xf32>,
      %add3A_92 = arith.addf %get3A_89, %get3A_91 : vector<16xf32>
      %swap3A_93 = arith.index_cast %scan3A_60 : i32 to index
      %swap3A_94 = arith.constant 48 : index
      %swap3A_95 = tpu.vector_load %arg16[%swap3A_93, %swap3A_94] {strides = array<i32>} : memref<320x128xf32, #tpu.memory_space<vmem>>, vector<16xf32>,
      tpu.vector_store %arg16[%swap3A_93, %swap3A_94], %add3A_92 {strides = array<i32>} : memref<320x128xf32, #tpu.memory_space<vmem>>, vector<16xf32>,
      %get3A_96 = arith.index_cast %scan3A_60 : i32 to index
      %get3A_97 = arith.constant 64 : index
      %get3A_98 = tpu.vector_load %arg16[%get3A_96, %get3A_97] {strides = array<i32>} : memref<320x128xf32, #tpu.memory_space<vmem>>, vector<16xf32>,
      %get3A_99 = arith.constant 64 : index
      %get3A_100 = tpu.vector_load %arg18[%get3A_99] {strides = array<i32>} : memref<128xf32, #tpu.memory_space<vmem>>, vector<16xf32>,
      %add3A_101 = arith.addf %get3A_98, %get3A_100 : vector<16xf32>
      %swap3A_102 = arith.index_cast %scan3A_60 : i32 to index
      %swap3A_103 = arith.constant 64 : index
      %swap3A_104 = tpu.vector_load %arg16[%swap3A_102, %swap3A_103] {strides = array<i32>} : memref<320x128xf32, #tpu.memory_space<vmem>>, vector<16xf32>,
      tpu.vector_store %arg16[%swap3A_102, %swap3A_103], %add3A_101 {strides = array<i32>} : memref<320x128xf32, #tpu.memory_space<vmem>>, vector<16xf32>,
      %get3A_105 = arith.index_cast %scan3A_60 : i32 to index
      %get3A_106 = arith.constant 80 : index
      %get3A_107 = tpu.vector_load %arg16[%get3A_105, %get3A_106] {strides = array<i32>} : memref<320x128xf32, #tpu.memory_space<vmem>>, vector<16xf32>,
      %get3A_108 = arith.constant 80 : index
      %get3A_109 = tpu.vector_load %arg18[%get3A_108] {strides = array<i32>} : memref<128xf32, #tpu.memory_space<vmem>>, vector<16xf32>,
      %add3A_110 = arith.addf %get3A_107, %get3A_109 : vector<16xf32>
      %swap3A_111 = arith.index_cast %scan3A_60 : i32 to index
      %swap3A_112 = arith.constant 80 : index
      %swap3A_113 = tpu.vector_load %arg16[%swap3A_111, %swap3A_112] {strides = array<i32>} : memref<320x128xf32, #tpu.memory_space<vmem>>, vector<16xf32>,
      tpu.vector_store %arg16[%swap3A_111, %swap3A_112], %add3A_110 {strides = array<i32>} : memref<320x128xf32, #tpu.memory_space<vmem>>, vector<16xf32>,
      %get3A_114 = arith.index_cast %scan3A_60 : i32 to index
      %get3A_115 = arith.constant 96 : index
      %get3A_116 = tpu.vector_load %arg16[%get3A_114, %get3A_115] {strides = array<i32>} : memref<320x128xf32, #tpu.memory_space<vmem>>, vector<16xf32>,
      %get3A_117 = arith.constant 96 : index
      %get3A_118 = tpu.vector_load %arg18[%get3A_117] {strides = array<i32>} : memref<128xf32, #tpu.memory_space<vmem>>, vector<16xf32>,
      %add3A_119 = arith.addf %get3A_116, %get3A_118 : vector<16xf32>
      %swap3A_120 = arith.index_cast %scan3A_60 : i32 to index
      %swap3A_121 = arith.constant 96 : index
      %swap3A_122 = tpu.vector_load %arg16[%swap3A_120, %swap3A_121] {strides = array<i32>} : memref<320x128xf32, #tpu.memory_space<vmem>>, vector<16xf32>,
      tpu.vector_store %arg16[%swap3A_120, %swap3A_121], %add3A_119 {strides = array<i32>} : memref<320x128xf32, #tpu.memory_space<vmem>>, vector<16xf32>,
      %get3A_123 = arith.index_cast %scan3A_60 : i32 to index
      %get3A_124 = arith.constant 112 : index
      %get3A_125 = tpu.vector_load %arg16[%get3A_123, %get3A_124] {strides = array<i32>} : memref<320x128xf32, #tpu.memory_space<vmem>>, vector<16xf32>,
      %get3A_126 = arith.constant 112 : index
      %get3A_127 = tpu.vector_load %arg18[%get3A_126] {strides = array<i32>} : memref<128xf32, #tpu.memory_space<vmem>>, vector<16xf32>,
      %add3A_128 = arith.addf %get3A_125, %get3A_127 : vector<16xf32>
      %swap3A_129 = arith.index_cast %scan3A_60 : i32 to index
      %swap3A_130 = arith.constant 112 : index
      %swap3A_131 = tpu.vector_load %arg16[%swap3A_129, %swap3A_130] {strides = array<i32>} : memref<320x128xf32, #tpu.memory_space<vmem>>, vector<16xf32>,
      tpu.vector_store %arg16[%swap3A_129, %swap3A_130], %add3A_128 {strides = array<i32>} : memref<320x128xf32, #tpu.memory_space<vmem>>, vector<16xf32>,
      %scan3A_132 = arith.constant 0 : i32
      scf.yield %scan3A_132 : i32
    }
    %scan3A_57 = arith.constant 320 : i32
    %add3A_58 = arith.constant 10240 : i32
    %add3A_59 = arith.addi %add3A_58, %mul3A_2 : i32
    "tpu.region"() ({
      %run_scoped3A = tpu.sem_alloc : memref<!tpu.dma_semaphore, #tpu.memory_space<semaphore_mem>>
      %dma_start3A = arith.constant 0 : i32
      %dma_start3A_60 = tpu.memref_slice %arg8[%add3A_59, %dma_start3A] : memref<20480x128xf32, #tpu.memory_space<hbm>> -> memref<320x128xf32, #tpu.memory_space<hbm>>
      %dma_start3A_61 = arith.constant 0 : i32
      %dma_start3A_62 = tpu.memref_slice %arg8[%add3A_59, %dma_start3A_61] : memref<20480x128xf32, #tpu.memory_space<hbm>> -> memref<320x128xf32, #tpu.memory_space<hbm>>
      tpu.enqueue_dma source(%arg16 : memref<320x128xf32, #tpu.memory_space<vmem>>) target(%dma_start3A_62 : memref<320x128xf32, #tpu.memory_space<hbm>>) target_semaphore(%run_scoped3A : memref<!tpu.dma_semaphore, #tpu.memory_space<semaphore_mem>>)
      %dma_wait3A = arith.constant 0 : i32
      %dma_wait3A_63 = tpu.memref_slice %arg8[%add3A_59, %dma_wait3A] : memref<20480x128xf32, #tpu.memory_space<hbm>> -> memref<320x128xf32, #tpu.memory_space<hbm>>
      %dma_wait3A_64 = arith.constant 0 : i32
      %dma_wait3A_65 = tpu.memref_slice %arg8[%add3A_59, %dma_wait3A_64] : memref<20480x128xf32, #tpu.memory_space<hbm>> -> memref<320x128xf32, #tpu.memory_space<hbm>>
      tpu.wait_dma2 semaphore(%run_scoped3A : memref<!tpu.dma_semaphore, #tpu.memory_space<semaphore_mem>>) src(%arg16 : memref<320x128xf32, #tpu.memory_space<vmem>>) dst(%dma_wait3A_65 : memref<320x128xf32, #tpu.memory_space<hbm>>)
      tpu.yield
    }) : () -> ()
    return
  }
}

module attributes {stable_mosaic.version = 14 : i64} {
  func.func @_prep_body(%arg0: i32, %arg1: memref<1x10240x128xf32, #tpu.memory_space<vmem>>, %arg2: memref<128x128xf32, #tpu.memory_space<vmem>>, %arg3: memref<1x32x8x1280xf32, #tpu.memory_space<vmem>>, %arg4: memref<1x10240x128xf32, #tpu.memory_space<vmem>>, %arg5: memref<1x8x1280xf32, #tpu.memory_space<vmem>>) attributes {dimension_semantics = [#tpu.dimension_semantics<arbitrary>], iteration_bounds = array<i64: 2>, scalar_prefetch = 0 : i64, scratch_operands = 0 : i64, tpu.core_type = #tpu.core_type<tc>, window_params = [{transform_indices = @transform_0, window_bounds = array<i64: 1, 10240, 128>}, {pipeline_mode = #tpu.pipeline_mode<synchronous>, transform_indices = @transform_1, window_bounds = array<i64: 128, 128>}, {transform_indices = @transform_2, window_bounds = array<i64: 1, 32, 8, 1280>}, {transform_indices = @transform_3, window_bounds = array<i64: 1, 10240, 128>}, {transform_indices = @transform_4, window_bounds = array<i64: 1, 8, 1280>}]} {
    %get3A = arith.constant 0 : index
    %get3A_0 = arith.constant 0 : index
    %get3A_1 = arith.constant 0 : index
    %get3A_2 = vector.load %arg1[%get3A, %get3A_0, %get3A_1] : memref<1x10240x128xf32, #tpu.memory_space<vmem>>, vector<1x10240x128xf32>
    %get3A_3 = vector.shape_cast %get3A_2 : vector<1x10240x128xf32> to vector<10240x128xf32>
    %get3A_4 = arith.constant 0 : index
    %get3A_5 = arith.constant 0 : index
    %get3A_6 = vector.load %arg2[%get3A_4, %get3A_5] : memref<128x128xf32, #tpu.memory_space<vmem>>, vector<128x128xf32>
    %dot_general3A = arith.constant dense<0.000000e+00> : vector<10240x128xf32>
    %dot_general3A_7 = tpu.matmul %get3A_3, %get3A_6, %dot_general3A {dimension_numbers = #tpu.dot_dimension_numbers<[1], [0], [0], [1], [0, 0, 1, 1], [], []>, transpose_lhs_hint = false} : vector<10240x128xf32>, vector<128x128xf32>, vector<10240x128xf32> -> vector<10240x128xf32>
    %get3A_8 = arith.constant 0 : index
    %get3A_9 = arith.constant 0 : index
    %get3A_10 = arith.constant 0 : index
    %get3A_11 = arith.constant 0 : index
    %get3A_12 = vector.load %arg3[%get3A_8, %get3A_9, %get3A_10, %get3A_11] : memref<1x32x8x1280xf32, #tpu.memory_space<vmem>>, vector<1x32x8x1280xf32>
    %get3A_13 = vector.shape_cast %get3A_12 : vector<1x32x8x1280xf32> to vector<32x8x1280xf32>
    %reduce_sum3A = arith.constant dense<0.000000e+00> : vector<8x1280xf32>
    %reduce_sum3A_14 = vector.multi_reduction <add>, %get3A_13, %reduce_sum3A [0] : vector<32x8x1280xf32> to vector<8x1280xf32>
    %add3A = arith.constant 2.000000e+00 : f32
    %add3A_15 = vector.broadcast %add3A : f32 to vector<8x1280xf32>
    %add3A_16 = arith.addf %reduce_sum3A_14, %add3A_15 : vector<8x1280xf32>
    %rsqrt3A = math.rsqrt %add3A_16 : vector<8x1280xf32>
    %swap3A = arith.constant 0 : index
    %swap3A_17 = arith.constant 0 : index
    %swap3A_18 = arith.constant 0 : index
    %swap3A_19 = vector.load %arg5[%swap3A, %swap3A_17, %swap3A_18] : memref<1x8x1280xf32, #tpu.memory_space<vmem>>, vector<1x8x1280xf32>
    %swap3A_20 = vector.shape_cast %swap3A_19 : vector<1x8x1280xf32> to vector<8x1280xf32>
    %swap3A_21 = vector.shape_cast %rsqrt3A : vector<8x1280xf32> to vector<1x8x1280xf32>
    tpu.vector_store %arg5[%swap3A, %swap3A_17, %swap3A_18], %swap3A_21 {strides = array<i32>} : memref<1x8x1280xf32, #tpu.memory_space<vmem>>, vector<1x8x1280xf32>,
    %swap3A_22 = arith.constant 0 : index
    %swap3A_23 = arith.constant 0 : index
    %swap3A_24 = arith.constant 0 : index
    %swap3A_25 = vector.load %arg4[%swap3A_22, %swap3A_23, %swap3A_24] : memref<1x10240x128xf32, #tpu.memory_space<vmem>>, vector<1x10240x128xf32>
    %swap3A_26 = vector.shape_cast %swap3A_25 : vector<1x10240x128xf32> to vector<10240x128xf32>
    %swap3A_27 = vector.shape_cast %dot_general3A_7 : vector<10240x128xf32> to vector<1x10240x128xf32>
    tpu.vector_store %arg4[%swap3A_22, %swap3A_23, %swap3A_24], %swap3A_27 {strides = array<i32>} : memref<1x10240x128xf32, #tpu.memory_space<vmem>>, vector<1x10240x128xf32>,
    return
  }
  func.func @transform_0(%arg0: i32) -> (i32, i32, i32) {
    %c0_i32 = arith.constant 0 : i32
    %c0_i32_0 = arith.constant 0 : i32
    %c0_i32_1 = arith.constant 0 : i32
    return %arg0, %c0_i32, %c0_i32_0 : i32, i32, i32
  }
  func.func @transform_1(%arg0: i32) -> (i32, i32) {
    %c0_i32 = arith.constant 0 : i32
    %c0_i32_0 = arith.constant 0 : i32
    %c0_i32_1 = arith.constant 0 : i32
    return %c0_i32, %c0_i32_0 : i32, i32
  }
  func.func @transform_2(%arg0: i32) -> (i32, i32, i32, i32) {
    %c0_i32 = arith.constant 0 : i32
    %c0_i32_0 = arith.constant 0 : i32
    %c0_i32_1 = arith.constant 0 : i32
    %c0_i32_2 = arith.constant 0 : i32
    return %arg0, %c0_i32, %c0_i32_0, %c0_i32_1 : i32, i32, i32, i32
  }
  func.func @transform_3(%arg0: i32) -> (i32, i32, i32) {
    %c0_i32 = arith.constant 0 : i32
    %c0_i32_0 = arith.constant 0 : i32
    %c0_i32_1 = arith.constant 0 : i32
    return %arg0, %c0_i32, %c0_i32_0 : i32, i32, i32
  }
  func.func @transform_4(%arg0: i32) -> (i32, i32, i32) {
    %c0_i32 = arith.constant 0 : i32
    %c0_i32_0 = arith.constant 0 : i32
    %c0_i32_1 = arith.constant 0 : i32
    return %arg0, %c0_i32, %c0_i32_0 : i32, i32, i32
  }
}

module attributes {stable_mosaic.version = 14 : i64} {
  func.func @_prep_body(%arg0: i32, %arg1: memref<1x10240x128xf32, #tpu.memory_space<vmem>>, %arg2: memref<128x128xf32, #tpu.memory_space<vmem>>, %arg3: memref<1x32x8x1280xf32, #tpu.memory_space<vmem>>, %arg4: memref<1x10240x128xf32, #tpu.memory_space<vmem>>, %arg5: memref<1x8x1280xf32, #tpu.memory_space<vmem>>) attributes {dimension_semantics = [#tpu.dimension_semantics<arbitrary>], iteration_bounds = array<i64: 2>, scalar_prefetch = 0 : i64, scratch_operands = 0 : i64, tpu.core_type = #tpu.core_type<tc>, window_params = [{transform_indices = @transform_0, window_bounds = array<i64: 1, 10240, 128>}, {pipeline_mode = #tpu.pipeline_mode<synchronous>, transform_indices = @transform_1, window_bounds = array<i64: 128, 128>}, {transform_indices = @transform_2, window_bounds = array<i64: 1, 32, 8, 1280>}, {transform_indices = @transform_3, window_bounds = array<i64: 1, 10240, 128>}, {transform_indices = @transform_4, window_bounds = array<i64: 1, 8, 1280>}]} {
    %get3A = arith.constant 0 : index
    %get3A_0 = arith.constant 0 : index
    %get3A_1 = arith.constant 0 : index
    %get3A_2 = vector.load %arg1[%get3A, %get3A_0, %get3A_1] : memref<1x10240x128xf32, #tpu.memory_space<vmem>>, vector<1x10240x128xf32>
    %get3A_3 = vector.shape_cast %get3A_2 : vector<1x10240x128xf32> to vector<10240x128xf32>
    %get3A_4 = arith.constant 0 : index
    %get3A_5 = arith.constant 0 : index
    %get3A_6 = vector.load %arg2[%get3A_4, %get3A_5] : memref<128x128xf32, #tpu.memory_space<vmem>>, vector<128x128xf32>
    %dot_general3A = arith.constant dense<0.000000e+00> : vector<10240x128xf32>
    %dot_general3A_7 = tpu.matmul %get3A_3, %get3A_6, %dot_general3A {dimension_numbers = #tpu.dot_dimension_numbers<[1], [0], [0], [1], [0, 0, 1, 1], [], []>, transpose_lhs_hint = false} : vector<10240x128xf32>, vector<128x128xf32>, vector<10240x128xf32> -> vector<10240x128xf32>
    %get3A_8 = arith.constant 0 : index
    %get3A_9 = arith.constant 0 : index
    %get3A_10 = arith.constant 0 : index
    %get3A_11 = arith.constant 0 : index
    %get3A_12 = vector.load %arg3[%get3A_8, %get3A_9, %get3A_10, %get3A_11] : memref<1x32x8x1280xf32, #tpu.memory_space<vmem>>, vector<1x32x8x1280xf32>
    %get3A_13 = vector.shape_cast %get3A_12 : vector<1x32x8x1280xf32> to vector<32x8x1280xf32>
    %reduce_sum3A = arith.constant dense<0.000000e+00> : vector<8x1280xf32>
    %reduce_sum3A_14 = vector.multi_reduction <add>, %get3A_13, %reduce_sum3A [0] : vector<32x8x1280xf32> to vector<8x1280xf32>
    %add3A = arith.constant 2.000000e+00 : f32
    %add3A_15 = vector.broadcast %add3A : f32 to vector<8x1280xf32>
    %add3A_16 = arith.addf %reduce_sum3A_14, %add3A_15 : vector<8x1280xf32>
    %rsqrt3A = math.rsqrt %add3A_16 : vector<8x1280xf32>
    %swap3A = arith.constant 0 : index
    %swap3A_17 = arith.constant 0 : index
    %swap3A_18 = arith.constant 0 : index
    %swap3A_19 = vector.load %arg5[%swap3A, %swap3A_17, %swap3A_18] : memref<1x8x1280xf32, #tpu.memory_space<vmem>>, vector<1x8x1280xf32>
    %swap3A_20 = vector.shape_cast %swap3A_19 : vector<1x8x1280xf32> to vector<8x1280xf32>
    %swap3A_21 = vector.shape_cast %rsqrt3A : vector<8x1280xf32> to vector<1x8x1280xf32>
    tpu.vector_store %arg5[%swap3A, %swap3A_17, %swap3A_18], %swap3A_21 {strides = array<i32>} : memref<1x8x1280xf32, #tpu.memory_space<vmem>>, vector<1x8x1280xf32>,
    %swap3A_22 = arith.constant 0 : index
    %swap3A_23 = arith.constant 0 : index
    %swap3A_24 = arith.constant 0 : index
    %swap3A_25 = vector.load %arg4[%swap3A_22, %swap3A_23, %swap3A_24] : memref<1x10240x128xf32, #tpu.memory_space<vmem>>, vector<1x10240x128xf32>
    %swap3A_26 = vector.shape_cast %swap3A_25 : vector<1x10240x128xf32> to vector<10240x128xf32>
    %swap3A_27 = vector.shape_cast %dot_general3A_7 : vector<10240x128xf32> to vector<1x10240x128xf32>
    tpu.vector_store %arg4[%swap3A_22, %swap3A_23, %swap3A_24], %swap3A_27 {strides = array<i32>} : memref<1x10240x128xf32, #tpu.memory_space<vmem>>, vector<1x10240x128xf32>,
    return
  }
  func.func @transform_0(%arg0: i32) -> (i32, i32, i32) {
    %c0_i32 = arith.constant 0 : i32
    %c0_i32_0 = arith.constant 0 : i32
    %c0_i32_1 = arith.constant 0 : i32
    return %arg0, %c0_i32, %c0_i32_0 : i32, i32, i32
  }
  func.func @transform_1(%arg0: i32) -> (i32, i32) {
    %c0_i32 = arith.constant 0 : i32
    %c0_i32_0 = arith.constant 0 : i32
    %c0_i32_1 = arith.constant 0 : i32
    return %c0_i32, %c0_i32_0 : i32, i32
  }
  func.func @transform_2(%arg0: i32) -> (i32, i32, i32, i32) {
    %c0_i32 = arith.constant 0 : i32
    %c0_i32_0 = arith.constant 0 : i32
    %c0_i32_1 = arith.constant 0 : i32
    %c0_i32_2 = arith.constant 0 : i32
    return %arg0, %c0_i32, %c0_i32_0, %c0_i32_1 : i32, i32, i32, i32
  }
  func.func @transform_3(%arg0: i32) -> (i32, i32, i32) {
    %c0_i32 = arith.constant 0 : i32
    %c0_i32_0 = arith.constant 0 : i32
    %c0_i32_1 = arith.constant 0 : i32
    return %arg0, %c0_i32, %c0_i32_0 : i32, i32, i32
  }
  func.func @transform_4(%arg0: i32) -> (i32, i32, i32) {
    %c0_i32 = arith.constant 0 : i32
    %c0_i32_0 = arith.constant 0 : i32
    %c0_i32_1 = arith.constant 0 : i32
    return %arg0, %c0_i32, %c0_i32_0 : i32, i32, i32
  }
}

</mosaic_0001>

<sc_bundles>
// kernel: kernel.10.cloned.1.call-start
scs
__scs_entry_jumppad:
0x0: {  	(pc) =	sbr.rel $0x88, $3  }
0x1: {  	(tag) =	ssettag $0x0;
	lr =	simm.s32 $0x1  }
0x2: {  	[smem:$0x3F97] =	sst lr;
	_ =	strace $0xD0000000  }
0x3: {  	_ = 	snop  }
0x4: {  	_ = 	snop  }
0x5: {  	_ = 	snop  }
0x6: {  	_ = 	snop  }
0x7: {  	_ = 	snop  }
__scs_overlays_trampoline_lowered:
0x8: {  	[smem:$0x3FA6] =	sst s0  }
0x9: {  	[smem:$0x3FA7] =	sst s1  }
0xa: {  	[smem:$0x3FA8] =	sst s2  }
0xb: {  	[smem:$0x3FA9] =	sst s3  }
0xc: {  	[smem:$0x3FAA] =	sst s4  }
0xd: {  	[smem:$0x3FAB] =	sst s5  }
0xe: {  	[smem:$0x3FAC] =	sst s6  }
0xf: {  	[smem:$0x3FAD] =	sst s7  }
0x10: {  	[smem:$0x3FAE] =	sst s8  }
0x11: {  	[smem:$0x3FAF] =	sst s9;
	s0 =	simm.s32 @!p0 $0x0  }
0x12: {  	s1 =	sld [smem:$0x3F95];
	s0 =	simm.s32 @p0 $0x1  }
0x13: {  	[smem:$0x3FB0] =	sst s0;
	s0 =	simm.s32 @!p1 $0x0  }
0x14: {  	s2 =	sld [smem:$0x3F94];
	s0 =	simm.s32 @p1 $0x1  }
0x15: {  	[smem:$0x3FB1] =	sst s0;
	s0 =	simm.s32 @!p2 $0x0  }
0x16: {  	s3 =	sld [smem:$0x3FDB];
	s0 =	simm.s32 @p2 $0x1  }
0x17: {  	s4 =	simm.s32 $0x1BF5;
	[smem:$0x3FB3] =	sst s0  }
0x18: {  	s0 =	sld [smem:$0x3F96];
	_ =	swait.ge [sflag:s4], $0x0  }
0x19: {  	s7 =	sld [smem:$0x3F97]  }
0x1a: {  	s8 =	sadd.s32 $0xFFFFE003, lr  }
0x1b: {  	s9 =	sadd.s32 $0xFFFFFEF7, lr;
	s5 =	simm.s32 $0xFFFFFFFF;
	p2 =	slt.u32 s8, $0xFFFFF086  }
0x1c: {  	p1 =	slt.u32 s9, $0xF7A;
	s5 =	simm.s32 @!p2 $0x0  }
0x1d: {  	s5 =	simm.s32 @p1 $0x1;
	p0 =	seq.s32 s7, s2  }
0x1e: {  	s7 =	smul.u32 @!p0 $0xF7A, s2;
	p2 =	seq.s32 @!p0 s5, $0x0  }
0x1f: {  	s9 =	smul.u32 $0xF7A, s1;
	s8 =	simm.s32 @!p0 $0x1BF5;
	p2 =	por !p2, p0  }
0x20: {  	[sflag:s8] =	ssyncset.s32 @!p0 $0xFFFFF086;
	s6 =	sadd.s32 @!p0 s3, s7;
	s7 =	simm.s32 @!p0 $0x108  }
0x21: {  	s3 =	sadd.s32 s3, s9;
	s6 =	sadd.s32 @!p0 $0x88, s6;
	s7 =	simm.s32 @p2 $0x1082  }
0x22: {  	[simem:s7], [sflag:s8] =	dma.local @!p0 [hbm:s6], $0xF7A  }
0x23: {  	s9 =	sor.u32 $0xD0000000, s2;
	s6 =	simm.s32 $0x108;
	_ =	swait.ge @!p0 [sflag:s8], $0x0  }
0x24: {  	s3 =	sadd.s32 $0x88, s3;
	s6 =	simm.s32 @!p1 $0x1082;
	[sflag:s4] =	ssyncset.s32 $0xFFFFF086  }
0x25: {  	[simem:s6], [sflag:s4] =	dma.local [hbm:s3], $0xF7A  }
0x26: {  	[smem:$0x3F97] =	sst s1;
	(tag) =	ssettag s2;
	_ =	strace s9  }
0x27: {  	s1 =	sld [smem:$0x3FA7]  }
0x28: {  	s2 =	sld [smem:$0x3FA8]  }
0x29: {  	s4 =	sld [smem:$0x3FAA]  }
0x2a: {  	p0 =	seq.s32 s5, $0x0;
	s5 =	sld [smem:$0x3FAB]  }
0x2b: {  	s6 =	sld [smem:$0x3FAC]  }
0x2c: {  	s7 =	sld [smem:$0x3FAD]  }
0x2d: {  	s3 =	simm.s32 $0x108;
	s8 =	sld [smem:$0x3FAE]  }
0x2e: {  	s3 =	simm.s32 @!p0 $0x1082;
	s9 =	sld [smem:$0x3FAF]  }
0x2f: {  	lr =	sadd.s32 s0, s3;
	s0 =	sld [smem:$0x3FA6]  }
0x30: {  	s3 =	sld [smem:$0x3FA9]  }
0x31: {  	[smem:$0x3FB2] =	sst s10  }
0x32: {  	s10 =	sld [smem:$0x3FB0];
	_ =	sdelay $0x3  }
0x33: {  	p0 =	seq.s32 s10, $0x1;
	s10 =	sld [smem:$0x3FB2];
	_ =	sdelay $0x3  }
0x34: {  	[smem:$0x3FB2] =	sst s10  }
0x35: {  	s10 =	sld [smem:$0x3FB1];
	_ =	sdelay $0x3  }
0x36: {  	p1 =	seq.s32 s10, $0x1;
	s10 =	sld [smem:$0x3FB2];
	_ =	sdelay $0x3  }
0x37: {  	[smem:$0x3FB2] =	sst s10  }
0x38: {  	s10 =	sld [smem:$0x3FB3]  }
0x39: {  	_ = 	snop;
	(pc) =	sbr.ind lr, $3  }
0x3a: {  	_ = 	snop  }
0x3b: {  	_ = 	snop  }
0x3c: {  	p2 =	seq.s32 s10, $0x1;
	s10 =	sld [smem:$0x3FB2]  }
0x3d: {  	_ =	shalt  }
0x3e: {  	_ =	shalt  }
0x3f: {  	_ =	shalt  }
0x40: {  	_ =	shalt  }
0x41: {  	_ =	shalt  }
0x42: {  	_ =	shalt  }
0x43: {  	_ =	shalt  }
0x44: {  	_ =	shalt  }
0x45: {  	_ =	shalt  }
0x46: {  	_ =	shalt  }
0x47: {  	_ =	shalt  }
0x48: {  	_ =	shalt  }
0x49: {  	_ =	shalt  }
0x4a: {  	_ =	shalt  }
0x4b: {  	_ =	shalt  }
0x4c: {  	_ =	shalt  }
0x4d: {  	_ =	shalt  }
0x4e: {  	_ =	shalt  }
0x4f: {  	_ =	shalt  }
0x50: {  	_ =	shalt  }
0x51: {  	_ =	shalt  }
0x52: {  	_ =	shalt  }
0x53: {  	_ =	shalt  }
0x54: {  	_ =	shalt  }
0x55: {  	_ =	shalt  }
0x56: {  	_ =	shalt  }
0x57: {  	_ =	shalt  }
0x58: {  	_ =	shalt  }
0x59: {  	_ =	shalt  }
0x5a: {  	_ =	shalt  }
0x5b: {  	_ =	shalt  }
0x5c: {  	_ =	shalt  }
0x5d: {  	_ =	shalt  }
0x5e: {  	_ =	shalt  }
0x5f: {  	_ =	shalt  }
0x60: {  	_ =	shalt  }
0x61: {  	_ =	shalt  }
0x62: {  	_ =	shalt  }
0x63: {  	_ =	shalt  }
0x64: {  	_ =	shalt  }
0x65: {  	_ =	shalt  }
0x66: {  	_ =	shalt  }
0x67: {  	_ =	shalt  }
0x68: {  	_ =	shalt  }
0x69: {  	_ =	shalt  }
0x6a: {  	_ =	shalt  }
0x6b: {  	_ =	shalt  }
0x6c: {  	_ =	shalt  }
0x6d: {  	_ =	shalt  }
0x6e: {  	_ =	shalt  }
0x6f: {  	_ =	shalt  }
0x70: {  	_ =	shalt  }
0x71: {  	_ =	shalt  }
0x72: {  	_ =	shalt  }
0x73: {  	_ =	shalt  }
0x74: {  	_ =	shalt  }
0x75: {  	_ =	shalt  }
0x76: {  	_ =	shalt  }
0x77: {  	_ =	shalt  }
0x78: {  	_ =	shalt  }
0x79: {  	_ =	shalt  }
0x7a: {  	_ =	shalt  }
0x7b: {  	_ =	shalt  }
0x7c: {  	_ =	shalt  }
0x7d: {  	_ =	shalt  }
0x7e: {  	_ =	shalt  }
0x7f: {  	_ =	shalt  }
0x80: {  	_ =	shalt  }
0x81: {  	_ =	shalt  }
0x82: {  	_ =	shalt  }
0x83: {  	_ =	shalt  }
0x84: {  	_ =	shalt  }
0x85: {  	_ =	shalt  }
0x86: {  	_ =	shalt  }
0x87: {  	_ =	shalt  }
.Lfunc_end0:
.L_simem_size_0:
called_computation.1_lowered:
.L_overlay_start_0:
0x88: {  	s2 =	sld [smem:$0x3FD9]  }
0x89: {  	s3 =	sld [smem:$0x3FFE];
	_ =	sdelay $0x1  }
0x8a: {  	s1 =	srdreg.scid  }
0x8b: {  	s0 =	sand.u32 $0x1, s1  }
0x8c: {  	s14 =	sshll.u32 s0, $0xA;
	s2 =	sadd.s32 s3, s2  }
0x8d: {  	s2 =	sadd.s32 s2, s14  }
0x8e: {  	[smem:$0x3FBE] =	sst s2  }
0x8f: {  	_ = 	snop  }
0x90: {  	s2 =	sld [smem:$0x3FD0];
	_ =	sdelay $0x2  }
0x91: {  	s4 =	simm.s32 $0xA;
	s5 =	simm.s32 $0x10;
	s15 =	sld [smem:$0x3FC2]  }
0x92: {  	[smem:s5], [sflag:s4] =	dma.local [hbm:s2], $0x1  }
0x93: {  	_ =	swait.eq [sflag:s4], $0x1  }
0x94: {  	[sflag:s4] =	ssyncset.done $0x0  }
0x95: {  	s16 =	sld [smem:$0x10];
	[sflag:s4] =	ssyncadd.s32 $0xFFFFFFFF  }
0x96: {  	s17 =	sld [smem:$0x11];
	(tm) =	ssettm $0x1  }
0x97: {  	s18 =	sld [smem:$0x3FFB];
	_ =	sdelay $0x3  }
0x98: {  	_ =	strace s18  }
0x99: {  	s5 =	sld [smem:$0x3FFC];
	_ =	sdelay $0x3  }
0x9a: {  	_ =	strace s5  }
0x9b: {  	s5 =	sld [smem:$0x3FFD];
	_ =	sdelay $0x3  }
0x9c: {  	_ =	strace s5  }
0x9d: {  	_ =	strace $0x8FFFFFFF  }
0x9e: {  	s19 =	sld [smem:$0x3FDB];
	_ =	sdelay $0x1  }
0x9f: {  	s6 =	simm.s32 $_scs_section_size  }
0xa0: {  	s7 =	simm.s32 $_size__tile_overlayer_lowered;
	s8 =	simm.s32 $_tile_overlayer_lowered  }
0xa1: {  	s22 =	simm.s32 $0x1BFF;
	s21 =	sshll.u32 s8, $0x1;
	s5 =	sadd.s32 s6, s19  }
0xa2: {  	s9 =	simm.s32 $0x0;
	s20 =	sshll.u32 s7, $0x1;
	s7 =	sadd.s32 s21, s5  }
0xa3: {  	[timem:s9], [sflag:s22] =	dma.local [hbm:s7], s20  }
0xa4: {  	_ =	swait.ge [sflag:s22], s20  }
0xa5: {  	s6 =	ssub.s32 $0x0, s20;
	[sflag:s22] =	ssyncset.done $0x0  }
0xa6: {  	[sflag:s22] =	ssyncadd.s32 s6;
	_ =	sdelay $0x1  }
0xa7: {  	s23 =	simm.s32 $0x1B8B  }
0xa8: {  	_ =	swait.ge [sflag:s23], $0x1  }
0xa9: {  	[sflag:s23] =	ssyncset.done $0x0  }
0xaa: {  	s25 =	simm.s32 $0x1B8E;
	s24 =	sld [smem:$0x3FFE];
	[sflag:s23] =	ssyncadd.s32 $0xFFFFFFFF  }
0xab: {  	s26 =	simm.s32 $execute0_lowered;
	[smem:$0x3FD2] =	sst s25  }
0xac: {  	s7 =	sshll.u32 s26, $0x1;
	_ =	strace $0x80000049;
	[dreg:$0x1] =	wrdreg $0xFFFFFFFF  }
0xad: {  	s28 =	simm.s32 $_size_execute0_lowered;
	s5 =	sadd.s32 s5, s7;
	[dreg:$0x0] =	wrdreg $0x0  }
0xae: {  	s7 =	sshll.u32 s28, $0x1;
	[dreg:$0x2] =	wrdreg s5  }
0xaf: {  	[dreg:$0x3] =	wrdreg s7  }
0xb0: {  	[dreg:$0x4] =	wrdreg $0xC0  }
0xb1: {  	_ =	task [dreg:s9], $0x5FFFF  }
0xb2: {  	[dreg:$0x1] =	wrdreg $0xFFFFFFFF  }
0xb3: {  	[dreg:$0x0] =	wrdreg $0x60  }
0xb4: {  	[dreg:$0x2] =	wrdreg s17  }
0xb5: {  	[dreg:$0x3] =	wrdreg s24  }
0xb6: {  	[dreg:$0x4] =	wrdreg s16  }
0xb7: {  	[dreg:$0x5] =	wrdreg s15  }
0xb8: {  	[dreg:$0x6] =	wrdreg $0x9  }
0xb9: {  	_ =	task.clear_ibuf [dreg:s9], $0x7FFFF;
	_ =	strace $0x90000049  }
0xba: {  	s29 =	simm.s32 $0x9;
	_ =	strace $0x8000004B  }
0xbb: {  	_ =	swait.ge [sflag:s29], $0x1  }
0xbc: {  	[sflag:s29] =	ssyncadd.s32 $0xFFFFFFFF  }
0xbd: {  	_ =	strace $0x9000004B  }
0xbe: {  	_ =	sfence  }
0xbf: {  	s30 =	sld [smem:$0x0];
	_ =	sdelay $0x2  }
0xc0: {  	s31 =	sshll.u32 s1, $0xD;
	s1 =	sshrl.u32 s1, $0x2  }
0xc1: {  	s3 =	sand.u32 $0x4000, s31;
	s1 =	sadd.s32 s1, s30  }
0xc2: {  	s0 =	sor.u32 s3, s0;
	s1 =	sshll.u32 s1, $0x11  }
0xc3: {  	s0 =	sor.u32 s1, s0  }
0xc4: {  	s0 =	sadd.s32 $0x8F2B, s0  }
0xc5: {  	[sflag:s0] =	ssyncadd.remote.s32 $0x1  }
0xc6: {  	_ =	sfence.sel $0xFFFF  }
0xc7: {  	[dreg:$0x0] =	wrdreg $0xFFFFFFFF;
	(pc) =	sbr.abs _section_cstart, $3  }
0xc8: {  	[dreg:$0x1] =	wrdreg $0xFFFFFFFF  }
0xc9: {  	_ =	task.clear_ibuf [dreg:s9], $0x2FFFF;
	_ =	strace $0x9FFFFFFF  }
0xca: {  	(tm) =	ssettm $0x7FFFFFFF  }
0xcb: {  	_ =	shalt  }
tec
execute0_lowered:
.L_overlay_start_1:
0x0: {  	(tag) =	ssettag $0x1  }
0x1: {  	s1 =	rddreg [dreg:$0x0]  }
0x2: {  	s2 =	srdreg.scid;
	s11 =	stileid.u32  }
0x3: {  	s2 =	sand.u32 $0x1, s2;
	s3 =	sshll.u32 s11, $0x1;
	s12 =	smul.u32 $0xA00, s11  }
0x4: {  	s3 =	sor.u32 s2, s3;
	s9 =	ssub.s32 $0x2, s2;
	s2 =	smul.u32 $0x500, s2  }
0x5: {  	s0 =	rddreg [dreg:$0x1];
	s4 =	smul.u32 $0x140, s3  }
0x6: {  	s13 =	rddreg [dreg:$0x2];
	s5 =	smul.u32 $0x1400, s3  }
0x7: {  	s6 =	sadd.s32 $0x15C00, s0;
	s7 =	sadd.s32 $0x2200, s0;
	s3 =	smul.u32 $0xA000, s3  }
0x8: {  	s8 =	sadd.s32 $0x29600, s0;
	s0 =	sadd.s32 $0x79600, s0;
	s11 =	sadd.s32 $0x500, s13  }
0x9: {  	s10 =	sshrl.u32 s9, $0x1;
	s2 =	sadd.s32 s2, s12;
	s3 =	sshrl.u32 s3, $0x3  }
0xa: {  	s14 =	ssub.s32 s9, s10;
	s31 =	sshrl.u32 s2, $0x2;
	s3 =	sadd.s32 $0x28000, s3  }
0xb: {  	s10 =	sadd.s32 s0, s5;
	s13 =	sadd.s32 s0, s3;
	s0 =	sadd.s32 $0xBE80, s31  }
0xc: {  	s17 =	simm.s32 $0x0;
	s16 =	simm.s32 $0x2;
	s18 =	simm.s32 $0xE700;
	v3 =	vmov s0  }
0xd: {  	s19 =	simm.s32 $0x1F80;
	s20 =	simm.s32 $0x3F00;
	s21 =	simm.s32 $0x20  }
0xe: {  	s22 =	simm.s32 $0x18700;
	s23 =	simm.s32 $0x1;
	[smem:$0x7FF] =	sst s17  }
0xf: {  	s24 =	simm.s32 $0x0;
	_ =	strace $0x8000004A;
	s15 =	sadd.s32 $0x140, s4  }
0x10: {  	v2 =	vimm.s32 $0x0;
	s9 =	sadd.s32 s8, s5;
	s14 =	smax.u32 s14, $0x1;
	v0 =	vmov s4;
	v1 =	vmov s15;
	s12 =	sadd.s32 s8, s3  }
.LBB2_1:
0x11: {  	s0 =	rddreg [dreg:$0x3];
	s2 =	simm.s32 $0x19700  }
0x12: {  	[tilespmem:s2], [sflag:$0x2] =	stream.linear.gather [hbm4b:s0+s17], $0x80, $0x38;
	[tilespmem:$0x19780] =	vst v63  }
0x13: {  	_ =	swait.ge [sflag:s16], $0x80  }
0x14: {  	[sflag:s16] =	ssyncset.done $0x0  }
0x15: {  	s0 =	simm.s32 $0x40;
	s2 =	simm.s32 $0x0;
	[sflag:s16] =	ssyncadd.s32 $0xFFFFFF80  }
.LBB2_2:
0x16: {  	p0 =	sne.s32 s0, $0x7FC0;
	[tilespmem:s2+$0x5E80] =	vst v2;
	s2 =	smov.u32 s0;
	s0 =	sadd.s32 $0x40, s0  }
.Ltmp0:
0x17: {  	(pc) =	sbr.rel @p0 .LBB2_2-.Ltmp0, $2  }
0x18: {  	_ =	sdelay $0x2  }
0x19: {  	s2 =	sshra.s32 s2, $0x2  }
0x1a: {  	[tilespmem:s2+$0x5E80] =	vst v2;
	s25 =	simm.s32 $0x0;
	s0 =	rddreg [dreg:$0x2];
	s29 =	simm.s32 $0xBE80  }
0x1b: {  	[tilespmem:s29], [sflag:$0x2] =	stream.linear.gather [hbm4b:s0+s25], $0x2800, $0x38;
	[tilespmem:$0x19780] =	vst v63  }
0x1c: {  	_ =	swait.ge [sflag:s16], $0x2800  }
0x1d: {  	[sflag:s16] =	ssyncset.done $0x0  }
0x1e: {  	[sflag:s16] =	ssyncadd.s32 $0xFFFFD800  }
0x1f: {  	[tilespmem:s18], [sflag:$0x2] =	stream.linear.gather [hbm4b:s9+s25], $0xA000, $0x38;
	[tilespmem:$0x19780] =	vst v63  }
0x20: {  	_ =	swait.ge [sflag:s16], $0xA000  }
0x21: {  	[sflag:s16] =	ssyncset.done $0x0  }
0x22: {  	s30 =	simm.s32 $0x0;
	[sflag:s16] =	ssyncadd.s32 $0xFFFF6000  }
0x23: {  	v4 =	vld.idx.msk [tilespmem:v3+s30+$0x0 ss:$0x1], $0xffff;
	_ =	sdelay $0x4  }
0x24: {  	(v2sf) =	vpush v4, $0x0;
	_ =	sdelay $0xd  }
0x25: {  	s0 =	simm.s32 $0xE740  }
0x26: {  	v4 =	vld [tilespmem:s0+$0xFFFFFFC0];
	s31 =	spop (v2sf)  }
0x27: {  	v5 =	vld [tilespmem:s0+$0xFFFFFFD0];
	s3 =	sadd.f32 s31, s31  }
0x28: {  	v6 =	vld [tilespmem:s0+$0xFFFFFFE0]  }
0x29: {  	v9 =	vld [tilespmem:s0+$0x10];
	s2 =	smul.f32 s3, s31  }
0x2a: {  	v7 =	vld [tilespmem:s0+$0xFFFFFFF0]  }
0x2b: {  	v8 =	vld [tilespmem:s0+$0x0];
	v4 =	vmul.f32 s2, v4  }
0x2c: {  	v10 =	vld [tilespmem:s0+$0x20];
	v5 =	vmul.f32 s2, v5  }
0x2d: {  	v11 =	vld [tilespmem:s0+$0x30];
	v6 =	vmul.f32 s2, v6;
	[tilespmem:s0+$0xFFFFFFC0] =	vst v4  }
0x2e: {  	v63 =	vmul.f32 s2, v9;
	[tilespmem:s0+$0xFFFFFFD0] =	vst v5  }
0x2f: {  	v4 =	vmul.f32 s2, v7;
	[tilespmem:s0+$0xFFFFFFE0] =	vst v6  }
0x30: {  	v5 =	vmul.f32 s2, v8;
	[tilespmem:s0+$0x10] =	vst v63  }
0x31: {  	[tilespmem:s0+$0xFFFFFFF0] =	vst v4;
	v4 =	vmul.f32 s2, v10  }
0x32: {  	[tilespmem:s0+$0x0] =	vst v5;
	v5 =	vmul.f32 s2, v11  }
0x33: {  	[tilespmem:s0+$0x20] =	vst v4  }
0x34: {  	s3 =	simm.s32 $0x1;
	s2 =	simm.s32 $0x8;
	[tilespmem:s0+$0x30] =	vst v5  }
.LBB2_4:
0x35: {  	p0 =	sne.s32 s2, $0x4FC;
	v4 =	vld.idx.msk [tilespmem:v3+s3+$0x0 ss:$0x1], $0xffff;
	_ =	sdelay $0x5  }
0x36: {  	(v2sf) =	vpush v4, $0x0;
	_ =	sdelay $0x9  }
0x37: {  	s0 =	sadd.s32 $0x80, s0  }
0x38: {  	v4 =	vld [tilespmem:s0+$0xFFFFFFF0]  }
0x39: {  	v5 =	vld [tilespmem:s0+$0x30]  }
0x3a: {  	v6 =	vld [tilespmem:s0+$0x10]  }
0x3b: {  	v7 =	vld [tilespmem:s0+$0xFFFFFFD0]  }
0x3c: {  	v8 =	vld [tilespmem:s0+$0xFFFFFFC0];
	s3 =	spop (v2sf)  }
0x3d: {  	s4 =	sadd.f32 s3, s3;
	v9 =	vld [tilespmem:s0+$0xFFFFFFE0]  }
0x3e: {  	v10 =	vld [tilespmem:s0+$0x0]  }
0x3f: {  	s3 =	smul.f32 s4, s3;
	v11 =	vld [tilespmem:s0+$0x20];
	_ =	sdelay $0x1  }
0x40: {  	v8 =	vmul.f32 s3, v8;
	v7 =	vmul.f32 s3, v7  }
0x41: {  	v4 =	vmul.f32 s3, v4;
	v9 =	vmul.f32 s3, v9  }
0x42: {  	v6 =	vmul.f32 s3, v6;
	[tilespmem:s0+$0xFFFFFFC0] =	vst v8;
	v8 =	vmul.f32 s3, v10  }
0x43: {  	v5 =	vmul.f32 s3, v5;
	[tilespmem:s0+$0xFFFFFFD0] =	vst v7;
	v7 =	vmul.f32 s3, v11  }
0x44: {  	[tilespmem:s0+$0xFFFFFFE0] =	vst v9  }
.Ltmp1:
0x45: {  	[tilespmem:s0+$0xFFFFFFF0] =	vst v4;
	(pc) =	sbr.rel @p0 .LBB2_4-.Ltmp1, $4  }
0x46: {  	[tilespmem:s0+$0x0] =	vst v8  }
0x47: {  	[tilespmem:s0+$0x10] =	vst v6  }
0x48: {  	[tilespmem:s0+$0x20] =	vst v7  }
0x49: {  	s3 =	sshra.s32 s2, $0x2;
	s2 =	sadd.s32 $0x4, s2;
	[tilespmem:s0+$0x30] =	vst v5  }
0x4a: {  	_ =	sdelay $0x3  }
0x4b: {  	v4 =	vld.idx.msk [tilespmem:v3+s3+$0x0 ss:$0x1], $0xffff;
	_ =	sdelay $0x4  }
0x4c: {  	(v2sf) =	vpush v4, $0x0;
	_ =	sdelay $0xd  }
0x4d: {  	s0 =	sadd.s32 $0x80, s0  }
0x4e: {  	v4 =	vld [tilespmem:s0+$0xFFFFFFC0];
	s2 =	spop (v2sf)  }
0x4f: {  	v5 =	vld [tilespmem:s0+$0xFFFFFFD0];
	s31 =	sadd.f32 s2, s2  }
0x50: {  	v6 =	vld [tilespmem:s0+$0xFFFFFFE0]  }
0x51: {  	v9 =	vld [tilespmem:s0+$0x10];
	s2 =	smul.f32 s31, s2  }
0x52: {  	v7 =	vld [tilespmem:s0+$0xFFFFFFF0]  }
0x53: {  	v8 =	vld [tilespmem:s0+$0x0];
	v4 =	vmul.f32 s2, v4  }
0x54: {  	v10 =	vld [tilespmem:s0+$0x20];
	v5 =	vmul.f32 s2, v5  }
0x55: {  	v11 =	vld [tilespmem:s0+$0x30];
	v6 =	vmul.f32 s2, v6;
	[tilespmem:s0+$0xFFFFFFC0] =	vst v4  }
0x56: {  	v63 =	vmul.f32 s2, v9;
	[tilespmem:s0+$0xFFFFFFD0] =	vst v5  }
0x57: {  	v4 =	vmul.f32 s2, v7;
	[tilespmem:s0+$0xFFFFFFE0] =	vst v6  }
.Ltmp2:
0x58: {  	v5 =	vmul.f32 s2, v8;
	[tilespmem:s0+$0x10] =	vst v63;
	(pc) =	sbr.rel .LBB2_6-.Ltmp2, $4  }
0x59: {  	[tilespmem:s0+$0xFFFFFFF0] =	vst v4;
	v4 =	vmul.f32 s2, v10  }
0x5a: {  	[tilespmem:s0+$0x0] =	vst v5;
	v5 =	vmul.f32 s2, v11  }
0x5b: {  	[tilespmem:s0+$0x20] =	vst v4  }
0x5c: {  	[tilespmem:s0+$0x30] =	vst v5  }
.LBB2_13:
0x5d: {  	s25 =	sadd.s32 $0x1, s25  }
0x5e: {  	p0 =	sne.s32 s25, $0x28  }
.Ltmp3:
0x5f: {  	_ = 	snop;
	(pc) =	sbr.rel @!p0 .LBB2_14-.Ltmp3, $1  }
0x60: {  	_ =	sdelay $0x3  }
.LBB2_6:
0x61: {  	s2 =	smul.u32 $0x3E8, s25;
	_ =	sdelay $0x1  }
0x62: {  	s0 =	simm.s32 $0x0;
	s3 =	sadd.s32 s6, s2  }
0x63: {  	[tilespmem:s0], [sflag:$0x2] =	stream.linear.gather [hbm4b:s3+s0], $0x1F40, $0x38;
	[tilespmem:$0x19780] =	vst v63  }
0x64: {  	_ =	swait.ge [sflag:s16], $0x1F40  }
0x65: {  	[sflag:s16] =	ssyncset.done $0x0  }
0x66: {  	s29 =	sadd.s32 s1, s2;
	[sflag:s16] =	ssyncadd.s32 $0xFFFFE0C0  }
0x67: {  	[tilespmem:s19], [sflag:$0x2] =	stream.linear.gather [hbm4b:s29+s0], $0x1F40, $0x38;
	[tilespmem:$0x19780] =	vst v63  }
0x68: {  	_ =	swait.ge [sflag:s16], $0x1F40  }
0x69: {  	[sflag:s16] =	ssyncset.done $0x0  }
0x6a: {  	s2 =	sadd.s32 s7, s2;
	[sflag:s16] =	ssyncadd.s32 $0xFFFFE0C0  }
0x6b: {  	[tilespmem:s20], [sflag:$0x2] =	stream.linear.gather [hbm4b:s2+s0], $0x1F40, $0x38;
	[tilespmem:$0x19780] =	vst v63  }
0x6c: {  	_ =	swait.ge [sflag:s16], $0x1F40  }
0x6d: {  	[sflag:s16] =	ssyncset.done $0x0  }
0x6e: {  	s30 =	simm.s32 $0x0;
	[sflag:s16] =	ssyncadd.s32 $0xFFFFE0C0  }
0x6f: {  	v4 =	vld [tilespmem:s30+$0x0];
	_ =	sdelay $0x4  }
0x70: {  	vm0 =	vge.s32 v4, v0;
	vm1 =	vlt.s32 v4, v1  }
0x71: {  	vm0 =	vmand vm0, vm1  }
0x72: {  	v5 =	vsel vm0, $0x1, v2  }
0x73: {  	(xrf0) =	vadd.scan.msk.s32 $0xffff, v5;
	_ =	sdelay $0x5  }
0x74: {  	v5, _, _ =	vpop (xrf0)  }
0x75: {  	(v2sf) =	vpush v5, $0xF;
	_ =	sdelay $0xe  }
0x76: {  	s31 =	spop (v2sf)  }
0x77: {  	p1 =	slt.s32 s31, $0x1  }
0x78: {  	s3 =	simm.s32 @!p1 $0x0  }
0x79: {  	v5 =	vld @!p1 [tilespmem:s3+$0x1F80];
	_ =	sdelay $0x6  }
0x7a: {  	v6 =	vld @!p1 [tilespmem:s3+$0x3F00];
	s3 =	simm.s32 @!p1 $0xBE80  }
0x7b: {  	v7 =	vld.idx.msk @!p1 [tilespmem:v5+s3+$0x0], $0xffff;
	_ =	sdelay $0x1  }
0x7c: {  	v8 =	vld.idx.msk @!p1 [tilespmem:v4+s3+$0x0], $0xffff;
	_ =	sdelay $0x1  }
0x7d: {  	v6 =	vmax.f32 @!p1 v6, $0.0e+00  }
0x7e: {  	v6 =	vmul.f32 @!p1 v6, v7  }
0x7f: {  	v4 =	vsub.s32 @!p1 v4, v0;
	[tilespmem:s0+$0x5E80] =	vst.msk @!p1 vm0, v5  }
0x80: {  	s4 =	simm.s32 $0x80;
	s2 =	sadd.s32 $0x0, s31;
	s3 =	simm.s32 $0x40;
	[tilespmem:s0+$0x7E80] =	vst.msk @!p1 vm0, v4;
	v4 =	vmul.f32 @!p1 v8, v6  }
.LBB2_7:
0x81: {  	_ = 	snop  }
0x82: {  	s5 =	sshra.s32 s3, $0x2;
	s15 =	smov.u32 s4;
	s4 =	sadd.s32 $0x40, s4;
	[tilespmem:s0+$0x9E80] =	vst.msk @!p1 vm0, v4  }
0x83: {  	p0 =	sne.s32 s4, $0x7D00;
	s0 =	smov.u32 s2;
	v4 =	vld [tilespmem:s5+$0x0];
	_ =	sdelay $0x4  }
0x84: {  	vm0 =	vge.s32 v4, v0;
	vm1 =	vlt.s32 v4, v1  }
0x85: {  	vm0 =	vmand vm0, vm1  }
0x86: {  	v5 =	vsel vm0, $0x1, v2  }
0x87: {  	(xrf0) =	vadd.scan.msk.s32 $0xffff, v5;
	_ =	sdelay $0x5  }
0x88: {  	v5, _, _ =	vpop (xrf0)  }
0x89: {  	(v2sf) =	vpush v5, $0xF;
	_ =	sdelay $0xe  }
0x8a: {  	s5 =	spop (v2sf)  }
0x8b: {  	p1 =	slt.s32 s5, $0x1;
	s2 =	sadd.s32 s2, s5  }
0x8c: {  	s5 =	sshra.s32 @!p1 s3, $0x2;
	v5 =	vsub.s32 @!p1 v4, v0;
	s3 =	smov.u32 s15  }
0x8d: {  	v6 =	vld @!p1 [tilespmem:s5+$0x1F80];
	_ =	sdelay $0x6  }
0x8e: {  	v7 =	vld @!p1 [tilespmem:s5+$0x3F00];
	s5 =	simm.s32 @!p1 $0xBE80  }
0x8f: {  	v8 =	vld.idx.msk @!p1 [tilespmem:v6+s5+$0x0], $0xffff  }
0x90: {  	v4 =	vld.idx.msk @!p1 [tilespmem:v4+s5+$0x0], $0xffff  }
0x91: {  	[tilespmem:s0+$0x5E80] =	vst.msk @!p1 vm0, v6  }
0x92: {  	[tilespmem:s0+$0x7E80] =	vst.msk @!p1 vm0, v5  }
.Ltmp4:
0x93: {  	v5 =	vmax.f32 @!p1 v7, $0.0e+00;
	(pc) =	sbr.rel @p0 .LBB2_7-.Ltmp4, $3  }
0x94: {  	_ = 	snop  }
0x95: {  	v5 =	vmul.f32 @!p1 v5, v8;
	_ =	sdelay $0x1  }
0x96: {  	v4 =	vmul.f32 @!p1 v4, v5  }
0x97: {  	_ = 	snop  }
0x98: {  	s4 =	sshra.s32 s3, $0x2;
	[tilespmem:s0+$0x9E80] =	vst.msk @!p1 vm0, v4  }
0x99: {  	v4 =	vld [tilespmem:s4+$0x0];
	_ =	sdelay $0x4  }
0x9a: {  	vm15 =	vge.s32 v4, v0;
	vm1 =	vlt.s32 v4, v1  }
0x9b: {  	vm0 =	vmand vm15, vm1  }
0x9c: {  	v5 =	vsel vm0, $0x1, v2  }
0x9d: {  	(xrf0) =	vadd.scan.msk.s32 $0xffff, v5;
	_ =	sdelay $0x5  }
0x9e: {  	v5, _, _ =	vpop (xrf0)  }
0x9f: {  	(v2sf) =	vpush v5, $0xF;
	_ =	sdelay $0xe  }
0xa0: {  	s31 =	spop (v2sf)  }
0xa1: {  	p0 =	slt.s32 s31, $0x1  }
0xa2: {  	s3 =	sshra.s32 @!p0 s3, $0x2  }
0xa3: {  	v5 =	vld @!p0 [tilespmem:s3+$0x1F80];
	_ =	sdelay $0x6  }
0xa4: {  	v6 =	vld @!p0 [tilespmem:s3+$0x3F00];
	s3 =	simm.s32 @!p0 $0xBE80  }
0xa5: {  	v7 =	vld.idx.msk @!p0 [tilespmem:v5+s3+$0x0], $0xffff  }
0xa6: {  	s26 =	sadd.s32 s2, s31  }
0xa7: {  	s0 =	sadd.s32 $0x1F, s26;
	v8 =	vld.idx.msk @!p0 [tilespmem:v4+s3+$0x0], $0xffff  }
0xa8: {  	s28 =	sshrl.u32 s0, $0x5  }
0xa9: {  	p1 =	seq.s32 s28, $0x0;
	v6 =	vmax.f32 @!p0 v6, $0.0e+00  }
.Ltmp5:
0xaa: {  	v6 =	vmul.f32 @!p0 v6, v7;
	(pc) =	sbr.rel @p1 .LBB2_13-.Ltmp5, $4  }
0xab: {  	_ = 	snop  }
0xac: {  	v4 =	vsub.s32 @!p0 v4, v0;
	[tilespmem:s2+$0x5E80] =	vst.msk @!p0 vm0, v5;
	v5 =	vmul.f32 @!p0 v8, v6  }
0xad: {  	[tilespmem:s2+$0x7E80] =	vst.msk @!p0 vm0, v4  }
0xae: {  	[tilespmem:s2+$0x9E80] =	vst.msk @!p0 vm0, v5  }
0xaf: {  	s29 =	simm.s32 $0x7E80  }
0xb0: {  	s30 =	simm.s32 $0x9E80;
	s31 =	simm.s32 $0x0;
	s0 =	simm.s32 $0x0  }
.LBB2_10:
0xb1: {  	s2 =	sshll.u32 s0, $0x5  }
0xb2: {  	v4 =	vmov s29;
	s2 =	sadd.s32 $0x5E80, s2  }
0xb3: {  	[tilespmem:s22], [sflag:$0x1] =	stream.indirect.gather [hbm4b:s8+s21], $0x80, s2, s21, $0xb8;
	[tilespmem:$0x19780] =	vst v63  }
0xb4: {  	_ =	swait.ge [sflag:s23], $0x1000  }
0xb5: {  	p1 =	sge.s32 s31, s26;
	[sflag:s23] =	ssyncset.done $0x0  }
0xb6: {  	p0 =	por p1, p1;
	s2 =	simm.s32 @!p1 $0x0;
	[sflag:s23] =	ssyncadd.s32 $0xFFFFF000  }
0xb7: {  	v5 =	vld.idx.msk @!p0 [tilespmem:v4+s2+$0x0 ss:$0x1], $0xffff;
	_ =	sdelay $0x4  }
0xb8: {  	(v2sf) =	vpush @!p0 v5, $0x0;
	_ =	sdelay $0xd  }
0xb9: {  	s3 =	sadd.s32 @!p0 $0x0, s30  }
0xba: {  	s2 =	simm.s32 $0x18740;
	v5 =	vld.msk @!p0 [tilespmem:s3+$0x0 ss:$0x0], $0xffff;
	s3 =	spop @!p1 (v2sf)  }
0xbb: {  	v6 =	vld @!p0 [tilespmem:s2+$0xFFFFFFC0];
	s3 =	sshll.u32 @!p0 s3, $0x9  }
0xbc: {  	s4 =	sshra.s32 @!p0 s3, $0x2  }
0xbd: {  	v7 =	vld @!p0 [tilespmem:s4+$0xE700];
	_ =	sdelay $0x2  }
0xbe: {  	v6 =	vmul.f32 @!p0 v6, v5;
	_ =	sdelay $0x1  }
0xbf: {  	v6 =	vmax.f32 @!p0 v7, v6  }
0xc0: {  	[tilespmem:s4+$0xE700] =	vst @!p0 v6  }
0xc1: {  	v6 =	vld @!p0 [tilespmem:s2+$0xFFFFFFD0];
	_ =	sdelay $0x1  }
0xc2: {  	v7 =	vld @!p0 [tilespmem:s4+$0xE710];
	_ =	sdelay $0x2  }
0xc3: {  	v6 =	vmul.f32 @!p0 v6, v5;
	_ =	sdelay $0x1  }
0xc4: {  	v6 =	vmax.f32 @!p0 v7, v6  }
0xc5: {  	[tilespmem:s4+$0xE710] =	vst @!p0 v6  }
0xc6: {  	v6 =	vld @!p0 [tilespmem:s2+$0xFFFFFFE0];
	_ =	sdelay $0x1  }
0xc7: {  	v7 =	vld @!p0 [tilespmem:s4+$0xE720];
	_ =	sdelay $0x2  }
0xc8: {  	v6 =	vmul.f32 @!p0 v6, v5;
	_ =	sdelay $0x1  }
0xc9: {  	v6 =	vmax.f32 @!p0 v7, v6  }
0xca: {  	[tilespmem:s4+$0xE720] =	vst @!p0 v6  }
0xcb: {  	v6 =	vld @!p0 [tilespmem:s2+$0xFFFFFFF0];
	_ =	sdelay $0x1  }
0xcc: {  	v7 =	vld @!p0 [tilespmem:s4+$0xE730];
	_ =	sdelay $0x2  }
0xcd: {  	v6 =	vmul.f32 @!p0 v6, v5;
	_ =	sdelay $0x1  }
0xce: {  	v6 =	vmax.f32 @!p0 v7, v6  }
0xcf: {  	[tilespmem:s4+$0xE730] =	vst @!p0 v6  }
0xd0: {  	v6 =	vld @!p0 [tilespmem:s2+$0x0];
	_ =	sdelay $0x1  }
0xd1: {  	v7 =	vld @!p0 [tilespmem:s4+$0xE740];
	_ =	sdelay $0x2  }
0xd2: {  	v6 =	vmul.f32 @!p0 v6, v5;
	_ =	sdelay $0x1  }
0xd3: {  	v6 =	vmax.f32 @!p0 v7, v6  }
0xd4: {  	[tilespmem:s4+$0xE740] =	vst @!p0 v6  }
0xd5: {  	v6 =	vld @!p0 [tilespmem:s2+$0x10];
	_ =	sdelay $0x1  }
0xd6: {  	v7 =	vld @!p0 [tilespmem:s4+$0xE750];
	_ =	sdelay $0x2  }
0xd7: {  	v6 =	vmul.f32 @!p0 v6, v5;
	_ =	sdelay $0x1  }
0xd8: {  	v6 =	vmax.f32 @!p0 v7, v6  }
0xd9: {  	[tilespmem:s4+$0xE750] =	vst @!p0 v6  }
0xda: {  	v6 =	vld @!p0 [tilespmem:s2+$0x20];
	_ =	sdelay $0x1  }
0xdb: {  	v7 =	vld @!p0 [tilespmem:s4+$0xE760];
	_ =	sdelay $0x2  }
0xdc: {  	v6 =	vmul.f32 @!p0 v6, v5;
	_ =	sdelay $0x1  }
0xdd: {  	v6 =	vmax.f32 @!p0 v7, v6  }
0xde: {  	[tilespmem:s4+$0xE760] =	vst @!p0 v6  }
0xdf: {  	v6 =	vld @!p0 [tilespmem:s2+$0x30];
	_ =	sdelay $0x1  }
0xe0: {  	v7 =	vld @!p0 [tilespmem:s4+$0xE770];
	_ =	sdelay $0x2  }
0xe1: {  	v5 =	vmul.f32 @!p0 v6, v5  }
0xe2: {  	s15 =	sadd.s32 $0x1, s31  }
0xe3: {  	s5 =	simm.s32 $0x4;
	p2 =	sge.s32 s15, s26;
	s3 =	simm.s32 $0x8;
	v5 =	vmax.f32 @!p0 v7, v5  }
.LBB2_11:
0xe4: {  	s17 =	sshra.s32 @!p2 s5, $0x2;
	s2 =	sadd.s32 $0x80, s2  }
0xe5: {  	[tilespmem:s4+$0xE770] =	vst @!p0 v5;
	s5 =	smov.u32 s3;
	s3 =	sadd.s32 $0x4, s3;
	p0 =	por p2, p2  }
0xe6: {  	p1 =	sne.s32 s3, $0x80;
	v5 =	vld.idx.msk @!p0 [tilespmem:v4+s17+$0x0 ss:$0x1], $0xffff;
	s4 =	sadd.s32 @!p0 s17, s30;
	_ =	sdelay $0x5  }
0xe7: {  	(v2sf) =	vpush @!p0 v5, $0x0;
	_ =	sdelay $0xe  }
0xe8: {  	v5 =	vld.msk @!p0 [tilespmem:s4+$0x0 ss:$0x0], $0xffff;
	s4 =	spop @!p2 (v2sf)  }
0xe9: {  	s4 =	sshll.u32 @!p0 s4, $0x9;
	v6 =	vld @!p0 [tilespmem:s2+$0xFFFFFFC0]  }
0xea: {  	s4 =	sshra.s32 @!p0 s4, $0x2  }
0xeb: {  	v7 =	vld @!p0 [tilespmem:s4+$0xE700];
	_ =	sdelay $0x2  }
0xec: {  	v6 =	vmul.f32 @!p0 v6, v5;
	_ =	sdelay $0x1  }
0xed: {  	v6 =	vmax.f32 @!p0 v7, v6  }
0xee: {  	[tilespmem:s4+$0xE700] =	vst @!p0 v6  }
0xef: {  	v6 =	vld @!p0 [tilespmem:s2+$0xFFFFFFD0];
	_ =	sdelay $0x1  }
0xf0: {  	v7 =	vld @!p0 [tilespmem:s4+$0xE710];
	_ =	sdelay $0x2  }
0xf1: {  	v6 =	vmul.f32 @!p0 v6, v5;
	_ =	sdelay $0x1  }
0xf2: {  	v6 =	vmax.f32 @!p0 v7, v6  }
0xf3: {  	[tilespmem:s4+$0xE710] =	vst @!p0 v6  }
0xf4: {  	v6 =	vld @!p0 [tilespmem:s2+$0xFFFFFFE0];
	_ =	sdelay $0x1  }
0xf5: {  	v7 =	vld @!p0 [tilespmem:s4+$0xE720];
	_ =	sdelay $0x2  }
0xf6: {  	v6 =	vmul.f32 @!p0 v6, v5;
	_ =	sdelay $0x1  }
0xf7: {  	v6 =	vmax.f32 @!p0 v7, v6  }
0xf8: {  	[tilespmem:s4+$0xE720] =	vst @!p0 v6  }
0xf9: {  	v6 =	vld @!p0 [tilespmem:s2+$0xFFFFFFF0];
	_ =	sdelay $0x1  }
0xfa: {  	v7 =	vld @!p0 [tilespmem:s4+$0xE730];
	_ =	sdelay $0x2  }
0xfb: {  	v6 =	vmul.f32 @!p0 v6, v5;
	_ =	sdelay $0x1  }
0xfc: {  	v6 =	vmax.f32 @!p0 v7, v6  }
0xfd: {  	[tilespmem:s4+$0xE730] =	vst @!p0 v6  }
0xfe: {  	v6 =	vld @!p0 [tilespmem:s2+$0x0];
	_ =	sdelay $0x1  }
0xff: {  	v7 =	vld @!p0 [tilespmem:s4+$0xE740];
	_ =	sdelay $0x2  }
0x100: {  	v6 =	vmul.f32 @!p0 v6, v5;
	_ =	sdelay $0x1  }
0x101: {  	v6 =	vmax.f32 @!p0 v7, v6  }
0x102: {  	[tilespmem:s4+$0xE740] =	vst @!p0 v6  }
0x103: {  	v6 =	vld @!p0 [tilespmem:s2+$0x10];
	_ =	sdelay $0x1  }
0x104: {  	v7 =	vld @!p0 [tilespmem:s4+$0xE750];
	_ =	sdelay $0x2  }
0x105: {  	v6 =	vmul.f32 @!p0 v6, v5;
	_ =	sdelay $0x1  }
0x106: {  	v6 =	vmax.f32 @!p0 v7, v6  }
0x107: {  	[tilespmem:s4+$0xE750] =	vst @!p0 v6  }
0x108: {  	v6 =	vld @!p0 [tilespmem:s2+$0x20];
	_ =	sdelay $0x1  }
0x109: {  	v7 =	vld @!p0 [tilespmem:s4+$0xE760];
	_ =	sdelay $0x2  }
0x10a: {  	v6 =	vmul.f32 @!p0 v6, v5;
	_ =	sdelay $0x1  }
0x10b: {  	v6 =	vmax.f32 @!p0 v7, v6  }
0x10c: {  	[tilespmem:s4+$0xE760] =	vst @!p0 v6  }
0x10d: {  	v6 =	vld @!p0 [tilespmem:s2+$0x30];
	_ =	sdelay $0x1  }
0x10e: {  	v7 =	vld @!p0 [tilespmem:s4+$0xE770]  }
.Ltmp6:
0x10f: {  	(pc) =	sbr.rel @p1 .LBB2_11-.Ltmp6, $4  }
0x110: {  	_ = 	snop  }
0x111: {  	v5 =	vmul.f32 @!p0 v6, v5  }
0x112: {  	s15 =	sadd.s32 $0x1, s15  }
0x113: {  	p2 =	sge.s32 s15, s26;
	v5 =	vmax.f32 @!p0 v7, v5  }
0x114: {  	_ =	sdelay $0x2  }
0x115: {  	s3 =	sshra.s32 @!p2 s5, $0x2;
	[tilespmem:s4+$0xE770] =	vst @!p0 v5;
	p0 =	por p2, p2  }
0x116: {  	v4 =	vld.idx.msk @!p0 [tilespmem:v4+s3+$0x0 ss:$0x1], $0xffff;
	_ =	sdelay $0x4  }
0x117: {  	(v2sf) =	vpush @!p0 v4, $0x0;
	_ =	sdelay $0xd  }
0x118: {  	s3 =	sadd.s32 @!p0 s3, s30  }
0x119: {  	s2 =	sadd.s32 $0x80, s2;
	v4 =	vld.msk @!p0 [tilespmem:s3+$0x0 ss:$0x0], $0xffff;
	s3 =	spop @!p2 (v2sf)  }
0x11a: {  	v5 =	vld @!p0 [tilespmem:s2+$0xFFFFFFC0];
	s3 =	sshll.u32 @!p0 s3, $0x9  }
0x11b: {  	s3 =	sshra.s32 @!p0 s3, $0x2  }
0x11c: {  	v6 =	vld @!p0 [tilespmem:s3+$0xE700];
	_ =	sdelay $0x2  }
0x11d: {  	v5 =	vmul.f32 @!p0 v5, v4;
	_ =	sdelay $0x1  }
0x11e: {  	v5 =	vmax.f32 @!p0 v6, v5  }
0x11f: {  	[tilespmem:s3+$0xE700] =	vst @!p0 v5  }
0x120: {  	v5 =	vld @!p0 [tilespmem:s2+$0xFFFFFFD0];
	_ =	sdelay $0x1  }
0x121: {  	v6 =	vld @!p0 [tilespmem:s3+$0xE710];
	_ =	sdelay $0x2  }
0x122: {  	v5 =	vmul.f32 @!p0 v5, v4;
	_ =	sdelay $0x1  }
0x123: {  	v5 =	vmax.f32 @!p0 v6, v5  }
0x124: {  	[tilespmem:s3+$0xE710] =	vst @!p0 v5  }
0x125: {  	v5 =	vld @!p0 [tilespmem:s2+$0xFFFFFFE0];
	_ =	sdelay $0x1  }
0x126: {  	v6 =	vld @!p0 [tilespmem:s3+$0xE720];
	_ =	sdelay $0x2  }
0x127: {  	v5 =	vmul.f32 @!p0 v5, v4;
	_ =	sdelay $0x1  }
0x128: {  	v5 =	vmax.f32 @!p0 v6, v5  }
0x129: {  	[tilespmem:s3+$0xE720] =	vst @!p0 v5  }
0x12a: {  	v5 =	vld @!p0 [tilespmem:s2+$0xFFFFFFF0];
	_ =	sdelay $0x1  }
0x12b: {  	v6 =	vld @!p0 [tilespmem:s3+$0xE730];
	_ =	sdelay $0x2  }
0x12c: {  	v5 =	vmul.f32 @!p0 v5, v4;
	_ =	sdelay $0x1  }
0x12d: {  	v5 =	vmax.f32 @!p0 v6, v5  }
0x12e: {  	[tilespmem:s3+$0xE730] =	vst @!p0 v5  }
0x12f: {  	v5 =	vld @!p0 [tilespmem:s2+$0x0];
	_ =	sdelay $0x1  }
0x130: {  	v6 =	vld @!p0 [tilespmem:s3+$0xE740];
	_ =	sdelay $0x2  }
0x131: {  	v5 =	vmul.f32 @!p0 v5, v4;
	_ =	sdelay $0x1  }
0x132: {  	v5 =	vmax.f32 @!p0 v6, v5  }
0x133: {  	[tilespmem:s3+$0xE740] =	vst @!p0 v5  }
0x134: {  	v5 =	vld @!p0 [tilespmem:s2+$0x10];
	_ =	sdelay $0x1  }
0x135: {  	v6 =	vld @!p0 [tilespmem:s3+$0xE750];
	_ =	sdelay $0x2  }
0x136: {  	v5 =	vmul.f32 @!p0 v5, v4;
	_ =	sdelay $0x1  }
0x137: {  	v5 =	vmax.f32 @!p0 v6, v5  }
0x138: {  	[tilespmem:s3+$0xE750] =	vst @!p0 v5  }
0x139: {  	v5 =	vld @!p0 [tilespmem:s2+$0x20];
	_ =	sdelay $0x1  }
0x13a: {  	v6 =	vld @!p0 [tilespmem:s3+$0xE760];
	_ =	sdelay $0x2  }
0x13b: {  	v5 =	vmul.f32 @!p0 v5, v4;
	_ =	sdelay $0x1  }
0x13c: {  	v5 =	vmax.f32 @!p0 v6, v5  }
0x13d: {  	[tilespmem:s3+$0xE760] =	vst @!p0 v5  }
0x13e: {  	v5 =	vld @!p0 [tilespmem:s2+$0x30];
	_ =	sdelay $0x1  }
0x13f: {  	s0 =	sadd.s32 $0x1, s0;
	v6 =	vld @!p0 [tilespmem:s3+$0xE770]  }
0x140: {  	p1 =	sne.s32 s0, s28  }
.Ltmp7:
0x141: {  	_ = 	snop;
	(pc) =	sbr.rel @p1 .LBB2_10-.Ltmp7, $4  }
.Ltmp8:
0x142: {  	v4 =	vmul.f32 @!p0 v5, v4;
	(pc) =	sbr.rel @!p1 .LBB2_13-.Ltmp8, $4  }
0x143: {  	_ = 	snop  }
0x144: {  	v4 =	vmax.f32 @!p0 v6, v4  }
0x145: {  	s29 =	sadd.s32 $0x20, s29;
	s31 =	sadd.s32 $0x20, s31;
	s30 =	sadd.s32 $0x20, s30;
	[tilespmem:s3+$0xE770] =	vst @!p0 v4  }
0x146: {  	_ = 	snop  }
.LBB2_14:
0x147: {  	s0 =	simm.s32 $0x0  }
0x148: {  	s2 =	simm.s32 $0x200;
	v4 =	vld [tilespmem:s0+$0xE700]  }
.LBB2_15:
0x149: {  	p0 =	sne.s32 s2, $0x27E00;
	v5 =	vld [tilespmem:$0x19700];
	_ =	sdelay $0x4  }
0x14a: {  	v4 =	vadd.f32 v5, v4;
	_ =	sdelay $0x1  }
0x14b: {  	[tilespmem:s0+$0xE700] =	vst v4;
	v4 =	vld [tilespmem:s0+$0xE710]  }
0x14c: {  	v5 =	vld [tilespmem:$0x19710];
	_ =	sdelay $0x4  }
0x14d: {  	v4 =	vadd.f32 v5, v4;
	_ =	sdelay $0x1  }
0x14e: {  	[tilespmem:s0+$0xE710] =	vst v4;
	v4 =	vld [tilespmem:s0+$0xE720]  }
0x14f: {  	v5 =	vld [tilespmem:$0x19720];
	_ =	sdelay $0x4  }
0x150: {  	v4 =	vadd.f32 v5, v4;
	_ =	sdelay $0x1  }
0x151: {  	[tilespmem:s0+$0xE720] =	vst v4;
	v4 =	vld [tilespmem:s0+$0xE730]  }
0x152: {  	v5 =	vld [tilespmem:$0x19730];
	_ =	sdelay $0x4  }
0x153: {  	v4 =	vadd.f32 v5, v4;
	_ =	sdelay $0x1  }
0x154: {  	[tilespmem:s0+$0xE730] =	vst v4;
	v4 =	vld [tilespmem:s0+$0xE740]  }
0x155: {  	v5 =	vld [tilespmem:$0x19740];
	_ =	sdelay $0x4  }
0x156: {  	v4 =	vadd.f32 v5, v4;
	_ =	sdelay $0x1  }
0x157: {  	[tilespmem:s0+$0xE740] =	vst v4;
	v4 =	vld [tilespmem:s0+$0xE750]  }
0x158: {  	v5 =	vld [tilespmem:$0x19750];
	_ =	sdelay $0x4  }
0x159: {  	v4 =	vadd.f32 v5, v4;
	_ =	sdelay $0x1  }
0x15a: {  	[tilespmem:s0+$0xE750] =	vst v4;
	v4 =	vld [tilespmem:s0+$0xE760]  }
0x15b: {  	v5 =	vld [tilespmem:$0x19760];
	_ =	sdelay $0x4  }
0x15c: {  	v4 =	vadd.f32 v5, v4;
	_ =	sdelay $0x1  }
0x15d: {  	[tilespmem:s0+$0xE760] =	vst v4;
	v4 =	vld [tilespmem:s0+$0xE770]  }
0x15e: {  	v5 =	vld [tilespmem:$0x19770];
	_ =	sdelay $0x2  }
.Ltmp9:
0x15f: {  	(pc) =	sbr.rel @p0 .LBB2_15-.Ltmp9, $4  }
0x160: {  	_ = 	snop  }
0x161: {  	v5 =	vadd.f32 v5, v4  }
0x162: {  	s3 =	sshra.s32 s2, $0x2  }
0x163: {  	s2 =	sadd.s32 $0x200, s2;
	v4 =	vld [tilespmem:s3+$0xE700];
	[tilespmem:s0+$0xE770] =	vst v5;
	s0 =	smov.u32 s3  }
0x164: {  	v5 =	vld [tilespmem:$0x19700];
	_ =	sdelay $0x4  }
0x165: {  	v4 =	vadd.f32 v5, v4;
	_ =	sdelay $0x1  }
0x166: {  	[tilespmem:s0+$0xE700] =	vst v4;
	v4 =	vld [tilespmem:s0+$0xE710]  }
0x167: {  	v5 =	vld [tilespmem:$0x19710];
	_ =	sdelay $0x4  }
0x168: {  	v4 =	vadd.f32 v5, v4;
	_ =	sdelay $0x1  }
0x169: {  	[tilespmem:s0+$0xE710] =	vst v4;
	v4 =	vld [tilespmem:s0+$0xE720]  }
0x16a: {  	v5 =	vld [tilespmem:$0x19720];
	_ =	sdelay $0x4  }
0x16b: {  	v4 =	vadd.f32 v5, v4;
	_ =	sdelay $0x1  }
0x16c: {  	[tilespmem:s0+$0xE720] =	vst v4;
	v4 =	vld [tilespmem:s0+$0xE730]  }
0x16d: {  	v5 =	vld [tilespmem:$0x19730];
	_ =	sdelay $0x4  }
0x16e: {  	v4 =	vadd.f32 v5, v4;
	_ =	sdelay $0x1  }
0x16f: {  	[tilespmem:s0+$0xE730] =	vst v4;
	v4 =	vld [tilespmem:s0+$0xE740]  }
0x170: {  	v5 =	vld [tilespmem:$0x19740];
	_ =	sdelay $0x4  }
0x171: {  	v4 =	vadd.f32 v5, v4;
	_ =	sdelay $0x1  }
0x172: {  	[tilespmem:s0+$0xE740] =	vst v4;
	v4 =	vld [tilespmem:s0+$0xE750]  }
0x173: {  	v5 =	vld [tilespmem:$0x19750];
	_ =	sdelay $0x4  }
0x174: {  	v4 =	vadd.f32 v5, v4;
	_ =	sdelay $0x1  }
0x175: {  	[tilespmem:s0+$0xE750] =	vst v4;
	v4 =	vld [tilespmem:s0+$0xE760]  }
0x176: {  	v5 =	vld [tilespmem:$0x19760];
	_ =	sdelay $0x4  }
0x177: {  	v4 =	vadd.f32 v5, v4;
	_ =	sdelay $0x1  }
0x178: {  	[tilespmem:s0+$0xE760] =	vst v4;
	v4 =	vld [tilespmem:s0+$0xE770]  }
0x179: {  	v5 =	vld [tilespmem:$0x19770];
	_ =	sdelay $0x4  }
0x17a: {  	v4 =	vadd.f32 v5, v4;
	_ =	sdelay $0x1  }
0x17b: {  	s25 =	simm.s32 $0x0;
	[tilespmem:s0+$0xE770] =	vst v4  }
0x17c: {  	[hbm4b:s10+s25] =	stream.linear.scatter [tilespmem:s18], [sflag:$0x2], $0xA000, $0x38;
	[tilespmem:$0x19780] =	vst v63  }
0x17d: {  	_ =	swait.ge [sflag:s16], $0xA000  }
0x17e: {  	[sflag:s16] =	ssyncset.done $0x0  }
0x17f: {  	s30 =	simm.s32 $0xBE80;
	[sflag:s16] =	ssyncadd.s32 $0xFFFF6000  }
0x180: {  	[tilespmem:s30], [sflag:$0x2] =	stream.linear.gather [hbm4b:s11+s25], $0x2800, $0x38;
	[tilespmem:$0x19780] =	vst v63  }
0x181: {  	_ =	swait.ge [sflag:s16], $0x2800  }
0x182: {  	[sflag:s16] =	ssyncset.done $0x0  }
0x183: {  	[sflag:s16] =	ssyncadd.s32 $0xFFFFD800  }
0x184: {  	[tilespmem:s18], [sflag:$0x2] =	stream.linear.gather [hbm4b:s12+s25], $0xA000, $0x38;
	[tilespmem:$0x19780] =	vst v63  }
0x185: {  	_ =	swait.ge [sflag:s16], $0xA000  }
0x186: {  	[sflag:s16] =	ssyncset.done $0x0  }
0x187: {  	s31 =	simm.s32 $0x0;
	[sflag:s16] =	ssyncadd.s32 $0xFFFF6000  }
0x188: {  	v4 =	vld.idx.msk [tilespmem:v3+s31+$0x0 ss:$0x1], $0xffff;
	_ =	sdelay $0x4  }
0x189: {  	(v2sf) =	vpush v4, $0x0;
	_ =	sdelay $0xd  }
0x18a: {  	s0 =	simm.s32 $0xE740  }
0x18b: {  	v4 =	vld [tilespmem:s0+$0xFFFFFFC0];
	s2 =	spop (v2sf)  }
0x18c: {  	v5 =	vld [tilespmem:s0+$0xFFFFFFD0];
	s3 =	sadd.f32 s2, s2  }
0x18d: {  	v6 =	vld [tilespmem:s0+$0xFFFFFFE0]  }
0x18e: {  	v9 =	vld [tilespmem:s0+$0x10];
	s2 =	smul.f32 s3, s2  }
0x18f: {  	v7 =	vld [tilespmem:s0+$0xFFFFFFF0]  }
0x190: {  	v8 =	vld [tilespmem:s0+$0x0];
	v4 =	vmul.f32 s2, v4  }
0x191: {  	v10 =	vld [tilespmem:s0+$0x20];
	v5 =	vmul.f32 s2, v5  }
0x192: {  	v11 =	vld [tilespmem:s0+$0x30];
	v6 =	vmul.f32 s2, v6;
	[tilespmem:s0+$0xFFFFFFC0] =	vst v4  }
0x193: {  	v63 =	vmul.f32 s2, v9;
	[tilespmem:s0+$0xFFFFFFD0] =	vst v5  }
0x194: {  	v4 =	vmul.f32 s2, v7;
	[tilespmem:s0+$0xFFFFFFE0] =	vst v6  }
0x195: {  	v5 =	vmul.f32 s2, v8;
	[tilespmem:s0+$0x10] =	vst v63  }
0x196: {  	[tilespmem:s0+$0xFFFFFFF0] =	vst v4;
	v4 =	vmul.f32 s2, v10  }
0x197: {  	[tilespmem:s0+$0x0] =	vst v5;
	v5 =	vmul.f32 s2, v11  }
0x198: {  	[tilespmem:s0+$0x20] =	vst v4  }
0x199: {  	s3 =	simm.s32 $0x1;
	s2 =	simm.s32 $0x8;
	[tilespmem:s0+$0x30] =	vst v5  }
.LBB2_17:
0x19a: {  	p0 =	sne.s32 s2, $0x4FC;
	v4 =	vld.idx.msk [tilespmem:v3+s3+$0x0 ss:$0x1], $0xffff;
	_ =	sdelay $0x5  }
0x19b: {  	(v2sf) =	vpush v4, $0x0;
	_ =	sdelay $0x9  }
0x19c: {  	s0 =	sadd.s32 $0x80, s0  }
0x19d: {  	v4 =	vld [tilespmem:s0+$0xFFFFFFF0]  }
0x19e: {  	v5 =	vld [tilespmem:s0+$0x30]  }
0x19f: {  	v6 =	vld [tilespmem:s0+$0x10]  }
0x1a0: {  	v7 =	vld [tilespmem:s0+$0xFFFFFFD0]  }
0x1a1: {  	v8 =	vld [tilespmem:s0+$0xFFFFFFC0];
	s3 =	spop (v2sf)  }
0x1a2: {  	s4 =	sadd.f32 s3, s3;
	v9 =	vld [tilespmem:s0+$0xFFFFFFE0]  }
0x1a3: {  	v10 =	vld [tilespmem:s0+$0x0]  }
0x1a4: {  	s3 =	smul.f32 s4, s3;
	v11 =	vld [tilespmem:s0+$0x20];
	_ =	sdelay $0x1  }
0x1a5: {  	v8 =	vmul.f32 s3, v8;
	v7 =	vmul.f32 s3, v7  }
0x1a6: {  	v4 =	vmul.f32 s3, v4;
	v9 =	vmul.f32 s3, v9  }
0x1a7: {  	v6 =	vmul.f32 s3, v6;
	[tilespmem:s0+$0xFFFFFFC0] =	vst v8;
	v8 =	vmul.f32 s3, v10  }
0x1a8: {  	v5 =	vmul.f32 s3, v5;
	[tilespmem:s0+$0xFFFFFFD0] =	vst v7;
	v7 =	vmul.f32 s3, v11  }
0x1a9: {  	[tilespmem:s0+$0xFFFFFFE0] =	vst v9  }
.Ltmp10:
0x1aa: {  	[tilespmem:s0+$0xFFFFFFF0] =	vst v4;
	(pc) =	sbr.rel @p0 .LBB2_17-.Ltmp10, $4  }
0x1ab: {  	[tilespmem:s0+$0x0] =	vst v8  }
0x1ac: {  	[tilespmem:s0+$0x10] =	vst v6  }
0x1ad: {  	[tilespmem:s0+$0x20] =	vst v7  }
0x1ae: {  	s3 =	sshra.s32 s2, $0x2;
	s2 =	sadd.s32 $0x4, s2;
	[tilespmem:s0+$0x30] =	vst v5  }
0x1af: {  	_ =	sdelay $0x3  }
0x1b0: {  	v4 =	vld.idx.msk [tilespmem:v3+s3+$0x0 ss:$0x1], $0xffff;
	_ =	sdelay $0x4  }
0x1b1: {  	(v2sf) =	vpush v4, $0x0;
	_ =	sdelay $0xd  }
0x1b2: {  	s0 =	sadd.s32 $0x80, s0  }
0x1b3: {  	v4 =	vld [tilespmem:s0+$0xFFFFFFC0];
	s2 =	spop (v2sf)  }
0x1b4: {  	v5 =	vld [tilespmem:s0+$0xFFFFFFD0];
	s31 =	sadd.f32 s2, s2  }
0x1b5: {  	v6 =	vld [tilespmem:s0+$0xFFFFFFE0]  }
0x1b6: {  	v9 =	vld [tilespmem:s0+$0x10];
	s2 =	smul.f32 s31, s2  }
0x1b7: {  	v7 =	vld [tilespmem:s0+$0xFFFFFFF0]  }
0x1b8: {  	v8 =	vld [tilespmem:s0+$0x0];
	v4 =	vmul.f32 s2, v4  }
0x1b9: {  	v10 =	vld [tilespmem:s0+$0x20];
	v5 =	vmul.f32 s2, v5  }
0x1ba: {  	v11 =	vld [tilespmem:s0+$0x30];
	v6 =	vmul.f32 s2, v6;
	[tilespmem:s0+$0xFFFFFFC0] =	vst v4  }
0x1bb: {  	v63 =	vmul.f32 s2, v9;
	[tilespmem:s0+$0xFFFFFFD0] =	vst v5  }
0x1bc: {  	v4 =	vmul.f32 s2, v7;
	[tilespmem:s0+$0xFFFFFFE0] =	vst v6  }
.Ltmp11:
0x1bd: {  	v5 =	vmul.f32 s2, v8;
	[tilespmem:s0+$0x10] =	vst v63;
	(pc) =	sbr.rel .LBB2_19-.Ltmp11, $4  }
0x1be: {  	[tilespmem:s0+$0xFFFFFFF0] =	vst v4;
	v4 =	vmul.f32 s2, v10  }
0x1bf: {  	[tilespmem:s0+$0x0] =	vst v5;
	v5 =	vmul.f32 s2, v11  }
0x1c0: {  	[tilespmem:s0+$0x20] =	vst v4  }
0x1c1: {  	[tilespmem:s0+$0x30] =	vst v5  }
.LBB2_26:
0x1c2: {  	s25 =	sadd.s32 $0x1, s25  }
0x1c3: {  	p0 =	sne.s32 s25, $0x28  }
.Ltmp12:
0x1c4: {  	_ = 	snop;
	(pc) =	sbr.rel @!p0 .LBB2_27-.Ltmp12, $1  }
0x1c5: {  	_ =	sdelay $0x3  }
.LBB2_19:
0x1c6: {  	s0 =	smul.u32 $0x1F40, s25;
	_ =	sdelay $0x1  }
0x1c7: {  	s0 =	sshrl.u32 s0, $0x3  }
0x1c8: {  	s2 =	sadd.s32 $0x9C40, s0  }
0x1c9: {  	s0 =	simm.s32 $0x0;
	s3 =	sadd.s32 s6, s2  }
0x1ca: {  	[tilespmem:s0], [sflag:$0x2] =	stream.linear.gather [hbm4b:s3+s0], $0x1F40, $0x38;
	[tilespmem:$0x19780] =	vst v63  }
0x1cb: {  	_ =	swait.ge [sflag:s16], $0x1F40  }
0x1cc: {  	[sflag:s16] =	ssyncset.done $0x0  }
0x1cd: {  	s29 =	sadd.s32 s1, s2;
	[sflag:s16] =	ssyncadd.s32 $0xFFFFE0C0  }
0x1ce: {  	[tilespmem:s19], [sflag:$0x2] =	stream.linear.gather [hbm4b:s29+s0], $0x1F40, $0x38;
	[tilespmem:$0x19780] =	vst v63  }
0x1cf: {  	_ =	swait.ge [sflag:s16], $0x1F40  }
0x1d0: {  	[sflag:s16] =	ssyncset.done $0x0  }
0x1d1: {  	s2 =	sadd.s32 s7, s2;
	[sflag:s16] =	ssyncadd.s32 $0xFFFFE0C0  }
0x1d2: {  	[tilespmem:s20], [sflag:$0x2] =	stream.linear.gather [hbm4b:s2+s0], $0x1F40, $0x38;
	[tilespmem:$0x19780] =	vst v63  }
0x1d3: {  	_ =	swait.ge [sflag:s16], $0x1F40  }
0x1d4: {  	[sflag:s16] =	ssyncset.done $0x0  }
0x1d5: {  	s30 =	simm.s32 $0x0;
	[sflag:s16] =	ssyncadd.s32 $0xFFFFE0C0  }
0x1d6: {  	v4 =	vld [tilespmem:s30+$0x0];
	_ =	sdelay $0x4  }
0x1d7: {  	vm0 =	vge.s32 v4, v0;
	vm1 =	vlt.s32 v4, v1  }
0x1d8: {  	vm0 =	vmand vm0, vm1  }
0x1d9: {  	v5 =	vsel vm0, $0x1, v2  }
0x1da: {  	(xrf0) =	vadd.scan.msk.s32 $0xffff, v5;
	_ =	sdelay $0x5  }
0x1db: {  	v5, _, _ =	vpop (xrf0)  }
0x1dc: {  	(v2sf) =	vpush v5, $0xF;
	_ =	sdelay $0xe  }
0x1dd: {  	s31 =	spop (v2sf)  }
0x1de: {  	p1 =	slt.s32 s31, $0x1  }
0x1df: {  	s3 =	simm.s32 @!p1 $0x0  }
0x1e0: {  	v5 =	vld @!p1 [tilespmem:s3+$0x1F80];
	_ =	sdelay $0x6  }
0x1e1: {  	v6 =	vld @!p1 [tilespmem:s3+$0x3F00];
	s3 =	simm.s32 @!p1 $0xBE80  }
0x1e2: {  	v7 =	vld.idx.msk @!p1 [tilespmem:v5+s3+$0x0], $0xffff;
	_ =	sdelay $0x1  }
0x1e3: {  	v8 =	vld.idx.msk @!p1 [tilespmem:v4+s3+$0x0], $0xffff;
	_ =	sdelay $0x1  }
0x1e4: {  	v6 =	vmax.f32 @!p1 v6, $0.0e+00  }
0x1e5: {  	v5 =	vadd.s32 @!p1 $0x2800, v5;
	v6 =	vmul.f32 @!p1 v6, v7  }
0x1e6: {  	v4 =	vsub.s32 @!p1 v4, v0;
	[tilespmem:s0+$0x5E80] =	vst.msk @!p1 vm0, v5  }
0x1e7: {  	s4 =	simm.s32 $0x80;
	s2 =	sadd.s32 $0x0, s31;
	s3 =	simm.s32 $0x40;
	[tilespmem:s0+$0x7E80] =	vst.msk @!p1 vm0, v4;
	v4 =	vmul.f32 @!p1 v8, v6  }
.LBB2_20:
0x1e8: {  	_ = 	snop  }
0x1e9: {  	s5 =	sshra.s32 s3, $0x2;
	s15 =	smov.u32 s4;
	s4 =	sadd.s32 $0x40, s4;
	[tilespmem:s0+$0x9E80] =	vst.msk @!p1 vm0, v4  }
0x1ea: {  	p0 =	sne.s32 s4, $0x7D00;
	s0 =	smov.u32 s2;
	v4 =	vld [tilespmem:s5+$0x0];
	_ =	sdelay $0x4  }
0x1eb: {  	vm0 =	vge.s32 v4, v0;
	vm1 =	vlt.s32 v4, v1  }
0x1ec: {  	vm0 =	vmand vm0, vm1  }
0x1ed: {  	v5 =	vsel vm0, $0x1, v2  }
0x1ee: {  	(xrf0) =	vadd.scan.msk.s32 $0xffff, v5;
	_ =	sdelay $0x5  }
0x1ef: {  	v5, _, _ =	vpop (xrf0)  }
0x1f0: {  	(v2sf) =	vpush v5, $0xF;
	_ =	sdelay $0xe  }
0x1f1: {  	s5 =	spop (v2sf)  }
0x1f2: {  	p1 =	slt.s32 s5, $0x1;
	s2 =	sadd.s32 s2, s5  }
0x1f3: {  	s5 =	sshra.s32 @!p1 s3, $0x2;
	v5 =	vsub.s32 @!p1 v4, v0;
	s3 =	smov.u32 s15  }
0x1f4: {  	v6 =	vld @!p1 [tilespmem:s5+$0x1F80];
	_ =	sdelay $0x4  }
0x1f5: {  	v7 =	vadd.s32 @!p1 $0x2800, v6;
	_ =	sdelay $0x1  }
0x1f6: {  	v8 =	vld @!p1 [tilespmem:s5+$0x3F00];
	s5 =	simm.s32 @!p1 $0xBE80  }
0x1f7: {  	v6 =	vld.idx.msk @!p1 [tilespmem:v6+s5+$0x0], $0xffff  }
0x1f8: {  	v4 =	vld.idx.msk @!p1 [tilespmem:v4+s5+$0x0], $0xffff  }
0x1f9: {  	[tilespmem:s0+$0x5E80] =	vst.msk @!p1 vm0, v7  }
0x1fa: {  	[tilespmem:s0+$0x7E80] =	vst.msk @!p1 vm0, v5  }
.Ltmp13:
0x1fb: {  	v5 =	vmax.f32 @!p1 v8, $0.0e+00;
	(pc) =	sbr.rel @p0 .LBB2_20-.Ltmp13, $3  }
0x1fc: {  	_ = 	snop  }
0x1fd: {  	v5 =	vmul.f32 @!p1 v5, v6;
	_ =	sdelay $0x1  }
0x1fe: {  	v4 =	vmul.f32 @!p1 v4, v5  }
0x1ff: {  	_ = 	snop  }
0x200: {  	s4 =	sshra.s32 s3, $0x2;
	[tilespmem:s0+$0x9E80] =	vst.msk @!p1 vm0, v4  }
0x201: {  	v4 =	vld [tilespmem:s4+$0x0];
	_ =	sdelay $0x4  }
0x202: {  	vm15 =	vge.s32 v4, v0;
	vm1 =	vlt.s32 v4, v1  }
0x203: {  	vm0 =	vmand vm15, vm1  }
0x204: {  	v5 =	vsel vm0, $0x1, v2  }
0x205: {  	(xrf0) =	vadd.scan.msk.s32 $0xffff, v5;
	_ =	sdelay $0x5  }
0x206: {  	v5, _, _ =	vpop (xrf0)  }
0x207: {  	(v2sf) =	vpush v5, $0xF;
	_ =	sdelay $0xe  }
0x208: {  	s31 =	spop (v2sf)  }
0x209: {  	p0 =	slt.s32 s31, $0x1  }
0x20a: {  	s3 =	sshra.s32 @!p0 s3, $0x2  }
0x20b: {  	v5 =	vld @!p0 [tilespmem:s3+$0x1F80];
	_ =	sdelay $0x6  }
0x20c: {  	v6 =	vld @!p0 [tilespmem:s3+$0x3F00];
	s3 =	simm.s32 @!p0 $0xBE80  }
0x20d: {  	v7 =	vld.idx.msk @!p0 [tilespmem:v5+s3+$0x0], $0xffff  }
0x20e: {  	s26 =	sadd.s32 s2, s31  }
0x20f: {  	s0 =	sadd.s32 $0x1F, s26;
	v8 =	vld.idx.msk @!p0 [tilespmem:v4+s3+$0x0], $0xffff  }
0x210: {  	s28 =	sshrl.u32 s0, $0x5  }
0x211: {  	p1 =	seq.s32 s28, $0x0;
	v6 =	vmax.f32 @!p0 v6, $0.0e+00  }
.Ltmp14:
0x212: {  	v6 =	vmul.f32 @!p0 v6, v7;
	(pc) =	sbr.rel @p1 .LBB2_26-.Ltmp14, $4  }
0x213: {  	v5 =	vadd.s32 @!p0 $0x2800, v5  }
0x214: {  	v4 =	vsub.s32 @!p0 v4, v0;
	[tilespmem:s2+$0x5E80] =	vst.msk @!p0 vm0, v5;
	v5 =	vmul.f32 @!p0 v8, v6  }
0x215: {  	[tilespmem:s2+$0x7E80] =	vst.msk @!p0 vm0, v4  }
0x216: {  	[tilespmem:s2+$0x9E80] =	vst.msk @!p0 vm0, v5  }
0x217: {  	s29 =	simm.s32 $0x7E80  }
0x218: {  	s30 =	simm.s32 $0x9E80;
	s31 =	simm.s32 $0x0;
	s0 =	simm.s32 $0x0  }
.LBB2_23:
0x219: {  	s2 =	sshll.u32 s0, $0x5  }
0x21a: {  	v4 =	vmov s29;
	s2 =	sadd.s32 $0x5E80, s2  }
0x21b: {  	[tilespmem:s22], [sflag:$0x1] =	stream.indirect.gather [hbm4b:s8+s21], $0x80, s2, s21, $0xb8;
	[tilespmem:$0x19780] =	vst v63  }
0x21c: {  	_ =	swait.ge [sflag:s23], $0x1000  }
0x21d: {  	p1 =	sge.s32 s31, s26;
	[sflag:s23] =	ssyncset.done $0x0  }
0x21e: {  	p0 =	por p1, p1;
	s2 =	simm.s32 @!p1 $0x0;
	[sflag:s23] =	ssyncadd.s32 $0xFFFFF000  }
0x21f: {  	v5 =	vld.idx.msk @!p0 [tilespmem:v4+s2+$0x0 ss:$0x1], $0xffff;
	_ =	sdelay $0x4  }
0x220: {  	(v2sf) =	vpush @!p0 v5, $0x0;
	_ =	sdelay $0xd  }
0x221: {  	s3 =	sadd.s32 @!p0 $0x0, s30  }
0x222: {  	s2 =	simm.s32 $0x18740;
	v5 =	vld.msk @!p0 [tilespmem:s3+$0x0 ss:$0x0], $0xffff;
	s3 =	spop @!p1 (v2sf)  }
0x223: {  	v6 =	vld @!p0 [tilespmem:s2+$0xFFFFFFC0];
	s3 =	sshll.u32 @!p0 s3, $0x9  }
0x224: {  	s4 =	sshra.s32 @!p0 s3, $0x2  }
0x225: {  	v7 =	vld @!p0 [tilespmem:s4+$0xE700];
	_ =	sdelay $0x2  }
0x226: {  	v6 =	vmul.f32 @!p0 v6, v5;
	_ =	sdelay $0x1  }
0x227: {  	v6 =	vmax.f32 @!p0 v7, v6  }
0x228: {  	[tilespmem:s4+$0xE700] =	vst @!p0 v6  }
0x229: {  	v6 =	vld @!p0 [tilespmem:s2+$0xFFFFFFD0];
	_ =	sdelay $0x1  }
0x22a: {  	v7 =	vld @!p0 [tilespmem:s4+$0xE710];
	_ =	sdelay $0x2  }
0x22b: {  	v6 =	vmul.f32 @!p0 v6, v5;
	_ =	sdelay $0x1  }
0x22c: {  	v6 =	vmax.f32 @!p0 v7, v6  }
0x22d: {  	[tilespmem:s4+$0xE710] =	vst @!p0 v6  }
0x22e: {  	v6 =	vld @!p0 [tilespmem:s2+$0xFFFFFFE0];
	_ =	sdelay $0x1  }
0x22f: {  	v7 =	vld @!p0 [tilespmem:s4+$0xE720];
	_ =	sdelay $0x2  }
0x230: {  	v6 =	vmul.f32 @!p0 v6, v5;
	_ =	sdelay $0x1  }
0x231: {  	v6 =	vmax.f32 @!p0 v7, v6  }
0x232: {  	[tilespmem:s4+$0xE720] =	vst @!p0 v6  }
0x233: {  	v6 =	vld @!p0 [tilespmem:s2+$0xFFFFFFF0];
	_ =	sdelay $0x1  }
0x234: {  	v7 =	vld @!p0 [tilespmem:s4+$0xE730];
	_ =	sdelay $0x2  }
0x235: {  	v6 =	vmul.f32 @!p0 v6, v5;
	_ =	sdelay $0x1  }
0x236: {  	v6 =	vmax.f32 @!p0 v7, v6  }
0x237: {  	[tilespmem:s4+$0xE730] =	vst @!p0 v6  }
0x238: {  	v6 =	vld @!p0 [tilespmem:s2+$0x0];
	_ =	sdelay $0x1  }
0x239: {  	v7 =	vld @!p0 [tilespmem:s4+$0xE740];
	_ =	sdelay $0x2  }
0x23a: {  	v6 =	vmul.f32 @!p0 v6, v5;
	_ =	sdelay $0x1  }
0x23b: {  	v6 =	vmax.f32 @!p0 v7, v6  }
0x23c: {  	[tilespmem:s4+$0xE740] =	vst @!p0 v6  }
0x23d: {  	v6 =	vld @!p0 [tilespmem:s2+$0x10];
	_ =	sdelay $0x1  }
0x23e: {  	v7 =	vld @!p0 [tilespmem:s4+$0xE750];
	_ =	sdelay $0x2  }
0x23f: {  	v6 =	vmul.f32 @!p0 v6, v5;
	_ =	sdelay $0x1  }
0x240: {  	v6 =	vmax.f32 @!p0 v7, v6  }
0x241: {  	[tilespmem:s4+$0xE750] =	vst @!p0 v6  }
0x242: {  	v6 =	vld @!p0 [tilespmem:s2+$0x20];
	_ =	sdelay $0x1  }
0x243: {  	v7 =	vld @!p0 [tilespmem:s4+$0xE760];
	_ =	sdelay $0x2  }
0x244: {  	v6 =	vmul.f32 @!p0 v6, v5;
	_ =	sdelay $0x1  }
0x245: {  	v6 =	vmax.f32 @!p0 v7, v6  }
0x246: {  	[tilespmem:s4+$0xE760] =	vst @!p0 v6  }
0x247: {  	v6 =	vld @!p0 [tilespmem:s2+$0x30];
	_ =	sdelay $0x1  }
0x248: {  	v7 =	vld @!p0 [tilespmem:s4+$0xE770];
	_ =	sdelay $0x2  }
0x249: {  	v5 =	vmul.f32 @!p0 v6, v5  }
0x24a: {  	s15 =	sadd.s32 $0x1, s31  }
0x24b: {  	s5 =	simm.s32 $0x4;
	p2 =	sge.s32 s15, s26;
	s3 =	simm.s32 $0x8;
	v5 =	vmax.f32 @!p0 v7, v5  }
.LBB2_24:
0x24c: {  	s17 =	sshra.s32 @!p2 s5, $0x2;
	s2 =	sadd.s32 $0x80, s2  }
0x24d: {  	[tilespmem:s4+$0xE770] =	vst @!p0 v5;
	s5 =	smov.u32 s3;
	s3 =	sadd.s32 $0x4, s3;
	p0 =	por p2, p2  }
0x24e: {  	p1 =	sne.s32 s3, $0x80;
	v5 =	vld.idx.msk @!p0 [tilespmem:v4+s17+$0x0 ss:$0x1], $0xffff;
	s4 =	sadd.s32 @!p0 s17, s30;
	_ =	sdelay $0x5  }
0x24f: {  	(v2sf) =	vpush @!p0 v5, $0x0;
	_ =	sdelay $0xe  }
0x250: {  	v5 =	vld.msk @!p0 [tilespmem:s4+$0x0 ss:$0x0], $0xffff;
	s4 =	spop @!p2 (v2sf)  }
0x251: {  	s4 =	sshll.u32 @!p0 s4, $0x9;
	v6 =	vld @!p0 [tilespmem:s2+$0xFFFFFFC0]  }
0x252: {  	s4 =	sshra.s32 @!p0 s4, $0x2  }
0x253: {  	v7 =	vld @!p0 [tilespmem:s4+$0xE700];
	_ =	sdelay $0x2  }
0x254: {  	v6 =	vmul.f32 @!p0 v6, v5;
	_ =	sdelay $0x1  }
0x255: {  	v6 =	vmax.f32 @!p0 v7, v6  }
0x256: {  	[tilespmem:s4+$0xE700] =	vst @!p0 v6  }
0x257: {  	v6 =	vld @!p0 [tilespmem:s2+$0xFFFFFFD0];
	_ =	sdelay $0x1  }
0x258: {  	v7 =	vld @!p0 [tilespmem:s4+$0xE710];
	_ =	sdelay $0x2  }
0x259: {  	v6 =	vmul.f32 @!p0 v6, v5;
	_ =	sdelay $0x1  }
0x25a: {  	v6 =	vmax.f32 @!p0 v7, v6  }
0x25b: {  	[tilespmem:s4+$0xE710] =	vst @!p0 v6  }
0x25c: {  	v6 =	vld @!p0 [tilespmem:s2+$0xFFFFFFE0];
	_ =	sdelay $0x1  }
0x25d: {  	v7 =	vld @!p0 [tilespmem:s4+$0xE720];
	_ =	sdelay $0x2  }
0x25e: {  	v6 =	vmul.f32 @!p0 v6, v5;
	_ =	sdelay $0x1  }
0x25f: {  	v6 =	vmax.f32 @!p0 v7, v6  }
0x260: {  	[tilespmem:s4+$0xE720] =	vst @!p0 v6  }
0x261: {  	v6 =	vld @!p0 [tilespmem:s2+$0xFFFFFFF0];
	_ =	sdelay $0x1  }
0x262: {  	v7 =	vld @!p0 [tilespmem:s4+$0xE730];
	_ =	sdelay $0x2  }
0x263: {  	v6 =	vmul.f32 @!p0 v6, v5;
	_ =	sdelay $0x1  }
0x264: {  	v6 =	vmax.f32 @!p0 v7, v6  }
0x265: {  	[tilespmem:s4+$0xE730] =	vst @!p0 v6  }
0x266: {  	v6 =	vld @!p0 [tilespmem:s2+$0x0];
	_ =	sdelay $0x1  }
0x267: {  	v7 =	vld @!p0 [tilespmem:s4+$0xE740];
	_ =	sdelay $0x2  }
0x268: {  	v6 =	vmul.f32 @!p0 v6, v5;
	_ =	sdelay $0x1  }
0x269: {  	v6 =	vmax.f32 @!p0 v7, v6  }
0x26a: {  	[tilespmem:s4+$0xE740] =	vst @!p0 v6  }
0x26b: {  	v6 =	vld @!p0 [tilespmem:s2+$0x10];
	_ =	sdelay $0x1  }
0x26c: {  	v7 =	vld @!p0 [tilespmem:s4+$0xE750];
	_ =	sdelay $0x2  }
0x26d: {  	v6 =	vmul.f32 @!p0 v6, v5;
	_ =	sdelay $0x1  }
0x26e: {  	v6 =	vmax.f32 @!p0 v7, v6  }
0x26f: {  	[tilespmem:s4+$0xE750] =	vst @!p0 v6  }
0x270: {  	v6 =	vld @!p0 [tilespmem:s2+$0x20];
	_ =	sdelay $0x1  }
0x271: {  	v7 =	vld @!p0 [tilespmem:s4+$0xE760];
	_ =	sdelay $0x2  }
0x272: {  	v6 =	vmul.f32 @!p0 v6, v5;
	_ =	sdelay $0x1  }
0x273: {  	v6 =	vmax.f32 @!p0 v7, v6  }
0x274: {  	[tilespmem:s4+$0xE760] =	vst @!p0 v6  }
0x275: {  	v6 =	vld @!p0 [tilespmem:s2+$0x30];
	_ =	sdelay $0x1  }
0x276: {  	v7 =	vld @!p0 [tilespmem:s4+$0xE770]  }
.Ltmp15:
0x277: {  	(pc) =	sbr.rel @p1 .LBB2_24-.Ltmp15, $4  }
0x278: {  	_ = 	snop  }
0x279: {  	v5 =	vmul.f32 @!p0 v6, v5  }
0x27a: {  	s15 =	sadd.s32 $0x1, s15  }
0x27b: {  	p2 =	sge.s32 s15, s26;
	v5 =	vmax.f32 @!p0 v7, v5  }
0x27c: {  	_ =	sdelay $0x2  }
0x27d: {  	s3 =	sshra.s32 @!p2 s5, $0x2;
	[tilespmem:s4+$0xE770] =	vst @!p0 v5;
	p0 =	por p2, p2  }
0x27e: {  	v4 =	vld.idx.msk @!p0 [tilespmem:v4+s3+$0x0 ss:$0x1], $0xffff;
	_ =	sdelay $0x4  }
0x27f: {  	(v2sf) =	vpush @!p0 v4, $0x0;
	_ =	sdelay $0xd  }
0x280: {  	s3 =	sadd.s32 @!p0 s3, s30  }
0x281: {  	s2 =	sadd.s32 $0x80, s2;
	v4 =	vld.msk @!p0 [tilespmem:s3+$0x0 ss:$0x0], $0xffff;
	s3 =	spop @!p2 (v2sf)  }
0x282: {  	v5 =	vld @!p0 [tilespmem:s2+$0xFFFFFFC0];
	s3 =	sshll.u32 @!p0 s3, $0x9  }
0x283: {  	s3 =	sshra.s32 @!p0 s3, $0x2  }
0x284: {  	v6 =	vld @!p0 [tilespmem:s3+$0xE700];
	_ =	sdelay $0x2  }
0x285: {  	v5 =	vmul.f32 @!p0 v5, v4;
	_ =	sdelay $0x1  }
0x286: {  	v5 =	vmax.f32 @!p0 v6, v5  }
0x287: {  	[tilespmem:s3+$0xE700] =	vst @!p0 v5  }
0x288: {  	v5 =	vld @!p0 [tilespmem:s2+$0xFFFFFFD0];
	_ =	sdelay $0x1  }
0x289: {  	v6 =	vld @!p0 [tilespmem:s3+$0xE710];
	_ =	sdelay $0x2  }
0x28a: {  	v5 =	vmul.f32 @!p0 v5, v4;
	_ =	sdelay $0x1  }
0x28b: {  	v5 =	vmax.f32 @!p0 v6, v5  }
0x28c: {  	[tilespmem:s3+$0xE710] =	vst @!p0 v5  }
0x28d: {  	v5 =	vld @!p0 [tilespmem:s2+$0xFFFFFFE0];
	_ =	sdelay $0x1  }
0x28e: {  	v6 =	vld @!p0 [tilespmem:s3+$0xE720];
	_ =	sdelay $0x2  }
0x28f: {  	v5 =	vmul.f32 @!p0 v5, v4;
	_ =	sdelay $0x1  }
0x290: {  	v5 =	vmax.f32 @!p0 v6, v5  }
0x291: {  	[tilespmem:s3+$0xE720] =	vst @!p0 v5  }
0x292: {  	v5 =	vld @!p0 [tilespmem:s2+$0xFFFFFFF0];
	_ =	sdelay $0x1  }
0x293: {  	v6 =	vld @!p0 [tilespmem:s3+$0xE730];
	_ =	sdelay $0x2  }
0x294: {  	v5 =	vmul.f32 @!p0 v5, v4;
	_ =	sdelay $0x1  }
0x295: {  	v5 =	vmax.f32 @!p0 v6, v5  }
0x296: {  	[tilespmem:s3+$0xE730] =	vst @!p0 v5  }
0x297: {  	v5 =	vld @!p0 [tilespmem:s2+$0x0];
	_ =	sdelay $0x1  }
0x298: {  	v6 =	vld @!p0 [tilespmem:s3+$0xE740];
	_ =	sdelay $0x2  }
0x299: {  	v5 =	vmul.f32 @!p0 v5, v4;
	_ =	sdelay $0x1  }
0x29a: {  	v5 =	vmax.f32 @!p0 v6, v5  }
0x29b: {  	[tilespmem:s3+$0xE740] =	vst @!p0 v5  }
0x29c: {  	v5 =	vld @!p0 [tilespmem:s2+$0x10];
	_ =	sdelay $0x1  }
0x29d: {  	v6 =	vld @!p0 [tilespmem:s3+$0xE750];
	_ =	sdelay $0x2  }
0x29e: {  	v5 =	vmul.f32 @!p0 v5, v4;
	_ =	sdelay $0x1  }
0x29f: {  	v5 =	vmax.f32 @!p0 v6, v5  }
0x2a0: {  	[tilespmem:s3+$0xE750] =	vst @!p0 v5  }
0x2a1: {  	v5 =	vld @!p0 [tilespmem:s2+$0x20];
	_ =	sdelay $0x1  }
0x2a2: {  	v6 =	vld @!p0 [tilespmem:s3+$0xE760];
	_ =	sdelay $0x2  }
0x2a3: {  	v5 =	vmul.f32 @!p0 v5, v4;
	_ =	sdelay $0x1  }
0x2a4: {  	v5 =	vmax.f32 @!p0 v6, v5  }
0x2a5: {  	[tilespmem:s3+$0xE760] =	vst @!p0 v5  }
0x2a6: {  	v5 =	vld @!p0 [tilespmem:s2+$0x30];
	_ =	sdelay $0x1  }
0x2a7: {  	s0 =	sadd.s32 $0x1, s0;
	v6 =	vld @!p0 [tilespmem:s3+$0xE770]  }
0x2a8: {  	p1 =	sne.s32 s0, s28  }
.Ltmp16:
0x2a9: {  	_ = 	snop;
	(pc) =	sbr.rel @p1 .LBB2_23-.Ltmp16, $4  }
.Ltmp17:
0x2aa: {  	v4 =	vmul.f32 @!p0 v5, v4;
	(pc) =	sbr.rel @!p1 .LBB2_26-.Ltmp17, $4  }
0x2ab: {  	_ = 	snop  }
0x2ac: {  	v4 =	vmax.f32 @!p0 v6, v4  }
0x2ad: {  	s29 =	sadd.s32 $0x20, s29;
	s31 =	sadd.s32 $0x20, s31;
	s30 =	sadd.s32 $0x20, s30;
	[tilespmem:s3+$0xE770] =	vst @!p0 v4  }
0x2ae: {  	_ = 	snop  }
.LBB2_27:
0x2af: {  	s0 =	simm.s32 $0x0  }
0x2b0: {  	s2 =	simm.s32 $0x200;
	v4 =	vld [tilespmem:s0+$0xE700]  }
.LBB2_28:
0x2b1: {  	p0 =	sne.s32 s2, $0x27E00;
	v5 =	vld [tilespmem:$0x19700];
	_ =	sdelay $0x4  }
0x2b2: {  	v4 =	vadd.f32 v5, v4;
	_ =	sdelay $0x1  }
0x2b3: {  	[tilespmem:s0+$0xE700] =	vst v4;
	v4 =	vld [tilespmem:s0+$0xE710]  }
0x2b4: {  	v5 =	vld [tilespmem:$0x19710];
	_ =	sdelay $0x4  }
0x2b5: {  	v4 =	vadd.f32 v5, v4;
	_ =	sdelay $0x1  }
0x2b6: {  	[tilespmem:s0+$0xE710] =	vst v4;
	v4 =	vld [tilespmem:s0+$0xE720]  }
0x2b7: {  	v5 =	vld [tilespmem:$0x19720];
	_ =	sdelay $0x4  }
0x2b8: {  	v4 =	vadd.f32 v5, v4;
	_ =	sdelay $0x1  }
0x2b9: {  	[tilespmem:s0+$0xE720] =	vst v4;
	v4 =	vld [tilespmem:s0+$0xE730]  }
0x2ba: {  	v5 =	vld [tilespmem:$0x19730];
	_ =	sdelay $0x4  }
0x2bb: {  	v4 =	vadd.f32 v5, v4;
	_ =	sdelay $0x1  }
0x2bc: {  	[tilespmem:s0+$0xE730] =	vst v4;
	v4 =	vld [tilespmem:s0+$0xE740]  }
0x2bd: {  	v5 =	vld [tilespmem:$0x19740];
	_ =	sdelay $0x4  }
0x2be: {  	v4 =	vadd.f32 v5, v4;
	_ =	sdelay $0x1  }
0x2bf: {  	[tilespmem:s0+$0xE740] =	vst v4;
	v4 =	vld [tilespmem:s0+$0xE750]  }
0x2c0: {  	v5 =	vld [tilespmem:$0x19750];
	_ =	sdelay $0x4  }
0x2c1: {  	v4 =	vadd.f32 v5, v4;
	_ =	sdelay $0x1  }
0x2c2: {  	[tilespmem:s0+$0xE750] =	vst v4;
	v4 =	vld [tilespmem:s0+$0xE760]  }
0x2c3: {  	v5 =	vld [tilespmem:$0x19760];
	_ =	sdelay $0x4  }
0x2c4: {  	v4 =	vadd.f32 v5, v4;
	_ =	sdelay $0x1  }
0x2c5: {  	[tilespmem:s0+$0xE760] =	vst v4;
	v4 =	vld [tilespmem:s0+$0xE770]  }
0x2c6: {  	v5 =	vld [tilespmem:$0x19770];
	_ =	sdelay $0x2  }
.Ltmp18:
0x2c7: {  	(pc) =	sbr.rel @p0 .LBB2_28-.Ltmp18, $4  }
0x2c8: {  	_ = 	snop  }
0x2c9: {  	v5 =	vadd.f32 v5, v4  }
0x2ca: {  	s3 =	sshra.s32 s2, $0x2  }
0x2cb: {  	s2 =	sadd.s32 $0x200, s2;
	v4 =	vld [tilespmem:s3+$0xE700];
	[tilespmem:s0+$0xE770] =	vst v5;
	s0 =	smov.u32 s3  }
0x2cc: {  	v5 =	vld [tilespmem:$0x19700];
	_ =	sdelay $0x4  }
0x2cd: {  	v4 =	vadd.f32 v5, v4;
	_ =	sdelay $0x1  }
0x2ce: {  	[tilespmem:s0+$0xE700] =	vst v4;
	v4 =	vld [tilespmem:s0+$0xE710]  }
0x2cf: {  	v5 =	vld [tilespmem:$0x19710];
	_ =	sdelay $0x4  }
0x2d0: {  	v4 =	vadd.f32 v5, v4;
	_ =	sdelay $0x1  }
0x2d1: {  	[tilespmem:s0+$0xE710] =	vst v4;
	v4 =	vld [tilespmem:s0+$0xE720]  }
0x2d2: {  	v5 =	vld [tilespmem:$0x19720];
	_ =	sdelay $0x4  }
0x2d3: {  	v4 =	vadd.f32 v5, v4;
	_ =	sdelay $0x1  }
0x2d4: {  	[tilespmem:s0+$0xE720] =	vst v4;
	v4 =	vld [tilespmem:s0+$0xE730]  }
0x2d5: {  	v5 =	vld [tilespmem:$0x19730];
	_ =	sdelay $0x4  }
0x2d6: {  	v4 =	vadd.f32 v5, v4;
	_ =	sdelay $0x1  }
0x2d7: {  	[tilespmem:s0+$0xE730] =	vst v4;
	v4 =	vld [tilespmem:s0+$0xE740]  }
0x2d8: {  	v5 =	vld [tilespmem:$0x19740];
	_ =	sdelay $0x4  }
0x2d9: {  	v4 =	vadd.f32 v5, v4;
	_ =	sdelay $0x1  }
0x2da: {  	[tilespmem:s0+$0xE740] =	vst v4;
	v4 =	vld [tilespmem:s0+$0xE750]  }
0x2db: {  	v5 =	vld [tilespmem:$0x19750];
	_ =	sdelay $0x4  }
0x2dc: {  	v4 =	vadd.f32 v5, v4;
	_ =	sdelay $0x1  }
0x2dd: {  	[tilespmem:s0+$0xE750] =	vst v4;
	v4 =	vld [tilespmem:s0+$0xE760]  }
0x2de: {  	v5 =	vld [tilespmem:$0x19760];
	_ =	sdelay $0x4  }
0x2df: {  	v4 =	vadd.f32 v5, v4;
	_ =	sdelay $0x1  }
0x2e0: {  	[tilespmem:s0+$0xE760] =	vst v4;
	v4 =	vld [tilespmem:s0+$0xE770]  }
0x2e1: {  	v5 =	vld [tilespmem:$0x19770];
	_ =	sdelay $0x4  }
0x2e2: {  	s24 =	sadd.s32 $0x1, s24;
	v4 =	vadd.f32 v5, v4  }
0x2e3: {  	p0 =	sne.s32 s24, s14  }
.Ltmp19:
0x2e4: {  	s17 =	simm.s32 $0x0;
	[tilespmem:s0+$0xE770] =	vst v4;
	(pc) =	sbr.rel @p0 .LBB2_1-.Ltmp19, $4  }
0x2e5: {  	[hbm4b:s13+s17] =	stream.linear.scatter [tilespmem:s18], [sflag:$0x2], $0xA000, $0x38;
	[tilespmem:$0x19780] =	vst v63  }
0x2e6: {  	_ =	swait.ge [sflag:s16], $0xA000  }
0x2e7: {  	[sflag:s16] =	ssyncset.done $0x0  }
0x2e8: {  	[sflag:s16] =	ssyncadd.s32 $0xFFFF6000  }
0x2e9: {  	_ =	sfence.sel $0x180000  }
0x2ea: {  	[bflag:$0x0] =	sbarrier.arrive $0xFFFF  }
0x2eb: {  	_ =	strace $0x9000004A  }
0x2ec: {  	s0 =	stileid.u32;
	[bflag:$0x2] =	sbarrier.arrive $0xFFFF  }
0x2ed: {  	p0 =	sne.s32 s0, $0x0;
	s0 =	rddreg [dreg:$0x4]  }
0x2ee: {  	s0 =	sadd.s32 @!p0 $0x100000, s0  }
0x2ef: {  	[sflag:s0] =	ssyncadd.tile.s32 @!p0 $0x1;
	_ =	shalt  }
.Lfunc_end2:
_tile_overlayer_lowered:
.L_overlay_start_2:
0x2f0: {  	(tag) =	ssettag $0x2  }
0x2f1: {  	s0 =	rddreg [dreg:$0x0];
	s2 =	stileid.u32  }
0x2f2: {  	s1 =	rddreg [dreg:$0x1];
	p0 =	sne.s32 s2, $0x0  }
0x2f3: {  	s3 =	rddreg [dreg:$0x2];
	[bflag:$0x3] =	sbarrier.arrive $0xFFFF;
	s2 =	simm.s32 @!p0 $0x1C02  }
0x2f4: {  	[timem:s3], [sflag:s2] =	dma.local @!p0 [hbm:s0], s1  }
0x2f5: {  	s0 =	simm.s32 @!p0 $0x2  }
0x2f6: {  	_ =	swait.ge @!p0 [sflag:s0], s1  }
0x2f7: {  	s1 =	ssub.s32 @!p0 $0x0, s1;
	[sflag:s0] =	ssyncset.done @!p0 $0x0  }
0x2f8: {  	[sflag:s0] =	ssyncadd.s32 @!p0 s1  }
0x2f9: {  	[bflag:$0x3] =	sbarrier.arrive $0xFFFF  }
0x2fa: {  	_ =	shalt  }

// kernel: kernel.13.cloned.1.call-start
scs
__scs_entry_jumppad:
0x0: {  	(pc) =	sbr.rel $0x88, $3  }
0x1: {  	(tag) =	ssettag $0x0;
	lr =	simm.s32 $0x1  }
0x2: {  	[smem:$0x3F97] =	sst lr;
	_ =	strace $0xD0000000  }
0x3: {  	_ = 	snop  }
0x4: {  	_ = 	snop  }
0x5: {  	_ = 	snop  }
0x6: {  	_ = 	snop  }
0x7: {  	_ = 	snop  }
__scs_overlays_trampoline_lowered:
0x8: {  	[smem:$0x3FA6] =	sst s0  }
0x9: {  	[smem:$0x3FA7] =	sst s1  }
0xa: {  	[smem:$0x3FA8] =	sst s2  }
0xb: {  	[smem:$0x3FA9] =	sst s3  }
0xc: {  	[smem:$0x3FAA] =	sst s4  }
0xd: {  	[smem:$0x3FAB] =	sst s5  }
0xe: {  	[smem:$0x3FAC] =	sst s6  }
0xf: {  	[smem:$0x3FAD] =	sst s7  }
0x10: {  	[smem:$0x3FAE] =	sst s8  }
0x11: {  	[smem:$0x3FAF] =	sst s9;
	s0 =	simm.s32 @!p0 $0x0  }
0x12: {  	s1 =	sld [smem:$0x3F95];
	s0 =	simm.s32 @p0 $0x1  }
0x13: {  	[smem:$0x3FB0] =	sst s0;
	s0 =	simm.s32 @!p1 $0x0  }
0x14: {  	s2 =	sld [smem:$0x3F94];
	s0 =	simm.s32 @p1 $0x1  }
0x15: {  	[smem:$0x3FB1] =	sst s0;
	s0 =	simm.s32 @!p2 $0x0  }
0x16: {  	s3 =	sld [smem:$0x3FDB];
	s0 =	simm.s32 @p2 $0x1  }
0x17: {  	s4 =	simm.s32 $0x1BF5;
	[smem:$0x3FB3] =	sst s0  }
0x18: {  	s0 =	sld [smem:$0x3F96];
	_ =	swait.ge [sflag:s4], $0x0  }
0x19: {  	s7 =	sld [smem:$0x3F97]  }
0x1a: {  	s8 =	sadd.s32 $0xFFFFE003, lr  }
0x1b: {  	s9 =	sadd.s32 $0xFFFFFEF7, lr;
	s5 =	simm.s32 $0xFFFFFFFF;
	p2 =	slt.u32 s8, $0xFFFFF086  }
0x1c: {  	p1 =	slt.u32 s9, $0xF7A;
	s5 =	simm.s32 @!p2 $0x0  }
0x1d: {  	s5 =	simm.s32 @p1 $0x1;
	p0 =	seq.s32 s7, s2  }
0x1e: {  	s7 =	smul.u32 @!p0 $0xF7A, s2;
	p2 =	seq.s32 @!p0 s5, $0x0  }
0x1f: {  	s9 =	smul.u32 $0xF7A, s1;
	s8 =	simm.s32 @!p0 $0x1BF5;
	p2 =	por !p2, p0  }
0x20: {  	[sflag:s8] =	ssyncset.s32 @!p0 $0xFFFFF086;
	s6 =	sadd.s32 @!p0 s3, s7;
	s7 =	simm.s32 @!p0 $0x108  }
0x21: {  	s3 =	sadd.s32 s3, s9;
	s6 =	sadd.s32 @!p0 $0x88, s6;
	s7 =	simm.s32 @p2 $0x1082  }
0x22: {  	[simem:s7], [sflag:s8] =	dma.local @!p0 [hbm:s6], $0xF7A  }
0x23: {  	s9 =	sor.u32 $0xD0000000, s2;
	s6 =	simm.s32 $0x108;
	_ =	swait.ge @!p0 [sflag:s8], $0x0  }
0x24: {  	s3 =	sadd.s32 $0x88, s3;
	s6 =	simm.s32 @!p1 $0x1082;
	[sflag:s4] =	ssyncset.s32 $0xFFFFF086  }
0x25: {  	[simem:s6], [sflag:s4] =	dma.local [hbm:s3], $0xF7A  }
0x26: {  	[smem:$0x3F97] =	sst s1;
	(tag) =	ssettag s2;
	_ =	strace s9  }
0x27: {  	s1 =	sld [smem:$0x3FA7]  }
0x28: {  	s2 =	sld [smem:$0x3FA8]  }
0x29: {  	s4 =	sld [smem:$0x3FAA]  }
0x2a: {  	p0 =	seq.s32 s5, $0x0;
	s5 =	sld [smem:$0x3FAB]  }
0x2b: {  	s6 =	sld [smem:$0x3FAC]  }
0x2c: {  	s7 =	sld [smem:$0x3FAD]  }
0x2d: {  	s3 =	simm.s32 $0x108;
	s8 =	sld [smem:$0x3FAE]  }
0x2e: {  	s3 =	simm.s32 @!p0 $0x1082;
	s9 =	sld [smem:$0x3FAF]  }
0x2f: {  	lr =	sadd.s32 s0, s3;
	s0 =	sld [smem:$0x3FA6]  }
0x30: {  	s3 =	sld [smem:$0x3FA9]  }
0x31: {  	[smem:$0x3FB2] =	sst s10  }
0x32: {  	s10 =	sld [smem:$0x3FB0];
	_ =	sdelay $0x3  }
0x33: {  	p0 =	seq.s32 s10, $0x1;
	s10 =	sld [smem:$0x3FB2];
	_ =	sdelay $0x3  }
0x34: {  	[smem:$0x3FB2] =	sst s10  }
0x35: {  	s10 =	sld [smem:$0x3FB1];
	_ =	sdelay $0x3  }
0x36: {  	p1 =	seq.s32 s10, $0x1;
	s10 =	sld [smem:$0x3FB2];
	_ =	sdelay $0x3  }
0x37: {  	[smem:$0x3FB2] =	sst s10  }
0x38: {  	s10 =	sld [smem:$0x3FB3]  }
0x39: {  	_ = 	snop;
	(pc) =	sbr.ind lr, $3  }
0x3a: {  	_ = 	snop  }
0x3b: {  	_ = 	snop  }
0x3c: {  	p2 =	seq.s32 s10, $0x1;
	s10 =	sld [smem:$0x3FB2]  }
0x3d: {  	_ =	shalt  }
0x3e: {  	_ =	shalt  }
0x3f: {  	_ =	shalt  }
0x40: {  	_ =	shalt  }
0x41: {  	_ =	shalt  }
0x42: {  	_ =	shalt  }
0x43: {  	_ =	shalt  }
0x44: {  	_ =	shalt  }
0x45: {  	_ =	shalt  }
0x46: {  	_ =	shalt  }
0x47: {  	_ =	shalt  }
0x48: {  	_ =	shalt  }
0x49: {  	_ =	shalt  }
0x4a: {  	_ =	shalt  }
0x4b: {  	_ =	shalt  }
0x4c: {  	_ =	shalt  }
0x4d: {  	_ =	shalt  }
0x4e: {  	_ =	shalt  }
0x4f: {  	_ =	shalt  }
0x50: {  	_ =	shalt  }
0x51: {  	_ =	shalt  }
0x52: {  	_ =	shalt  }
0x53: {  	_ =	shalt  }
0x54: {  	_ =	shalt  }
0x55: {  	_ =	shalt  }
0x56: {  	_ =	shalt  }
0x57: {  	_ =	shalt  }
0x58: {  	_ =	shalt  }
0x59: {  	_ =	shalt  }
0x5a: {  	_ =	shalt  }
0x5b: {  	_ =	shalt  }
0x5c: {  	_ =	shalt  }
0x5d: {  	_ =	shalt  }
0x5e: {  	_ =	shalt  }
0x5f: {  	_ =	shalt  }
0x60: {  	_ =	shalt  }
0x61: {  	_ =	shalt  }
0x62: {  	_ =	shalt  }
0x63: {  	_ =	shalt  }
0x64: {  	_ =	shalt  }
0x65: {  	_ =	shalt  }
0x66: {  	_ =	shalt  }
0x67: {  	_ =	shalt  }
0x68: {  	_ =	shalt  }
0x69: {  	_ =	shalt  }
0x6a: {  	_ =	shalt  }
0x6b: {  	_ =	shalt  }
0x6c: {  	_ =	shalt  }
0x6d: {  	_ =	shalt  }
0x6e: {  	_ =	shalt  }
0x6f: {  	_ =	shalt  }
0x70: {  	_ =	shalt  }
0x71: {  	_ =	shalt  }
0x72: {  	_ =	shalt  }
0x73: {  	_ =	shalt  }
0x74: {  	_ =	shalt  }
0x75: {  	_ =	shalt  }
0x76: {  	_ =	shalt  }
0x77: {  	_ =	shalt  }
0x78: {  	_ =	shalt  }
0x79: {  	_ =	shalt  }
0x7a: {  	_ =	shalt  }
0x7b: {  	_ =	shalt  }
0x7c: {  	_ =	shalt  }
0x7d: {  	_ =	shalt  }
0x7e: {  	_ =	shalt  }
0x7f: {  	_ =	shalt  }
0x80: {  	_ =	shalt  }
0x81: {  	_ =	shalt  }
0x82: {  	_ =	shalt  }
0x83: {  	_ =	shalt  }
0x84: {  	_ =	shalt  }
0x85: {  	_ =	shalt  }
0x86: {  	_ =	shalt  }
0x87: {  	_ =	shalt  }
.Lfunc_end0:
.L_simem_size_0:
called_computation.2_lowered:
.L_overlay_start_0:
0x88: {  	s2 =	sld [smem:$0x3FD9]  }
0x89: {  	s3 =	sld [smem:$0x3FFE];
	_ =	sdelay $0x1  }
0x8a: {  	s1 =	srdreg.scid  }
0x8b: {  	s0 =	sand.u32 $0x1, s1  }
0x8c: {  	s14 =	sshll.u32 s0, $0xA;
	s2 =	sadd.s32 s3, s2  }
0x8d: {  	s2 =	sadd.s32 s2, s14  }
0x8e: {  	[smem:$0x3FBE] =	sst s2  }
0x8f: {  	_ = 	snop  }
0x90: {  	s2 =	sld [smem:$0x3FD0];
	_ =	sdelay $0x2  }
0x91: {  	s4 =	simm.s32 $0xA;
	s5 =	simm.s32 $0x10;
	s15 =	sld [smem:$0x3FC0]  }
0x92: {  	[smem:s5], [sflag:s4] =	dma.local [hbm:s2], $0x1  }
0x93: {  	_ =	swait.eq [sflag:s4], $0x1  }
0x94: {  	[sflag:s4] =	ssyncset.done $0x0  }
0x95: {  	s16 =	sld [smem:$0x10];
	[sflag:s4] =	ssyncadd.s32 $0xFFFFFFFF  }
0x96: {  	s17 =	sld [smem:$0x11];
	(tm) =	ssettm $0x1  }
0x97: {  	s18 =	sld [smem:$0x3FFB];
	_ =	sdelay $0x3  }
0x98: {  	_ =	strace s18  }
0x99: {  	s5 =	sld [smem:$0x3FFC];
	_ =	sdelay $0x3  }
0x9a: {  	_ =	strace s5  }
0x9b: {  	s5 =	sld [smem:$0x3FFD];
	_ =	sdelay $0x3  }
0x9c: {  	_ =	strace s5  }
0x9d: {  	_ =	strace $0x8FFFFFFF  }
0x9e: {  	s19 =	sld [smem:$0x3FDB];
	_ =	sdelay $0x1  }
0x9f: {  	s6 =	simm.s32 $_scs_section_size  }
0xa0: {  	s7 =	simm.s32 $_size__tile_overlayer_lowered;
	s8 =	simm.s32 $_tile_overlayer_lowered  }
0xa1: {  	s22 =	simm.s32 $0x1BFF;
	s21 =	sshll.u32 s8, $0x1;
	s5 =	sadd.s32 s6, s19  }
0xa2: {  	s9 =	simm.s32 $0x0;
	s20 =	sshll.u32 s7, $0x1;
	s7 =	sadd.s32 s21, s5  }
0xa3: {  	[timem:s9], [sflag:s22] =	dma.local [hbm:s7], s20  }
0xa4: {  	_ =	swait.ge [sflag:s22], s20  }
0xa5: {  	s6 =	ssub.s32 $0x0, s20;
	[sflag:s22] =	ssyncset.done $0x0  }
0xa6: {  	[sflag:s22] =	ssyncadd.s32 s6;
	_ =	sdelay $0x1  }
0xa7: {  	s23 =	simm.s32 $0x1B8B  }
0xa8: {  	_ =	swait.ge [sflag:s23], $0x1  }
0xa9: {  	[sflag:s23] =	ssyncset.done $0x0  }
0xaa: {  	s25 =	simm.s32 $0x1B8E;
	s24 =	sld [smem:$0x3FFE];
	[sflag:s23] =	ssyncadd.s32 $0xFFFFFFFF  }
0xab: {  	s26 =	simm.s32 $execute0_lowered;
	[smem:$0x3FD2] =	sst s25  }
0xac: {  	s7 =	sshll.u32 s26, $0x1;
	_ =	strace $0x8000004C;
	[dreg:$0x1] =	wrdreg $0xFFFFFFFF  }
0xad: {  	s28 =	simm.s32 $_size_execute0_lowered;
	s5 =	sadd.s32 s5, s7;
	[dreg:$0x0] =	wrdreg $0x0  }
0xae: {  	s7 =	sshll.u32 s28, $0x1;
	[dreg:$0x2] =	wrdreg s5  }
0xaf: {  	[dreg:$0x3] =	wrdreg s7  }
0xb0: {  	[dreg:$0x4] =	wrdreg $0xC0  }
0xb1: {  	_ =	task [dreg:s9], $0x5FFFF  }
0xb2: {  	[dreg:$0x1] =	wrdreg $0xFFFFFFFF  }
0xb3: {  	[dreg:$0x0] =	wrdreg $0x60  }
0xb4: {  	[dreg:$0x2] =	wrdreg s17  }
0xb5: {  	[dreg:$0x3] =	wrdreg s24  }
0xb6: {  	[dreg:$0x4] =	wrdreg s16  }
0xb7: {  	[dreg:$0x5] =	wrdreg s15  }
0xb8: {  	[dreg:$0x6] =	wrdreg $0x9  }
0xb9: {  	_ =	task.clear_ibuf [dreg:s9], $0x7FFFF;
	_ =	strace $0x9000004C  }
0xba: {  	s29 =	simm.s32 $0x9;
	_ =	strace $0x8000004E  }
0xbb: {  	_ =	swait.ge [sflag:s29], $0x1  }
0xbc: {  	[sflag:s29] =	ssyncadd.s32 $0xFFFFFFFF  }
0xbd: {  	_ =	strace $0x9000004E  }
0xbe: {  	_ =	sfence  }
0xbf: {  	s30 =	sld [smem:$0x0];
	_ =	sdelay $0x2  }
0xc0: {  	s31 =	sshll.u32 s1, $0xD;
	s1 =	sshrl.u32 s1, $0x2  }
0xc1: {  	s3 =	sand.u32 $0x4000, s31;
	s1 =	sadd.s32 s1, s30  }
0xc2: {  	s0 =	sor.u32 s3, s0;
	s1 =	sshll.u32 s1, $0x11  }
0xc3: {  	s0 =	sor.u32 s1, s0  }
0xc4: {  	s0 =	sadd.s32 $0x8F2B, s0  }
0xc5: {  	[sflag:s0] =	ssyncadd.remote.s32 $0x1  }
0xc6: {  	_ =	sfence.sel $0xFFFF  }
0xc7: {  	[dreg:$0x0] =	wrdreg $0xFFFFFFFF;
	(pc) =	sbr.abs _section_cstart, $3  }
0xc8: {  	[dreg:$0x1] =	wrdreg $0xFFFFFFFF  }
0xc9: {  	_ =	task.clear_ibuf [dreg:s9], $0x2FFFF;
	_ =	strace $0x9FFFFFFF  }
0xca: {  	(tm) =	ssettm $0x7FFFFFFF  }
0xcb: {  	_ =	shalt  }
tec
execute0_lowered:
.L_overlay_start_1:
0x0: {  	(tag) =	ssettag $0x1  }
0x1: {  	s1 =	rddreg [dreg:$0x0]  }
0x2: {  	s2 =	srdreg.scid;
	s11 =	stileid.u32  }
0x3: {  	s2 =	sand.u32 $0x1, s2;
	s3 =	sshll.u32 s11, $0x1;
	s12 =	smul.u32 $0xA00, s11  }
0x4: {  	s3 =	sor.u32 s2, s3;
	s9 =	ssub.s32 $0x2, s2;
	s2 =	smul.u32 $0x500, s2  }
0x5: {  	s0 =	rddreg [dreg:$0x1];
	s4 =	smul.u32 $0x140, s3  }
0x6: {  	s13 =	rddreg [dreg:$0x2];
	s5 =	smul.u32 $0x1400, s3  }
0x7: {  	s6 =	sadd.s32 $0x15C00, s0;
	s7 =	sadd.s32 $0x2200, s0;
	s3 =	smul.u32 $0xA000, s3  }
0x8: {  	s8 =	sadd.s32 $0x29600, s0;
	s0 =	sadd.s32 $0x79600, s0;
	s11 =	sadd.s32 $0x500, s13  }
0x9: {  	s10 =	sshrl.u32 s9, $0x1;
	s2 =	sadd.s32 s2, s12;
	s3 =	sshrl.u32 s3, $0x3  }
0xa: {  	s14 =	ssub.s32 s9, s10;
	s31 =	sshrl.u32 s2, $0x2;
	s3 =	sadd.s32 $0x28000, s3  }
0xb: {  	s10 =	sadd.s32 s0, s5;
	s13 =	sadd.s32 s0, s3;
	s0 =	sadd.s32 $0xBE80, s31  }
0xc: {  	s17 =	simm.s32 $0x0;
	s16 =	simm.s32 $0x2;
	s18 =	simm.s32 $0xE700;
	v3 =	vmov s0  }
0xd: {  	s19 =	simm.s32 $0x1F80;
	s20 =	simm.s32 $0x3F00;
	s21 =	simm.s32 $0x20  }
0xe: {  	s22 =	simm.s32 $0x18700;
	s23 =	simm.s32 $0x1;
	[smem:$0x7FF] =	sst s17  }
0xf: {  	s24 =	simm.s32 $0x0;
	_ =	strace $0x8000004D;
	s15 =	sadd.s32 $0x140, s4  }
0x10: {  	v2 =	vimm.s32 $0x0;
	s9 =	sadd.s32 s8, s5;
	s14 =	smax.u32 s14, $0x1;
	v0 =	vmov s4;
	v1 =	vmov s15;
	s12 =	sadd.s32 s8, s3  }
.LBB2_1:
0x11: {  	s0 =	rddreg [dreg:$0x3];
	s2 =	simm.s32 $0x19700  }
0x12: {  	[tilespmem:s2], [sflag:$0x2] =	stream.linear.gather [hbm4b:s0+s17], $0x80, $0x38;
	[tilespmem:$0x19780] =	vst v63  }
0x13: {  	_ =	swait.ge [sflag:s16], $0x80  }
0x14: {  	[sflag:s16] =	ssyncset.done $0x0  }
0x15: {  	s0 =	simm.s32 $0x40;
	s2 =	simm.s32 $0x0;
	[sflag:s16] =	ssyncadd.s32 $0xFFFFFF80  }
.LBB2_2:
0x16: {  	p0 =	sne.s32 s0, $0x7FC0;
	[tilespmem:s2+$0x5E80] =	vst v2;
	s2 =	smov.u32 s0;
	s0 =	sadd.s32 $0x40, s0  }
.Ltmp0:
0x17: {  	(pc) =	sbr.rel @p0 .LBB2_2-.Ltmp0, $2  }
0x18: {  	_ =	sdelay $0x2  }
0x19: {  	s2 =	sshra.s32 s2, $0x2  }
0x1a: {  	[tilespmem:s2+$0x5E80] =	vst v2;
	s25 =	simm.s32 $0x0;
	s0 =	rddreg [dreg:$0x2];
	s29 =	simm.s32 $0xBE80  }
0x1b: {  	[tilespmem:s29], [sflag:$0x2] =	stream.linear.gather [hbm4b:s0+s25], $0x2800, $0x38;
	[tilespmem:$0x19780] =	vst v63  }
0x1c: {  	_ =	swait.ge [sflag:s16], $0x2800  }
0x1d: {  	[sflag:s16] =	ssyncset.done $0x0  }
0x1e: {  	[sflag:s16] =	ssyncadd.s32 $0xFFFFD800  }
0x1f: {  	[tilespmem:s18], [sflag:$0x2] =	stream.linear.gather [hbm4b:s9+s25], $0xA000, $0x38;
	[tilespmem:$0x19780] =	vst v63  }
0x20: {  	_ =	swait.ge [sflag:s16], $0xA000  }
0x21: {  	[sflag:s16] =	ssyncset.done $0x0  }
0x22: {  	s30 =	simm.s32 $0x0;
	[sflag:s16] =	ssyncadd.s32 $0xFFFF6000  }
0x23: {  	v4 =	vld.idx.msk [tilespmem:v3+s30+$0x0 ss:$0x1], $0xffff;
	_ =	sdelay $0x4  }
0x24: {  	(v2sf) =	vpush v4, $0x0;
	_ =	sdelay $0xd  }
0x25: {  	s0 =	simm.s32 $0xE740  }
0x26: {  	v4 =	vld [tilespmem:s0+$0xFFFFFFC0];
	s31 =	spop (v2sf)  }
0x27: {  	v5 =	vld [tilespmem:s0+$0xFFFFFFD0];
	s3 =	sadd.f32 s31, s31  }
0x28: {  	v6 =	vld [tilespmem:s0+$0xFFFFFFE0]  }
0x29: {  	v9 =	vld [tilespmem:s0+$0x10];
	s2 =	smul.f32 s3, s31  }
0x2a: {  	v7 =	vld [tilespmem:s0+$0xFFFFFFF0]  }
0x2b: {  	v8 =	vld [tilespmem:s0+$0x0];
	v4 =	vmul.f32 s2, v4  }
0x2c: {  	v10 =	vld [tilespmem:s0+$0x20];
	v5 =	vmul.f32 s2, v5  }
0x2d: {  	v11 =	vld [tilespmem:s0+$0x30];
	v6 =	vmul.f32 s2, v6;
	[tilespmem:s0+$0xFFFFFFC0] =	vst v4  }
0x2e: {  	v63 =	vmul.f32 s2, v9;
	[tilespmem:s0+$0xFFFFFFD0] =	vst v5  }
0x2f: {  	v4 =	vmul.f32 s2, v7;
	[tilespmem:s0+$0xFFFFFFE0] =	vst v6  }
0x30: {  	v5 =	vmul.f32 s2, v8;
	[tilespmem:s0+$0x10] =	vst v63  }
0x31: {  	[tilespmem:s0+$0xFFFFFFF0] =	vst v4;
	v4 =	vmul.f32 s2, v10  }
0x32: {  	[tilespmem:s0+$0x0] =	vst v5;
	v5 =	vmul.f32 s2, v11  }
0x33: {  	[tilespmem:s0+$0x20] =	vst v4  }
0x34: {  	s3 =	simm.s32 $0x1;
	s2 =	simm.s32 $0x8;
	[tilespmem:s0+$0x30] =	vst v5  }
.LBB2_4:
0x35: {  	p0 =	sne.s32 s2, $0x4FC;
	v4 =	vld.idx.msk [tilespmem:v3+s3+$0x0 ss:$0x1], $0xffff;
	_ =	sdelay $0x5  }
0x36: {  	(v2sf) =	vpush v4, $0x0;
	_ =	sdelay $0x9  }
0x37: {  	s0 =	sadd.s32 $0x80, s0  }
0x38: {  	v4 =	vld [tilespmem:s0+$0xFFFFFFF0]  }
0x39: {  	v5 =	vld [tilespmem:s0+$0x30]  }
0x3a: {  	v6 =	vld [tilespmem:s0+$0x10]  }
0x3b: {  	v7 =	vld [tilespmem:s0+$0xFFFFFFD0]  }
0x3c: {  	v8 =	vld [tilespmem:s0+$0xFFFFFFC0];
	s3 =	spop (v2sf)  }
0x3d: {  	s4 =	sadd.f32 s3, s3;
	v9 =	vld [tilespmem:s0+$0xFFFFFFE0]  }
0x3e: {  	v10 =	vld [tilespmem:s0+$0x0]  }
0x3f: {  	s3 =	smul.f32 s4, s3;
	v11 =	vld [tilespmem:s0+$0x20];
	_ =	sdelay $0x1  }
0x40: {  	v8 =	vmul.f32 s3, v8;
	v7 =	vmul.f32 s3, v7  }
0x41: {  	v4 =	vmul.f32 s3, v4;
	v9 =	vmul.f32 s3, v9  }
0x42: {  	v6 =	vmul.f32 s3, v6;
	[tilespmem:s0+$0xFFFFFFC0] =	vst v8;
	v8 =	vmul.f32 s3, v10  }
0x43: {  	v5 =	vmul.f32 s3, v5;
	[tilespmem:s0+$0xFFFFFFD0] =	vst v7;
	v7 =	vmul.f32 s3, v11  }
0x44: {  	[tilespmem:s0+$0xFFFFFFE0] =	vst v9  }
.Ltmp1:
0x45: {  	[tilespmem:s0+$0xFFFFFFF0] =	vst v4;
	(pc) =	sbr.rel @p0 .LBB2_4-.Ltmp1, $4  }
0x46: {  	[tilespmem:s0+$0x0] =	vst v8  }
0x47: {  	[tilespmem:s0+$0x10] =	vst v6  }
0x48: {  	[tilespmem:s0+$0x20] =	vst v7  }
0x49: {  	s3 =	sshra.s32 s2, $0x2;
	s2 =	sadd.s32 $0x4, s2;
	[tilespmem:s0+$0x30] =	vst v5  }
0x4a: {  	_ =	sdelay $0x3  }
0x4b: {  	v4 =	vld.idx.msk [tilespmem:v3+s3+$0x0 ss:$0x1], $0xffff;
	_ =	sdelay $0x4  }
0x4c: {  	(v2sf) =	vpush v4, $0x0;
	_ =	sdelay $0xd  }
0x4d: {  	s0 =	sadd.s32 $0x80, s0  }
0x4e: {  	v4 =	vld [tilespmem:s0+$0xFFFFFFC0];
	s2 =	spop (v2sf)  }
0x4f: {  	v5 =	vld [tilespmem:s0+$0xFFFFFFD0];
	s31 =	sadd.f32 s2, s2  }
0x50: {  	v6 =	vld [tilespmem:s0+$0xFFFFFFE0]  }
0x51: {  	v9 =	vld [tilespmem:s0+$0x10];
	s2 =	smul.f32 s31, s2  }
0x52: {  	v7 =	vld [tilespmem:s0+$0xFFFFFFF0]  }
0x53: {  	v8 =	vld [tilespmem:s0+$0x0];
	v4 =	vmul.f32 s2, v4  }
0x54: {  	v10 =	vld [tilespmem:s0+$0x20];
	v5 =	vmul.f32 s2, v5  }
0x55: {  	v11 =	vld [tilespmem:s0+$0x30];
	v6 =	vmul.f32 s2, v6;
	[tilespmem:s0+$0xFFFFFFC0] =	vst v4  }
0x56: {  	v63 =	vmul.f32 s2, v9;
	[tilespmem:s0+$0xFFFFFFD0] =	vst v5  }
0x57: {  	v4 =	vmul.f32 s2, v7;
	[tilespmem:s0+$0xFFFFFFE0] =	vst v6  }
.Ltmp2:
0x58: {  	v5 =	vmul.f32 s2, v8;
	[tilespmem:s0+$0x10] =	vst v63;
	(pc) =	sbr.rel .LBB2_6-.Ltmp2, $4  }
0x59: {  	[tilespmem:s0+$0xFFFFFFF0] =	vst v4;
	v4 =	vmul.f32 s2, v10  }
0x5a: {  	[tilespmem:s0+$0x0] =	vst v5;
	v5 =	vmul.f32 s2, v11  }
0x5b: {  	[tilespmem:s0+$0x20] =	vst v4  }
0x5c: {  	[tilespmem:s0+$0x30] =	vst v5  }
.LBB2_13:
0x5d: {  	s25 =	sadd.s32 $0x1, s25  }
0x5e: {  	p0 =	sne.s32 s25, $0x28  }
.Ltmp3:
0x5f: {  	_ = 	snop;
	(pc) =	sbr.rel @!p0 .LBB2_14-.Ltmp3, $1  }
0x60: {  	_ =	sdelay $0x3  }
.LBB2_6:
0x61: {  	s2 =	smul.u32 $0x3E8, s25;
	_ =	sdelay $0x1  }
0x62: {  	s0 =	simm.s32 $0x0;
	s3 =	sadd.s32 s6, s2  }
0x63: {  	[tilespmem:s0], [sflag:$0x2] =	stream.linear.gather [hbm4b:s3+s0], $0x1F40, $0x38;
	[tilespmem:$0x19780] =	vst v63  }
0x64: {  	_ =	swait.ge [sflag:s16], $0x1F40  }
0x65: {  	[sflag:s16] =	ssyncset.done $0x0  }
0x66: {  	s29 =	sadd.s32 s1, s2;
	[sflag:s16] =	ssyncadd.s32 $0xFFFFE0C0  }
0x67: {  	[tilespmem:s19], [sflag:$0x2] =	stream.linear.gather [hbm4b:s29+s0], $0x1F40, $0x38;
	[tilespmem:$0x19780] =	vst v63  }
0x68: {  	_ =	swait.ge [sflag:s16], $0x1F40  }
0x69: {  	[sflag:s16] =	ssyncset.done $0x0  }
0x6a: {  	s2 =	sadd.s32 s7, s2;
	[sflag:s16] =	ssyncadd.s32 $0xFFFFE0C0  }
0x6b: {  	[tilespmem:s20], [sflag:$0x2] =	stream.linear.gather [hbm4b:s2+s0], $0x1F40, $0x38;
	[tilespmem:$0x19780] =	vst v63  }
0x6c: {  	_ =	swait.ge [sflag:s16], $0x1F40  }
0x6d: {  	[sflag:s16] =	ssyncset.done $0x0  }
0x6e: {  	s30 =	simm.s32 $0x0;
	[sflag:s16] =	ssyncadd.s32 $0xFFFFE0C0  }
0x6f: {  	v4 =	vld [tilespmem:s30+$0x0];
	_ =	sdelay $0x4  }
0x70: {  	vm0 =	vge.s32 v4, v0;
	vm1 =	vlt.s32 v4, v1  }
0x71: {  	vm0 =	vmand vm0, vm1  }
0x72: {  	v5 =	vsel vm0, $0x1, v2  }
0x73: {  	(xrf0) =	vadd.scan.msk.s32 $0xffff, v5;
	_ =	sdelay $0x5  }
0x74: {  	v5, _, _ =	vpop (xrf0)  }
0x75: {  	(v2sf) =	vpush v5, $0xF;
	_ =	sdelay $0xe  }
0x76: {  	s31 =	spop (v2sf)  }
0x77: {  	p1 =	slt.s32 s31, $0x1  }
0x78: {  	s3 =	simm.s32 @!p1 $0x0  }
0x79: {  	v5 =	vld @!p1 [tilespmem:s3+$0x1F80];
	_ =	sdelay $0x6  }
0x7a: {  	v6 =	vld @!p1 [tilespmem:s3+$0x3F00];
	s3 =	simm.s32 @!p1 $0xBE80  }
0x7b: {  	v7 =	vld.idx.msk @!p1 [tilespmem:v5+s3+$0x0], $0xffff;
	_ =	sdelay $0x1  }
0x7c: {  	v8 =	vld.idx.msk @!p1 [tilespmem:v4+s3+$0x0], $0xffff;
	_ =	sdelay $0x1  }
0x7d: {  	v6 =	vmax.f32 @!p1 v6, $0.0e+00  }
0x7e: {  	v6 =	vmul.f32 @!p1 v6, v7  }
0x7f: {  	v4 =	vsub.s32 @!p1 v4, v0;
	[tilespmem:s0+$0x5E80] =	vst.msk @!p1 vm0, v5  }
0x80: {  	s4 =	simm.s32 $0x80;
	s2 =	sadd.s32 $0x0, s31;
	s3 =	simm.s32 $0x40;
	[tilespmem:s0+$0x7E80] =	vst.msk @!p1 vm0, v4;
	v4 =	vmul.f32 @!p1 v8, v6  }
.LBB2_7:
0x81: {  	_ = 	snop  }
0x82: {  	s5 =	sshra.s32 s3, $0x2;
	s15 =	smov.u32 s4;
	s4 =	sadd.s32 $0x40, s4;
	[tilespmem:s0+$0x9E80] =	vst.msk @!p1 vm0, v4  }
0x83: {  	p0 =	sne.s32 s4, $0x7D00;
	s0 =	smov.u32 s2;
	v4 =	vld [tilespmem:s5+$0x0];
	_ =	sdelay $0x4  }
0x84: {  	vm0 =	vge.s32 v4, v0;
	vm1 =	vlt.s32 v4, v1  }
0x85: {  	vm0 =	vmand vm0, vm1  }
0x86: {  	v5 =	vsel vm0, $0x1, v2  }
0x87: {  	(xrf0) =	vadd.scan.msk.s32 $0xffff, v5;
	_ =	sdelay $0x5  }
0x88: {  	v5, _, _ =	vpop (xrf0)  }
0x89: {  	(v2sf) =	vpush v5, $0xF;
	_ =	sdelay $0xe  }
0x8a: {  	s5 =	spop (v2sf)  }
0x8b: {  	p1 =	slt.s32 s5, $0x1;
	s2 =	sadd.s32 s2, s5  }
0x8c: {  	s5 =	sshra.s32 @!p1 s3, $0x2;
	v5 =	vsub.s32 @!p1 v4, v0;
	s3 =	smov.u32 s15  }
0x8d: {  	v6 =	vld @!p1 [tilespmem:s5+$0x1F80];
	_ =	sdelay $0x6  }
0x8e: {  	v7 =	vld @!p1 [tilespmem:s5+$0x3F00];
	s5 =	simm.s32 @!p1 $0xBE80  }
0x8f: {  	v8 =	vld.idx.msk @!p1 [tilespmem:v6+s5+$0x0], $0xffff  }
0x90: {  	v4 =	vld.idx.msk @!p1 [tilespmem:v4+s5+$0x0], $0xffff  }
0x91: {  	[tilespmem:s0+$0x5E80] =	vst.msk @!p1 vm0, v6  }
0x92: {  	[tilespmem:s0+$0x7E80] =	vst.msk @!p1 vm0, v5  }
.Ltmp4:
0x93: {  	v5 =	vmax.f32 @!p1 v7, $0.0e+00;
	(pc) =	sbr.rel @p0 .LBB2_7-.Ltmp4, $3  }
0x94: {  	_ = 	snop  }
0x95: {  	v5 =	vmul.f32 @!p1 v5, v8;
	_ =	sdelay $0x1  }
0x96: {  	v4 =	vmul.f32 @!p1 v4, v5  }
0x97: {  	_ = 	snop  }
0x98: {  	s4 =	sshra.s32 s3, $0x2;
	[tilespmem:s0+$0x9E80] =	vst.msk @!p1 vm0, v4  }
0x99: {  	v4 =	vld [tilespmem:s4+$0x0];
	_ =	sdelay $0x4  }
0x9a: {  	vm15 =	vge.s32 v4, v0;
	vm1 =	vlt.s32 v4, v1  }
0x9b: {  	vm0 =	vmand vm15, vm1  }
0x9c: {  	v5 =	vsel vm0, $0x1, v2  }
0x9d: {  	(xrf0) =	vadd.scan.msk.s32 $0xffff, v5;
	_ =	sdelay $0x5  }
0x9e: {  	v5, _, _ =	vpop (xrf0)  }
0x9f: {  	(v2sf) =	vpush v5, $0xF;
	_ =	sdelay $0xe  }
0xa0: {  	s31 =	spop (v2sf)  }
0xa1: {  	p0 =	slt.s32 s31, $0x1  }
0xa2: {  	s3 =	sshra.s32 @!p0 s3, $0x2  }
0xa3: {  	v5 =	vld @!p0 [tilespmem:s3+$0x1F80];
	_ =	sdelay $0x6  }
0xa4: {  	v6 =	vld @!p0 [tilespmem:s3+$0x3F00];
	s3 =	simm.s32 @!p0 $0xBE80  }
0xa5: {  	v7 =	vld.idx.msk @!p0 [tilespmem:v5+s3+$0x0], $0xffff  }
0xa6: {  	s26 =	sadd.s32 s2, s31  }
0xa7: {  	s0 =	sadd.s32 $0x1F, s26;
	v8 =	vld.idx.msk @!p0 [tilespmem:v4+s3+$0x0], $0xffff  }
0xa8: {  	s28 =	sshrl.u32 s0, $0x5  }
0xa9: {  	p1 =	seq.s32 s28, $0x0;
	v6 =	vmax.f32 @!p0 v6, $0.0e+00  }
.Ltmp5:
0xaa: {  	v6 =	vmul.f32 @!p0 v6, v7;
	(pc) =	sbr.rel @p1 .LBB2_13-.Ltmp5, $4  }
0xab: {  	_ = 	snop  }
0xac: {  	v4 =	vsub.s32 @!p0 v4, v0;
	[tilespmem:s2+$0x5E80] =	vst.msk @!p0 vm0, v5;
	v5 =	vmul.f32 @!p0 v8, v6  }
0xad: {  	[tilespmem:s2+$0x7E80] =	vst.msk @!p0 vm0, v4  }
0xae: {  	[tilespmem:s2+$0x9E80] =	vst.msk @!p0 vm0, v5  }
0xaf: {  	s29 =	simm.s32 $0x7E80  }
0xb0: {  	s30 =	simm.s32 $0x9E80;
	s31 =	simm.s32 $0x0;
	s0 =	simm.s32 $0x0  }
.LBB2_10:
0xb1: {  	s2 =	sshll.u32 s0, $0x5  }
0xb2: {  	v4 =	vmov s29;
	s2 =	sadd.s32 $0x5E80, s2  }
0xb3: {  	[tilespmem:s22], [sflag:$0x1] =	stream.indirect.gather [hbm4b:s8+s21], $0x80, s2, s21, $0xb8;
	[tilespmem:$0x19780] =	vst v63  }
0xb4: {  	_ =	swait.ge [sflag:s23], $0x1000  }
0xb5: {  	p1 =	sge.s32 s31, s26;
	[sflag:s23] =	ssyncset.done $0x0  }
0xb6: {  	p0 =	por p1, p1;
	s2 =	simm.s32 @!p1 $0x0;
	[sflag:s23] =	ssyncadd.s32 $0xFFFFF000  }
0xb7: {  	v5 =	vld.idx.msk @!p0 [tilespmem:v4+s2+$0x0 ss:$0x1], $0xffff;
	_ =	sdelay $0x4  }
0xb8: {  	(v2sf) =	vpush @!p0 v5, $0x0;
	_ =	sdelay $0xd  }
0xb9: {  	s3 =	sadd.s32 @!p0 $0x0, s30  }
0xba: {  	s2 =	simm.s32 $0x18740;
	v5 =	vld.msk @!p0 [tilespmem:s3+$0x0 ss:$0x0], $0xffff;
	s3 =	spop @!p1 (v2sf)  }
0xbb: {  	v6 =	vld @!p0 [tilespmem:s2+$0xFFFFFFC0];
	s3 =	sshll.u32 @!p0 s3, $0x9  }
0xbc: {  	s4 =	sshra.s32 @!p0 s3, $0x2  }
0xbd: {  	v7 =	vld @!p0 [tilespmem:s4+$0xE700];
	_ =	sdelay $0x2  }
0xbe: {  	v6 =	vmul.f32 @!p0 v6, v5;
	_ =	sdelay $0x1  }
0xbf: {  	v6 =	vmax.f32 @!p0 v7, v6  }
0xc0: {  	[tilespmem:s4+$0xE700] =	vst @!p0 v6  }
0xc1: {  	v6 =	vld @!p0 [tilespmem:s2+$0xFFFFFFD0];
	_ =	sdelay $0x1  }
0xc2: {  	v7 =	vld @!p0 [tilespmem:s4+$0xE710];
	_ =	sdelay $0x2  }
0xc3: {  	v6 =	vmul.f32 @!p0 v6, v5;
	_ =	sdelay $0x1  }
0xc4: {  	v6 =	vmax.f32 @!p0 v7, v6  }
0xc5: {  	[tilespmem:s4+$0xE710] =	vst @!p0 v6  }
0xc6: {  	v6 =	vld @!p0 [tilespmem:s2+$0xFFFFFFE0];
	_ =	sdelay $0x1  }
0xc7: {  	v7 =	vld @!p0 [tilespmem:s4+$0xE720];
	_ =	sdelay $0x2  }
0xc8: {  	v6 =	vmul.f32 @!p0 v6, v5;
	_ =	sdelay $0x1  }
0xc9: {  	v6 =	vmax.f32 @!p0 v7, v6  }
0xca: {  	[tilespmem:s4+$0xE720] =	vst @!p0 v6  }
0xcb: {  	v6 =	vld @!p0 [tilespmem:s2+$0xFFFFFFF0];
	_ =	sdelay $0x1  }
0xcc: {  	v7 =	vld @!p0 [tilespmem:s4+$0xE730];
	_ =	sdelay $0x2  }
0xcd: {  	v6 =	vmul.f32 @!p0 v6, v5;
	_ =	sdelay $0x1  }
0xce: {  	v6 =	vmax.f32 @!p0 v7, v6  }
0xcf: {  	[tilespmem:s4+$0xE730] =	vst @!p0 v6  }
0xd0: {  	v6 =	vld @!p0 [tilespmem:s2+$0x0];
	_ =	sdelay $0x1  }
0xd1: {  	v7 =	vld @!p0 [tilespmem:s4+$0xE740];
	_ =	sdelay $0x2  }
0xd2: {  	v6 =	vmul.f32 @!p0 v6, v5;
	_ =	sdelay $0x1  }
0xd3: {  	v6 =	vmax.f32 @!p0 v7, v6  }
0xd4: {  	[tilespmem:s4+$0xE740] =	vst @!p0 v6  }
0xd5: {  	v6 =	vld @!p0 [tilespmem:s2+$0x10];
	_ =	sdelay $0x1  }
0xd6: {  	v7 =	vld @!p0 [tilespmem:s4+$0xE750];
	_ =	sdelay $0x2  }
0xd7: {  	v6 =	vmul.f32 @!p0 v6, v5;
	_ =	sdelay $0x1  }
0xd8: {  	v6 =	vmax.f32 @!p0 v7, v6  }
0xd9: {  	[tilespmem:s4+$0xE750] =	vst @!p0 v6  }
0xda: {  	v6 =	vld @!p0 [tilespmem:s2+$0x20];
	_ =	sdelay $0x1  }
0xdb: {  	v7 =	vld @!p0 [tilespmem:s4+$0xE760];
	_ =	sdelay $0x2  }
0xdc: {  	v6 =	vmul.f32 @!p0 v6, v5;
	_ =	sdelay $0x1  }
0xdd: {  	v6 =	vmax.f32 @!p0 v7, v6  }
0xde: {  	[tilespmem:s4+$0xE760] =	vst @!p0 v6  }
0xdf: {  	v6 =	vld @!p0 [tilespmem:s2+$0x30];
	_ =	sdelay $0x1  }
0xe0: {  	v7 =	vld @!p0 [tilespmem:s4+$0xE770];
	_ =	sdelay $0x2  }
0xe1: {  	v5 =	vmul.f32 @!p0 v6, v5  }
0xe2: {  	s15 =	sadd.s32 $0x1, s31  }
0xe3: {  	s5 =	simm.s32 $0x4;
	p2 =	sge.s32 s15, s26;
	s3 =	simm.s32 $0x8;
	v5 =	vmax.f32 @!p0 v7, v5  }
.LBB2_11:
0xe4: {  	s17 =	sshra.s32 @!p2 s5, $0x2;
	s2 =	sadd.s32 $0x80, s2  }
0xe5: {  	[tilespmem:s4+$0xE770] =	vst @!p0 v5;
	s5 =	smov.u32 s3;
	s3 =	sadd.s32 $0x4, s3;
	p0 =	por p2, p2  }
0xe6: {  	p1 =	sne.s32 s3, $0x80;
	v5 =	vld.idx.msk @!p0 [tilespmem:v4+s17+$0x0 ss:$0x1], $0xffff;
	s4 =	sadd.s32 @!p0 s17, s30;
	_ =	sdelay $0x5  }
0xe7: {  	(v2sf) =	vpush @!p0 v5, $0x0;
	_ =	sdelay $0xe  }
0xe8: {  	v5 =	vld.msk @!p0 [tilespmem:s4+$0x0 ss:$0x0], $0xffff;
	s4 =	spop @!p2 (v2sf)  }
0xe9: {  	s4 =	sshll.u32 @!p0 s4, $0x9;
	v6 =	vld @!p0 [tilespmem:s2+$0xFFFFFFC0]  }
0xea: {  	s4 =	sshra.s32 @!p0 s4, $0x2  }
0xeb: {  	v7 =	vld @!p0 [tilespmem:s4+$0xE700];
	_ =	sdelay $0x2  }
0xec: {  	v6 =	vmul.f32 @!p0 v6, v5;
	_ =	sdelay $0x1  }
0xed: {  	v6 =	vmax.f32 @!p0 v7, v6  }
0xee: {  	[tilespmem:s4+$0xE700] =	vst @!p0 v6  }
0xef: {  	v6 =	vld @!p0 [tilespmem:s2+$0xFFFFFFD0];
	_ =	sdelay $0x1  }
0xf0: {  	v7 =	vld @!p0 [tilespmem:s4+$0xE710];
	_ =	sdelay $0x2  }
0xf1: {  	v6 =	vmul.f32 @!p0 v6, v5;
	_ =	sdelay $0x1  }
0xf2: {  	v6 =	vmax.f32 @!p0 v7, v6  }
0xf3: {  	[tilespmem:s4+$0xE710] =	vst @!p0 v6  }
0xf4: {  	v6 =	vld @!p0 [tilespmem:s2+$0xFFFFFFE0];
	_ =	sdelay $0x1  }
0xf5: {  	v7 =	vld @!p0 [tilespmem:s4+$0xE720];
	_ =	sdelay $0x2  }
0xf6: {  	v6 =	vmul.f32 @!p0 v6, v5;
	_ =	sdelay $0x1  }
0xf7: {  	v6 =	vmax.f32 @!p0 v7, v6  }
0xf8: {  	[tilespmem:s4+$0xE720] =	vst @!p0 v6  }
0xf9: {  	v6 =	vld @!p0 [tilespmem:s2+$0xFFFFFFF0];
	_ =	sdelay $0x1  }
0xfa: {  	v7 =	vld @!p0 [tilespmem:s4+$0xE730];
	_ =	sdelay $0x2  }
0xfb: {  	v6 =	vmul.f32 @!p0 v6, v5;
	_ =	sdelay $0x1  }
0xfc: {  	v6 =	vmax.f32 @!p0 v7, v6  }
0xfd: {  	[tilespmem:s4+$0xE730] =	vst @!p0 v6  }
0xfe: {  	v6 =	vld @!p0 [tilespmem:s2+$0x0];
	_ =	sdelay $0x1  }
0xff: {  	v7 =	vld @!p0 [tilespmem:s4+$0xE740];
	_ =	sdelay $0x2  }
0x100: {  	v6 =	vmul.f32 @!p0 v6, v5;
	_ =	sdelay $0x1  }
0x101: {  	v6 =	vmax.f32 @!p0 v7, v6  }
0x102: {  	[tilespmem:s4+$0xE740] =	vst @!p0 v6  }
0x103: {  	v6 =	vld @!p0 [tilespmem:s2+$0x10];
	_ =	sdelay $0x1  }
0x104: {  	v7 =	vld @!p0 [tilespmem:s4+$0xE750];
	_ =	sdelay $0x2  }
0x105: {  	v6 =	vmul.f32 @!p0 v6, v5;
	_ =	sdelay $0x1  }
0x106: {  	v6 =	vmax.f32 @!p0 v7, v6  }
0x107: {  	[tilespmem:s4+$0xE750] =	vst @!p0 v6  }
0x108: {  	v6 =	vld @!p0 [tilespmem:s2+$0x20];
	_ =	sdelay $0x1  }
0x109: {  	v7 =	vld @!p0 [tilespmem:s4+$0xE760];
	_ =	sdelay $0x2  }
0x10a: {  	v6 =	vmul.f32 @!p0 v6, v5;
	_ =	sdelay $0x1  }
0x10b: {  	v6 =	vmax.f32 @!p0 v7, v6  }
0x10c: {  	[tilespmem:s4+$0xE760] =	vst @!p0 v6  }
0x10d: {  	v6 =	vld @!p0 [tilespmem:s2+$0x30];
	_ =	sdelay $0x1  }
0x10e: {  	v7 =	vld @!p0 [tilespmem:s4+$0xE770]  }
.Ltmp6:
0x10f: {  	(pc) =	sbr.rel @p1 .LBB2_11-.Ltmp6, $4  }
0x110: {  	_ = 	snop  }
0x111: {  	v5 =	vmul.f32 @!p0 v6, v5  }
0x112: {  	s15 =	sadd.s32 $0x1, s15  }
0x113: {  	p2 =	sge.s32 s15, s26;
	v5 =	vmax.f32 @!p0 v7, v5  }
0x114: {  	_ =	sdelay $0x2  }
0x115: {  	s3 =	sshra.s32 @!p2 s5, $0x2;
	[tilespmem:s4+$0xE770] =	vst @!p0 v5;
	p0 =	por p2, p2  }
0x116: {  	v4 =	vld.idx.msk @!p0 [tilespmem:v4+s3+$0x0 ss:$0x1], $0xffff;
	_ =	sdelay $0x4  }
0x117: {  	(v2sf) =	vpush @!p0 v4, $0x0;
	_ =	sdelay $0xd  }
0x118: {  	s3 =	sadd.s32 @!p0 s3, s30  }
0x119: {  	s2 =	sadd.s32 $0x80, s2;
	v4 =	vld.msk @!p0 [tilespmem:s3+$0x0 ss:$0x0], $0xffff;
	s3 =	spop @!p2 (v2sf)  }
0x11a: {  	v5 =	vld @!p0 [tilespmem:s2+$0xFFFFFFC0];
	s3 =	sshll.u32 @!p0 s3, $0x9  }
0x11b: {  	s3 =	sshra.s32 @!p0 s3, $0x2  }
0x11c: {  	v6 =	vld @!p0 [tilespmem:s3+$0xE700];
	_ =	sdelay $0x2  }
0x11d: {  	v5 =	vmul.f32 @!p0 v5, v4;
	_ =	sdelay $0x1  }
0x11e: {  	v5 =	vmax.f32 @!p0 v6, v5  }
0x11f: {  	[tilespmem:s3+$0xE700] =	vst @!p0 v5  }
0x120: {  	v5 =	vld @!p0 [tilespmem:s2+$0xFFFFFFD0];
	_ =	sdelay $0x1  }
0x121: {  	v6 =	vld @!p0 [tilespmem:s3+$0xE710];
	_ =	sdelay $0x2  }
0x122: {  	v5 =	vmul.f32 @!p0 v5, v4;
	_ =	sdelay $0x1  }
0x123: {  	v5 =	vmax.f32 @!p0 v6, v5  }
0x124: {  	[tilespmem:s3+$0xE710] =	vst @!p0 v5  }
0x125: {  	v5 =	vld @!p0 [tilespmem:s2+$0xFFFFFFE0];
	_ =	sdelay $0x1  }
0x126: {  	v6 =	vld @!p0 [tilespmem:s3+$0xE720];
	_ =	sdelay $0x2  }
0x127: {  	v5 =	vmul.f32 @!p0 v5, v4;
	_ =	sdelay $0x1  }
0x128: {  	v5 =	vmax.f32 @!p0 v6, v5  }
0x129: {  	[tilespmem:s3+$0xE720] =	vst @!p0 v5  }
0x12a: {  	v5 =	vld @!p0 [tilespmem:s2+$0xFFFFFFF0];
	_ =	sdelay $0x1  }
0x12b: {  	v6 =	vld @!p0 [tilespmem:s3+$0xE730];
	_ =	sdelay $0x2  }
0x12c: {  	v5 =	vmul.f32 @!p0 v5, v4;
	_ =	sdelay $0x1  }
0x12d: {  	v5 =	vmax.f32 @!p0 v6, v5  }
0x12e: {  	[tilespmem:s3+$0xE730] =	vst @!p0 v5  }
0x12f: {  	v5 =	vld @!p0 [tilespmem:s2+$0x0];
	_ =	sdelay $0x1  }
0x130: {  	v6 =	vld @!p0 [tilespmem:s3+$0xE740];
	_ =	sdelay $0x2  }
0x131: {  	v5 =	vmul.f32 @!p0 v5, v4;
	_ =	sdelay $0x1  }
0x132: {  	v5 =	vmax.f32 @!p0 v6, v5  }
0x133: {  	[tilespmem:s3+$0xE740] =	vst @!p0 v5  }
0x134: {  	v5 =	vld @!p0 [tilespmem:s2+$0x10];
	_ =	sdelay $0x1  }
0x135: {  	v6 =	vld @!p0 [tilespmem:s3+$0xE750];
	_ =	sdelay $0x2  }
0x136: {  	v5 =	vmul.f32 @!p0 v5, v4;
	_ =	sdelay $0x1  }
0x137: {  	v5 =	vmax.f32 @!p0 v6, v5  }
0x138: {  	[tilespmem:s3+$0xE750] =	vst @!p0 v5  }
0x139: {  	v5 =	vld @!p0 [tilespmem:s2+$0x20];
	_ =	sdelay $0x1  }
0x13a: {  	v6 =	vld @!p0 [tilespmem:s3+$0xE760];
	_ =	sdelay $0x2  }
0x13b: {  	v5 =	vmul.f32 @!p0 v5, v4;
	_ =	sdelay $0x1  }
0x13c: {  	v5 =	vmax.f32 @!p0 v6, v5  }
0x13d: {  	[tilespmem:s3+$0xE760] =	vst @!p0 v5  }
0x13e: {  	v5 =	vld @!p0 [tilespmem:s2+$0x30];
	_ =	sdelay $0x1  }
0x13f: {  	s0 =	sadd.s32 $0x1, s0;
	v6 =	vld @!p0 [tilespmem:s3+$0xE770]  }
0x140: {  	p1 =	sne.s32 s0, s28  }
.Ltmp7:
0x141: {  	_ = 	snop;
	(pc) =	sbr.rel @p1 .LBB2_10-.Ltmp7, $4  }
.Ltmp8:
0x142: {  	v4 =	vmul.f32 @!p0 v5, v4;
	(pc) =	sbr.rel @!p1 .LBB2_13-.Ltmp8, $4  }
0x143: {  	_ = 	snop  }
0x144: {  	v4 =	vmax.f32 @!p0 v6, v4  }
0x145: {  	s29 =	sadd.s32 $0x20, s29;
	s31 =	sadd.s32 $0x20, s31;
	s30 =	sadd.s32 $0x20, s30;
	[tilespmem:s3+$0xE770] =	vst @!p0 v4  }
0x146: {  	_ = 	snop  }
.LBB2_14:
0x147: {  	s0 =	simm.s32 $0x0  }
0x148: {  	s2 =	simm.s32 $0x200;
	v4 =	vld [tilespmem:s0+$0xE700]  }
.LBB2_15:
0x149: {  	p0 =	sne.s32 s2, $0x27E00;
	v5 =	vld [tilespmem:$0x19700];
	_ =	sdelay $0x4  }
0x14a: {  	v4 =	vadd.f32 v5, v4;
	_ =	sdelay $0x1  }
0x14b: {  	[tilespmem:s0+$0xE700] =	vst v4;
	v4 =	vld [tilespmem:s0+$0xE710]  }
0x14c: {  	v5 =	vld [tilespmem:$0x19710];
	_ =	sdelay $0x4  }
0x14d: {  	v4 =	vadd.f32 v5, v4;
	_ =	sdelay $0x1  }
0x14e: {  	[tilespmem:s0+$0xE710] =	vst v4;
	v4 =	vld [tilespmem:s0+$0xE720]  }
0x14f: {  	v5 =	vld [tilespmem:$0x19720];
	_ =	sdelay $0x4  }
0x150: {  	v4 =	vadd.f32 v5, v4;
	_ =	sdelay $0x1  }
0x151: {  	[tilespmem:s0+$0xE720] =	vst v4;
	v4 =	vld [tilespmem:s0+$0xE730]  }
0x152: {  	v5 =	vld [tilespmem:$0x19730];
	_ =	sdelay $0x4  }
0x153: {  	v4 =	vadd.f32 v5, v4;
	_ =	sdelay $0x1  }
0x154: {  	[tilespmem:s0+$0xE730] =	vst v4;
	v4 =	vld [tilespmem:s0+$0xE740]  }
0x155: {  	v5 =	vld [tilespmem:$0x19740];
	_ =	sdelay $0x4  }
0x156: {  	v4 =	vadd.f32 v5, v4;
	_ =	sdelay $0x1  }
0x157: {  	[tilespmem:s0+$0xE740] =	vst v4;
	v4 =	vld [tilespmem:s0+$0xE750]  }
0x158: {  	v5 =	vld [tilespmem:$0x19750];
	_ =	sdelay $0x4  }
0x159: {  	v4 =	vadd.f32 v5, v4;
	_ =	sdelay $0x1  }
0x15a: {  	[tilespmem:s0+$0xE750] =	vst v4;
	v4 =	vld [tilespmem:s0+$0xE760]  }
0x15b: {  	v5 =	vld [tilespmem:$0x19760];
	_ =	sdelay $0x4  }
0x15c: {  	v4 =	vadd.f32 v5, v4;
	_ =	sdelay $0x1  }
0x15d: {  	[tilespmem:s0+$0xE760] =	vst v4;
	v4 =	vld [tilespmem:s0+$0xE770]  }
0x15e: {  	v5 =	vld [tilespmem:$0x19770];
	_ =	sdelay $0x2  }
.Ltmp9:
0x15f: {  	(pc) =	sbr.rel @p0 .LBB2_15-.Ltmp9, $4  }
0x160: {  	_ = 	snop  }
0x161: {  	v5 =	vadd.f32 v5, v4  }
0x162: {  	s3 =	sshra.s32 s2, $0x2  }
0x163: {  	s2 =	sadd.s32 $0x200, s2;
	v4 =	vld [tilespmem:s3+$0xE700];
	[tilespmem:s0+$0xE770] =	vst v5;
	s0 =	smov.u32 s3  }
0x164: {  	v5 =	vld [tilespmem:$0x19700];
	_ =	sdelay $0x4  }
0x165: {  	v4 =	vadd.f32 v5, v4;
	_ =	sdelay $0x1  }
0x166: {  	[tilespmem:s0+$0xE700] =	vst v4;
	v4 =	vld [tilespmem:s0+$0xE710]  }
0x167: {  	v5 =	vld [tilespmem:$0x19710];
	_ =	sdelay $0x4  }
0x168: {  	v4 =	vadd.f32 v5, v4;
	_ =	sdelay $0x1  }
0x169: {  	[tilespmem:s0+$0xE710] =	vst v4;
	v4 =	vld [tilespmem:s0+$0xE720]  }
0x16a: {  	v5 =	vld [tilespmem:$0x19720];
	_ =	sdelay $0x4  }
0x16b: {  	v4 =	vadd.f32 v5, v4;
	_ =	sdelay $0x1  }
0x16c: {  	[tilespmem:s0+$0xE720] =	vst v4;
	v4 =	vld [tilespmem:s0+$0xE730]  }
0x16d: {  	v5 =	vld [tilespmem:$0x19730];
	_ =	sdelay $0x4  }
0x16e: {  	v4 =	vadd.f32 v5, v4;
	_ =	sdelay $0x1  }
0x16f: {  	[tilespmem:s0+$0xE730] =	vst v4;
	v4 =	vld [tilespmem:s0+$0xE740]  }
0x170: {  	v5 =	vld [tilespmem:$0x19740];
	_ =	sdelay $0x4  }
0x171: {  	v4 =	vadd.f32 v5, v4;
	_ =	sdelay $0x1  }
0x172: {  	[tilespmem:s0+$0xE740] =	vst v4;
	v4 =	vld [tilespmem:s0+$0xE750]  }
0x173: {  	v5 =	vld [tilespmem:$0x19750];
	_ =	sdelay $0x4  }
0x174: {  	v4 =	vadd.f32 v5, v4;
	_ =	sdelay $0x1  }
0x175: {  	[tilespmem:s0+$0xE750] =	vst v4;
	v4 =	vld [tilespmem:s0+$0xE760]  }
0x176: {  	v5 =	vld [tilespmem:$0x19760];
	_ =	sdelay $0x4  }
0x177: {  	v4 =	vadd.f32 v5, v4;
	_ =	sdelay $0x1  }
0x178: {  	[tilespmem:s0+$0xE760] =	vst v4;
	v4 =	vld [tilespmem:s0+$0xE770]  }
0x179: {  	v5 =	vld [tilespmem:$0x19770];
	_ =	sdelay $0x4  }
0x17a: {  	v4 =	vadd.f32 v5, v4;
	_ =	sdelay $0x1  }
0x17b: {  	s25 =	simm.s32 $0x0;
	[tilespmem:s0+$0xE770] =	vst v4  }
0x17c: {  	[hbm4b:s10+s25] =	stream.linear.scatter [tilespmem:s18], [sflag:$0x2], $0xA000, $0x38;
	[tilespmem:$0x19780] =	vst v63  }
0x17d: {  	_ =	swait.ge [sflag:s16], $0xA000  }
0x17e: {  	[sflag:s16] =	ssyncset.done $0x0  }
0x17f: {  	s30 =	simm.s32 $0xBE80;
	[sflag:s16] =	ssyncadd.s32 $0xFFFF6000  }
0x180: {  	[tilespmem:s30], [sflag:$0x2] =	stream.linear.gather [hbm4b:s11+s25], $0x2800, $0x38;
	[tilespmem:$0x19780] =	vst v63  }
0x181: {  	_ =	swait.ge [sflag:s16], $0x2800  }
0x182: {  	[sflag:s16] =	ssyncset.done $0x0  }
0x183: {  	[sflag:s16] =	ssyncadd.s32 $0xFFFFD800  }
0x184: {  	[tilespmem:s18], [sflag:$0x2] =	stream.linear.gather [hbm4b:s12+s25], $0xA000, $0x38;
	[tilespmem:$0x19780] =	vst v63  }
0x185: {  	_ =	swait.ge [sflag:s16], $0xA000  }
0x186: {  	[sflag:s16] =	ssyncset.done $0x0  }
0x187: {  	s31 =	simm.s32 $0x0;
	[sflag:s16] =	ssyncadd.s32 $0xFFFF6000  }
0x188: {  	v4 =	vld.idx.msk [tilespmem:v3+s31+$0x0 ss:$0x1], $0xffff;
	_ =	sdelay $0x4  }
0x189: {  	(v2sf) =	vpush v4, $0x0;
	_ =	sdelay $0xd  }
0x18a: {  	s0 =	simm.s32 $0xE740  }
0x18b: {  	v4 =	vld [tilespmem:s0+$0xFFFFFFC0];
	s2 =	spop (v2sf)  }
0x18c: {  	v5 =	vld [tilespmem:s0+$0xFFFFFFD0];
	s3 =	sadd.f32 s2, s2  }
0x18d: {  	v6 =	vld [tilespmem:s0+$0xFFFFFFE0]  }
0x18e: {  	v9 =	vld [tilespmem:s0+$0x10];
	s2 =	smul.f32 s3, s2  }
0x18f: {  	v7 =	vld [tilespmem:s0+$0xFFFFFFF0]  }
0x190: {  	v8 =	vld [tilespmem:s0+$0x0];
	v4 =	vmul.f32 s2, v4  }
0x191: {  	v10 =	vld [tilespmem:s0+$0x20];
	v5 =	vmul.f32 s2, v5  }
0x192: {  	v11 =	vld [tilespmem:s0+$0x30];
	v6 =	vmul.f32 s2, v6;
	[tilespmem:s0+$0xFFFFFFC0] =	vst v4  }
0x193: {  	v63 =	vmul.f32 s2, v9;
	[tilespmem:s0+$0xFFFFFFD0] =	vst v5  }
0x194: {  	v4 =	vmul.f32 s2, v7;
	[tilespmem:s0+$0xFFFFFFE0] =	vst v6  }
0x195: {  	v5 =	vmul.f32 s2, v8;
	[tilespmem:s0+$0x10] =	vst v63  }
0x196: {  	[tilespmem:s0+$0xFFFFFFF0] =	vst v4;
	v4 =	vmul.f32 s2, v10  }
0x197: {  	[tilespmem:s0+$0x0] =	vst v5;
	v5 =	vmul.f32 s2, v11  }
0x198: {  	[tilespmem:s0+$0x20] =	vst v4  }
0x199: {  	s3 =	simm.s32 $0x1;
	s2 =	simm.s32 $0x8;
	[tilespmem:s0+$0x30] =	vst v5  }
.LBB2_17:
0x19a: {  	p0 =	sne.s32 s2, $0x4FC;
	v4 =	vld.idx.msk [tilespmem:v3+s3+$0x0 ss:$0x1], $0xffff;
	_ =	sdelay $0x5  }
0x19b: {  	(v2sf) =	vpush v4, $0x0;
	_ =	sdelay $0x9  }
0x19c: {  	s0 =	sadd.s32 $0x80, s0  }
0x19d: {  	v4 =	vld [tilespmem:s0+$0xFFFFFFF0]  }
0x19e: {  	v5 =	vld [tilespmem:s0+$0x30]  }
0x19f: {  	v6 =	vld [tilespmem:s0+$0x10]  }
0x1a0: {  	v7 =	vld [tilespmem:s0+$0xFFFFFFD0]  }
0x1a1: {  	v8 =	vld [tilespmem:s0+$0xFFFFFFC0];
	s3 =	spop (v2sf)  }
0x1a2: {  	s4 =	sadd.f32 s3, s3;
	v9 =	vld [tilespmem:s0+$0xFFFFFFE0]  }
0x1a3: {  	v10 =	vld [tilespmem:s0+$0x0]  }
0x1a4: {  	s3 =	smul.f32 s4, s3;
	v11 =	vld [tilespmem:s0+$0x20];
	_ =	sdelay $0x1  }
0x1a5: {  	v8 =	vmul.f32 s3, v8;
	v7 =	vmul.f32 s3, v7  }
0x1a6: {  	v4 =	vmul.f32 s3, v4;
	v9 =	vmul.f32 s3, v9  }
0x1a7: {  	v6 =	vmul.f32 s3, v6;
	[tilespmem:s0+$0xFFFFFFC0] =	vst v8;
	v8 =	vmul.f32 s3, v10  }
0x1a8: {  	v5 =	vmul.f32 s3, v5;
	[tilespmem:s0+$0xFFFFFFD0] =	vst v7;
	v7 =	vmul.f32 s3, v11  }
0x1a9: {  	[tilespmem:s0+$0xFFFFFFE0] =	vst v9  }
.Ltmp10:
0x1aa: {  	[tilespmem:s0+$0xFFFFFFF0] =	vst v4;
	(pc) =	sbr.rel @p0 .LBB2_17-.Ltmp10, $4  }
0x1ab: {  	[tilespmem:s0+$0x0] =	vst v8  }
0x1ac: {  	[tilespmem:s0+$0x10] =	vst v6  }
0x1ad: {  	[tilespmem:s0+$0x20] =	vst v7  }
0x1ae: {  	s3 =	sshra.s32 s2, $0x2;
	s2 =	sadd.s32 $0x4, s2;
	[tilespmem:s0+$0x30] =	vst v5  }
0x1af: {  	_ =	sdelay $0x3  }
0x1b0: {  	v4 =	vld.idx.msk [tilespmem:v3+s3+$0x0 ss:$0x1], $0xffff;
	_ =	sdelay $0x4  }
0x1b1: {  	(v2sf) =	vpush v4, $0x0;
	_ =	sdelay $0xd  }
0x1b2: {  	s0 =	sadd.s32 $0x80, s0  }
0x1b3: {  	v4 =	vld [tilespmem:s0+$0xFFFFFFC0];
	s2 =	spop (v2sf)  }
0x1b4: {  	v5 =	vld [tilespmem:s0+$0xFFFFFFD0];
	s31 =	sadd.f32 s2, s2  }
0x1b5: {  	v6 =	vld [tilespmem:s0+$0xFFFFFFE0]  }
0x1b6: {  	v9 =	vld [tilespmem:s0+$0x10];
	s2 =	smul.f32 s31, s2  }
0x1b7: {  	v7 =	vld [tilespmem:s0+$0xFFFFFFF0]  }
0x1b8: {  	v8 =	vld [tilespmem:s0+$0x0];
	v4 =	vmul.f32 s2, v4  }
0x1b9: {  	v10 =	vld [tilespmem:s0+$0x20];
	v5 =	vmul.f32 s2, v5  }
0x1ba: {  	v11 =	vld [tilespmem:s0+$0x30];
	v6 =	vmul.f32 s2, v6;
	[tilespmem:s0+$0xFFFFFFC0] =	vst v4  }
0x1bb: {  	v63 =	vmul.f32 s2, v9;
	[tilespmem:s0+$0xFFFFFFD0] =	vst v5  }
0x1bc: {  	v4 =	vmul.f32 s2, v7;
	[tilespmem:s0+$0xFFFFFFE0] =	vst v6  }
.Ltmp11:
0x1bd: {  	v5 =	vmul.f32 s2, v8;
	[tilespmem:s0+$0x10] =	vst v63;
	(pc) =	sbr.rel .LBB2_19-.Ltmp11, $4  }
0x1be: {  	[tilespmem:s0+$0xFFFFFFF0] =	vst v4;
	v4 =	vmul.f32 s2, v10  }
0x1bf: {  	[tilespmem:s0+$0x0] =	vst v5;
	v5 =	vmul.f32 s2, v11  }
0x1c0: {  	[tilespmem:s0+$0x20] =	vst v4  }
0x1c1: {  	[tilespmem:s0+$0x30] =	vst v5  }
.LBB2_26:
0x1c2: {  	s25 =	sadd.s32 $0x1, s25  }
0x1c3: {  	p0 =	sne.s32 s25, $0x28  }
.Ltmp12:
0x1c4: {  	_ = 	snop;
	(pc) =	sbr.rel @!p0 .LBB2_27-.Ltmp12, $1  }
0x1c5: {  	_ =	sdelay $0x3  }
.LBB2_19:
0x1c6: {  	s0 =	smul.u32 $0x1F40, s25;
	_ =	sdelay $0x1  }
0x1c7: {  	s0 =	sshrl.u32 s0, $0x3  }
0x1c8: {  	s2 =	sadd.s32 $0x9C40, s0  }
0x1c9: {  	s0 =	simm.s32 $0x0;
	s3 =	sadd.s32 s6, s2  }
0x1ca: {  	[tilespmem:s0], [sflag:$0x2] =	stream.linear.gather [hbm4b:s3+s0], $0x1F40, $0x38;
	[tilespmem:$0x19780] =	vst v63  }
0x1cb: {  	_ =	swait.ge [sflag:s16], $0x1F40  }
0x1cc: {  	[sflag:s16] =	ssyncset.done $0x0  }
0x1cd: {  	s29 =	sadd.s32 s1, s2;
	[sflag:s16] =	ssyncadd.s32 $0xFFFFE0C0  }
0x1ce: {  	[tilespmem:s19], [sflag:$0x2] =	stream.linear.gather [hbm4b:s29+s0], $0x1F40, $0x38;
	[tilespmem:$0x19780] =	vst v63  }
0x1cf: {  	_ =	swait.ge [sflag:s16], $0x1F40  }
0x1d0: {  	[sflag:s16] =	ssyncset.done $0x0  }
0x1d1: {  	s2 =	sadd.s32 s7, s2;
	[sflag:s16] =	ssyncadd.s32 $0xFFFFE0C0  }
0x1d2: {  	[tilespmem:s20], [sflag:$0x2] =	stream.linear.gather [hbm4b:s2+s0], $0x1F40, $0x38;
	[tilespmem:$0x19780] =	vst v63  }
0x1d3: {  	_ =	swait.ge [sflag:s16], $0x1F40  }
0x1d4: {  	[sflag:s16] =	ssyncset.done $0x0  }
0x1d5: {  	s30 =	simm.s32 $0x0;
	[sflag:s16] =	ssyncadd.s32 $0xFFFFE0C0  }
0x1d6: {  	v4 =	vld [tilespmem:s30+$0x0];
	_ =	sdelay $0x4  }
0x1d7: {  	vm0 =	vge.s32 v4, v0;
	vm1 =	vlt.s32 v4, v1  }
0x1d8: {  	vm0 =	vmand vm0, vm1  }
0x1d9: {  	v5 =	vsel vm0, $0x1, v2  }
0x1da: {  	(xrf0) =	vadd.scan.msk.s32 $0xffff, v5;
	_ =	sdelay $0x5  }
0x1db: {  	v5, _, _ =	vpop (xrf0)  }
0x1dc: {  	(v2sf) =	vpush v5, $0xF;
	_ =	sdelay $0xe  }
0x1dd: {  	s31 =	spop (v2sf)  }
0x1de: {  	p1 =	slt.s32 s31, $0x1  }
0x1df: {  	s3 =	simm.s32 @!p1 $0x0  }
0x1e0: {  	v5 =	vld @!p1 [tilespmem:s3+$0x1F80];
	_ =	sdelay $0x6  }
0x1e1: {  	v6 =	vld @!p1 [tilespmem:s3+$0x3F00];
	s3 =	simm.s32 @!p1 $0xBE80  }
0x1e2: {  	v7 =	vld.idx.msk @!p1 [tilespmem:v5+s3+$0x0], $0xffff;
	_ =	sdelay $0x1  }
0x1e3: {  	v8 =	vld.idx.msk @!p1 [tilespmem:v4+s3+$0x0], $0xffff;
	_ =	sdelay $0x1  }
0x1e4: {  	v6 =	vmax.f32 @!p1 v6, $0.0e+00  }
0x1e5: {  	v5 =	vadd.s32 @!p1 $0x2800, v5;
	v6 =	vmul.f32 @!p1 v6, v7  }
0x1e6: {  	v4 =	vsub.s32 @!p1 v4, v0;
	[tilespmem:s0+$0x5E80] =	vst.msk @!p1 vm0, v5  }
0x1e7: {  	s4 =	simm.s32 $0x80;
	s2 =	sadd.s32 $0x0, s31;
	s3 =	simm.s32 $0x40;
	[tilespmem:s0+$0x7E80] =	vst.msk @!p1 vm0, v4;
	v4 =	vmul.f32 @!p1 v8, v6  }
.LBB2_20:
0x1e8: {  	_ = 	snop  }
0x1e9: {  	s5 =	sshra.s32 s3, $0x2;
	s15 =	smov.u32 s4;
	s4 =	sadd.s32 $0x40, s4;
	[tilespmem:s0+$0x9E80] =	vst.msk @!p1 vm0, v4  }
0x1ea: {  	p0 =	sne.s32 s4, $0x7D00;
	s0 =	smov.u32 s2;
	v4 =	vld [tilespmem:s5+$0x0];
	_ =	sdelay $0x4  }
0x1eb: {  	vm0 =	vge.s32 v4, v0;
	vm1 =	vlt.s32 v4, v1  }
0x1ec: {  	vm0 =	vmand vm0, vm1  }
0x1ed: {  	v5 =	vsel vm0, $0x1, v2  }
0x1ee: {  	(xrf0) =	vadd.scan.msk.s32 $0xffff, v5;
	_ =	sdelay $0x5  }
0x1ef: {  	v5, _, _ =	vpop (xrf0)  }
0x1f0: {  	(v2sf) =	vpush v5, $0xF;
	_ =	sdelay $0xe  }
0x1f1: {  	s5 =	spop (v2sf)  }
0x1f2: {  	p1 =	slt.s32 s5, $0x1;
	s2 =	sadd.s32 s2, s5  }
0x1f3: {  	s5 =	sshra.s32 @!p1 s3, $0x2;
	v5 =	vsub.s32 @!p1 v4, v0;
	s3 =	smov.u32 s15  }
0x1f4: {  	v6 =	vld @!p1 [tilespmem:s5+$0x1F80];
	_ =	sdelay $0x4  }
0x1f5: {  	v7 =	vadd.s32 @!p1 $0x2800, v6;
	_ =	sdelay $0x1  }
0x1f6: {  	v8 =	vld @!p1 [tilespmem:s5+$0x3F00];
	s5 =	simm.s32 @!p1 $0xBE80  }
0x1f7: {  	v6 =	vld.idx.msk @!p1 [tilespmem:v6+s5+$0x0], $0xffff  }
0x1f8: {  	v4 =	vld.idx.msk @!p1 [tilespmem:v4+s5+$0x0], $0xffff  }
0x1f9: {  	[tilespmem:s0+$0x5E80] =	vst.msk @!p1 vm0, v7  }
0x1fa: {  	[tilespmem:s0+$0x7E80] =	vst.msk @!p1 vm0, v5  }
.Ltmp13:
0x1fb: {  	v5 =	vmax.f32 @!p1 v8, $0.0e+00;
	(pc) =	sbr.rel @p0 .LBB2_20-.Ltmp13, $3  }
0x1fc: {  	_ = 	snop  }
0x1fd: {  	v5 =	vmul.f32 @!p1 v5, v6;
	_ =	sdelay $0x1  }
0x1fe: {  	v4 =	vmul.f32 @!p1 v4, v5  }
0x1ff: {  	_ = 	snop  }
0x200: {  	s4 =	sshra.s32 s3, $0x2;
	[tilespmem:s0+$0x9E80] =	vst.msk @!p1 vm0, v4  }
0x201: {  	v4 =	vld [tilespmem:s4+$0x0];
	_ =	sdelay $0x4  }
0x202: {  	vm15 =	vge.s32 v4, v0;
	vm1 =	vlt.s32 v4, v1  }
0x203: {  	vm0 =	vmand vm15, vm1  }
0x204: {  	v5 =	vsel vm0, $0x1, v2  }
0x205: {  	(xrf0) =	vadd.scan.msk.s32 $0xffff, v5;
	_ =	sdelay $0x5  }
0x206: {  	v5, _, _ =	vpop (xrf0)  }
0x207: {  	(v2sf) =	vpush v5, $0xF;
	_ =	sdelay $0xe  }
0x208: {  	s31 =	spop (v2sf)  }
0x209: {  	p0 =	slt.s32 s31, $0x1  }
0x20a: {  	s3 =	sshra.s32 @!p0 s3, $0x2  }
0x20b: {  	v5 =	vld @!p0 [tilespmem:s3+$0x1F80];
	_ =	sdelay $0x6  }
0x20c: {  	v6 =	vld @!p0 [tilespmem:s3+$0x3F00];
	s3 =	simm.s32 @!p0 $0xBE80  }
0x20d: {  	v7 =	vld.idx.msk @!p0 [tilespmem:v5+s3+$0x0], $0xffff  }
0x20e: {  	s26 =	sadd.s32 s2, s31  }
0x20f: {  	s0 =	sadd.s32 $0x1F, s26;
	v8 =	vld.idx.msk @!p0 [tilespmem:v4+s3+$0x0], $0xffff  }
0x210: {  	s28 =	sshrl.u32 s0, $0x5  }
0x211: {  	p1 =	seq.s32 s28, $0x0;
	v6 =	vmax.f32 @!p0 v6, $0.0e+00  }
.Ltmp14:
0x212: {  	v6 =	vmul.f32 @!p0 v6, v7;
	(pc) =	sbr.rel @p1 .LBB2_26-.Ltmp14, $4  }
0x213: {  	v5 =	vadd.s32 @!p0 $0x2800, v5  }
0x214: {  	v4 =	vsub.s32 @!p0 v4, v0;
	[tilespmem:s2+$0x5E80] =	vst.msk @!p0 vm0, v5;
	v5 =	vmul.f32 @!p0 v8, v6  }
0x215: {  	[tilespmem:s2+$0x7E80] =	vst.msk @!p0 vm0, v4  }
0x216: {  	[tilespmem:s2+$0x9E80] =	vst.msk @!p0 vm0, v5  }
0x217: {  	s29 =	simm.s32 $0x7E80  }
0x218: {  	s30 =	simm.s32 $0x9E80;
	s31 =	simm.s32 $0x0;
	s0 =	simm.s32 $0x0  }
.LBB2_23:
0x219: {  	s2 =	sshll.u32 s0, $0x5  }
0x21a: {  	v4 =	vmov s29;
	s2 =	sadd.s32 $0x5E80, s2  }
0x21b: {  	[tilespmem:s22], [sflag:$0x1] =	stream.indirect.gather [hbm4b:s8+s21], $0x80, s2, s21, $0xb8;
	[tilespmem:$0x19780] =	vst v63  }
0x21c: {  	_ =	swait.ge [sflag:s23], $0x1000  }
0x21d: {  	p1 =	sge.s32 s31, s26;
	[sflag:s23] =	ssyncset.done $0x0  }
0x21e: {  	p0 =	por p1, p1;
	s2 =	simm.s32 @!p1 $0x0;
	[sflag:s23] =	ssyncadd.s32 $0xFFFFF000  }
0x21f: {  	v5 =	vld.idx.msk @!p0 [tilespmem:v4+s2+$0x0 ss:$0x1], $0xffff;
	_ =	sdelay $0x4  }
0x220: {  	(v2sf) =	vpush @!p0 v5, $0x0;
	_ =	sdelay $0xd  }
0x221: {  	s3 =	sadd.s32 @!p0 $0x0, s30  }
0x222: {  	s2 =	simm.s32 $0x18740;
	v5 =	vld.msk @!p0 [tilespmem:s3+$0x0 ss:$0x0], $0xffff;
	s3 =	spop @!p1 (v2sf)  }
0x223: {  	v6 =	vld @!p0 [tilespmem:s2+$0xFFFFFFC0];
	s3 =	sshll.u32 @!p0 s3, $0x9  }
0x224: {  	s4 =	sshra.s32 @!p0 s3, $0x2  }
0x225: {  	v7 =	vld @!p0 [tilespmem:s4+$0xE700];
	_ =	sdelay $0x2  }
0x226: {  	v6 =	vmul.f32 @!p0 v6, v5;
	_ =	sdelay $0x1  }
0x227: {  	v6 =	vmax.f32 @!p0 v7, v6  }
0x228: {  	[tilespmem:s4+$0xE700] =	vst @!p0 v6  }
0x229: {  	v6 =	vld @!p0 [tilespmem:s2+$0xFFFFFFD0];
	_ =	sdelay $0x1  }
0x22a: {  	v7 =	vld @!p0 [tilespmem:s4+$0xE710];
	_ =	sdelay $0x2  }
0x22b: {  	v6 =	vmul.f32 @!p0 v6, v5;
	_ =	sdelay $0x1  }
0x22c: {  	v6 =	vmax.f32 @!p0 v7, v6  }
0x22d: {  	[tilespmem:s4+$0xE710] =	vst @!p0 v6  }
0x22e: {  	v6 =	vld @!p0 [tilespmem:s2+$0xFFFFFFE0];
	_ =	sdelay $0x1  }
0x22f: {  	v7 =	vld @!p0 [tilespmem:s4+$0xE720];
	_ =	sdelay $0x2  }
0x230: {  	v6 =	vmul.f32 @!p0 v6, v5;
	_ =	sdelay $0x1  }
0x231: {  	v6 =	vmax.f32 @!p0 v7, v6  }
0x232: {  	[tilespmem:s4+$0xE720] =	vst @!p0 v6  }
0x233: {  	v6 =	vld @!p0 [tilespmem:s2+$0xFFFFFFF0];
	_ =	sdelay $0x1  }
0x234: {  	v7 =	vld @!p0 [tilespmem:s4+$0xE730];
	_ =	sdelay $0x2  }
0x235: {  	v6 =	vmul.f32 @!p0 v6, v5;
	_ =	sdelay $0x1  }
0x236: {  	v6 =	vmax.f32 @!p0 v7, v6  }
0x237: {  	[tilespmem:s4+$0xE730] =	vst @!p0 v6  }
0x238: {  	v6 =	vld @!p0 [tilespmem:s2+$0x0];
	_ =	sdelay $0x1  }
0x239: {  	v7 =	vld @!p0 [tilespmem:s4+$0xE740];
	_ =	sdelay $0x2  }
0x23a: {  	v6 =	vmul.f32 @!p0 v6, v5;
	_ =	sdelay $0x1  }
0x23b: {  	v6 =	vmax.f32 @!p0 v7, v6  }
0x23c: {  	[tilespmem:s4+$0xE740] =	vst @!p0 v6  }
0x23d: {  	v6 =	vld @!p0 [tilespmem:s2+$0x10];
	_ =	sdelay $0x1  }
0x23e: {  	v7 =	vld @!p0 [tilespmem:s4+$0xE750];
	_ =	sdelay $0x2  }
0x23f: {  	v6 =	vmul.f32 @!p0 v6, v5;
	_ =	sdelay $0x1  }
0x240: {  	v6 =	vmax.f32 @!p0 v7, v6  }
0x241: {  	[tilespmem:s4+$0xE750] =	vst @!p0 v6  }
0x242: {  	v6 =	vld @!p0 [tilespmem:s2+$0x20];
	_ =	sdelay $0x1  }
0x243: {  	v7 =	vld @!p0 [tilespmem:s4+$0xE760];
	_ =	sdelay $0x2  }
0x244: {  	v6 =	vmul.f32 @!p0 v6, v5;
	_ =	sdelay $0x1  }
0x245: {  	v6 =	vmax.f32 @!p0 v7, v6  }
0x246: {  	[tilespmem:s4+$0xE760] =	vst @!p0 v6  }
0x247: {  	v6 =	vld @!p0 [tilespmem:s2+$0x30];
	_ =	sdelay $0x1  }
0x248: {  	v7 =	vld @!p0 [tilespmem:s4+$0xE770];
	_ =	sdelay $0x2  }
0x249: {  	v5 =	vmul.f32 @!p0 v6, v5  }
0x24a: {  	s15 =	sadd.s32 $0x1, s31  }
0x24b: {  	s5 =	simm.s32 $0x4;
	p2 =	sge.s32 s15, s26;
	s3 =	simm.s32 $0x8;
	v5 =	vmax.f32 @!p0 v7, v5  }
.LBB2_24:
0x24c: {  	s17 =	sshra.s32 @!p2 s5, $0x2;
	s2 =	sadd.s32 $0x80, s2  }
0x24d: {  	[tilespmem:s4+$0xE770] =	vst @!p0 v5;
	s5 =	smov.u32 s3;
	s3 =	sadd.s32 $0x4, s3;
	p0 =	por p2, p2  }
0x24e: {  	p1 =	sne.s32 s3, $0x80;
	v5 =	vld.idx.msk @!p0 [tilespmem:v4+s17+$0x0 ss:$0x1], $0xffff;
	s4 =	sadd.s32 @!p0 s17, s30;
	_ =	sdelay $0x5  }
0x24f: {  	(v2sf) =	vpush @!p0 v5, $0x0;
	_ =	sdelay $0xe  }
0x250: {  	v5 =	vld.msk @!p0 [tilespmem:s4+$0x0 ss:$0x0], $0xffff;
	s4 =	spop @!p2 (v2sf)  }
0x251: {  	s4 =	sshll.u32 @!p0 s4, $0x9;
	v6 =	vld @!p0 [tilespmem:s2+$0xFFFFFFC0]  }
0x252: {  	s4 =	sshra.s32 @!p0 s4, $0x2  }
0x253: {  	v7 =	vld @!p0 [tilespmem:s4+$0xE700];
	_ =	sdelay $0x2  }
0x254: {  	v6 =	vmul.f32 @!p0 v6, v5;
	_ =	sdelay $0x1  }
0x255: {  	v6 =	vmax.f32 @!p0 v7, v6  }
0x256: {  	[tilespmem:s4+$0xE700] =	vst @!p0 v6  }
0x257: {  	v6 =	vld @!p0 [tilespmem:s2+$0xFFFFFFD0];
	_ =	sdelay $0x1  }
0x258: {  	v7 =	vld @!p0 [tilespmem:s4+$0xE710];
	_ =	sdelay $0x2  }
0x259: {  	v6 =	vmul.f32 @!p0 v6, v5;
	_ =	sdelay $0x1  }
0x25a: {  	v6 =	vmax.f32 @!p0 v7, v6  }
0x25b: {  	[tilespmem:s4+$0xE710] =	vst @!p0 v6  }
0x25c: {  	v6 =	vld @!p0 [tilespmem:s2+$0xFFFFFFE0];
	_ =	sdelay $0x1  }
0x25d: {  	v7 =	vld @!p0 [tilespmem:s4+$0xE720];
	_ =	sdelay $0x2  }
0x25e: {  	v6 =	vmul.f32 @!p0 v6, v5;
	_ =	sdelay $0x1  }
0x25f: {  	v6 =	vmax.f32 @!p0 v7, v6  }
0x260: {  	[tilespmem:s4+$0xE720] =	vst @!p0 v6  }
0x261: {  	v6 =	vld @!p0 [tilespmem:s2+$0xFFFFFFF0];
	_ =	sdelay $0x1  }
0x262: {  	v7 =	vld @!p0 [tilespmem:s4+$0xE730];
	_ =	sdelay $0x2  }
0x263: {  	v6 =	vmul.f32 @!p0 v6, v5;
	_ =	sdelay $0x1  }
0x264: {  	v6 =	vmax.f32 @!p0 v7, v6  }
0x265: {  	[tilespmem:s4+$0xE730] =	vst @!p0 v6  }
0x266: {  	v6 =	vld @!p0 [tilespmem:s2+$0x0];
	_ =	sdelay $0x1  }
0x267: {  	v7 =	vld @!p0 [tilespmem:s4+$0xE740];
	_ =	sdelay $0x2  }
0x268: {  	v6 =	vmul.f32 @!p0 v6, v5;
	_ =	sdelay $0x1  }
0x269: {  	v6 =	vmax.f32 @!p0 v7, v6  }
0x26a: {  	[tilespmem:s4+$0xE740] =	vst @!p0 v6  }
0x26b: {  	v6 =	vld @!p0 [tilespmem:s2+$0x10];
	_ =	sdelay $0x1  }
0x26c: {  	v7 =	vld @!p0 [tilespmem:s4+$0xE750];
	_ =	sdelay $0x2  }
0x26d: {  	v6 =	vmul.f32 @!p0 v6, v5;
	_ =	sdelay $0x1  }
0x26e: {  	v6 =	vmax.f32 @!p0 v7, v6  }
0x26f: {  	[tilespmem:s4+$0xE750] =	vst @!p0 v6  }
0x270: {  	v6 =	vld @!p0 [tilespmem:s2+$0x20];
	_ =	sdelay $0x1  }
0x271: {  	v7 =	vld @!p0 [tilespmem:s4+$0xE760];
	_ =	sdelay $0x2  }
0x272: {  	v6 =	vmul.f32 @!p0 v6, v5;
	_ =	sdelay $0x1  }
0x273: {  	v6 =	vmax.f32 @!p0 v7, v6  }
0x274: {  	[tilespmem:s4+$0xE760] =	vst @!p0 v6  }
0x275: {  	v6 =	vld @!p0 [tilespmem:s2+$0x30];
	_ =	sdelay $0x1  }
0x276: {  	v7 =	vld @!p0 [tilespmem:s4+$0xE770]  }
.Ltmp15:
0x277: {  	(pc) =	sbr.rel @p1 .LBB2_24-.Ltmp15, $4  }
0x278: {  	_ = 	snop  }
0x279: {  	v5 =	vmul.f32 @!p0 v6, v5  }
0x27a: {  	s15 =	sadd.s32 $0x1, s15  }
0x27b: {  	p2 =	sge.s32 s15, s26;
	v5 =	vmax.f32 @!p0 v7, v5  }
0x27c: {  	_ =	sdelay $0x2  }
0x27d: {  	s3 =	sshra.s32 @!p2 s5, $0x2;
	[tilespmem:s4+$0xE770] =	vst @!p0 v5;
	p0 =	por p2, p2  }
0x27e: {  	v4 =	vld.idx.msk @!p0 [tilespmem:v4+s3+$0x0 ss:$0x1], $0xffff;
	_ =	sdelay $0x4  }
0x27f: {  	(v2sf) =	vpush @!p0 v4, $0x0;
	_ =	sdelay $0xd  }
0x280: {  	s3 =	sadd.s32 @!p0 s3, s30  }
0x281: {  	s2 =	sadd.s32 $0x80, s2;
	v4 =	vld.msk @!p0 [tilespmem:s3+$0x0 ss:$0x0], $0xffff;
	s3 =	spop @!p2 (v2sf)  }
0x282: {  	v5 =	vld @!p0 [tilespmem:s2+$0xFFFFFFC0];
	s3 =	sshll.u32 @!p0 s3, $0x9  }
0x283: {  	s3 =	sshra.s32 @!p0 s3, $0x2  }
0x284: {  	v6 =	vld @!p0 [tilespmem:s3+$0xE700];
	_ =	sdelay $0x2  }
0x285: {  	v5 =	vmul.f32 @!p0 v5, v4;
	_ =	sdelay $0x1  }
0x286: {  	v5 =	vmax.f32 @!p0 v6, v5  }
0x287: {  	[tilespmem:s3+$0xE700] =	vst @!p0 v5  }
0x288: {  	v5 =	vld @!p0 [tilespmem:s2+$0xFFFFFFD0];
	_ =	sdelay $0x1  }
0x289: {  	v6 =	vld @!p0 [tilespmem:s3+$0xE710];
	_ =	sdelay $0x2  }
0x28a: {  	v5 =	vmul.f32 @!p0 v5, v4;
	_ =	sdelay $0x1  }
0x28b: {  	v5 =	vmax.f32 @!p0 v6, v5  }
0x28c: {  	[tilespmem:s3+$0xE710] =	vst @!p0 v5  }
0x28d: {  	v5 =	vld @!p0 [tilespmem:s2+$0xFFFFFFE0];
	_ =	sdelay $0x1  }
0x28e: {  	v6 =	vld @!p0 [tilespmem:s3+$0xE720];
	_ =	sdelay $0x2  }
0x28f: {  	v5 =	vmul.f32 @!p0 v5, v4;
	_ =	sdelay $0x1  }
0x290: {  	v5 =	vmax.f32 @!p0 v6, v5  }
0x291: {  	[tilespmem:s3+$0xE720] =	vst @!p0 v5  }
0x292: {  	v5 =	vld @!p0 [tilespmem:s2+$0xFFFFFFF0];
	_ =	sdelay $0x1  }
0x293: {  	v6 =	vld @!p0 [tilespmem:s3+$0xE730];
	_ =	sdelay $0x2  }
0x294: {  	v5 =	vmul.f32 @!p0 v5, v4;
	_ =	sdelay $0x1  }
0x295: {  	v5 =	vmax.f32 @!p0 v6, v5  }
0x296: {  	[tilespmem:s3+$0xE730] =	vst @!p0 v5  }
0x297: {  	v5 =	vld @!p0 [tilespmem:s2+$0x0];
	_ =	sdelay $0x1  }
0x298: {  	v6 =	vld @!p0 [tilespmem:s3+$0xE740];
	_ =	sdelay $0x2  }
0x299: {  	v5 =	vmul.f32 @!p0 v5, v4;
	_ =	sdelay $0x1  }
0x29a: {  	v5 =	vmax.f32 @!p0 v6, v5  }
0x29b: {  	[tilespmem:s3+$0xE740] =	vst @!p0 v5  }
0x29c: {  	v5 =	vld @!p0 [tilespmem:s2+$0x10];
	_ =	sdelay $0x1  }
0x29d: {  	v6 =	vld @!p0 [tilespmem:s3+$0xE750];
	_ =	sdelay $0x2  }
0x29e: {  	v5 =	vmul.f32 @!p0 v5, v4;
	_ =	sdelay $0x1  }
0x29f: {  	v5 =	vmax.f32 @!p0 v6, v5  }
0x2a0: {  	[tilespmem:s3+$0xE750] =	vst @!p0 v5  }
0x2a1: {  	v5 =	vld @!p0 [tilespmem:s2+$0x20];
	_ =	sdelay $0x1  }
0x2a2: {  	v6 =	vld @!p0 [tilespmem:s3+$0xE760];
	_ =	sdelay $0x2  }
0x2a3: {  	v5 =	vmul.f32 @!p0 v5, v4;
	_ =	sdelay $0x1  }
0x2a4: {  	v5 =	vmax.f32 @!p0 v6, v5  }
0x2a5: {  	[tilespmem:s3+$0xE760] =	vst @!p0 v5  }
0x2a6: {  	v5 =	vld @!p0 [tilespmem:s2+$0x30];
	_ =	sdelay $0x1  }
0x2a7: {  	s0 =	sadd.s32 $0x1, s0;
	v6 =	vld @!p0 [tilespmem:s3+$0xE770]  }
0x2a8: {  	p1 =	sne.s32 s0, s28  }
.Ltmp16:
0x2a9: {  	_ = 	snop;
	(pc) =	sbr.rel @p1 .LBB2_23-.Ltmp16, $4  }
.Ltmp17:
0x2aa: {  	v4 =	vmul.f32 @!p0 v5, v4;
	(pc) =	sbr.rel @!p1 .LBB2_26-.Ltmp17, $4  }
0x2ab: {  	_ = 	snop  }
0x2ac: {  	v4 =	vmax.f32 @!p0 v6, v4  }
0x2ad: {  	s29 =	sadd.s32 $0x20, s29;
	s31 =	sadd.s32 $0x20, s31;
	s30 =	sadd.s32 $0x20, s30;
	[tilespmem:s3+$0xE770] =	vst @!p0 v4  }
0x2ae: {  	_ = 	snop  }
.LBB2_27:
0x2af: {  	s0 =	simm.s32 $0x0  }
0x2b0: {  	s2 =	simm.s32 $0x200;
	v4 =	vld [tilespmem:s0+$0xE700]  }
.LBB2_28:
0x2b1: {  	p0 =	sne.s32 s2, $0x27E00;
	v5 =	vld [tilespmem:$0x19700];
	_ =	sdelay $0x4  }
0x2b2: {  	v4 =	vadd.f32 v5, v4;
	_ =	sdelay $0x1  }
0x2b3: {  	[tilespmem:s0+$0xE700] =	vst v4;
	v4 =	vld [tilespmem:s0+$0xE710]  }
0x2b4: {  	v5 =	vld [tilespmem:$0x19710];
	_ =	sdelay $0x4  }
0x2b5: {  	v4 =	vadd.f32 v5, v4;
	_ =	sdelay $0x1  }
0x2b6: {  	[tilespmem:s0+$0xE710] =	vst v4;
	v4 =	vld [tilespmem:s0+$0xE720]  }
0x2b7: {  	v5 =	vld [tilespmem:$0x19720];
	_ =	sdelay $0x4  }
0x2b8: {  	v4 =	vadd.f32 v5, v4;
	_ =	sdelay $0x1  }
0x2b9: {  	[tilespmem:s0+$0xE720] =	vst v4;
	v4 =	vld [tilespmem:s0+$0xE730]  }
0x2ba: {  	v5 =	vld [tilespmem:$0x19730];
	_ =	sdelay $0x4  }
0x2bb: {  	v4 =	vadd.f32 v5, v4;
	_ =	sdelay $0x1  }
0x2bc: {  	[tilespmem:s0+$0xE730] =	vst v4;
	v4 =	vld [tilespmem:s0+$0xE740]  }
0x2bd: {  	v5 =	vld [tilespmem:$0x19740];
	_ =	sdelay $0x4  }
0x2be: {  	v4 =	vadd.f32 v5, v4;
	_ =	sdelay $0x1  }
0x2bf: {  	[tilespmem:s0+$0xE740] =	vst v4;
	v4 =	vld [tilespmem:s0+$0xE750]  }
0x2c0: {  	v5 =	vld [tilespmem:$0x19750];
	_ =	sdelay $0x4  }
0x2c1: {  	v4 =	vadd.f32 v5, v4;
	_ =	sdelay $0x1  }
0x2c2: {  	[tilespmem:s0+$0xE750] =	vst v4;
	v4 =	vld [tilespmem:s0+$0xE760]  }
0x2c3: {  	v5 =	vld [tilespmem:$0x19760];
	_ =	sdelay $0x4  }
0x2c4: {  	v4 =	vadd.f32 v5, v4;
	_ =	sdelay $0x1  }
0x2c5: {  	[tilespmem:s0+$0xE760] =	vst v4;
	v4 =	vld [tilespmem:s0+$0xE770]  }
0x2c6: {  	v5 =	vld [tilespmem:$0x19770];
	_ =	sdelay $0x2  }
.Ltmp18:
0x2c7: {  	(pc) =	sbr.rel @p0 .LBB2_28-.Ltmp18, $4  }
0x2c8: {  	_ = 	snop  }
0x2c9: {  	v5 =	vadd.f32 v5, v4  }
0x2ca: {  	s3 =	sshra.s32 s2, $0x2  }
0x2cb: {  	s2 =	sadd.s32 $0x200, s2;
	v4 =	vld [tilespmem:s3+$0xE700];
	[tilespmem:s0+$0xE770] =	vst v5;
	s0 =	smov.u32 s3  }
0x2cc: {  	v5 =	vld [tilespmem:$0x19700];
	_ =	sdelay $0x4  }
0x2cd: {  	v4 =	vadd.f32 v5, v4;
	_ =	sdelay $0x1  }
0x2ce: {  	[tilespmem:s0+$0xE700] =	vst v4;
	v4 =	vld [tilespmem:s0+$0xE710]  }
0x2cf: {  	v5 =	vld [tilespmem:$0x19710];
	_ =	sdelay $0x4  }
0x2d0: {  	v4 =	vadd.f32 v5, v4;
	_ =	sdelay $0x1  }
0x2d1: {  	[tilespmem:s0+$0xE710] =	vst v4;
	v4 =	vld [tilespmem:s0+$0xE720]  }
0x2d2: {  	v5 =	vld [tilespmem:$0x19720];
	_ =	sdelay $0x4  }
0x2d3: {  	v4 =	vadd.f32 v5, v4;
	_ =	sdelay $0x1  }
0x2d4: {  	[tilespmem:s0+$0xE720] =	vst v4;
	v4 =	vld [tilespmem:s0+$0xE730]  }
0x2d5: {  	v5 =	vld [tilespmem:$0x19730];
	_ =	sdelay $0x4  }
0x2d6: {  	v4 =	vadd.f32 v5, v4;
	_ =	sdelay $0x1  }
0x2d7: {  	[tilespmem:s0+$0xE730] =	vst v4;
	v4 =	vld [tilespmem:s0+$0xE740]  }
0x2d8: {  	v5 =	vld [tilespmem:$0x19740];
	_ =	sdelay $0x4  }
0x2d9: {  	v4 =	vadd.f32 v5, v4;
	_ =	sdelay $0x1  }
0x2da: {  	[tilespmem:s0+$0xE740] =	vst v4;
	v4 =	vld [tilespmem:s0+$0xE750]  }
0x2db: {  	v5 =	vld [tilespmem:$0x19750];
	_ =	sdelay $0x4  }
0x2dc: {  	v4 =	vadd.f32 v5, v4;
	_ =	sdelay $0x1  }
0x2dd: {  	[tilespmem:s0+$0xE750] =	vst v4;
	v4 =	vld [tilespmem:s0+$0xE760]  }
0x2de: {  	v5 =	vld [tilespmem:$0x19760];
	_ =	sdelay $0x4  }
0x2df: {  	v4 =	vadd.f32 v5, v4;
	_ =	sdelay $0x1  }
0x2e0: {  	[tilespmem:s0+$0xE760] =	vst v4;
	v4 =	vld [tilespmem:s0+$0xE770]  }
0x2e1: {  	v5 =	vld [tilespmem:$0x19770];
	_ =	sdelay $0x4  }
0x2e2: {  	s24 =	sadd.s32 $0x1, s24;
	v4 =	vadd.f32 v5, v4  }
0x2e3: {  	p0 =	sne.s32 s24, s14  }
.Ltmp19:
0x2e4: {  	s17 =	simm.s32 $0x0;
	[tilespmem:s0+$0xE770] =	vst v4;
	(pc) =	sbr.rel @p0 .LBB2_1-.Ltmp19, $4  }
0x2e5: {  	[hbm4b:s13+s17] =	stream.linear.scatter [tilespmem:s18], [sflag:$0x2], $0xA000, $0x38;
	[tilespmem:$0x19780] =	vst v63  }
0x2e6: {  	_ =	swait.ge [sflag:s16], $0xA000  }
0x2e7: {  	[sflag:s16] =	ssyncset.done $0x0  }
0x2e8: {  	[sflag:s16] =	ssyncadd.s32 $0xFFFF6000  }
0x2e9: {  	_ =	sfence.sel $0x180000  }
0x2ea: {  	[bflag:$0x0] =	sbarrier.arrive $0xFFFF  }
0x2eb: {  	_ =	strace $0x9000004D  }
0x2ec: {  	s0 =	stileid.u32;
	[bflag:$0x2] =	sbarrier.arrive $0xFFFF  }
0x2ed: {  	p0 =	sne.s32 s0, $0x0;
	s0 =	rddreg [dreg:$0x4]  }
0x2ee: {  	s0 =	sadd.s32 @!p0 $0x100000, s0  }
0x2ef: {  	[sflag:s0] =	ssyncadd.tile.s32 @!p0 $0x1;
	_ =	shalt  }
.Lfunc_end2:
_tile_overlayer_lowered:
.L_overlay_start_2:
0x2f0: {  	(tag) =	ssettag $0x2  }
0x2f1: {  	s0 =	rddreg [dreg:$0x0];
	s2 =	stileid.u32  }
0x2f2: {  	s1 =	rddreg [dreg:$0x1];
	p0 =	sne.s32 s2, $0x0  }
0x2f3: {  	s3 =	rddreg [dreg:$0x2];
	[bflag:$0x3] =	sbarrier.arrive $0xFFFF;
	s2 =	simm.s32 @!p0 $0x1C02  }
0x2f4: {  	[timem:s3], [sflag:s2] =	dma.local @!p0 [hbm:s0], s1  }
0x2f5: {  	s0 =	simm.s32 @!p0 $0x2  }
0x2f6: {  	_ =	swait.ge @!p0 [sflag:s0], s1  }
0x2f7: {  	s1 =	ssub.s32 @!p0 $0x0, s1;
	[sflag:s0] =	ssyncset.done @!p0 $0x0  }
0x2f8: {  	[sflag:s0] =	ssyncadd.s32 @!p0 s1  }
0x2f9: {  	[bflag:$0x3] =	sbarrier.arrive $0xFFFF  }
0x2fa: {  	_ =	shalt  }

// kernel: kernel.7.cloned.1.call-start
scs
__scs_entry_jumppad:
0x0: {  	(pc) =	sbr.rel $0x88, $3  }
0x1: {  	(tag) =	ssettag $0x0;
	lr =	simm.s32 $0x1  }
0x2: {  	[smem:$0x3F97] =	sst lr;
	_ =	strace $0xD0000000  }
0x3: {  	_ = 	snop  }
0x4: {  	_ = 	snop  }
0x5: {  	_ = 	snop  }
0x6: {  	_ = 	snop  }
0x7: {  	_ = 	snop  }
__scs_overlays_trampoline_lowered:
0x8: {  	[smem:$0x3FA6] =	sst s0  }
0x9: {  	[smem:$0x3FA7] =	sst s1  }
0xa: {  	[smem:$0x3FA8] =	sst s2  }
0xb: {  	[smem:$0x3FA9] =	sst s3  }
0xc: {  	[smem:$0x3FAA] =	sst s4  }
0xd: {  	[smem:$0x3FAB] =	sst s5  }
0xe: {  	[smem:$0x3FAC] =	sst s6  }
0xf: {  	[smem:$0x3FAD] =	sst s7  }
0x10: {  	[smem:$0x3FAE] =	sst s8  }
0x11: {  	[smem:$0x3FAF] =	sst s9;
	s0 =	simm.s32 @!p0 $0x0  }
0x12: {  	s1 =	sld [smem:$0x3F95];
	s0 =	simm.s32 @p0 $0x1  }
0x13: {  	[smem:$0x3FB0] =	sst s0;
	s0 =	simm.s32 @!p1 $0x0  }
0x14: {  	s2 =	sld [smem:$0x3F94];
	s0 =	simm.s32 @p1 $0x1  }
0x15: {  	[smem:$0x3FB1] =	sst s0;
	s0 =	simm.s32 @!p2 $0x0  }
0x16: {  	s3 =	sld [smem:$0x3FDB];
	s0 =	simm.s32 @p2 $0x1  }
0x17: {  	s4 =	simm.s32 $0x1BF5;
	[smem:$0x3FB3] =	sst s0  }
0x18: {  	s0 =	sld [smem:$0x3F96];
	_ =	swait.ge [sflag:s4], $0x0  }
0x19: {  	s7 =	sld [smem:$0x3F97]  }
0x1a: {  	s8 =	sadd.s32 $0xFFFFE003, lr  }
0x1b: {  	s9 =	sadd.s32 $0xFFFFFEF7, lr;
	s5 =	simm.s32 $0xFFFFFFFF;
	p2 =	slt.u32 s8, $0xFFFFF086  }
0x1c: {  	p1 =	slt.u32 s9, $0xF7A;
	s5 =	simm.s32 @!p2 $0x0  }
0x1d: {  	s5 =	simm.s32 @p1 $0x1;
	p0 =	seq.s32 s7, s2  }
0x1e: {  	s7 =	smul.u32 @!p0 $0xF7A, s2;
	p2 =	seq.s32 @!p0 s5, $0x0  }
0x1f: {  	s9 =	smul.u32 $0xF7A, s1;
	s8 =	simm.s32 @!p0 $0x1BF5;
	p2 =	por !p2, p0  }
0x20: {  	[sflag:s8] =	ssyncset.s32 @!p0 $0xFFFFF086;
	s6 =	sadd.s32 @!p0 s3, s7;
	s7 =	simm.s32 @!p0 $0x108  }
0x21: {  	s3 =	sadd.s32 s3, s9;
	s6 =	sadd.s32 @!p0 $0x88, s6;
	s7 =	simm.s32 @p2 $0x1082  }
0x22: {  	[simem:s7], [sflag:s8] =	dma.local @!p0 [hbm:s6], $0xF7A  }
0x23: {  	s9 =	sor.u32 $0xD0000000, s2;
	s6 =	simm.s32 $0x108;
	_ =	swait.ge @!p0 [sflag:s8], $0x0  }
0x24: {  	s3 =	sadd.s32 $0x88, s3;
	s6 =	simm.s32 @!p1 $0x1082;
	[sflag:s4] =	ssyncset.s32 $0xFFFFF086  }
0x25: {  	[simem:s6], [sflag:s4] =	dma.local [hbm:s3], $0xF7A  }
0x26: {  	[smem:$0x3F97] =	sst s1;
	(tag) =	ssettag s2;
	_ =	strace s9  }
0x27: {  	s1 =	sld [smem:$0x3FA7]  }
0x28: {  	s2 =	sld [smem:$0x3FA8]  }
0x29: {  	s4 =	sld [smem:$0x3FAA]  }
0x2a: {  	p0 =	seq.s32 s5, $0x0;
	s5 =	sld [smem:$0x3FAB]  }
0x2b: {  	s6 =	sld [smem:$0x3FAC]  }
0x2c: {  	s7 =	sld [smem:$0x3FAD]  }
0x2d: {  	s3 =	simm.s32 $0x108;
	s8 =	sld [smem:$0x3FAE]  }
0x2e: {  	s3 =	simm.s32 @!p0 $0x1082;
	s9 =	sld [smem:$0x3FAF]  }
0x2f: {  	lr =	sadd.s32 s0, s3;
	s0 =	sld [smem:$0x3FA6]  }
0x30: {  	s3 =	sld [smem:$0x3FA9]  }
0x31: {  	[smem:$0x3FB2] =	sst s10  }
0x32: {  	s10 =	sld [smem:$0x3FB0];
	_ =	sdelay $0x3  }
0x33: {  	p0 =	seq.s32 s10, $0x1;
	s10 =	sld [smem:$0x3FB2];
	_ =	sdelay $0x3  }
0x34: {  	[smem:$0x3FB2] =	sst s10  }
0x35: {  	s10 =	sld [smem:$0x3FB1];
	_ =	sdelay $0x3  }
0x36: {  	p1 =	seq.s32 s10, $0x1;
	s10 =	sld [smem:$0x3FB2];
	_ =	sdelay $0x3  }
0x37: {  	[smem:$0x3FB2] =	sst s10  }
0x38: {  	s10 =	sld [smem:$0x3FB3]  }
0x39: {  	_ = 	snop;
	(pc) =	sbr.ind lr, $3  }
0x3a: {  	_ = 	snop  }
0x3b: {  	_ = 	snop  }
0x3c: {  	p2 =	seq.s32 s10, $0x1;
	s10 =	sld [smem:$0x3FB2]  }
0x3d: {  	_ =	shalt  }
0x3e: {  	_ =	shalt  }
0x3f: {  	_ =	shalt  }
0x40: {  	_ =	shalt  }
0x41: {  	_ =	shalt  }
0x42: {  	_ =	shalt  }
0x43: {  	_ =	shalt  }
0x44: {  	_ =	shalt  }
0x45: {  	_ =	shalt  }
0x46: {  	_ =	shalt  }
0x47: {  	_ =	shalt  }
0x48: {  	_ =	shalt  }
0x49: {  	_ =	shalt  }
0x4a: {  	_ =	shalt  }
0x4b: {  	_ =	shalt  }
0x4c: {  	_ =	shalt  }
0x4d: {  	_ =	shalt  }
0x4e: {  	_ =	shalt  }
0x4f: {  	_ =	shalt  }
0x50: {  	_ =	shalt  }
0x51: {  	_ =	shalt  }
0x52: {  	_ =	shalt  }
0x53: {  	_ =	shalt  }
0x54: {  	_ =	shalt  }
0x55: {  	_ =	shalt  }
0x56: {  	_ =	shalt  }
0x57: {  	_ =	shalt  }
0x58: {  	_ =	shalt  }
0x59: {  	_ =	shalt  }
0x5a: {  	_ =	shalt  }
0x5b: {  	_ =	shalt  }
0x5c: {  	_ =	shalt  }
0x5d: {  	_ =	shalt  }
0x5e: {  	_ =	shalt  }
0x5f: {  	_ =	shalt  }
0x60: {  	_ =	shalt  }
0x61: {  	_ =	shalt  }
0x62: {  	_ =	shalt  }
0x63: {  	_ =	shalt  }
0x64: {  	_ =	shalt  }
0x65: {  	_ =	shalt  }
0x66: {  	_ =	shalt  }
0x67: {  	_ =	shalt  }
0x68: {  	_ =	shalt  }
0x69: {  	_ =	shalt  }
0x6a: {  	_ =	shalt  }
0x6b: {  	_ =	shalt  }
0x6c: {  	_ =	shalt  }
0x6d: {  	_ =	shalt  }
0x6e: {  	_ =	shalt  }
0x6f: {  	_ =	shalt  }
0x70: {  	_ =	shalt  }
0x71: {  	_ =	shalt  }
0x72: {  	_ =	shalt  }
0x73: {  	_ =	shalt  }
0x74: {  	_ =	shalt  }
0x75: {  	_ =	shalt  }
0x76: {  	_ =	shalt  }
0x77: {  	_ =	shalt  }
0x78: {  	_ =	shalt  }
0x79: {  	_ =	shalt  }
0x7a: {  	_ =	shalt  }
0x7b: {  	_ =	shalt  }
0x7c: {  	_ =	shalt  }
0x7d: {  	_ =	shalt  }
0x7e: {  	_ =	shalt  }
0x7f: {  	_ =	shalt  }
0x80: {  	_ =	shalt  }
0x81: {  	_ =	shalt  }
0x82: {  	_ =	shalt  }
0x83: {  	_ =	shalt  }
0x84: {  	_ =	shalt  }
0x85: {  	_ =	shalt  }
0x86: {  	_ =	shalt  }
0x87: {  	_ =	shalt  }
.Lfunc_end0:
.L_simem_size_0:
called_computation_lowered:
.L_overlay_start_0:
0x88: {  	s2 =	sld [smem:$0x3FD9]  }
0x89: {  	s3 =	sld [smem:$0x3FFE];
	_ =	sdelay $0x1  }
0x8a: {  	s1 =	srdreg.scid  }
0x8b: {  	s0 =	sand.u32 $0x1, s1  }
0x8c: {  	s14 =	sshll.u32 s0, $0xA;
	s2 =	sadd.s32 s3, s2  }
0x8d: {  	s2 =	sadd.s32 s2, s14  }
0x8e: {  	[smem:$0x3FBE] =	sst s2  }
0x8f: {  	_ = 	snop  }
0x90: {  	s2 =	sld [smem:$0x3FD0];
	_ =	sdelay $0x2  }
0x91: {  	s15 =	simm.s32 $0xA;
	s4 =	simm.s32 $0x10  }
0x92: {  	[smem:s4], [sflag:s15] =	dma.local [hbm:s2], $0x1  }
0x93: {  	_ =	swait.eq [sflag:s15], $0x1  }
0x94: {  	[sflag:s15] =	ssyncset.done $0x0  }
0x95: {  	[sflag:s15] =	ssyncadd.s32 $0xFFFFFFFF  }
0x96: {  	s16 =	sld [smem:$0x10];
	(tm) =	ssettm $0x1  }
0x97: {  	s17 =	sld [smem:$0x3FFB];
	_ =	sdelay $0x3  }
0x98: {  	_ =	strace s17  }
0x99: {  	s3 =	sld [smem:$0x3FFC];
	_ =	sdelay $0x3  }
0x9a: {  	_ =	strace s3  }
0x9b: {  	s3 =	sld [smem:$0x3FFD];
	_ =	sdelay $0x3  }
0x9c: {  	_ =	strace s3  }
0x9d: {  	_ =	strace $0x8FFFFFFF  }
0x9e: {  	s18 =	sld [smem:$0x3FDB];
	_ =	sdelay $0x1  }
0x9f: {  	s19 =	simm.s32 $_scs_section_size  }
0xa0: {  	s5 =	simm.s32 $_size__tile_overlayer_lowered;
	s6 =	simm.s32 $_tile_overlayer_lowered  }
0xa1: {  	s22 =	simm.s32 $0x1BFF;
	s21 =	sshll.u32 s6, $0x1;
	s3 =	sadd.s32 s19, s18  }
0xa2: {  	s7 =	simm.s32 $0x0;
	s20 =	sshll.u32 s5, $0x1;
	s5 =	sadd.s32 s21, s3  }
0xa3: {  	[timem:s7], [sflag:s22] =	dma.local [hbm:s5], s20  }
0xa4: {  	_ =	swait.ge [sflag:s22], s20  }
0xa5: {  	s4 =	ssub.s32 $0x0, s20;
	[sflag:s22] =	ssyncset.done $0x0  }
0xa6: {  	[sflag:s22] =	ssyncadd.s32 s4;
	_ =	sdelay $0x1  }
0xa7: {  	s23 =	simm.s32 $0x1B8B  }
0xa8: {  	_ =	swait.ge [sflag:s23], $0x1  }
0xa9: {  	[sflag:s23] =	ssyncset.done $0x0  }
0xaa: {  	s25 =	simm.s32 $0x1B8E;
	s24 =	sld [smem:$0x3FFE];
	[sflag:s23] =	ssyncadd.s32 $0xFFFFFFFF  }
0xab: {  	s26 =	simm.s32 $execute0_lowered;
	[smem:$0x3FD2] =	sst s25  }
0xac: {  	s5 =	sshll.u32 s26, $0x1;
	_ =	strace $0x80000046;
	[dreg:$0x1] =	wrdreg $0xFFFFFFFF  }
0xad: {  	s28 =	simm.s32 $_size_execute0_lowered;
	s3 =	sadd.s32 s3, s5;
	[dreg:$0x0] =	wrdreg $0x0  }
0xae: {  	s5 =	sshll.u32 s28, $0x1;
	[dreg:$0x2] =	wrdreg s3  }
0xaf: {  	[dreg:$0x3] =	wrdreg s5  }
0xb0: {  	[dreg:$0x4] =	wrdreg $0xC0  }
0xb1: {  	_ =	task [dreg:s7], $0x5FFFF  }
0xb2: {  	[dreg:$0x1] =	wrdreg $0xFFFFFFFF  }
0xb3: {  	[dreg:$0x0] =	wrdreg $0x60  }
0xb4: {  	[dreg:$0x2] =	wrdreg s24  }
0xb5: {  	[dreg:$0x3] =	wrdreg s16  }
0xb6: {  	[dreg:$0x4] =	wrdreg $0x9  }
0xb7: {  	_ =	task.clear_ibuf [dreg:s7], $0x5FFFF;
	_ =	strace $0x90000046  }
0xb8: {  	s29 =	simm.s32 $0x9;
	_ =	strace $0x80000048  }
0xb9: {  	_ =	swait.ge [sflag:s29], $0x1  }
0xba: {  	[sflag:s29] =	ssyncadd.s32 $0xFFFFFFFF  }
0xbb: {  	_ =	strace $0x90000048  }
0xbc: {  	_ =	sfence  }
0xbd: {  	s30 =	sld [smem:$0x0];
	_ =	sdelay $0x2  }
0xbe: {  	s31 =	sshll.u32 s1, $0xD;
	s1 =	sshrl.u32 s1, $0x2  }
0xbf: {  	s3 =	sand.u32 $0x4000, s31;
	s1 =	sadd.s32 s1, s30  }
0xc0: {  	s0 =	sor.u32 s3, s0;
	s1 =	sshll.u32 s1, $0x11  }
0xc1: {  	s0 =	sor.u32 s1, s0  }
0xc2: {  	s0 =	sadd.s32 $0x8F2B, s0  }
0xc3: {  	[sflag:s0] =	ssyncadd.remote.s32 $0x1  }
0xc4: {  	_ =	sfence.sel $0xFFFF  }
0xc5: {  	[dreg:$0x0] =	wrdreg $0xFFFFFFFF;
	(pc) =	sbr.abs _section_cstart, $3  }
0xc6: {  	[dreg:$0x1] =	wrdreg $0xFFFFFFFF  }
0xc7: {  	_ =	task.clear_ibuf [dreg:s7], $0x2FFFF;
	_ =	strace $0x9FFFFFFF  }
0xc8: {  	(tm) =	ssettm $0x7FFFFFFF  }
0xc9: {  	_ =	shalt  }
tec
execute0_lowered:
.L_overlay_start_1:
0x0: {  	(tag) =	ssettag $0x1  }
0x1: {  	s5 =	rddreg [dreg:$0x0]  }
0x2: {  	s7 =	rddreg [dreg:$0x1]  }
0x3: {  	s0 =	rddreg [dreg:$0x2]  }
0x4: {  	s3 =	srdreg.scid;
	s1 =	stileid.u32;
	s2 =	simm.s32 $0x0  }
0x5: {  	s12 =	simm.s32 $0x1000;
	s4 =	sand.u32 $0x1, s3;
	s30 =	sshll.u32 s1, $0x1  }
0x6: {  	s13 =	simm.s32 $0x3800;
	s14 =	simm.s32 $0x0;
	s6 =	sor.u32 s4, s30  }
0x7: {  	[smem:$0x7FF] =	sst s2;
	s3 =	sadd.s32 $0x15C00, s5;
	s8 =	smul.u32 $0x5000, s6  }
0x8: {  	s5 =	sadd.s32 $0x2200, s5;
	s9 =	ssub.s32 $0x2, s4;
	s4 =	smul.u32 $0x2710, s6  }
0x9: {  	_ =	strace $0x80000047;
	s10 =	sshrl.u32 s9, $0x1;
	s11 =	smul.u32 $0xA00, s6  }
0xa: {  	s9 =	ssub.s32 s9, s10;
	s10 =	simm.s32 $0x1;
	s31 =	sshrl.u32 s8, $0x3  }
0xb: {  	s6 =	sadd.s32 $0x4E200, s4;
	s9 =	smax.u32 s9, $0x1;
	s8 =	sadd.s32 s7, s31  }
0xc: {  	v0 =	vimm.f32 $0.0e+00;
	s7 =	sadd.s32 s7, s11;
	s11 =	simm.s32 $0x800;
	s8 =	sadd.s32 $0x500, s8  }
.LBB2_1:
0xd: {  	s15 =	simm.s32 $0x40;
	s17 =	simm.s32 $0x0  }
.LBB2_2:
0xe: {  	p0 =	sne.s32 s15, $0x9FC0;
	[tilespmem:s17+$0x1000] =	vst v0;
	s16 =	smov.u32 s15;
	s15 =	sadd.s32 $0x40, s15  }
.Ltmp0:
0xf: {  	[tilespmem:s17+$0x3800] =	vst v0;
	(pc) =	sbr.rel @p0 .LBB2_2-.Ltmp0, $2  }
0x10: {  	_ =	sdelay $0x2  }
0x11: {  	s17 =	sshra.s32 s16, $0x2  }
0x12: {  	[tilespmem:s17+$0x1000] =	vst v0  }
0x13: {  	s16 =	simm.s32 $0x0;
	[tilespmem:s17+$0x3800] =	vst v0;
	s17 =	simm.s32 $0x0  }
.LBB2_4:
0x14: {  	s15 =	smul.u32 $0x7D0, s17;
	_ =	sdelay $0x1  }
0x15: {  	s15 =	sadd.s32 s4, s15  }
0x16: {  	s15 =	sshrl.u32 s15, $0x3  }
0x17: {  	s18 =	sadd.s32 s3, s15  }
0x18: {  	[tilespmem:s16], [sflag:$0x1] =	stream.linear.gather [hbm4b:s18+s16], $0x7D0, $0x38;
	[tilespmem:$0x6000] =	vst v63  }
0x19: {  	_ =	swait.ge [sflag:s10], $0x7D0  }
0x1a: {  	[sflag:s10] =	ssyncset.done $0x0  }
0x1b: {  	s15 =	sadd.s32 s5, s15;
	[sflag:s10] =	ssyncadd.s32 $0xFFFFF830  }
0x1c: {  	[tilespmem:s11], [sflag:$0x1] =	stream.linear.gather [hbm4b:s15+s16], $0x7D0, $0x38;
	[tilespmem:$0x6000] =	vst v63  }
0x1d: {  	_ =	swait.ge [sflag:s10], $0x7D0  }
0x1e: {  	[sflag:s10] =	ssyncset.done $0x0  }
0x1f: {  	s18 =	simm.s32 $0x0;
	s15 =	simm.s32 $0x40;
	[sflag:s10] =	ssyncadd.s32 $0xFFFFF830  }
.LBB2_5:
0x20: {  	p0 =	sne.s32 s15, $0x1F00;
	v1 =	vld [tilespmem:s18+$0x0];
	_ =	sdelay $0x1  }
0x21: {  	v2 =	vld [tilespmem:s18+$0x800];
	_ =	sdelay $0x1  }
.Ltmp1:
0x22: {  	(pc) =	sbr.rel @p0 .LBB2_5-.Ltmp1, $3  }
0x23: {  	_ =	sdelay $0x1  }
0x24: {  	v2 =	vmax.f32 v2, $0.0e+00  }
0x25: {  	s18 =	sshra.s32 s15, $0x2;
	s15 =	sadd.s32 $0x40, s15;
	[tilespmem:v1+s12+$0x0] =	vst.idx.add.f32.msk $0xffff, v2  }
0x26: {  	v1 =	vld [tilespmem:s18+$0x0];
	_ =	sdelay $0x1  }
0x27: {  	v2 =	vld [tilespmem:s18+$0x800];
	s17 =	sadd.s32 $0x1, s17  }
0x28: {  	p0 =	sne.s32 s17, $0x5  }
.Ltmp2:
0x29: {  	_ = 	snop;
	(pc) =	sbr.rel @p0 .LBB2_4-.Ltmp2, $3  }
0x2a: {  	_ =	sdelay $0x1  }
0x2b: {  	v2 =	vmax.f32 v2, $0.0e+00  }
0x2c: {  	s15 =	simm.s32 $0x0;
	[tilespmem:v1+s12+$0x0] =	vst.idx.add.f32.msk $0xffff, v2  }
0x2d: {  	s16 =	simm.s32 $0x0  }
.LBB2_8:
0x2e: {  	s17 =	smul.u32 $0x7D0, s16;
	_ =	sdelay $0x1  }
0x2f: {  	s17 =	sadd.s32 s17, s6  }
0x30: {  	s17 =	sshrl.u32 s17, $0x3  }
0x31: {  	s18 =	sadd.s32 s3, s17  }
0x32: {  	[tilespmem:s15], [sflag:$0x1] =	stream.linear.gather [hbm4b:s18+s15], $0x7D0, $0x38;
	[tilespmem:$0x6000] =	vst v63  }
0x33: {  	_ =	swait.ge [sflag:s10], $0x7D0  }
0x34: {  	[sflag:s10] =	ssyncset.done $0x0  }
0x35: {  	s17 =	sadd.s32 s5, s17;
	[sflag:s10] =	ssyncadd.s32 $0xFFFFF830  }
0x36: {  	[tilespmem:s11], [sflag:$0x1] =	stream.linear.gather [hbm4b:s17+s15], $0x7D0, $0x38;
	[tilespmem:$0x6000] =	vst v63  }
0x37: {  	_ =	swait.ge [sflag:s10], $0x7D0  }
0x38: {  	[sflag:s10] =	ssyncset.done $0x0  }
0x39: {  	s18 =	simm.s32 $0x0;
	s17 =	simm.s32 $0x40;
	[sflag:s10] =	ssyncadd.s32 $0xFFFFF830  }
.LBB2_9:
0x3a: {  	p0 =	sne.s32 s17, $0x1F00;
	v1 =	vld [tilespmem:s18+$0x0];
	_ =	sdelay $0x1  }
0x3b: {  	v2 =	vld [tilespmem:s18+$0x800];
	_ =	sdelay $0x1  }
.Ltmp3:
0x3c: {  	(pc) =	sbr.rel @p0 .LBB2_9-.Ltmp3, $3  }
0x3d: {  	_ =	sdelay $0x1  }
0x3e: {  	v2 =	vmax.f32 v2, $0.0e+00  }
0x3f: {  	s18 =	sshra.s32 s17, $0x2;
	s17 =	sadd.s32 $0x40, s17;
	[tilespmem:v1+s13+$0x0] =	vst.idx.add.f32.msk $0xffff, v2  }
0x40: {  	v1 =	vld [tilespmem:s18+$0x0];
	_ =	sdelay $0x1  }
0x41: {  	v2 =	vld [tilespmem:s18+$0x800];
	s16 =	sadd.s32 $0x1, s16  }
0x42: {  	p0 =	sne.s32 s16, $0x5  }
.Ltmp4:
0x43: {  	_ = 	snop;
	(pc) =	sbr.rel @p0 .LBB2_8-.Ltmp4, $3  }
0x44: {  	_ =	sdelay $0x1  }
0x45: {  	v2 =	vmax.f32 v2, $0.0e+00  }
0x46: {  	[tilespmem:v1+s13+$0x0] =	vst.idx.add.f32.msk $0xffff, v2  }
0x47: {  	[hbm4b:s7+s2] =	stream.linear.scatter [tilespmem:s12], [sflag:$0x1], $0x2800, $0x38;
	[tilespmem:$0x6000] =	vst v63  }
0x48: {  	s14 =	sadd.s32 $0x1, s14;
	_ =	swait.ge [sflag:s10], $0x2800  }
0x49: {  	p0 =	sne.s32 s14, s9;
	[sflag:s10] =	ssyncset.done $0x0  }
.Ltmp5:
0x4a: {  	[sflag:s10] =	ssyncadd.s32 $0xFFFFD800;
	(pc) =	sbr.rel @p0 .LBB2_1-.Ltmp5, $4  }
0x4b: {  	[hbm4b:s8+s2] =	stream.linear.scatter [tilespmem:s13], [sflag:$0x1], $0x2800, $0x38;
	[tilespmem:$0x6000] =	vst v63  }
0x4c: {  	_ =	swait.ge [sflag:s10], $0x2800  }
0x4d: {  	[sflag:s10] =	ssyncset.done $0x0  }
0x4e: {  	[sflag:s10] =	ssyncadd.s32 $0xFFFFD800  }
0x4f: {  	_ =	sfence.sel $0x180000  }
0x50: {  	[bflag:$0x0] =	sbarrier.arrive $0xFFFF  }
0x51: {  	p0 =	sne.s32 s1, $0x0;
	_ =	strace $0x90000047  }
0x52: {  	s0 =	sadd.s32 @!p0 $0x100000, s0;
	[bflag:$0x2] =	sbarrier.arrive $0xFFFF  }
0x53: {  	[sflag:s0] =	ssyncadd.tile.s32 @!p0 $0x1;
	_ =	shalt  }
.Lfunc_end2:
_tile_overlayer_lowered:
.L_overlay_start_2:
0x54: {  	(tag) =	ssettag $0x2  }
0x55: {  	s0 =	rddreg [dreg:$0x0];
	s2 =	stileid.u32  }
0x56: {  	s1 =	rddreg [dreg:$0x1];
	p0 =	sne.s32 s2, $0x0  }
0x57: {  	s3 =	rddreg [dreg:$0x2];
	[bflag:$0x3] =	sbarrier.arrive $0xFFFF;
	s2 =	simm.s32 @!p0 $0x1C01  }
0x58: {  	[timem:s3], [sflag:s2] =	dma.local @!p0 [hbm:s0], s1  }
0x59: {  	s0 =	simm.s32 @!p0 $0x1  }
0x5a: {  	_ =	swait.ge @!p0 [sflag:s0], s1  }
0x5b: {  	s1 =	ssub.s32 @!p0 $0x0, s1;
	[sflag:s0] =	ssyncset.done @!p0 $0x0  }
0x5c: {  	[sflag:s0] =	ssyncadd.s32 @!p0 s1  }
0x5d: {  	[bflag:$0x3] =	sbarrier.arrive $0xFFFF  }
0x5e: {  	_ =	shalt  }

</sc_bundles>
